<compile_context>
chip_gen: v7x
topology: tpu7x:2x2x1
jax: 0.10.2.dev20260603
libtpu: 0.0.44.dev20260713+nightly
codegen_flags: <defaults>
</compile_context>

<pallas_src>
import functools

import jax
import jax.numpy as jnp
from jax import lax
from jax.experimental import pallas as pl
from jax.experimental.pallas import tpu as pltpu
from jax.experimental.pallas import tpu_sc as plsc

INPUT_DIM = 4096
RANK = 2049
ONE_BITS = 0x3F800000
NT = 16
CHUNK = INPUT_DIM // NT
L = 16


def _sc_gate_kernel(mu_hbm, ls_hbm, eps_hbm, mask_hbm, fmask_hbm,
                    mu_v, ls_v, eps_v, m_v, allk_v, fm_v, skeys,
                    sem1, sem2, sem3):
    sid = lax.axis_index("s")
    base = sid * CHUNK
    cp1 = pltpu.async_copy(mu_hbm.at[pl.ds(base, CHUNK)], mu_v, sem1)
    cp2 = pltpu.async_copy(ls_hbm.at[pl.ds(base, CHUNK)], ls_v, sem2)
    cp3 = pltpu.async_copy(eps_hbm.at[pl.ds(base, CHUNK)], eps_v, sem3)
    cp1.wait()
    cp2.wait()
    cp3.wait()
    for i in range(CHUNK // L):
        sl = pl.ds(i * L, L)
        z = mu_v[sl] + eps_v[sl] * jnp.exp(0.5 * ls_v[sl])
        m_v[sl] = 1.0 / (1.0 + jnp.exp(-z))
    pltpu.sync_copy(m_v, mask_hbm.at[pl.ds(base, CHUNK)])
    pltpu.sync_copy(m_v, skeys.at[pl.ds(base, CHUNK)])
    plsc.subcore_barrier()
    pltpu.sync_copy(skeys, allk_v)

    def pass_body(_, carry):
        lo, hi = carry
        mid = lo + (hi - lo) // 2
        midf = lax.bitcast_convert_type(mid, jnp.float32)
        total = jnp.int32(0)
        for v in range(INPUT_DIM // L):
            kv = allk_v[pl.ds(v * L, L)]
            c = plsc.all_reduce_population_count(kv <= midf)
            total = total + c[0]
        pred = total >= RANK
        return (jnp.where(pred, lo, mid + 1), jnp.where(pred, mid, hi))

    thr, _ = lax.fori_loop(
        0, 30, pass_body, (jnp.int32(0), jnp.int32(ONE_BITS)))
    thrf = lax.bitcast_convert_type(thr, jnp.float32)

    for i in range(CHUNK // L):
        sl = pl.ds(i * L, L)
        fm_v[sl] = jnp.where(m_v[sl] > thrf, 1.0, 0.0).astype(jnp.float32)
    pltpu.sync_copy(fm_v, fmask_hbm.at[pl.ds(base, CHUNK)])


_sc_gate = functools.partial(
    pl.kernel,
    out_type=[
        jax.ShapeDtypeStruct((INPUT_DIM,), jnp.float32),
        jax.ShapeDtypeStruct((INPUT_DIM,), jnp.float32),
    ],
    mesh=plsc.VectorSubcoreMesh(
        core_axis_name="c", subcore_axis_name="s", num_cores=1),
    scratch_types=[
        pltpu.VMEM((CHUNK,), jnp.float32),
        pltpu.VMEM((CHUNK,), jnp.float32),
        pltpu.VMEM((CHUNK,), jnp.float32),
        pltpu.VMEM((CHUNK,), jnp.float32),
        pltpu.VMEM((INPUT_DIM,), jnp.float32),
        pltpu.VMEM((CHUNK,), jnp.float32),
        pltpu.VMEM_SHARED((INPUT_DIM,), jnp.float32),
        pltpu.SemaphoreType.DMA,
        pltpu.SemaphoreType.DMA,
        pltpu.SemaphoreType.DMA,
    ],
    compiler_params=pltpu.CompilerParams(
        needs_layout_passes=False, skip_device_barrier=True),
)(_sc_gate_kernel)


def _mul_kernel(x_ref, fm_ref, o_ref):
    o_ref[...] = x_ref[...] * fm_ref[...]


@functools.partial(jax.jit, static_argnames=("rows",))
def _run(x, mu, log_sigma, eps, rows=512):
    mask, fmask = _sc_gate(mu, log_sigma, eps)

    xf = x.reshape(-1, INPUT_DIM)
    n = xf.shape[0]
    out = pl.pallas_call(
        _mul_kernel,
        grid=(n // rows,),
        in_specs=[
            pl.BlockSpec((rows, INPUT_DIM), lambda i: (i, 0)),
            pl.BlockSpec((1, INPUT_DIM), lambda i: (0, 0)),
        ],
        out_specs=pl.BlockSpec((rows, INPUT_DIM), lambda i: (i, 0)),
        out_shape=jax.ShapeDtypeStruct((n, INPUT_DIM), jnp.float32),
        compiler_params=pltpu.CompilerParams(
            dimension_semantics=("arbitrary",),
        ),
    )(xf, fmask.reshape(1, INPUT_DIM))
    return out.reshape(x.shape), mask


def kernel(x, mu, log_sigma, eps):
    return _run(x, mu, log_sigma, eps)

# --- scband reference (transcript-rebuilt; emitter-appended) ---
"""Pipeline reference for scband-viblayer-53051436040661 (READ-ONLY COPY).

The authoritative reference and input builder live on the scoring server;
editing this copy changes nothing except your own understanding.
"""

import jax, jax.numpy as jnp
import numpy as np

INPUT_DIM = 4096
TARGET_SPARSITY = 0.5

def setup_inputs(seed: int = 0) -> dict:
    key = jax.random.key(seed)
    k_x, k_mu, k_ls, k_eps = jax.random.split(key, 4)
    x = jax.random.normal(k_x, (4, 2048, INPUT_DIM), dtype=jnp.float32)
    mu = jax.random.normal(k_mu, (INPUT_DIM,), dtype=jnp.float32) * 0.01
    log_sigma = jax.random.normal(k_ls, (INPUT_DIM,), dtype=jnp.float32) * 0.01
    eps = jax.random.normal(k_eps, (INPUT_DIM,), dtype=jnp.float32)
    return {"x": x, "mu": mu, "log_sigma": log_sigma, "eps": eps}

def reference(x, mu, log_sigma, eps):
    # std = exp(0.5 * log_sigma); z = mu + eps * std (reparameterization)
    std = jnp.exp(0.5 * log_sigma)
    z = mu + eps * std
    mask = jax.nn.sigmoid(z)
    sorted_mask = jnp.sort(mask)
    threshold = sorted_mask[int(INPUT_DIM * TARGET_SPARSITY)]
    final_mask = (mask > threshold).astype(jnp.float32)
    return (x * final_mask, mask)

if __name__ == "__main__":
    import jax
    _d = setup_inputs()
    print(jax.jit(kernel)(*tuple(_d.values())))

</pallas_src>

<mosaic_0001>
#map = affine_map<(d0, d1) -> (0)>
module attributes {stable_mosaic.version = 14 : i64} {
  func.func @_sc_gate_kernel(%arg0: i32, %arg1: i32, %arg2: memref<4096xf32, #tpu.memory_space<hbm>>, %arg3: memref<4096xf32, #tpu.memory_space<hbm>>, %arg4: memref<4096xf32, #tpu.memory_space<hbm>>, %arg5: memref<4096xf32, #tpu.memory_space<hbm>>, %arg6: memref<4096xf32, #tpu.memory_space<hbm>>, %arg7: memref<256xf32, #tpu.memory_space<vmem>>, %arg8: memref<256xf32, #tpu.memory_space<vmem>>, %arg9: memref<256xf32, #tpu.memory_space<vmem>>, %arg10: memref<256xf32, #tpu.memory_space<vmem>>, %arg11: memref<4096xf32, #tpu.memory_space<vmem>>, %arg12: memref<256xf32, #tpu.memory_space<vmem>>, %arg13: memref<4096xf32, #tpu.memory_space<vmem_shared>>, %arg14: memref<!tpu.dma_semaphore, #tpu.memory_space<semaphore_mem>>, %arg15: memref<!tpu.dma_semaphore, #tpu.memory_space<semaphore_mem>>, %arg16: memref<!tpu.dma_semaphore, #tpu.memory_space<semaphore_mem>>) attributes {dimension_semantics = [#tpu.dimension_semantics<core_parallel>, #tpu.dimension_semantics<subcore_parallel>], iteration_bounds = array<i64: 1, 16>, scalar_prefetch = 0 : i64, scratch_operands = 10 : i64, tpu.core_type = #tpu.core_type<sc_vector_subcore>, window_params = [{transform_indices = #map}, {transform_indices = #map}, {transform_indices = #map}, {transform_indices = #map}, {transform_indices = #map}]} {
    %mul3A = arith.constant 256 : i32
    %mul3A_0 = arith.muli %arg1, %mul3A : i32
    %dma_start3A = tpu.memref_slice %arg2[%mul3A_0] : memref<4096xf32, #tpu.memory_space<hbm>> -> memref<256xf32, #tpu.memory_space<hbm>>
    %dma_start3A_1 = tpu.memref_slice %arg2[%mul3A_0] : memref<4096xf32, #tpu.memory_space<hbm>> -> memref<256xf32, #tpu.memory_space<hbm>>
    tpu.enqueue_dma source(%dma_start3A_1 : memref<256xf32, #tpu.memory_space<hbm>>) target(%arg7 : memref<256xf32, #tpu.memory_space<vmem>>) target_semaphore(%arg14 : memref<!tpu.dma_semaphore, #tpu.memory_space<semaphore_mem>>)
    %dma_start3A_2 = tpu.memref_slice %arg3[%mul3A_0] : memref<4096xf32, #tpu.memory_space<hbm>> -> memref<256xf32, #tpu.memory_space<hbm>>
    %dma_start3A_3 = tpu.memref_slice %arg3[%mul3A_0] : memref<4096xf32, #tpu.memory_space<hbm>> -> memref<256xf32, #tpu.memory_space<hbm>>
    tpu.enqueue_dma source(%dma_start3A_3 : memref<256xf32, #tpu.memory_space<hbm>>) target(%arg8 : memref<256xf32, #tpu.memory_space<vmem>>) target_semaphore(%arg15 : memref<!tpu.dma_semaphore, #tpu.memory_space<semaphore_mem>>)
    %dma_start3A_4 = tpu.memref_slice %arg4[%mul3A_0] : memref<4096xf32, #tpu.memory_space<hbm>> -> memref<256xf32, #tpu.memory_space<hbm>>
    %dma_start3A_5 = tpu.memref_slice %arg4[%mul3A_0] : memref<4096xf32, #tpu.memory_space<hbm>> -> memref<256xf32, #tpu.memory_space<hbm>>
    tpu.enqueue_dma source(%dma_start3A_5 : memref<256xf32, #tpu.memory_space<hbm>>) target(%arg9 : memref<256xf32, #tpu.memory_space<vmem>>) target_semaphore(%arg16 : memref<!tpu.dma_semaphore, #tpu.memory_space<semaphore_mem>>)
    %dma_wait3A = tpu.memref_slice %arg2[%mul3A_0] : memref<4096xf32, #tpu.memory_space<hbm>> -> memref<256xf32, #tpu.memory_space<hbm>>
    %dma_wait3A_6 = tpu.memref_slice %arg2[%mul3A_0] : memref<4096xf32, #tpu.memory_space<hbm>> -> memref<256xf32, #tpu.memory_space<hbm>>
    tpu.wait_dma2 semaphore(%arg14 : memref<!tpu.dma_semaphore, #tpu.memory_space<semaphore_mem>>) src(%dma_wait3A_6 : memref<256xf32, #tpu.memory_space<hbm>>) dst(%arg7 : memref<256xf32, #tpu.memory_space<vmem>>)
    %dma_wait3A_7 = tpu.memref_slice %arg3[%mul3A_0] : memref<4096xf32, #tpu.memory_space<hbm>> -> memref<256xf32, #tpu.memory_space<hbm>>
    %dma_wait3A_8 = tpu.memref_slice %arg3[%mul3A_0] : memref<4096xf32, #tpu.memory_space<hbm>> -> memref<256xf32, #tpu.memory_space<hbm>>
    tpu.wait_dma2 semaphore(%arg15 : memref<!tpu.dma_semaphore, #tpu.memory_space<semaphore_mem>>) src(%dma_wait3A_8 : memref<256xf32, #tpu.memory_space<hbm>>) dst(%arg8 : memref<256xf32, #tpu.memory_space<vmem>>)
    %dma_wait3A_9 = tpu.memref_slice %arg4[%mul3A_0] : memref<4096xf32, #tpu.memory_space<hbm>> -> memref<256xf32, #tpu.memory_space<hbm>>
    %dma_wait3A_10 = tpu.memref_slice %arg4[%mul3A_0] : memref<4096xf32, #tpu.memory_space<hbm>> -> memref<256xf32, #tpu.memory_space<hbm>>
    tpu.wait_dma2 semaphore(%arg16 : memref<!tpu.dma_semaphore, #tpu.memory_space<semaphore_mem>>) src(%dma_wait3A_10 : memref<256xf32, #tpu.memory_space<hbm>>) dst(%arg9 : memref<256xf32, #tpu.memory_space<vmem>>)
    %get3A = arith.constant 0 : index
    %get3A_11 = tpu.vector_load %arg7[%get3A] {strides = array<i32>} : memref<256xf32, #tpu.memory_space<vmem>>, vector<16xf32>,
    %get3A_12 = arith.constant 0 : index
    %get3A_13 = tpu.vector_load %arg9[%get3A_12] {strides = array<i32>} : memref<256xf32, #tpu.memory_space<vmem>>, vector<16xf32>,
    %get3A_14 = arith.constant 0 : index
    %get3A_15 = tpu.vector_load %arg8[%get3A_14] {strides = array<i32>} : memref<256xf32, #tpu.memory_space<vmem>>, vector<16xf32>,
    %mul3A_16 = arith.constant 5.000000e-01 : f32
    %mul3A_17 = vector.broadcast %mul3A_16 : f32 to vector<16xf32>
    %mul3A_18 = arith.mulf %mul3A_17, %get3A_15 : vector<16xf32>
    %exp3A = math.exp %mul3A_18 : vector<16xf32>
    %mul3A_19 = arith.mulf %get3A_13, %exp3A : vector<16xf32>
    %add3A = arith.addf %get3A_11, %mul3A_19 : vector<16xf32>
    %neg3A = arith.constant 0.000000e+00 : f32
    %neg3A_20 = vector.broadcast %neg3A : f32 to vector<16xf32>
    %neg3A_21 = arith.subf %neg3A_20, %add3A : vector<16xf32>
    %exp3A_22 = math.exp %neg3A_21 : vector<16xf32>
    %add3A_23 = arith.constant 1.000000e+00 : f32
    %add3A_24 = vector.broadcast %add3A_23 : f32 to vector<16xf32>
    %add3A_25 = arith.addf %add3A_24, %exp3A_22 : vector<16xf32>
    %div3A = arith.constant 1.000000e+00 : f32
    %div3A_26 = vector.broadcast %div3A : f32 to vector<16xf32>
    %div3A_27 = arith.divf %div3A_26, %add3A_25 : vector<16xf32>
    %swap3A = arith.constant 0 : index
    %swap3A_28 = tpu.vector_load %arg10[%swap3A] {strides = array<i32>} : memref<256xf32, #tpu.memory_space<vmem>>, vector<16xf32>,
    tpu.vector_store %arg10[%swap3A], %div3A_27 {strides = array<i32>} : memref<256xf32, #tpu.memory_space<vmem>>, vector<16xf32>,
    %get3A_29 = arith.constant 16 : index
    %get3A_30 = tpu.vector_load %arg7[%get3A_29] {strides = array<i32>} : memref<256xf32, #tpu.memory_space<vmem>>, vector<16xf32>,
    %get3A_31 = arith.constant 16 : index
    %get3A_32 = tpu.vector_load %arg9[%get3A_31] {strides = array<i32>} : memref<256xf32, #tpu.memory_space<vmem>>, vector<16xf32>,
    %get3A_33 = arith.constant 16 : index
    %get3A_34 = tpu.vector_load %arg8[%get3A_33] {strides = array<i32>} : memref<256xf32, #tpu.memory_space<vmem>>, vector<16xf32>,
    %mul3A_35 = arith.constant 5.000000e-01 : f32
    %mul3A_36 = vector.broadcast %mul3A_35 : f32 to vector<16xf32>
    %mul3A_37 = arith.mulf %mul3A_36, %get3A_34 : vector<16xf32>
    %exp3A_38 = math.exp %mul3A_37 : vector<16xf32>
    %mul3A_39 = arith.mulf %get3A_32, %exp3A_38 : vector<16xf32>
    %add3A_40 = arith.addf %get3A_30, %mul3A_39 : vector<16xf32>
    %neg3A_41 = arith.constant 0.000000e+00 : f32
    %neg3A_42 = vector.broadcast %neg3A_41 : f32 to vector<16xf32>
    %neg3A_43 = arith.subf %neg3A_42, %add3A_40 : vector<16xf32>
    %exp3A_44 = math.exp %neg3A_43 : vector<16xf32>
    %add3A_45 = arith.constant 1.000000e+00 : f32
    %add3A_46 = vector.broadcast %add3A_45 : f32 to vector<16xf32>
    %add3A_47 = arith.addf %add3A_46, %exp3A_44 : vector<16xf32>
    %div3A_48 = arith.constant 1.000000e+00 : f32
    %div3A_49 = vector.broadcast %div3A_48 : f32 to vector<16xf32>
    %div3A_50 = arith.divf %div3A_49, %add3A_47 : vector<16xf32>
    %swap3A_51 = arith.constant 16 : index
    %swap3A_52 = tpu.vector_load %arg10[%swap3A_51] {strides = array<i32>} : memref<256xf32, #tpu.memory_space<vmem>>, vector<16xf32>,
    tpu.vector_store %arg10[%swap3A_51], %div3A_50 {strides = array<i32>} : memref<256xf32, #tpu.memory_space<vmem>>, vector<16xf32>,
    %get3A_53 = arith.constant 32 : index
    %get3A_54 = tpu.vector_load %arg7[%get3A_53] {strides = array<i32>} : memref<256xf32, #tpu.memory_space<vmem>>, vector<16xf32>,
    %get3A_55 = arith.constant 32 : index
    %get3A_56 = tpu.vector_load %arg9[%get3A_55] {strides = array<i32>} : memref<256xf32, #tpu.memory_space<vmem>>, vector<16xf32>,
    %get3A_57 = arith.constant 32 : index
    %get3A_58 = tpu.vector_load %arg8[%get3A_57] {strides = array<i32>} : memref<256xf32, #tpu.memory_space<vmem>>, vector<16xf32>,
    %mul3A_59 = arith.constant 5.000000e-01 : f32
    %mul3A_60 = vector.broadcast %mul3A_59 : f32 to vector<16xf32>
    %mul3A_61 = arith.mulf %mul3A_60, %get3A_58 : vector<16xf32>
    %exp3A_62 = math.exp %mul3A_61 : vector<16xf32>
    %mul3A_63 = arith.mulf %get3A_56, %exp3A_62 : vector<16xf32>
    %add3A_64 = arith.addf %get3A_54, %mul3A_63 : vector<16xf32>
    %neg3A_65 = arith.constant 0.000000e+00 : f32
    %neg3A_66 = vector.broadcast %neg3A_65 : f32 to vector<16xf32>
    %neg3A_67 = arith.subf %neg3A_66, %add3A_64 : vector<16xf32>
    %exp3A_68 = math.exp %neg3A_67 : vector<16xf32>
    %add3A_69 = arith.constant 1.000000e+00 : f32
    %add3A_70 = vector.broadcast %add3A_69 : f32 to vector<16xf32>
    %add3A_71 = arith.addf %add3A_70, %exp3A_68 : vector<16xf32>
    %div3A_72 = arith.constant 1.000000e+00 : f32
    %div3A_73 = vector.broadcast %div3A_72 : f32 to vector<16xf32>
    %div3A_74 = arith.divf %div3A_73, %add3A_71 : vector<16xf32>
    %swap3A_75 = arith.constant 32 : index
    %swap3A_76 = tpu.vector_load %arg10[%swap3A_75] {strides = array<i32>} : memref<256xf32, #tpu.memory_space<vmem>>, vector<16xf32>,
    tpu.vector_store %arg10[%swap3A_75], %div3A_74 {strides = array<i32>} : memref<256xf32, #tpu.memory_space<vmem>>, vector<16xf32>,
    %get3A_77 = arith.constant 48 : index
    %get3A_78 = tpu.vector_load %arg7[%get3A_77] {strides = array<i32>} : memref<256xf32, #tpu.memory_space<vmem>>, vector<16xf32>,
    %get3A_79 = arith.constant 48 : index
    %get3A_80 = tpu.vector_load %arg9[%get3A_79] {strides = array<i32>} : memref<256xf32, #tpu.memory_space<vmem>>, vector<16xf32>,
    %get3A_81 = arith.constant 48 : index
    %get3A_82 = tpu.vector_load %arg8[%get3A_81] {strides = array<i32>} : memref<256xf32, #tpu.memory_space<vmem>>, vector<16xf32>,
    %mul3A_83 = arith.constant 5.000000e-01 : f32
    %mul3A_84 = vector.broadcast %mul3A_83 : f32 to vector<16xf32>
    %mul3A_85 = arith.mulf %mul3A_84, %get3A_82 : vector<16xf32>
    %exp3A_86 = math.exp %mul3A_85 : vector<16xf32>
    %mul3A_87 = arith.mulf %get3A_80, %exp3A_86 : vector<16xf32>
    %add3A_88 = arith.addf %get3A_78, %mul3A_87 : vector<16xf32>
    %neg3A_89 = arith.constant 0.000000e+00 : f32
    %neg3A_90 = vector.broadcast %neg3A_89 : f32 to vector<16xf32>
    %neg3A_91 = arith.subf %neg3A_90, %add3A_88 : vector<16xf32>
    %exp3A_92 = math.exp %neg3A_91 : vector<16xf32>
    %add3A_93 = arith.constant 1.000000e+00 : f32
    %add3A_94 = vector.broadcast %add3A_93 : f32 to vector<16xf32>
    %add3A_95 = arith.addf %add3A_94, %exp3A_92 : vector<16xf32>
    %div3A_96 = arith.constant 1.000000e+00 : f32
    %div3A_97 = vector.broadcast %div3A_96 : f32 to vector<16xf32>
    %div3A_98 = arith.divf %div3A_97, %add3A_95 : vector<16xf32>
    %swap3A_99 = arith.constant 48 : index
    %swap3A_100 = tpu.vector_load %arg10[%swap3A_99] {strides = array<i32>} : memref<256xf32, #tpu.memory_space<vmem>>, vector<16xf32>,
    tpu.vector_store %arg10[%swap3A_99], %div3A_98 {strides = array<i32>} : memref<256xf32, #tpu.memory_space<vmem>>, vector<16xf32>,
    %get3A_101 = arith.constant 64 : index
    %get3A_102 = tpu.vector_load %arg7[%get3A_101] {strides = array<i32>} : memref<256xf32, #tpu.memory_space<vmem>>, vector<16xf32>,
    %get3A_103 = arith.constant 64 : index
    %get3A_104 = tpu.vector_load %arg9[%get3A_103] {strides = array<i32>} : memref<256xf32, #tpu.memory_space<vmem>>, vector<16xf32>,
    %get3A_105 = arith.constant 64 : index
    %get3A_106 = tpu.vector_load %arg8[%get3A_105] {strides = array<i32>} : memref<256xf32, #tpu.memory_space<vmem>>, vector<16xf32>,
    %mul3A_107 = arith.constant 5.000000e-01 : f32
    %mul3A_108 = vector.broadcast %mul3A_107 : f32 to vector<16xf32>
    %mul3A_109 = arith.mulf %mul3A_108, %get3A_106 : vector<16xf32>
    %exp3A_110 = math.exp %mul3A_109 : vector<16xf32>
    %mul3A_111 = arith.mulf %get3A_104, %exp3A_110 : vector<16xf32>
    %add3A_112 = arith.addf %get3A_102, %mul3A_111 : vector<16xf32>
    %neg3A_113 = arith.constant 0.000000e+00 : f32
    %neg3A_114 = vector.broadcast %neg3A_113 : f32 to vector<16xf32>
    %neg3A_115 = arith.subf %neg3A_114, %add3A_112 : vector<16xf32>
    %exp3A_116 = math.exp %neg3A_115 : vector<16xf32>
    %add3A_117 = arith.constant 1.000000e+00 : f32
    %add3A_118 = vector.broadcast %add3A_117 : f32 to vector<16xf32>
    %add3A_119 = arith.addf %add3A_118, %exp3A_116 : vector<16xf32>
    %div3A_120 = arith.constant 1.000000e+00 : f32
    %div3A_121 = vector.broadcast %div3A_120 : f32 to vector<16xf32>
    %div3A_122 = arith.divf %div3A_121, %add3A_119 : vector<16xf32>
    %swap3A_123 = arith.constant 64 : index
    %swap3A_124 = tpu.vector_load %arg10[%swap3A_123] {strides = array<i32>} : memref<256xf32, #tpu.memory_space<vmem>>, vector<16xf32>,
    tpu.vector_store %arg10[%swap3A_123], %div3A_122 {strides = array<i32>} : memref<256xf32, #tpu.memory_space<vmem>>, vector<16xf32>,
    %get3A_125 = arith.constant 80 : index
    %get3A_126 = tpu.vector_load %arg7[%get3A_125] {strides = array<i32>} : memref<256xf32, #tpu.memory_space<vmem>>, vector<16xf32>,
    %get3A_127 = arith.constant 80 : index
    %get3A_128 = tpu.vector_load %arg9[%get3A_127] {strides = array<i32>} : memref<256xf32, #tpu.memory_space<vmem>>, vector<16xf32>,
    %get3A_129 = arith.constant 80 : index
    %get3A_130 = tpu.vector_load %arg8[%get3A_129] {strides = array<i32>} : memref<256xf32, #tpu.memory_space<vmem>>, vector<16xf32>,
    %mul3A_131 = arith.constant 5.000000e-01 : f32
    %mul3A_132 = vector.broadcast %mul3A_131 : f32 to vector<16xf32>
    %mul3A_133 = arith.mulf %mul3A_132, %get3A_130 : vector<16xf32>
    %exp3A_134 = math.exp %mul3A_133 : vector<16xf32>
    %mul3A_135 = arith.mulf %get3A_128, %exp3A_134 : vector<16xf32>
    %add3A_136 = arith.addf %get3A_126, %mul3A_135 : vector<16xf32>
    %neg3A_137 = arith.constant 0.000000e+00 : f32
    %neg3A_138 = vector.broadcast %neg3A_137 : f32 to vector<16xf32>
    %neg3A_139 = arith.subf %neg3A_138, %add3A_136 : vector<16xf32>
    %exp3A_140 = math.exp %neg3A_139 : vector<16xf32>
    %add3A_141 = arith.constant 1.000000e+00 : f32
    %add3A_142 = vector.broadcast %add3A_141 : f32 to vector<16xf32>
    %add3A_143 = arith.addf %add3A_142, %exp3A_140 : vector<16xf32>
    %div3A_144 = arith.constant 1.000000e+00 : f32
    %div3A_145 = vector.broadcast %div3A_144 : f32 to vector<16xf32>
    %div3A_146 = arith.divf %div3A_145, %add3A_143 : vector<16xf32>
    %swap3A_147 = arith.constant 80 : index
    %swap3A_148 = tpu.vector_load %arg10[%swap3A_147] {strides = array<i32>} : memref<256xf32, #tpu.memory_space<vmem>>, vector<16xf32>,
    tpu.vector_store %arg10[%swap3A_147], %div3A_146 {strides = array<i32>} : memref<256xf32, #tpu.memory_space<vmem>>, vector<16xf32>,
    %get3A_149 = arith.constant 96 : index
    %get3A_150 = tpu.vector_load %arg7[%get3A_149] {strides = array<i32>} : memref<256xf32, #tpu.memory_space<vmem>>, vector<16xf32>,
    %get3A_151 = arith.constant 96 : index
    %get3A_152 = tpu.vector_load %arg9[%get3A_151] {strides = array<i32>} : memref<256xf32, #tpu.memory_space<vmem>>, vector<16xf32>,
    %get3A_153 = arith.constant 96 : index
    %get3A_154 = tpu.vector_load %arg8[%get3A_153] {strides = array<i32>} : memref<256xf32, #tpu.memory_space<vmem>>, vector<16xf32>,
    %mul3A_155 = arith.constant 5.000000e-01 : f32
    %mul3A_156 = vector.broadcast %mul3A_155 : f32 to vector<16xf32>
    %mul3A_157 = arith.mulf %mul3A_156, %get3A_154 : vector<16xf32>
    %exp3A_158 = math.exp %mul3A_157 : vector<16xf32>
    %mul3A_159 = arith.mulf %get3A_152, %exp3A_158 : vector<16xf32>
    %add3A_160 = arith.addf %get3A_150, %mul3A_159 : vector<16xf32>
    %neg3A_161 = arith.constant 0.000000e+00 : f32
    %neg3A_162 = vector.broadcast %neg3A_161 : f32 to vector<16xf32>
    %neg3A_163 = arith.subf %neg3A_162, %add3A_160 : vector<16xf32>
    %exp3A_164 = math.exp %neg3A_163 : vector<16xf32>
    %add3A_165 = arith.constant 1.000000e+00 : f32
    %add3A_166 = vector.broadcast %add3A_165 : f32 to vector<16xf32>
    %add3A_167 = arith.addf %add3A_166, %exp3A_164 : vector<16xf32>
    %div3A_168 = arith.constant 1.000000e+00 : f32
    %div3A_169 = vector.broadcast %div3A_168 : f32 to vector<16xf32>
    %div3A_170 = arith.divf %div3A_169, %add3A_167 : vector<16xf32>
    %swap3A_171 = arith.constant 96 : index
    %swap3A_172 = tpu.vector_load %arg10[%swap3A_171] {strides = array<i32>} : memref<256xf32, #tpu.memory_space<vmem>>, vector<16xf32>,
    tpu.vector_store %arg10[%swap3A_171], %div3A_170 {strides = array<i32>} : memref<256xf32, #tpu.memory_space<vmem>>, vector<16xf32>,
    %get3A_173 = arith.constant 112 : index
    %get3A_174 = tpu.vector_load %arg7[%get3A_173] {strides = array<i32>} : memref<256xf32, #tpu.memory_space<vmem>>, vector<16xf32>,
    %get3A_175 = arith.constant 112 : index
    %get3A_176 = tpu.vector_load %arg9[%get3A_175] {strides = array<i32>} : memref<256xf32, #tpu.memory_space<vmem>>, vector<16xf32>,
    %get3A_177 = arith.constant 112 : index
    %get3A_178 = tpu.vector_load %arg8[%get3A_177] {strides = array<i32>} : memref<256xf32, #tpu.memory_space<vmem>>, vector<16xf32>,
    %mul3A_179 = arith.constant 5.000000e-01 : f32
    %mul3A_180 = vector.broadcast %mul3A_179 : f32 to vector<16xf32>
    %mul3A_181 = arith.mulf %mul3A_180, %get3A_178 : vector<16xf32>
    %exp3A_182 = math.exp %mul3A_181 : vector<16xf32>
    %mul3A_183 = arith.mulf %get3A_176, %exp3A_182 : vector<16xf32>
    %add3A_184 = arith.addf %get3A_174, %mul3A_183 : vector<16xf32>
    %neg3A_185 = arith.constant 0.000000e+00 : f32
    %neg3A_186 = vector.broadcast %neg3A_185 : f32 to vector<16xf32>
    %neg3A_187 = arith.subf %neg3A_186, %add3A_184 : vector<16xf32>
    %exp3A_188 = math.exp %neg3A_187 : vector<16xf32>
    %add3A_189 = arith.constant 1.000000e+00 : f32
    %add3A_190 = vector.broadcast %add3A_189 : f32 to vector<16xf32>
    %add3A_191 = arith.addf %add3A_190, %exp3A_188 : vector<16xf32>
    %div3A_192 = arith.constant 1.000000e+00 : f32
    %div3A_193 = vector.broadcast %div3A_192 : f32 to vector<16xf32>
    %div3A_194 = arith.divf %div3A_193, %add3A_191 : vector<16xf32>
    %swap3A_195 = arith.constant 112 : index
    %swap3A_196 = tpu.vector_load %arg10[%swap3A_195] {strides = array<i32>} : memref<256xf32, #tpu.memory_space<vmem>>, vector<16xf32>,
    tpu.vector_store %arg10[%swap3A_195], %div3A_194 {strides = array<i32>} : memref<256xf32, #tpu.memory_space<vmem>>, vector<16xf32>,
    %get3A_197 = arith.constant 128 : index
    %get3A_198 = tpu.vector_load %arg7[%get3A_197] {strides = array<i32>} : memref<256xf32, #tpu.memory_space<vmem>>, vector<16xf32>,
    %get3A_199 = arith.constant 128 : index
    %get3A_200 = tpu.vector_load %arg9[%get3A_199] {strides = array<i32>} : memref<256xf32, #tpu.memory_space<vmem>>, vector<16xf32>,
    %get3A_201 = arith.constant 128 : index
    %get3A_202 = tpu.vector_load %arg8[%get3A_201] {strides = array<i32>} : memref<256xf32, #tpu.memory_space<vmem>>, vector<16xf32>,
    %mul3A_203 = arith.constant 5.000000e-01 : f32
    %mul3A_204 = vector.broadcast %mul3A_203 : f32 to vector<16xf32>
    %mul3A_205 = arith.mulf %mul3A_204, %get3A_202 : vector<16xf32>
    %exp3A_206 = math.exp %mul3A_205 : vector<16xf32>
    %mul3A_207 = arith.mulf %get3A_200, %exp3A_206 : vector<16xf32>
    %add3A_208 = arith.addf %get3A_198, %mul3A_207 : vector<16xf32>
    %neg3A_209 = arith.constant 0.000000e+00 : f32
    %neg3A_210 = vector.broadcast %neg3A_209 : f32 to vector<16xf32>
    %neg3A_211 = arith.subf %neg3A_210, %add3A_208 : vector<16xf32>
    %exp3A_212 = math.exp %neg3A_211 : vector<16xf32>
    %add3A_213 = arith.constant 1.000000e+00 : f32
    %add3A_214 = vector.broadcast %add3A_213 : f32 to vector<16xf32>
    %add3A_215 = arith.addf %add3A_214, %exp3A_212 : vector<16xf32>
    %div3A_216 = arith.constant 1.000000e+00 : f32
    %div3A_217 = vector.broadcast %div3A_216 : f32 to vector<16xf32>
    %div3A_218 = arith.divf %div3A_217, %add3A_215 : vector<16xf32>
    %swap3A_219 = arith.constant 128 : index
    %swap3A_220 = tpu.vector_load %arg10[%swap3A_219] {strides = array<i32>} : memref<256xf32, #tpu.memory_space<vmem>>, vector<16xf32>,
    tpu.vector_store %arg10[%swap3A_219], %div3A_218 {strides = array<i32>} : memref<256xf32, #tpu.memory_space<vmem>>, vector<16xf32>,
    %get3A_221 = arith.constant 144 : index
    %get3A_222 = tpu.vector_load %arg7[%get3A_221] {strides = array<i32>} : memref<256xf32, #tpu.memory_space<vmem>>, vector<16xf32>,
    %get3A_223 = arith.constant 144 : index
    %get3A_224 = tpu.vector_load %arg9[%get3A_223] {strides = array<i32>} : memref<256xf32, #tpu.memory_space<vmem>>, vector<16xf32>,
    %get3A_225 = arith.constant 144 : index
    %get3A_226 = tpu.vector_load %arg8[%get3A_225] {strides = array<i32>} : memref<256xf32, #tpu.memory_space<vmem>>, vector<16xf32>,
    %mul3A_227 = arith.constant 5.000000e-01 : f32
    %mul3A_228 = vector.broadcast %mul3A_227 : f32 to vector<16xf32>
    %mul3A_229 = arith.mulf %mul3A_228, %get3A_226 : vector<16xf32>
    %exp3A_230 = math.exp %mul3A_229 : vector<16xf32>
    %mul3A_231 = arith.mulf %get3A_224, %exp3A_230 : vector<16xf32>
    %add3A_232 = arith.addf %get3A_222, %mul3A_231 : vector<16xf32>
    %neg3A_233 = arith.constant 0.000000e+00 : f32
    %neg3A_234 = vector.broadcast %neg3A_233 : f32 to vector<16xf32>
    %neg3A_235 = arith.subf %neg3A_234, %add3A_232 : vector<16xf32>
    %exp3A_236 = math.exp %neg3A_235 : vector<16xf32>
    %add3A_237 = arith.constant 1.000000e+00 : f32
    %add3A_238 = vector.broadcast %add3A_237 : f32 to vector<16xf32>
    %add3A_239 = arith.addf %add3A_238, %exp3A_236 : vector<16xf32>
    %div3A_240 = arith.constant 1.000000e+00 : f32
    %div3A_241 = vector.broadcast %div3A_240 : f32 to vector<16xf32>
    %div3A_242 = arith.divf %div3A_241, %add3A_239 : vector<16xf32>
    %swap3A_243 = arith.constant 144 : index
    %swap3A_244 = tpu.vector_load %arg10[%swap3A_243] {strides = array<i32>} : memref<256xf32, #tpu.memory_space<vmem>>, vector<16xf32>,
    tpu.vector_store %arg10[%swap3A_243], %div3A_242 {strides = array<i32>} : memref<256xf32, #tpu.memory_space<vmem>>, vector<16xf32>,
    %get3A_245 = arith.constant 160 : index
    %get3A_246 = tpu.vector_load %arg7[%get3A_245] {strides = array<i32>} : memref<256xf32, #tpu.memory_space<vmem>>, vector<16xf32>,
    %get3A_247 = arith.constant 160 : index
    %get3A_248 = tpu.vector_load %arg9[%get3A_247] {strides = array<i32>} : memref<256xf32, #tpu.memory_space<vmem>>, vector<16xf32>,
    %get3A_249 = arith.constant 160 : index
    %get3A_250 = tpu.vector_load %arg8[%get3A_249] {strides = array<i32>} : memref<256xf32, #tpu.memory_space<vmem>>, vector<16xf32>,
    %mul3A_251 = arith.constant 5.000000e-01 : f32
    %mul3A_252 = vector.broadcast %mul3A_251 : f32 to vector<16xf32>
    %mul3A_253 = arith.mulf %mul3A_252, %get3A_250 : vector<16xf32>
    %exp3A_254 = math.exp %mul3A_253 : vector<16xf32>
    %mul3A_255 = arith.mulf %get3A_248, %exp3A_254 : vector<16xf32>
    %add3A_256 = arith.addf %get3A_246, %mul3A_255 : vector<16xf32>
    %neg3A_257 = arith.constant 0.000000e+00 : f32
    %neg3A_258 = vector.broadcast %neg3A_257 : f32 to vector<16xf32>
    %neg3A_259 = arith.subf %neg3A_258, %add3A_256 : vector<16xf32>
    %exp3A_260 = math.exp %neg3A_259 : vector<16xf32>
    %add3A_261 = arith.constant 1.000000e+00 : f32
    %add3A_262 = vector.broadcast %add3A_261 : f32 to vector<16xf32>
    %add3A_263 = arith.addf %add3A_262, %exp3A_260 : vector<16xf32>
    %div3A_264 = arith.constant 1.000000e+00 : f32
    %div3A_265 = vector.broadcast %div3A_264 : f32 to vector<16xf32>
    %div3A_266 = arith.divf %div3A_265, %add3A_263 : vector<16xf32>
    %swap3A_267 = arith.constant 160 : index
    %swap3A_268 = tpu.vector_load %arg10[%swap3A_267] {strides = array<i32>} : memref<256xf32, #tpu.memory_space<vmem>>, vector<16xf32>,
    tpu.vector_store %arg10[%swap3A_267], %div3A_266 {strides = array<i32>} : memref<256xf32, #tpu.memory_space<vmem>>, vector<16xf32>,
    %get3A_269 = arith.constant 176 : index
    %get3A_270 = tpu.vector_load %arg7[%get3A_269] {strides = array<i32>} : memref<256xf32, #tpu.memory_space<vmem>>, vector<16xf32>,
    %get3A_271 = arith.constant 176 : index
    %get3A_272 = tpu.vector_load %arg9[%get3A_271] {strides = array<i32>} : memref<256xf32, #tpu.memory_space<vmem>>, vector<16xf32>,
    %get3A_273 = arith.constant 176 : index
    %get3A_274 = tpu.vector_load %arg8[%get3A_273] {strides = array<i32>} : memref<256xf32, #tpu.memory_space<vmem>>, vector<16xf32>,
    %mul3A_275 = arith.constant 5.000000e-01 : f32
    %mul3A_276 = vector.broadcast %mul3A_275 : f32 to vector<16xf32>
    %mul3A_277 = arith.mulf %mul3A_276, %get3A_274 : vector<16xf32>
    %exp3A_278 = math.exp %mul3A_277 : vector<16xf32>
    %mul3A_279 = arith.mulf %get3A_272, %exp3A_278 : vector<16xf32>
    %add3A_280 = arith.addf %get3A_270, %mul3A_279 : vector<16xf32>
    %neg3A_281 = arith.constant 0.000000e+00 : f32
    %neg3A_282 = vector.broadcast %neg3A_281 : f32 to vector<16xf32>
    %neg3A_283 = arith.subf %neg3A_282, %add3A_280 : vector<16xf32>
    %exp3A_284 = math.exp %neg3A_283 : vector<16xf32>
    %add3A_285 = arith.constant 1.000000e+00 : f32
    %add3A_286 = vector.broadcast %add3A_285 : f32 to vector<16xf32>
    %add3A_287 = arith.addf %add3A_286, %exp3A_284 : vector<16xf32>
    %div3A_288 = arith.constant 1.000000e+00 : f32
    %div3A_289 = vector.broadcast %div3A_288 : f32 to vector<16xf32>
    %div3A_290 = arith.divf %div3A_289, %add3A_287 : vector<16xf32>
    %swap3A_291 = arith.constant 176 : index
    %swap3A_292 = tpu.vector_load %arg10[%swap3A_291] {strides = array<i32>} : memref<256xf32, #tpu.memory_space<vmem>>, vector<16xf32>,
    tpu.vector_store %arg10[%swap3A_291], %div3A_290 {strides = array<i32>} : memref<256xf32, #tpu.memory_space<vmem>>, vector<16xf32>,
    %get3A_293 = arith.constant 192 : index
    %get3A_294 = tpu.vector_load %arg7[%get3A_293] {strides = array<i32>} : memref<256xf32, #tpu.memory_space<vmem>>, vector<16xf32>,
    %get3A_295 = arith.constant 192 : index
    %get3A_296 = tpu.vector_load %arg9[%get3A_295] {strides = array<i32>} : memref<256xf32, #tpu.memory_space<vmem>>, vector<16xf32>,
    %get3A_297 = arith.constant 192 : index
    %get3A_298 = tpu.vector_load %arg8[%get3A_297] {strides = array<i32>} : memref<256xf32, #tpu.memory_space<vmem>>, vector<16xf32>,
    %mul3A_299 = arith.constant 5.000000e-01 : f32
    %mul3A_300 = vector.broadcast %mul3A_299 : f32 to vector<16xf32>
    %mul3A_301 = arith.mulf %mul3A_300, %get3A_298 : vector<16xf32>
    %exp3A_302 = math.exp %mul3A_301 : vector<16xf32>
    %mul3A_303 = arith.mulf %get3A_296, %exp3A_302 : vector<16xf32>
    %add3A_304 = arith.addf %get3A_294, %mul3A_303 : vector<16xf32>
    %neg3A_305 = arith.constant 0.000000e+00 : f32
    %neg3A_306 = vector.broadcast %neg3A_305 : f32 to vector<16xf32>
    %neg3A_307 = arith.subf %neg3A_306, %add3A_304 : vector<16xf32>
    %exp3A_308 = math.exp %neg3A_307 : vector<16xf32>
    %add3A_309 = arith.constant 1.000000e+00 : f32
    %add3A_310 = vector.broadcast %add3A_309 : f32 to vector<16xf32>
    %add3A_311 = arith.addf %add3A_310, %exp3A_308 : vector<16xf32>
    %div3A_312 = arith.constant 1.000000e+00 : f32
    %div3A_313 = vector.broadcast %div3A_312 : f32 to vector<16xf32>
    %div3A_314 = arith.divf %div3A_313, %add3A_311 : vector<16xf32>
    %swap3A_315 = arith.constant 192 : index
    %swap3A_316 = tpu.vector_load %arg10[%swap3A_315] {strides = array<i32>} : memref<256xf32, #tpu.memory_space<vmem>>, vector<16xf32>,
    tpu.vector_store %arg10[%swap3A_315], %div3A_314 {strides = array<i32>} : memref<256xf32, #tpu.memory_space<vmem>>, vector<16xf32>,
    %get3A_317 = arith.constant 208 : index
    %get3A_318 = tpu.vector_load %arg7[%get3A_317] {strides = array<i32>} : memref<256xf32, #tpu.memory_space<vmem>>, vector<16xf32>,
    %get3A_319 = arith.constant 208 : index
    %get3A_320 = tpu.vector_load %arg9[%get3A_319] {strides = array<i32>} : memref<256xf32, #tpu.memory_space<vmem>>, vector<16xf32>,
    %get3A_321 = arith.constant 208 : index
    %get3A_322 = tpu.vector_load %arg8[%get3A_321] {strides = array<i32>} : memref<256xf32, #tpu.memory_space<vmem>>, vector<16xf32>,
    %mul3A_323 = arith.constant 5.000000e-01 : f32
    %mul3A_324 = vector.broadcast %mul3A_323 : f32 to vector<16xf32>
    %mul3A_325 = arith.mulf %mul3A_324, %get3A_322 : vector<16xf32>
    %exp3A_326 = math.exp %mul3A_325 : vector<16xf32>
    %mul3A_327 = arith.mulf %get3A_320, %exp3A_326 : vector<16xf32>
    %add3A_328 = arith.addf %get3A_318, %mul3A_327 : vector<16xf32>
    %neg3A_329 = arith.constant 0.000000e+00 : f32
    %neg3A_330 = vector.broadcast %neg3A_329 : f32 to vector<16xf32>
    %neg3A_331 = arith.subf %neg3A_330, %add3A_328 : vector<16xf32>
    %exp3A_332 = math.exp %neg3A_331 : vector<16xf32>
    %add3A_333 = arith.constant 1.000000e+00 : f32
    %add3A_334 = vector.broadcast %add3A_333 : f32 to vector<16xf32>
    %add3A_335 = arith.addf %add3A_334, %exp3A_332 : vector<16xf32>
    %div3A_336 = arith.constant 1.000000e+00 : f32
    %div3A_337 = vector.broadcast %div3A_336 : f32 to vector<16xf32>
    %div3A_338 = arith.divf %div3A_337, %add3A_335 : vector<16xf32>
    %swap3A_339 = arith.constant 208 : index
    %swap3A_340 = tpu.vector_load %arg10[%swap3A_339] {strides = array<i32>} : memref<256xf32, #tpu.memory_space<vmem>>, vector<16xf32>,
    tpu.vector_store %arg10[%swap3A_339], %div3A_338 {strides = array<i32>} : memref<256xf32, #tpu.memory_space<vmem>>, vector<16xf32>,
    %get3A_341 = arith.constant 224 : index
    %get3A_342 = tpu.vector_load %arg7[%get3A_341] {strides = array<i32>} : memref<256xf32, #tpu.memory_space<vmem>>, vector<16xf32>,
    %get3A_343 = arith.constant 224 : index
    %get3A_344 = tpu.vector_load %arg9[%get3A_343] {strides = array<i32>} : memref<256xf32, #tpu.memory_space<vmem>>, vector<16xf32>,
    %get3A_345 = arith.constant 224 : index
    %get3A_346 = tpu.vector_load %arg8[%get3A_345] {strides = array<i32>} : memref<256xf32, #tpu.memory_space<vmem>>, vector<16xf32>,
    %mul3A_347 = arith.constant 5.000000e-01 : f32
    %mul3A_348 = vector.broadcast %mul3A_347 : f32 to vector<16xf32>
    %mul3A_349 = arith.mulf %mul3A_348, %get3A_346 : vector<16xf32>
    %exp3A_350 = math.exp %mul3A_349 : vector<16xf32>
    %mul3A_351 = arith.mulf %get3A_344, %exp3A_350 : vector<16xf32>
    %add3A_352 = arith.addf %get3A_342, %mul3A_351 : vector<16xf32>
    %neg3A_353 = arith.constant 0.000000e+00 : f32
    %neg3A_354 = vector.broadcast %neg3A_353 : f32 to vector<16xf32>
    %neg3A_355 = arith.subf %neg3A_354, %add3A_352 : vector<16xf32>
    %exp3A_356 = math.exp %neg3A_355 : vector<16xf32>
    %add3A_357 = arith.constant 1.000000e+00 : f32
    %add3A_358 = vector.broadcast %add3A_357 : f32 to vector<16xf32>
    %add3A_359 = arith.addf %add3A_358, %exp3A_356 : vector<16xf32>
    %div3A_360 = arith.constant 1.000000e+00 : f32
    %div3A_361 = vector.broadcast %div3A_360 : f32 to vector<16xf32>
    %div3A_362 = arith.divf %div3A_361, %add3A_359 : vector<16xf32>
    %swap3A_363 = arith.constant 224 : index
    %swap3A_364 = tpu.vector_load %arg10[%swap3A_363] {strides = array<i32>} : memref<256xf32, #tpu.memory_space<vmem>>, vector<16xf32>,
    tpu.vector_store %arg10[%swap3A_363], %div3A_362 {strides = array<i32>} : memref<256xf32, #tpu.memory_space<vmem>>, vector<16xf32>,
    %get3A_365 = arith.constant 240 : index
    %get3A_366 = tpu.vector_load %arg7[%get3A_365] {strides = array<i32>} : memref<256xf32, #tpu.memory_space<vmem>>, vector<16xf32>,
    %get3A_367 = arith.constant 240 : index
    %get3A_368 = tpu.vector_load %arg9[%get3A_367] {strides = array<i32>} : memref<256xf32, #tpu.memory_space<vmem>>, vector<16xf32>,
    %get3A_369 = arith.constant 240 : index
    %get3A_370 = tpu.vector_load %arg8[%get3A_369] {strides = array<i32>} : memref<256xf32, #tpu.memory_space<vmem>>, vector<16xf32>,
    %mul3A_371 = arith.constant 5.000000e-01 : f32
    %mul3A_372 = vector.broadcast %mul3A_371 : f32 to vector<16xf32>
    %mul3A_373 = arith.mulf %mul3A_372, %get3A_370 : vector<16xf32>
    %exp3A_374 = math.exp %mul3A_373 : vector<16xf32>
    %mul3A_375 = arith.mulf %get3A_368, %exp3A_374 : vector<16xf32>
    %add3A_376 = arith.addf %get3A_366, %mul3A_375 : vector<16xf32>
    %neg3A_377 = arith.constant 0.000000e+00 : f32
    %neg3A_378 = vector.broadcast %neg3A_377 : f32 to vector<16xf32>
    %neg3A_379 = arith.subf %neg3A_378, %add3A_376 : vector<16xf32>
    %exp3A_380 = math.exp %neg3A_379 : vector<16xf32>
    %add3A_381 = arith.constant 1.000000e+00 : f32
    %add3A_382 = vector.broadcast %add3A_381 : f32 to vector<16xf32>
    %add3A_383 = arith.addf %add3A_382, %exp3A_380 : vector<16xf32>
    %div3A_384 = arith.constant 1.000000e+00 : f32
    %div3A_385 = vector.broadcast %div3A_384 : f32 to vector<16xf32>
    %div3A_386 = arith.divf %div3A_385, %add3A_383 : vector<16xf32>
    %swap3A_387 = arith.constant 240 : index
    %swap3A_388 = tpu.vector_load %arg10[%swap3A_387] {strides = array<i32>} : memref<256xf32, #tpu.memory_space<vmem>>, vector<16xf32>,
    tpu.vector_store %arg10[%swap3A_387], %div3A_386 {strides = array<i32>} : memref<256xf32, #tpu.memory_space<vmem>>, vector<16xf32>,
    "tpu.region"() ({
      %run_scoped3A = tpu.sem_alloc : memref<!tpu.dma_semaphore, #tpu.memory_space<semaphore_mem>>
      %dma_start3A_568 = tpu.memref_slice %arg5[%mul3A_0] : memref<4096xf32, #tpu.memory_space<hbm>> -> memref<256xf32, #tpu.memory_space<hbm>>
      %dma_start3A_569 = tpu.memref_slice %arg5[%mul3A_0] : memref<4096xf32, #tpu.memory_space<hbm>> -> memref<256xf32, #tpu.memory_space<hbm>>
      tpu.enqueue_dma source(%arg10 : memref<256xf32, #tpu.memory_space<vmem>>) target(%dma_start3A_569 : memref<256xf32, #tpu.memory_space<hbm>>) target_semaphore(%run_scoped3A : memref<!tpu.dma_semaphore, #tpu.memory_space<semaphore_mem>>)
      %dma_wait3A_570 = tpu.memref_slice %arg5[%mul3A_0] : memref<4096xf32, #tpu.memory_space<hbm>> -> memref<256xf32, #tpu.memory_space<hbm>>
      %dma_wait3A_571 = tpu.memref_slice %arg5[%mul3A_0] : memref<4096xf32, #tpu.memory_space<hbm>> -> memref<256xf32, #tpu.memory_space<hbm>>
      tpu.wait_dma2 semaphore(%run_scoped3A : memref<!tpu.dma_semaphore, #tpu.memory_space<semaphore_mem>>) src(%arg10 : memref<256xf32, #tpu.memory_space<vmem>>) dst(%dma_wait3A_571 : memref<256xf32, #tpu.memory_space<hbm>>)
      tpu.yield
    }) : () -> ()
    "tpu.region"() ({
      %run_scoped3A = tpu.sem_alloc : memref<!tpu.dma_semaphore, #tpu.memory_space<semaphore_mem>>
      %dma_start3A_568 = tpu.memref_slice %arg13[%mul3A_0] : memref<4096xf32, #tpu.memory_space<vmem_shared>> -> memref<256xf32, #tpu.memory_space<vmem_shared>>
      %dma_start3A_569 = tpu.memref_slice %arg13[%mul3A_0] : memref<4096xf32, #tpu.memory_space<vmem_shared>> -> memref<256xf32, #tpu.memory_space<vmem_shared>>
      tpu.enqueue_dma source(%arg10 : memref<256xf32, #tpu.memory_space<vmem>>) target(%dma_start3A_569 : memref<256xf32, #tpu.memory_space<vmem_shared>>) target_semaphore(%run_scoped3A : memref<!tpu.dma_semaphore, #tpu.memory_space<semaphore_mem>>)
      %dma_wait3A_570 = tpu.memref_slice %arg13[%mul3A_0] : memref<4096xf32, #tpu.memory_space<vmem_shared>> -> memref<256xf32, #tpu.memory_space<vmem_shared>>
      %dma_wait3A_571 = tpu.memref_slice %arg13[%mul3A_0] : memref<4096xf32, #tpu.memory_space<vmem_shared>> -> memref<256xf32, #tpu.memory_space<vmem_shared>>
      tpu.wait_dma2 semaphore(%run_scoped3A : memref<!tpu.dma_semaphore, #tpu.memory_space<semaphore_mem>>) src(%arg10 : memref<256xf32, #tpu.memory_space<vmem>>) dst(%dma_wait3A_571 : memref<256xf32, #tpu.memory_space<vmem_shared>>)
      tpu.yield
    }) : () -> ()
    %barrier3A = arith.constant 0 : index
    tpu.barrier barrier_id(%barrier3A)
    "tpu.region"() ({
      %run_scoped3A = tpu.sem_alloc : memref<!tpu.dma_semaphore, #tpu.memory_space<semaphore_mem>>
      tpu.enqueue_dma source(%arg13 : memref<4096xf32, #tpu.memory_space<vmem_shared>>) target(%arg11 : memref<4096xf32, #tpu.memory_space<vmem>>) target_semaphore(%run_scoped3A : memref<!tpu.dma_semaphore, #tpu.memory_space<semaphore_mem>>)
      tpu.wait_dma2 semaphore(%run_scoped3A : memref<!tpu.dma_semaphore, #tpu.memory_space<semaphore_mem>>) src(%arg13 : memref<4096xf32, #tpu.memory_space<vmem_shared>>) dst(%arg11 : memref<4096xf32, #tpu.memory_space<vmem>>)
      tpu.yield
    }) : () -> ()
    %scan3A = arith.constant 0 : i32
    %scan3A_389 = arith.constant 1065353216 : i32
    %scan3A_390 = arith.constant 0 : i32
    %scan3A_391 = arith.constant 30 : i32
    %scan3A_392 = arith.addi %scan3A_390, %scan3A_391 : i32
    %scan3A_393 = arith.constant 1 : i32
    %scan3A_394:2 = scf.for %scan3A_568 = %scan3A_390 to %scan3A_392 step %scan3A_393 iter_args(%scan3A_569 = %scan3A, %scan3A_570 = %scan3A_389) -> (i32, i32)  : i32 {
      %sub3A = arith.subi %scan3A_570, %scan3A_569 : i32
      %jit3A_571 = arith.constant 2 : i32
      %div3A_572 = arith.divsi %sub3A, %jit3A_571 : i32
      %sign3A = arith.constant 0 : i32
      %sign3A_573 = arith.cmpi sgt, %sub3A, %sign3A : i32
      %sign3A_574 = arith.extui %sign3A_573 : i1 to i32
      %sign3A_575 = arith.constant 0 : i32
      %sign3A_576 = arith.cmpi slt, %sub3A, %sign3A_575 : i32
      %sign3A_577 = arith.extui %sign3A_576 : i1 to i32
      %sign3A_578 = arith.subi %sign3A_574, %sign3A_577 : i32
      %sign3A_579 = arith.constant 0 : i32
      %sign3A_580 = arith.cmpi sgt, %jit3A_571, %sign3A_579 : i32
      %sign3A_581 = arith.extui %sign3A_580 : i1 to i32
      %sign3A_582 = arith.constant 0 : i32
      %sign3A_583 = arith.cmpi slt, %jit3A_571, %sign3A_582 : i32
      %sign3A_584 = arith.extui %sign3A_583 : i1 to i32
      %sign3A_585 = arith.subi %sign3A_581, %sign3A_584 : i32
      %ne3A = arith.cmpi ne, %sign3A_578, %sign3A_585 : i32
      %rem3A = arith.remsi %sub3A, %jit3A_571 : i32
      %ne3A_586 = arith.constant 0 : i32
      %ne3A_587 = arith.cmpi ne, %rem3A, %ne3A_586 : i32
      %and3A = arith.andi %ne3A, %ne3A_587 : i1
      %sub3A_588 = arith.constant 1 : i32
      %sub3A_589 = arith.subi %div3A_572, %sub3A_588 : i32
      %select_n3A_590 = arith.select %and3A, %sub3A_589, %div3A_572 : i32
      %add3A_591 = arith.addi %scan3A_569, %select_n3A_590 : i32
      %bitcast_convert_type3A_592 = arith.bitcast %add3A_591 : i32 to f32
      %get3A_593 = arith.constant 0 : index
      %get3A_594 = tpu.vector_load %arg11[%get3A_593] {strides = array<i32>} : memref<4096xf32, #tpu.memory_space<vmem>>, vector<16xf32>,
      %le3A = vector.broadcast %bitcast_convert_type3A_592 : f32 to vector<16xf32>
      %le3A_595 = arith.cmpf ole, %get3A_594, %le3A : vector<16xf32>
      %all_reduce_population_count3A = tpu.all_reduce %le3A_595 {dim = 0 : i64, kind = #tpu.reduction_kind<sum>} : vector<16xi1> -> vector<16xi32>
      %slice3A = vector.extract_strided_slice %all_reduce_population_count3A {offsets = [0], sizes = [1], strides = [1]} : vector<16xi32> to vector<1xi32>
      %squeeze3A = vector.extract %slice3A[0] : i32 from vector<1xi32>
      %add3A_596 = arith.constant 0 : i32
      %add3A_597 = arith.addi %add3A_596, %squeeze3A : i32
      %get3A_598 = arith.constant 16 : index
      %get3A_599 = tpu.vector_load %arg11[%get3A_598] {strides = array<i32>} : memref<4096xf32, #tpu.memory_space<vmem>>, vector<16xf32>,
      %le3A_600 = vector.broadcast %bitcast_convert_type3A_592 : f32 to vector<16xf32>
      %le3A_601 = arith.cmpf ole, %get3A_599, %le3A_600 : vector<16xf32>
      %all_reduce_population_count3A_602 = tpu.all_reduce %le3A_601 {dim = 0 : i64, kind = #tpu.reduction_kind<sum>} : vector<16xi1> -> vector<16xi32>
      %slice3A_603 = vector.extract_strided_slice %all_reduce_population_count3A_602 {offsets = [0], sizes = [1], strides = [1]} : vector<16xi32> to vector<1xi32>
      %squeeze3A_604 = vector.extract %slice3A_603[0] : i32 from vector<1xi32>
      %add3A_605 = arith.addi %add3A_597, %squeeze3A_604 : i32
      %get3A_606 = arith.constant 32 : index
      %get3A_607 = tpu.vector_load %arg11[%get3A_606] {strides = array<i32>} : memref<4096xf32, #tpu.memory_space<vmem>>, vector<16xf32>,
      %le3A_608 = vector.broadcast %bitcast_convert_type3A_592 : f32 to vector<16xf32>
      %le3A_609 = arith.cmpf ole, %get3A_607, %le3A_608 : vector<16xf32>
      %all_reduce_population_count3A_610 = tpu.all_reduce %le3A_609 {dim = 0 : i64, kind = #tpu.reduction_kind<sum>} : vector<16xi1> -> vector<16xi32>
      %slice3A_611 = vector.extract_strided_slice %all_reduce_population_count3A_610 {offsets = [0], sizes = [1], strides = [1]} : vector<16xi32> to vector<1xi32>
      %squeeze3A_612 = vector.extract %slice3A_611[0] : i32 from vector<1xi32>
      %add3A_613 = arith.addi %add3A_605, %squeeze3A_612 : i32
      %get3A_614 = arith.constant 48 : index
      %get3A_615 = tpu.vector_load %arg11[%get3A_614] {strides = array<i32>} : memref<4096xf32, #tpu.memory_space<vmem>>, vector<16xf32>,
      %le3A_616 = vector.broadcast %bitcast_convert_type3A_592 : f32 to vector<16xf32>
      %le3A_617 = arith.cmpf ole, %get3A_615, %le3A_616 : vector<16xf32>
      %all_reduce_population_count3A_618 = tpu.all_reduce %le3A_617 {dim = 0 : i64, kind = #tpu.reduction_kind<sum>} : vector<16xi1> -> vector<16xi32>
      %slice3A_619 = vector.extract_strided_slice %all_reduce_population_count3A_618 {offsets = [0], sizes = [1], strides = [1]} : vector<16xi32> to vector<1xi32>
      %squeeze3A_620 = vector.extract %slice3A_619[0] : i32 from vector<1xi32>
      %add3A_621 = arith.addi %add3A_613, %squeeze3A_620 : i32
      %get3A_622 = arith.constant 64 : index
      %get3A_623 = tpu.vector_load %arg11[%get3A_622] {strides = array<i32>} : memref<4096xf32, #tpu.memory_space<vmem>>, vector<16xf32>,
      %le3A_624 = vector.broadcast %bitcast_convert_type3A_592 : f32 to vector<16xf32>
      %le3A_625 = arith.cmpf ole, %get3A_623, %le3A_624 : vector<16xf32>
      %all_reduce_population_count3A_626 = tpu.all_reduce %le3A_625 {dim = 0 : i64, kind = #tpu.reduction_kind<sum>} : vector<16xi1> -> vector<16xi32>
      %slice3A_627 = vector.extract_strided_slice %all_reduce_population_count3A_626 {offsets = [0], sizes = [1], strides = [1]} : vector<16xi32> to vector<1xi32>
      %squeeze3A_628 = vector.extract %slice3A_627[0] : i32 from vector<1xi32>
      %add3A_629 = arith.addi %add3A_621, %squeeze3A_628 : i32
      %get3A_630 = arith.constant 80 : index
      %get3A_631 = tpu.vector_load %arg11[%get3A_630] {strides = array<i32>} : memref<4096xf32, #tpu.memory_space<vmem>>, vector<16xf32>,
      %le3A_632 = vector.broadcast %bitcast_convert_type3A_592 : f32 to vector<16xf32>
      %le3A_633 = arith.cmpf ole, %get3A_631, %le3A_632 : vector<16xf32>
      %all_reduce_population_count3A_634 = tpu.all_reduce %le3A_633 {dim = 0 : i64, kind = #tpu.reduction_kind<sum>} : vector<16xi1> -> vector<16xi32>
      %slice3A_635 = vector.extract_strided_slice %all_reduce_population_count3A_634 {offsets = [0], sizes = [1], strides = [1]} : vector<16xi32> to vector<1xi32>
      %squeeze3A_636 = vector.extract %slice3A_635[0] : i32 from vector<1xi32>
      %add3A_637 = arith.addi %add3A_629, %squeeze3A_636 : i32
      %get3A_638 = arith.constant 96 : index
      %get3A_639 = tpu.vector_load %arg11[%get3A_638] {strides = array<i32>} : memref<4096xf32, #tpu.memory_space<vmem>>, vector<16xf32>,
      %le3A_640 = vector.broadcast %bitcast_convert_type3A_592 : f32 to vector<16xf32>
      %le3A_641 = arith.cmpf ole, %get3A_639, %le3A_640 : vector<16xf32>
      %all_reduce_population_count3A_642 = tpu.all_reduce %le3A_641 {dim = 0 : i64, kind = #tpu.reduction_kind<sum>} : vector<16xi1> -> vector<16xi32>
      %slice3A_643 = vector.extract_strided_slice %all_reduce_population_count3A_642 {offsets = [0], sizes = [1], strides = [1]} : vector<16xi32> to vector<1xi32>
      %squeeze3A_644 = vector.extract %slice3A_643[0] : i32 from vector<1xi32>
      %add3A_645 = arith.addi %add3A_637, %squeeze3A_644 : i32
      %get3A_646 = arith.constant 112 : index
      %get3A_647 = tpu.vector_load %arg11[%get3A_646] {strides = array<i32>} : memref<4096xf32, #tpu.memory_space<vmem>>, vector<16xf32>,
      %le3A_648 = vector.broadcast %bitcast_convert_type3A_592 : f32 to vector<16xf32>
      %le3A_649 = arith.cmpf ole, %get3A_647, %le3A_648 : vector<16xf32>
      %all_reduce_population_count3A_650 = tpu.all_reduce %le3A_649 {dim = 0 : i64, kind = #tpu.reduction_kind<sum>} : vector<16xi1> -> vector<16xi32>
      %slice3A_651 = vector.extract_strided_slice %all_reduce_population_count3A_650 {offsets = [0], sizes = [1], strides = [1]} : vector<16xi32> to vector<1xi32>
      %squeeze3A_652 = vector.extract %slice3A_651[0] : i32 from vector<1xi32>
      %add3A_653 = arith.addi %add3A_645, %squeeze3A_652 : i32
      %get3A_654 = arith.constant 128 : index
      %get3A_655 = tpu.vector_load %arg11[%get3A_654] {strides = array<i32>} : memref<4096xf32, #tpu.memory_space<vmem>>, vector<16xf32>,
      %le3A_656 = vector.broadcast %bitcast_convert_type3A_592 : f32 to vector<16xf32>
      %le3A_657 = arith.cmpf ole, %get3A_655, %le3A_656 : vector<16xf32>
      %all_reduce_population_count3A_658 = tpu.all_reduce %le3A_657 {dim = 0 : i64, kind = #tpu.reduction_kind<sum>} : vector<16xi1> -> vector<16xi32>
      %slice3A_659 = vector.extract_strided_slice %all_reduce_population_count3A_658 {offsets = [0], sizes = [1], strides = [1]} : vector<16xi32> to vector<1xi32>
      %squeeze3A_660 = vector.extract %slice3A_659[0] : i32 from vector<1xi32>
      %add3A_661 = arith.addi %add3A_653, %squeeze3A_660 : i32
      %get3A_662 = arith.constant 144 : index
      %get3A_663 = tpu.vector_load %arg11[%get3A_662] {strides = array<i32>} : memref<4096xf32, #tpu.memory_space<vmem>>, vector<16xf32>,
      %le3A_664 = vector.broadcast %bitcast_convert_type3A_592 : f32 to vector<16xf32>
      %le3A_665 = arith.cmpf ole, %get3A_663, %le3A_664 : vector<16xf32>
      %all_reduce_population_count3A_666 = tpu.all_reduce %le3A_665 {dim = 0 : i64, kind = #tpu.reduction_kind<sum>} : vector<16xi1> -> vector<16xi32>
      %slice3A_667 = vector.extract_strided_slice %all_reduce_population_count3A_666 {offsets = [0], sizes = [1], strides = [1]} : vector<16xi32> to vector<1xi32>
      %squeeze3A_668 = vector.extract %slice3A_667[0] : i32 from vector<1xi32>
      %add3A_669 = arith.addi %add3A_661, %squeeze3A_668 : i32
      %get3A_670 = arith.constant 160 : index
      %get3A_671 = tpu.vector_load %arg11[%get3A_670] {strides = array<i32>} : memref<4096xf32, #tpu.memory_space<vmem>>, vector<16xf32>,
      %le3A_672 = vector.broadcast %bitcast_convert_type3A_592 : f32 to vector<16xf32>
      %le3A_673 = arith.cmpf ole, %get3A_671, %le3A_672 : vector<16xf32>
      %all_reduce_population_count3A_674 = tpu.all_reduce %le3A_673 {dim = 0 : i64, kind = #tpu.reduction_kind<sum>} : vector<16xi1> -> vector<16xi32>
      %slice3A_675 = vector.extract_strided_slice %all_reduce_population_count3A_674 {offsets = [0], sizes = [1], strides = [1]} : vector<16xi32> to vector<1xi32>
      %squeeze3A_676 = vector.extract %slice3A_675[0] : i32 from vector<1xi32>
      %add3A_677 = arith.addi %add3A_669, %squeeze3A_676 : i32
      %get3A_678 = arith.constant 176 : index
      %get3A_679 = tpu.vector_load %arg11[%get3A_678] {strides = array<i32>} : memref<4096xf32, #tpu.memory_space<vmem>>, vector<16xf32>,
      %le3A_680 = vector.broadcast %bitcast_convert_type3A_592 : f32 to vector<16xf32>
      %le3A_681 = arith.cmpf ole, %get3A_679, %le3A_680 : vector<16xf32>
      %all_reduce_population_count3A_682 = tpu.all_reduce %le3A_681 {dim = 0 : i64, kind = #tpu.reduction_kind<sum>} : vector<16xi1> -> vector<16xi32>
      %slice3A_683 = vector.extract_strided_slice %all_reduce_population_count3A_682 {offsets = [0], sizes = [1], strides = [1]} : vector<16xi32> to vector<1xi32>
      %squeeze3A_684 = vector.extract %slice3A_683[0] : i32 from vector<1xi32>
      %add3A_685 = arith.addi %add3A_677, %squeeze3A_684 : i32
      %get3A_686 = arith.constant 192 : index
      %get3A_687 = tpu.vector_load %arg11[%get3A_686] {strides = array<i32>} : memref<4096xf32, #tpu.memory_space<vmem>>, vector<16xf32>,
      %le3A_688 = vector.broadcast %bitcast_convert_type3A_592 : f32 to vector<16xf32>
      %le3A_689 = arith.cmpf ole, %get3A_687, %le3A_688 : vector<16xf32>
      %all_reduce_population_count3A_690 = tpu.all_reduce %le3A_689 {dim = 0 : i64, kind = #tpu.reduction_kind<sum>} : vector<16xi1> -> vector<16xi32>
      %slice3A_691 = vector.extract_strided_slice %all_reduce_population_count3A_690 {offsets = [0], sizes = [1], strides = [1]} : vector<16xi32> to vector<1xi32>
      %squeeze3A_692 = vector.extract %slice3A_691[0] : i32 from vector<1xi32>
      %add3A_693 = arith.addi %add3A_685, %squeeze3A_692 : i32
      %get3A_694 = arith.constant 208 : index
      %get3A_695 = tpu.vector_load %arg11[%get3A_694] {strides = array<i32>} : memref<4096xf32, #tpu.memory_space<vmem>>, vector<16xf32>,
      %le3A_696 = vector.broadcast %bitcast_convert_type3A_592 : f32 to vector<16xf32>
      %le3A_697 = arith.cmpf ole, %get3A_695, %le3A_696 : vector<16xf32>
      %all_reduce_population_count3A_698 = tpu.all_reduce %le3A_697 {dim = 0 : i64, kind = #tpu.reduction_kind<sum>} : vector<16xi1> -> vector<16xi32>
      %slice3A_699 = vector.extract_strided_slice %all_reduce_population_count3A_698 {offsets = [0], sizes = [1], strides = [1]} : vector<16xi32> to vector<1xi32>
      %squeeze3A_700 = vector.extract %slice3A_699[0] : i32 from vector<1xi32>
      %add3A_701 = arith.addi %add3A_693, %squeeze3A_700 : i32
      %get3A_702 = arith.constant 224 : index
      %get3A_703 = tpu.vector_load %arg11[%get3A_702] {strides = array<i32>} : memref<4096xf32, #tpu.memory_space<vmem>>, vector<16xf32>,
      %le3A_704 = vector.broadcast %bitcast_convert_type3A_592 : f32 to vector<16xf32>
      %le3A_705 = arith.cmpf ole, %get3A_703, %le3A_704 : vector<16xf32>
      %all_reduce_population_count3A_706 = tpu.all_reduce %le3A_705 {dim = 0 : i64, kind = #tpu.reduction_kind<sum>} : vector<16xi1> -> vector<16xi32>
      %slice3A_707 = vector.extract_strided_slice %all_reduce_population_count3A_706 {offsets = [0], sizes = [1], strides = [1]} : vector<16xi32> to vector<1xi32>
      %squeeze3A_708 = vector.extract %slice3A_707[0] : i32 from vector<1xi32>
      %add3A_709 = arith.addi %add3A_701, %squeeze3A_708 : i32
      %get3A_710 = arith.constant 240 : index
      %get3A_711 = tpu.vector_load %arg11[%get3A_710] {strides = array<i32>} : memref<4096xf32, #tpu.memory_space<vmem>>, vector<16xf32>,
      %le3A_712 = vector.broadcast %bitcast_convert_type3A_592 : f32 to vector<16xf32>
      %le3A_713 = arith.cmpf ole, %get3A_711, %le3A_712 : vector<16xf32>
      %all_reduce_population_count3A_714 = tpu.all_reduce %le3A_713 {dim = 0 : i64, kind = #tpu.reduction_kind<sum>} : vector<16xi1> -> vector<16xi32>
      %slice3A_715 = vector.extract_strided_slice %all_reduce_population_count3A_714 {offsets = [0], sizes = [1], strides = [1]} : vector<16xi32> to vector<1xi32>
      %squeeze3A_716 = vector.extract %slice3A_715[0] : i32 from vector<1xi32>
      %add3A_717 = arith.addi %add3A_709, %squeeze3A_716 : i32
      %get3A_718 = arith.constant 256 : index
      %get3A_719 = tpu.vector_load %arg11[%get3A_718] {strides = array<i32>} : memref<4096xf32, #tpu.memory_space<vmem>>, vector<16xf32>,
      %le3A_720 = vector.broadcast %bitcast_convert_type3A_592 : f32 to vector<16xf32>
      %le3A_721 = arith.cmpf ole, %get3A_719, %le3A_720 : vector<16xf32>
      %all_reduce_population_count3A_722 = tpu.all_reduce %le3A_721 {dim = 0 : i64, kind = #tpu.reduction_kind<sum>} : vector<16xi1> -> vector<16xi32>
      %slice3A_723 = vector.extract_strided_slice %all_reduce_population_count3A_722 {offsets = [0], sizes = [1], strides = [1]} : vector<16xi32> to vector<1xi32>
      %squeeze3A_724 = vector.extract %slice3A_723[0] : i32 from vector<1xi32>
      %add3A_725 = arith.addi %add3A_717, %squeeze3A_724 : i32
      %get3A_726 = arith.constant 272 : index
      %get3A_727 = tpu.vector_load %arg11[%get3A_726] {strides = array<i32>} : memref<4096xf32, #tpu.memory_space<vmem>>, vector<16xf32>,
      %le3A_728 = vector.broadcast %bitcast_convert_type3A_592 : f32 to vector<16xf32>
      %le3A_729 = arith.cmpf ole, %get3A_727, %le3A_728 : vector<16xf32>
      %all_reduce_population_count3A_730 = tpu.all_reduce %le3A_729 {dim = 0 : i64, kind = #tpu.reduction_kind<sum>} : vector<16xi1> -> vector<16xi32>
      %slice3A_731 = vector.extract_strided_slice %all_reduce_population_count3A_730 {offsets = [0], sizes = [1], strides = [1]} : vector<16xi32> to vector<1xi32>
      %squeeze3A_732 = vector.extract %slice3A_731[0] : i32 from vector<1xi32>
      %add3A_733 = arith.addi %add3A_725, %squeeze3A_732 : i32
      %get3A_734 = arith.constant 288 : index
      %get3A_735 = tpu.vector_load %arg11[%get3A_734] {strides = array<i32>} : memref<4096xf32, #tpu.memory_space<vmem>>, vector<16xf32>,
      %le3A_736 = vector.broadcast %bitcast_convert_type3A_592 : f32 to vector<16xf32>
      %le3A_737 = arith.cmpf ole, %get3A_735, %le3A_736 : vector<16xf32>
      %all_reduce_population_count3A_738 = tpu.all_reduce %le3A_737 {dim = 0 : i64, kind = #tpu.reduction_kind<sum>} : vector<16xi1> -> vector<16xi32>
      %slice3A_739 = vector.extract_strided_slice %all_reduce_population_count3A_738 {offsets = [0], sizes = [1], strides = [1]} : vector<16xi32> to vector<1xi32>
      %squeeze3A_740 = vector.extract %slice3A_739[0] : i32 from vector<1xi32>
      %add3A_741 = arith.addi %add3A_733, %squeeze3A_740 : i32
      %get3A_742 = arith.constant 304 : index
      %get3A_743 = tpu.vector_load %arg11[%get3A_742] {strides = array<i32>} : memref<4096xf32, #tpu.memory_space<vmem>>, vector<16xf32>,
      %le3A_744 = vector.broadcast %bitcast_convert_type3A_592 : f32 to vector<16xf32>
      %le3A_745 = arith.cmpf ole, %get3A_743, %le3A_744 : vector<16xf32>
      %all_reduce_population_count3A_746 = tpu.all_reduce %le3A_745 {dim = 0 : i64, kind = #tpu.reduction_kind<sum>} : vector<16xi1> -> vector<16xi32>
      %slice3A_747 = vector.extract_strided_slice %all_reduce_population_count3A_746 {offsets = [0], sizes = [1], strides = [1]} : vector<16xi32> to vector<1xi32>
      %squeeze3A_748 = vector.extract %slice3A_747[0] : i32 from vector<1xi32>
      %add3A_749 = arith.addi %add3A_741, %squeeze3A_748 : i32
      %get3A_750 = arith.constant 320 : index
      %get3A_751 = tpu.vector_load %arg11[%get3A_750] {strides = array<i32>} : memref<4096xf32, #tpu.memory_space<vmem>>, vector<16xf32>,
      %le3A_752 = vector.broadcast %bitcast_convert_type3A_592 : f32 to vector<16xf32>
      %le3A_753 = arith.cmpf ole, %get3A_751, %le3A_752 : vector<16xf32>
      %all_reduce_population_count3A_754 = tpu.all_reduce %le3A_753 {dim = 0 : i64, kind = #tpu.reduction_kind<sum>} : vector<16xi1> -> vector<16xi32>
      %slice3A_755 = vector.extract_strided_slice %all_reduce_population_count3A_754 {offsets = [0], sizes = [1], strides = [1]} : vector<16xi32> to vector<1xi32>
      %squeeze3A_756 = vector.extract %slice3A_755[0] : i32 from vector<1xi32>
      %add3A_757 = arith.addi %add3A_749, %squeeze3A_756 : i32
      %get3A_758 = arith.constant 336 : index
      %get3A_759 = tpu.vector_load %arg11[%get3A_758] {strides = array<i32>} : memref<4096xf32, #tpu.memory_space<vmem>>, vector<16xf32>,
      %le3A_760 = vector.broadcast %bitcast_convert_type3A_592 : f32 to vector<16xf32>
      %le3A_761 = arith.cmpf ole, %get3A_759, %le3A_760 : vector<16xf32>
      %all_reduce_population_count3A_762 = tpu.all_reduce %le3A_761 {dim = 0 : i64, kind = #tpu.reduction_kind<sum>} : vector<16xi1> -> vector<16xi32>
      %slice3A_763 = vector.extract_strided_slice %all_reduce_population_count3A_762 {offsets = [0], sizes = [1], strides = [1]} : vector<16xi32> to vector<1xi32>
      %squeeze3A_764 = vector.extract %slice3A_763[0] : i32 from vector<1xi32>
      %add3A_765 = arith.addi %add3A_757, %squeeze3A_764 : i32
      %get3A_766 = arith.constant 352 : index
      %get3A_767 = tpu.vector_load %arg11[%get3A_766] {strides = array<i32>} : memref<4096xf32, #tpu.memory_space<vmem>>, vector<16xf32>,
      %le3A_768 = vector.broadcast %bitcast_convert_type3A_592 : f32 to vector<16xf32>
      %le3A_769 = arith.cmpf ole, %get3A_767, %le3A_768 : vector<16xf32>
      %all_reduce_population_count3A_770 = tpu.all_reduce %le3A_769 {dim = 0 : i64, kind = #tpu.reduction_kind<sum>} : vector<16xi1> -> vector<16xi32>
      %slice3A_771 = vector.extract_strided_slice %all_reduce_population_count3A_770 {offsets = [0], sizes = [1], strides = [1]} : vector<16xi32> to vector<1xi32>
      %squeeze3A_772 = vector.extract %slice3A_771[0] : i32 from vector<1xi32>
      %add3A_773 = arith.addi %add3A_765, %squeeze3A_772 : i32
      %get3A_774 = arith.constant 368 : index
      %get3A_775 = tpu.vector_load %arg11[%get3A_774] {strides = array<i32>} : memref<4096xf32, #tpu.memory_space<vmem>>, vector<16xf32>,
      %le3A_776 = vector.broadcast %bitcast_convert_type3A_592 : f32 to vector<16xf32>
      %le3A_777 = arith.cmpf ole, %get3A_775, %le3A_776 : vector<16xf32>
      %all_reduce_population_count3A_778 = tpu.all_reduce %le3A_777 {dim = 0 : i64, kind = #tpu.reduction_kind<sum>} : vector<16xi1> -> vector<16xi32>
      %slice3A_779 = vector.extract_strided_slice %all_reduce_population_count3A_778 {offsets = [0], sizes = [1], strides = [1]} : vector<16xi32> to vector<1xi32>
      %squeeze3A_780 = vector.extract %slice3A_779[0] : i32 from vector<1xi32>
      %add3A_781 = arith.addi %add3A_773, %squeeze3A_780 : i32
      %get3A_782 = arith.constant 384 : index
      %get3A_783 = tpu.vector_load %arg11[%get3A_782] {strides = array<i32>} : memref<4096xf32, #tpu.memory_space<vmem>>, vector<16xf32>,
      %le3A_784 = vector.broadcast %bitcast_convert_type3A_592 : f32 to vector<16xf32>
      %le3A_785 = arith.cmpf ole, %get3A_783, %le3A_784 : vector<16xf32>
      %all_reduce_population_count3A_786 = tpu.all_reduce %le3A_785 {dim = 0 : i64, kind = #tpu.reduction_kind<sum>} : vector<16xi1> -> vector<16xi32>
      %slice3A_787 = vector.extract_strided_slice %all_reduce_population_count3A_786 {offsets = [0], sizes = [1], strides = [1]} : vector<16xi32> to vector<1xi32>
      %squeeze3A_788 = vector.extract %slice3A_787[0] : i32 from vector<1xi32>
      %add3A_789 = arith.addi %add3A_781, %squeeze3A_788 : i32
      %get3A_790 = arith.constant 400 : index
      %get3A_791 = tpu.vector_load %arg11[%get3A_790] {strides = array<i32>} : memref<4096xf32, #tpu.memory_space<vmem>>, vector<16xf32>,
      %le3A_792 = vector.broadcast %bitcast_convert_type3A_592 : f32 to vector<16xf32>
      %le3A_793 = arith.cmpf ole, %get3A_791, %le3A_792 : vector<16xf32>
      %all_reduce_population_count3A_794 = tpu.all_reduce %le3A_793 {dim = 0 : i64, kind = #tpu.reduction_kind<sum>} : vector<16xi1> -> vector<16xi32>
      %slice3A_795 = vector.extract_strided_slice %all_reduce_population_count3A_794 {offsets = [0], sizes = [1], strides = [1]} : vector<16xi32> to vector<1xi32>
      %squeeze3A_796 = vector.extract %slice3A_795[0] : i32 from vector<1xi32>
      %add3A_797 = arith.addi %add3A_789, %squeeze3A_796 : i32
      %get3A_798 = arith.constant 416 : index
      %get3A_799 = tpu.vector_load %arg11[%get3A_798] {strides = array<i32>} : memref<4096xf32, #tpu.memory_space<vmem>>, vector<16xf32>,
      %le3A_800 = vector.broadcast %bitcast_convert_type3A_592 : f32 to vector<16xf32>
      %le3A_801 = arith.cmpf ole, %get3A_799, %le3A_800 : vector<16xf32>
      %all_reduce_population_count3A_802 = tpu.all_reduce %le3A_801 {dim = 0 : i64, kind = #tpu.reduction_kind<sum>} : vector<16xi1> -> vector<16xi32>
      %slice3A_803 = vector.extract_strided_slice %all_reduce_population_count3A_802 {offsets = [0], sizes = [1], strides = [1]} : vector<16xi32> to vector<1xi32>
      %squeeze3A_804 = vector.extract %slice3A_803[0] : i32 from vector<1xi32>
      %add3A_805 = arith.addi %add3A_797, %squeeze3A_804 : i32
      %get3A_806 = arith.constant 432 : index
      %get3A_807 = tpu.vector_load %arg11[%get3A_806] {strides = array<i32>} : memref<4096xf32, #tpu.memory_space<vmem>>, vector<16xf32>,
      %le3A_808 = vector.broadcast %bitcast_convert_type3A_592 : f32 to vector<16xf32>
      %le3A_809 = arith.cmpf ole, %get3A_807, %le3A_808 : vector<16xf32>
      %all_reduce_population_count3A_810 = tpu.all_reduce %le3A_809 {dim = 0 : i64, kind = #tpu.reduction_kind<sum>} : vector<16xi1> -> vector<16xi32>
      %slice3A_811 = vector.extract_strided_slice %all_reduce_population_count3A_810 {offsets = [0], sizes = [1], strides = [1]} : vector<16xi32> to vector<1xi32>
      %squeeze3A_812 = vector.extract %slice3A_811[0] : i32 from vector<1xi32>
      %add3A_813 = arith.addi %add3A_805, %squeeze3A_812 : i32
      %get3A_814 = arith.constant 448 : index
      %get3A_815 = tpu.vector_load %arg11[%get3A_814] {strides = array<i32>} : memref<4096xf32, #tpu.memory_space<vmem>>, vector<16xf32>,
      %le3A_816 = vector.broadcast %bitcast_convert_type3A_592 : f32 to vector<16xf32>
      %le3A_817 = arith.cmpf ole, %get3A_815, %le3A_816 : vector<16xf32>
      %all_reduce_population_count3A_818 = tpu.all_reduce %le3A_817 {dim = 0 : i64, kind = #tpu.reduction_kind<sum>} : vector<16xi1> -> vector<16xi32>
      %slice3A_819 = vector.extract_strided_slice %all_reduce_population_count3A_818 {offsets = [0], sizes = [1], strides = [1]} : vector<16xi32> to vector<1xi32>
      %squeeze3A_820 = vector.extract %slice3A_819[0] : i32 from vector<1xi32>
      %add3A_821 = arith.addi %add3A_813, %squeeze3A_820 : i32
      %get3A_822 = arith.constant 464 : index
      %get3A_823 = tpu.vector_load %arg11[%get3A_822] {strides = array<i32>} : memref<4096xf32, #tpu.memory_space<vmem>>, vector<16xf32>,
      %le3A_824 = vector.broadcast %bitcast_convert_type3A_592 : f32 to vector<16xf32>
      %le3A_825 = arith.cmpf ole, %get3A_823, %le3A_824 : vector<16xf32>
      %all_reduce_population_count3A_826 = tpu.all_reduce %le3A_825 {dim = 0 : i64, kind = #tpu.reduction_kind<sum>} : vector<16xi1> -> vector<16xi32>
      %slice3A_827 = vector.extract_strided_slice %all_reduce_population_count3A_826 {offsets = [0], sizes = [1], strides = [1]} : vector<16xi32> to vector<1xi32>
      %squeeze3A_828 = vector.extract %slice3A_827[0] : i32 from vector<1xi32>
      %add3A_829 = arith.addi %add3A_821, %squeeze3A_828 : i32
      %get3A_830 = arith.constant 480 : index
      %get3A_831 = tpu.vector_load %arg11[%get3A_830] {strides = array<i32>} : memref<4096xf32, #tpu.memory_space<vmem>>, vector<16xf32>,
      %le3A_832 = vector.broadcast %bitcast_convert_type3A_592 : f32 to vector<16xf32>
      %le3A_833 = arith.cmpf ole, %get3A_831, %le3A_832 : vector<16xf32>
      %all_reduce_population_count3A_834 = tpu.all_reduce %le3A_833 {dim = 0 : i64, kind = #tpu.reduction_kind<sum>} : vector<16xi1> -> vector<16xi32>
      %slice3A_835 = vector.extract_strided_slice %all_reduce_population_count3A_834 {offsets = [0], sizes = [1], strides = [1]} : vector<16xi32> to vector<1xi32>
      %squeeze3A_836 = vector.extract %slice3A_835[0] : i32 from vector<1xi32>
      %add3A_837 = arith.addi %add3A_829, %squeeze3A_836 : i32
      %get3A_838 = arith.constant 496 : index
      %get3A_839 = tpu.vector_load %arg11[%get3A_838] {strides = array<i32>} : memref<4096xf32, #tpu.memory_space<vmem>>, vector<16xf32>,
      %le3A_840 = vector.broadcast %bitcast_convert_type3A_592 : f32 to vector<16xf32>
      %le3A_841 = arith.cmpf ole, %get3A_839, %le3A_840 : vector<16xf32>
      %all_reduce_population_count3A_842 = tpu.all_reduce %le3A_841 {dim = 0 : i64, kind = #tpu.reduction_kind<sum>} : vector<16xi1> -> vector<16xi32>
      %slice3A_843 = vector.extract_strided_slice %all_reduce_population_count3A_842 {offsets = [0], sizes = [1], strides = [1]} : vector<16xi32> to vector<1xi32>
      %squeeze3A_844 = vector.extract %slice3A_843[0] : i32 from vector<1xi32>
      %add3A_845 = arith.addi %add3A_837, %squeeze3A_844 : i32
      %get3A_846 = arith.constant 512 : index
      %get3A_847 = tpu.vector_load %arg11[%get3A_846] {strides = array<i32>} : memref<4096xf32, #tpu.memory_space<vmem>>, vector<16xf32>,
      %le3A_848 = vector.broadcast %bitcast_convert_type3A_592 : f32 to vector<16xf32>
      %le3A_849 = arith.cmpf ole, %get3A_847, %le3A_848 : vector<16xf32>
      %all_reduce_population_count3A_850 = tpu.all_reduce %le3A_849 {dim = 0 : i64, kind = #tpu.reduction_kind<sum>} : vector<16xi1> -> vector<16xi32>
      %slice3A_851 = vector.extract_strided_slice %all_reduce_population_count3A_850 {offsets = [0], sizes = [1], strides = [1]} : vector<16xi32> to vector<1xi32>
      %squeeze3A_852 = vector.extract %slice3A_851[0] : i32 from vector<1xi32>
      %add3A_853 = arith.addi %add3A_845, %squeeze3A_852 : i32
      %get3A_854 = arith.constant 528 : index
      %get3A_855 = tpu.vector_load %arg11[%get3A_854] {strides = array<i32>} : memref<4096xf32, #tpu.memory_space<vmem>>, vector<16xf32>,
      %le3A_856 = vector.broadcast %bitcast_convert_type3A_592 : f32 to vector<16xf32>
      %le3A_857 = arith.cmpf ole, %get3A_855, %le3A_856 : vector<16xf32>
      %all_reduce_population_count3A_858 = tpu.all_reduce %le3A_857 {dim = 0 : i64, kind = #tpu.reduction_kind<sum>} : vector<16xi1> -> vector<16xi32>
      %slice3A_859 = vector.extract_strided_slice %all_reduce_population_count3A_858 {offsets = [0], sizes = [1], strides = [1]} : vector<16xi32> to vector<1xi32>
      %squeeze3A_860 = vector.extract %slice3A_859[0] : i32 from vector<1xi32>
      %add3A_861 = arith.addi %add3A_853, %squeeze3A_860 : i32
      %get3A_862 = arith.constant 544 : index
      %get3A_863 = tpu.vector_load %arg11[%get3A_862] {strides = array<i32>} : memref<4096xf32, #tpu.memory_space<vmem>>, vector<16xf32>,
      %le3A_864 = vector.broadcast %bitcast_convert_type3A_592 : f32 to vector<16xf32>
      %le3A_865 = arith.cmpf ole, %get3A_863, %le3A_864 : vector<16xf32>
      %all_reduce_population_count3A_866 = tpu.all_reduce %le3A_865 {dim = 0 : i64, kind = #tpu.reduction_kind<sum>} : vector<16xi1> -> vector<16xi32>
      %slice3A_867 = vector.extract_strided_slice %all_reduce_population_count3A_866 {offsets = [0], sizes = [1], strides = [1]} : vector<16xi32> to vector<1xi32>
      %squeeze3A_868 = vector.extract %slice3A_867[0] : i32 from vector<1xi32>
      %add3A_869 = arith.addi %add3A_861, %squeeze3A_868 : i32
      %get3A_870 = arith.constant 560 : index
      %get3A_871 = tpu.vector_load %arg11[%get3A_870] {strides = array<i32>} : memref<4096xf32, #tpu.memory_space<vmem>>, vector<16xf32>,
      %le3A_872 = vector.broadcast %bitcast_convert_type3A_592 : f32 to vector<16xf32>
      %le3A_873 = arith.cmpf ole, %get3A_871, %le3A_872 : vector<16xf32>
      %all_reduce_population_count3A_874 = tpu.all_reduce %le3A_873 {dim = 0 : i64, kind = #tpu.reduction_kind<sum>} : vector<16xi1> -> vector<16xi32>
      %slice3A_875 = vector.extract_strided_slice %all_reduce_population_count3A_874 {offsets = [0], sizes = [1], strides = [1]} : vector<16xi32> to vector<1xi32>
      %squeeze3A_876 = vector.extract %slice3A_875[0] : i32 from vector<1xi32>
      %add3A_877 = arith.addi %add3A_869, %squeeze3A_876 : i32
      %get3A_878 = arith.constant 576 : index
      %get3A_879 = tpu.vector_load %arg11[%get3A_878] {strides = array<i32>} : memref<4096xf32, #tpu.memory_space<vmem>>, vector<16xf32>,
      %le3A_880 = vector.broadcast %bitcast_convert_type3A_592 : f32 to vector<16xf32>
      %le3A_881 = arith.cmpf ole, %get3A_879, %le3A_880 : vector<16xf32>
      %all_reduce_population_count3A_882 = tpu.all_reduce %le3A_881 {dim = 0 : i64, kind = #tpu.reduction_kind<sum>} : vector<16xi1> -> vector<16xi32>
      %slice3A_883 = vector.extract_strided_slice %all_reduce_population_count3A_882 {offsets = [0], sizes = [1], strides = [1]} : vector<16xi32> to vector<1xi32>
      %squeeze3A_884 = vector.extract %slice3A_883[0] : i32 from vector<1xi32>
      %add3A_885 = arith.addi %add3A_877, %squeeze3A_884 : i32
      %get3A_886 = arith.constant 592 : index
      %get3A_887 = tpu.vector_load %arg11[%get3A_886] {strides = array<i32>} : memref<4096xf32, #tpu.memory_space<vmem>>, vector<16xf32>,
      %le3A_888 = vector.broadcast %bitcast_convert_type3A_592 : f32 to vector<16xf32>
      %le3A_889 = arith.cmpf ole, %get3A_887, %le3A_888 : vector<16xf32>
      %all_reduce_population_count3A_890 = tpu.all_reduce %le3A_889 {dim = 0 : i64, kind = #tpu.reduction_kind<sum>} : vector<16xi1> -> vector<16xi32>
      %slice3A_891 = vector.extract_strided_slice %all_reduce_population_count3A_890 {offsets = [0], sizes = [1], strides = [1]} : vector<16xi32> to vector<1xi32>
      %squeeze3A_892 = vector.extract %slice3A_891[0] : i32 from vector<1xi32>
      %add3A_893 = arith.addi %add3A_885, %squeeze3A_892 : i32
      %get3A_894 = arith.constant 608 : index
      %get3A_895 = tpu.vector_load %arg11[%get3A_894] {strides = array<i32>} : memref<4096xf32, #tpu.memory_space<vmem>>, vector<16xf32>,
      %le3A_896 = vector.broadcast %bitcast_convert_type3A_592 : f32 to vector<16xf32>
      %le3A_897 = arith.cmpf ole, %get3A_895, %le3A_896 : vector<16xf32>
      %all_reduce_population_count3A_898 = tpu.all_reduce %le3A_897 {dim = 0 : i64, kind = #tpu.reduction_kind<sum>} : vector<16xi1> -> vector<16xi32>
      %slice3A_899 = vector.extract_strided_slice %all_reduce_population_count3A_898 {offsets = [0], sizes = [1], strides = [1]} : vector<16xi32> to vector<1xi32>
      %squeeze3A_900 = vector.extract %slice3A_899[0] : i32 from vector<1xi32>
      %add3A_901 = arith.addi %add3A_893, %squeeze3A_900 : i32
      %get3A_902 = arith.constant 624 : index
      %get3A_903 = tpu.vector_load %arg11[%get3A_902] {strides = array<i32>} : memref<4096xf32, #tpu.memory_space<vmem>>, vector<16xf32>,
      %le3A_904 = vector.broadcast %bitcast_convert_type3A_592 : f32 to vector<16xf32>
      %le3A_905 = arith.cmpf ole, %get3A_903, %le3A_904 : vector<16xf32>
      %all_reduce_population_count3A_906 = tpu.all_reduce %le3A_905 {dim = 0 : i64, kind = #tpu.reduction_kind<sum>} : vector<16xi1> -> vector<16xi32>
      %slice3A_907 = vector.extract_strided_slice %all_reduce_population_count3A_906 {offsets = [0], sizes = [1], strides = [1]} : vector<16xi32> to vector<1xi32>
      %squeeze3A_908 = vector.extract %slice3A_907[0] : i32 from vector<1xi32>
      %add3A_909 = arith.addi %add3A_901, %squeeze3A_908 : i32
      %get3A_910 = arith.constant 640 : index
      %get3A_911 = tpu.vector_load %arg11[%get3A_910] {strides = array<i32>} : memref<4096xf32, #tpu.memory_space<vmem>>, vector<16xf32>,
      %le3A_912 = vector.broadcast %bitcast_convert_type3A_592 : f32 to vector<16xf32>
      %le3A_913 = arith.cmpf ole, %get3A_911, %le3A_912 : vector<16xf32>
      %all_reduce_population_count3A_914 = tpu.all_reduce %le3A_913 {dim = 0 : i64, kind = #tpu.reduction_kind<sum>} : vector<16xi1> -> vector<16xi32>
      %slice3A_915 = vector.extract_strided_slice %all_reduce_population_count3A_914 {offsets = [0], sizes = [1], strides = [1]} : vector<16xi32> to vector<1xi32>
      %squeeze3A_916 = vector.extract %slice3A_915[0] : i32 from vector<1xi32>
      %add3A_917 = arith.addi %add3A_909, %squeeze3A_916 : i32
      %get3A_918 = arith.constant 656 : index
      %get3A_919 = tpu.vector_load %arg11[%get3A_918] {strides = array<i32>} : memref<4096xf32, #tpu.memory_space<vmem>>, vector<16xf32>,
      %le3A_920 = vector.broadcast %bitcast_convert_type3A_592 : f32 to vector<16xf32>
      %le3A_921 = arith.cmpf ole, %get3A_919, %le3A_920 : vector<16xf32>
      %all_reduce_population_count3A_922 = tpu.all_reduce %le3A_921 {dim = 0 : i64, kind = #tpu.reduction_kind<sum>} : vector<16xi1> -> vector<16xi32>
      %slice3A_923 = vector.extract_strided_slice %all_reduce_population_count3A_922 {offsets = [0], sizes = [1], strides = [1]} : vector<16xi32> to vector<1xi32>
      %squeeze3A_924 = vector.extract %slice3A_923[0] : i32 from vector<1xi32>
      %add3A_925 = arith.addi %add3A_917, %squeeze3A_924 : i32
      %get3A_926 = arith.constant 672 : index
      %get3A_927 = tpu.vector_load %arg11[%get3A_926] {strides = array<i32>} : memref<4096xf32, #tpu.memory_space<vmem>>, vector<16xf32>,
      %le3A_928 = vector.broadcast %bitcast_convert_type3A_592 : f32 to vector<16xf32>
      %le3A_929 = arith.cmpf ole, %get3A_927, %le3A_928 : vector<16xf32>
      %all_reduce_population_count3A_930 = tpu.all_reduce %le3A_929 {dim = 0 : i64, kind = #tpu.reduction_kind<sum>} : vector<16xi1> -> vector<16xi32>
      %slice3A_931 = vector.extract_strided_slice %all_reduce_population_count3A_930 {offsets = [0], sizes = [1], strides = [1]} : vector<16xi32> to vector<1xi32>
      %squeeze3A_932 = vector.extract %slice3A_931[0] : i32 from vector<1xi32>
      %add3A_933 = arith.addi %add3A_925, %squeeze3A_932 : i32
      %get3A_934 = arith.constant 688 : index
      %get3A_935 = tpu.vector_load %arg11[%get3A_934] {strides = array<i32>} : memref<4096xf32, #tpu.memory_space<vmem>>, vector<16xf32>,
      %le3A_936 = vector.broadcast %bitcast_convert_type3A_592 : f32 to vector<16xf32>
      %le3A_937 = arith.cmpf ole, %get3A_935, %le3A_936 : vector<16xf32>
      %all_reduce_population_count3A_938 = tpu.all_reduce %le3A_937 {dim = 0 : i64, kind = #tpu.reduction_kind<sum>} : vector<16xi1> -> vector<16xi32>
      %slice3A_939 = vector.extract_strided_slice %all_reduce_population_count3A_938 {offsets = [0], sizes = [1], strides = [1]} : vector<16xi32> to vector<1xi32>
      %squeeze3A_940 = vector.extract %slice3A_939[0] : i32 from vector<1xi32>
      %add3A_941 = arith.addi %add3A_933, %squeeze3A_940 : i32
      %get3A_942 = arith.constant 704 : index
      %get3A_943 = tpu.vector_load %arg11[%get3A_942] {strides = array<i32>} : memref<4096xf32, #tpu.memory_space<vmem>>, vector<16xf32>,
      %le3A_944 = vector.broadcast %bitcast_convert_type3A_592 : f32 to vector<16xf32>
      %le3A_945 = arith.cmpf ole, %get3A_943, %le3A_944 : vector<16xf32>
      %all_reduce_population_count3A_946 = tpu.all_reduce %le3A_945 {dim = 0 : i64, kind = #tpu.reduction_kind<sum>} : vector<16xi1> -> vector<16xi32>
      %slice3A_947 = vector.extract_strided_slice %all_reduce_population_count3A_946 {offsets = [0], sizes = [1], strides = [1]} : vector<16xi32> to vector<1xi32>
      %squeeze3A_948 = vector.extract %slice3A_947[0] : i32 from vector<1xi32>
      %add3A_949 = arith.addi %add3A_941, %squeeze3A_948 : i32
      %get3A_950 = arith.constant 720 : index
      %get3A_951 = tpu.vector_load %arg11[%get3A_950] {strides = array<i32>} : memref<4096xf32, #tpu.memory_space<vmem>>, vector<16xf32>,
      %le3A_952 = vector.broadcast %bitcast_convert_type3A_592 : f32 to vector<16xf32>
      %le3A_953 = arith.cmpf ole, %get3A_951, %le3A_952 : vector<16xf32>
      %all_reduce_population_count3A_954 = tpu.all_reduce %le3A_953 {dim = 0 : i64, kind = #tpu.reduction_kind<sum>} : vector<16xi1> -> vector<16xi32>
      %slice3A_955 = vector.extract_strided_slice %all_reduce_population_count3A_954 {offsets = [0], sizes = [1], strides = [1]} : vector<16xi32> to vector<1xi32>
      %squeeze3A_956 = vector.extract %slice3A_955[0] : i32 from vector<1xi32>
      %add3A_957 = arith.addi %add3A_949, %squeeze3A_956 : i32
      %get3A_958 = arith.constant 736 : index
      %get3A_959 = tpu.vector_load %arg11[%get3A_958] {strides = array<i32>} : memref<4096xf32, #tpu.memory_space<vmem>>, vector<16xf32>,
      %le3A_960 = vector.broadcast %bitcast_convert_type3A_592 : f32 to vector<16xf32>
      %le3A_961 = arith.cmpf ole, %get3A_959, %le3A_960 : vector<16xf32>
      %all_reduce_population_count3A_962 = tpu.all_reduce %le3A_961 {dim = 0 : i64, kind = #tpu.reduction_kind<sum>} : vector<16xi1> -> vector<16xi32>
      %slice3A_963 = vector.extract_strided_slice %all_reduce_population_count3A_962 {offsets = [0], sizes = [1], strides = [1]} : vector<16xi32> to vector<1xi32>
      %squeeze3A_964 = vector.extract %slice3A_963[0] : i32 from vector<1xi32>
      %add3A_965 = arith.addi %add3A_957, %squeeze3A_964 : i32
      %get3A_966 = arith.constant 752 : index
      %get3A_967 = tpu.vector_load %arg11[%get3A_966] {strides = array<i32>} : memref<4096xf32, #tpu.memory_space<vmem>>, vector<16xf32>,
      %le3A_968 = vector.broadcast %bitcast_convert_type3A_592 : f32 to vector<16xf32>
      %le3A_969 = arith.cmpf ole, %get3A_967, %le3A_968 : vector<16xf32>
      %all_reduce_population_count3A_970 = tpu.all_reduce %le3A_969 {dim = 0 : i64, kind = #tpu.reduction_kind<sum>} : vector<16xi1> -> vector<16xi32>
      %slice3A_971 = vector.extract_strided_slice %all_reduce_population_count3A_970 {offsets = [0], sizes = [1], strides = [1]} : vector<16xi32> to vector<1xi32>
      %squeeze3A_972 = vector.extract %slice3A_971[0] : i32 from vector<1xi32>
      %add3A_973 = arith.addi %add3A_965, %squeeze3A_972 : i32
      %get3A_974 = arith.constant 768 : index
      %get3A_975 = tpu.vector_load %arg11[%get3A_974] {strides = array<i32>} : memref<4096xf32, #tpu.memory_space<vmem>>, vector<16xf32>,
      %le3A_976 = vector.broadcast %bitcast_convert_type3A_592 : f32 to vector<16xf32>
      %le3A_977 = arith.cmpf ole, %get3A_975, %le3A_976 : vector<16xf32>
      %all_reduce_population_count3A_978 = tpu.all_reduce %le3A_977 {dim = 0 : i64, kind = #tpu.reduction_kind<sum>} : vector<16xi1> -> vector<16xi32>
      %slice3A_979 = vector.extract_strided_slice %all_reduce_population_count3A_978 {offsets = [0], sizes = [1], strides = [1]} : vector<16xi32> to vector<1xi32>
      %squeeze3A_980 = vector.extract %slice3A_979[0] : i32 from vector<1xi32>
      %add3A_981 = arith.addi %add3A_973, %squeeze3A_980 : i32
      %get3A_982 = arith.constant 784 : index
      %get3A_983 = tpu.vector_load %arg11[%get3A_982] {strides = array<i32>} : memref<4096xf32, #tpu.memory_space<vmem>>, vector<16xf32>,
      %le3A_984 = vector.broadcast %bitcast_convert_type3A_592 : f32 to vector<16xf32>
      %le3A_985 = arith.cmpf ole, %get3A_983, %le3A_984 : vector<16xf32>
      %all_reduce_population_count3A_986 = tpu.all_reduce %le3A_985 {dim = 0 : i64, kind = #tpu.reduction_kind<sum>} : vector<16xi1> -> vector<16xi32>
      %slice3A_987 = vector.extract_strided_slice %all_reduce_population_count3A_986 {offsets = [0], sizes = [1], strides = [1]} : vector<16xi32> to vector<1xi32>
      %squeeze3A_988 = vector.extract %slice3A_987[0] : i32 from vector<1xi32>
      %add3A_989 = arith.addi %add3A_981, %squeeze3A_988 : i32
      %get3A_990 = arith.constant 800 : index
      %get3A_991 = tpu.vector_load %arg11[%get3A_990] {strides = array<i32>} : memref<4096xf32, #tpu.memory_space<vmem>>, vector<16xf32>,
      %le3A_992 = vector.broadcast %bitcast_convert_type3A_592 : f32 to vector<16xf32>
      %le3A_993 = arith.cmpf ole, %get3A_991, %le3A_992 : vector<16xf32>
      %all_reduce_population_count3A_994 = tpu.all_reduce %le3A_993 {dim = 0 : i64, kind = #tpu.reduction_kind<sum>} : vector<16xi1> -> vector<16xi32>
      %slice3A_995 = vector.extract_strided_slice %all_reduce_population_count3A_994 {offsets = [0], sizes = [1], strides = [1]} : vector<16xi32> to vector<1xi32>
      %squeeze3A_996 = vector.extract %slice3A_995[0] : i32 from vector<1xi32>
      %add3A_997 = arith.addi %add3A_989, %squeeze3A_996 : i32
      %get3A_998 = arith.constant 816 : index
      %get3A_999 = tpu.vector_load %arg11[%get3A_998] {strides = array<i32>} : memref<4096xf32, #tpu.memory_space<vmem>>, vector<16xf32>,
      %le3A_1000 = vector.broadcast %bitcast_convert_type3A_592 : f32 to vector<16xf32>
      %le3A_1001 = arith.cmpf ole, %get3A_999, %le3A_1000 : vector<16xf32>
      %all_reduce_population_count3A_1002 = tpu.all_reduce %le3A_1001 {dim = 0 : i64, kind = #tpu.reduction_kind<sum>} : vector<16xi1> -> vector<16xi32>
      %slice3A_1003 = vector.extract_strided_slice %all_reduce_population_count3A_1002 {offsets = [0], sizes = [1], strides = [1]} : vector<16xi32> to vector<1xi32>
      %squeeze3A_1004 = vector.extract %slice3A_1003[0] : i32 from vector<1xi32>
      %add3A_1005 = arith.addi %add3A_997, %squeeze3A_1004 : i32
      %get3A_1006 = arith.constant 832 : index
      %get3A_1007 = tpu.vector_load %arg11[%get3A_1006] {strides = array<i32>} : memref<4096xf32, #tpu.memory_space<vmem>>, vector<16xf32>,
      %le3A_1008 = vector.broadcast %bitcast_convert_type3A_592 : f32 to vector<16xf32>
      %le3A_1009 = arith.cmpf ole, %get3A_1007, %le3A_1008 : vector<16xf32>
      %all_reduce_population_count3A_1010 = tpu.all_reduce %le3A_1009 {dim = 0 : i64, kind = #tpu.reduction_kind<sum>} : vector<16xi1> -> vector<16xi32>
      %slice3A_1011 = vector.extract_strided_slice %all_reduce_population_count3A_1010 {offsets = [0], sizes = [1], strides = [1]} : vector<16xi32> to vector<1xi32>
      %squeeze3A_1012 = vector.extract %slice3A_1011[0] : i32 from vector<1xi32>
      %add3A_1013 = arith.addi %add3A_1005, %squeeze3A_1012 : i32
      %get3A_1014 = arith.constant 848 : index
      %get3A_1015 = tpu.vector_load %arg11[%get3A_1014] {strides = array<i32>} : memref<4096xf32, #tpu.memory_space<vmem>>, vector<16xf32>,
      %le3A_1016 = vector.broadcast %bitcast_convert_type3A_592 : f32 to vector<16xf32>
      %le3A_1017 = arith.cmpf ole, %get3A_1015, %le3A_1016 : vector<16xf32>
      %all_reduce_population_count3A_1018 = tpu.all_reduce %le3A_1017 {dim = 0 : i64, kind = #tpu.reduction_kind<sum>} : vector<16xi1> -> vector<16xi32>
      %slice3A_1019 = vector.extract_strided_slice %all_reduce_population_count3A_1018 {offsets = [0], sizes = [1], strides = [1]} : vector<16xi32> to vector<1xi32>
      %squeeze3A_1020 = vector.extract %slice3A_1019[0] : i32 from vector<1xi32>
      %add3A_1021 = arith.addi %add3A_1013, %squeeze3A_1020 : i32
      %get3A_1022 = arith.constant 864 : index
      %get3A_1023 = tpu.vector_load %arg11[%get3A_1022] {strides = array<i32>} : memref<4096xf32, #tpu.memory_space<vmem>>, vector<16xf32>,
      %le3A_1024 = vector.broadcast %bitcast_convert_type3A_592 : f32 to vector<16xf32>
      %le3A_1025 = arith.cmpf ole, %get3A_1023, %le3A_1024 : vector<16xf32>
      %all_reduce_population_count3A_1026 = tpu.all_reduce %le3A_1025 {dim = 0 : i64, kind = #tpu.reduction_kind<sum>} : vector<16xi1> -> vector<16xi32>
      %slice3A_1027 = vector.extract_strided_slice %all_reduce_population_count3A_1026 {offsets = [0], sizes = [1], strides = [1]} : vector<16xi32> to vector<1xi32>
      %squeeze3A_1028 = vector.extract %slice3A_1027[0] : i32 from vector<1xi32>
      %add3A_1029 = arith.addi %add3A_1021, %squeeze3A_1028 : i32
      %get3A_1030 = arith.constant 880 : index
      %get3A_1031 = tpu.vector_load %arg11[%get3A_1030] {strides = array<i32>} : memref<4096xf32, #tpu.memory_space<vmem>>, vector<16xf32>,
      %le3A_1032 = vector.broadcast %bitcast_convert_type3A_592 : f32 to vector<16xf32>
      %le3A_1033 = arith.cmpf ole, %get3A_1031, %le3A_1032 : vector<16xf32>
      %all_reduce_population_count3A_1034 = tpu.all_reduce %le3A_1033 {dim = 0 : i64, kind = #tpu.reduction_kind<sum>} : vector<16xi1> -> vector<16xi32>
      %slice3A_1035 = vector.extract_strided_slice %all_reduce_population_count3A_1034 {offsets = [0], sizes = [1], strides = [1]} : vector<16xi32> to vector<1xi32>
      %squeeze3A_1036 = vector.extract %slice3A_1035[0] : i32 from vector<1xi32>
      %add3A_1037 = arith.addi %add3A_1029, %squeeze3A_1036 : i32
      %get3A_1038 = arith.constant 896 : index
      %get3A_1039 = tpu.vector_load %arg11[%get3A_1038] {strides = array<i32>} : memref<4096xf32, #tpu.memory_space<vmem>>, vector<16xf32>,
      %le3A_1040 = vector.broadcast %bitcast_convert_type3A_592 : f32 to vector<16xf32>
      %le3A_1041 = arith.cmpf ole, %get3A_1039, %le3A_1040 : vector<16xf32>
      %all_reduce_population_count3A_1042 = tpu.all_reduce %le3A_1041 {dim = 0 : i64, kind = #tpu.reduction_kind<sum>} : vector<16xi1> -> vector<16xi32>
      %slice3A_1043 = vector.extract_strided_slice %all_reduce_population_count3A_1042 {offsets = [0], sizes = [1], strides = [1]} : vector<16xi32> to vector<1xi32>
      %squeeze3A_1044 = vector.extract %slice3A_1043[0] : i32 from vector<1xi32>
      %add3A_1045 = arith.addi %add3A_1037, %squeeze3A_1044 : i32
      %get3A_1046 = arith.constant 912 : index
      %get3A_1047 = tpu.vector_load %arg11[%get3A_1046] {strides = array<i32>} : memref<4096xf32, #tpu.memory_space<vmem>>, vector<16xf32>,
      %le3A_1048 = vector.broadcast %bitcast_convert_type3A_592 : f32 to vector<16xf32>
      %le3A_1049 = arith.cmpf ole, %get3A_1047, %le3A_1048 : vector<16xf32>
      %all_reduce_population_count3A_1050 = tpu.all_reduce %le3A_1049 {dim = 0 : i64, kind = #tpu.reduction_kind<sum>} : vector<16xi1> -> vector<16xi32>
      %slice3A_1051 = vector.extract_strided_slice %all_reduce_population_count3A_1050 {offsets = [0], sizes = [1], strides = [1]} : vector<16xi32> to vector<1xi32>
      %squeeze3A_1052 = vector.extract %slice3A_1051[0] : i32 from vector<1xi32>
      %add3A_1053 = arith.addi %add3A_1045, %squeeze3A_1052 : i32
      %get3A_1054 = arith.constant 928 : index
      %get3A_1055 = tpu.vector_load %arg11[%get3A_1054] {strides = array<i32>} : memref<4096xf32, #tpu.memory_space<vmem>>, vector<16xf32>,
      %le3A_1056 = vector.broadcast %bitcast_convert_type3A_592 : f32 to vector<16xf32>
      %le3A_1057 = arith.cmpf ole, %get3A_1055, %le3A_1056 : vector<16xf32>
      %all_reduce_population_count3A_1058 = tpu.all_reduce %le3A_1057 {dim = 0 : i64, kind = #tpu.reduction_kind<sum>} : vector<16xi1> -> vector<16xi32>
      %slice3A_1059 = vector.extract_strided_slice %all_reduce_population_count3A_1058 {offsets = [0], sizes = [1], strides = [1]} : vector<16xi32> to vector<1xi32>
      %squeeze3A_1060 = vector.extract %slice3A_1059[0] : i32 from vector<1xi32>
      %add3A_1061 = arith.addi %add3A_1053, %squeeze3A_1060 : i32
      %get3A_1062 = arith.constant 944 : index
      %get3A_1063 = tpu.vector_load %arg11[%get3A_1062] {strides = array<i32>} : memref<4096xf32, #tpu.memory_space<vmem>>, vector<16xf32>,
      %le3A_1064 = vector.broadcast %bitcast_convert_type3A_592 : f32 to vector<16xf32>
      %le3A_1065 = arith.cmpf ole, %get3A_1063, %le3A_1064 : vector<16xf32>
      %all_reduce_population_count3A_1066 = tpu.all_reduce %le3A_1065 {dim = 0 : i64, kind = #tpu.reduction_kind<sum>} : vector<16xi1> -> vector<16xi32>
      %slice3A_1067 = vector.extract_strided_slice %all_reduce_population_count3A_1066 {offsets = [0], sizes = [1], strides = [1]} : vector<16xi32> to vector<1xi32>
      %squeeze3A_1068 = vector.extract %slice3A_1067[0] : i32 from vector<1xi32>
      %add3A_1069 = arith.addi %add3A_1061, %squeeze3A_1068 : i32
      %get3A_1070 = arith.constant 960 : index
      %get3A_1071 = tpu.vector_load %arg11[%get3A_1070] {strides = array<i32>} : memref<4096xf32, #tpu.memory_space<vmem>>, vector<16xf32>,
      %le3A_1072 = vector.broadcast %bitcast_convert_type3A_592 : f32 to vector<16xf32>
      %le3A_1073 = arith.cmpf ole, %get3A_1071, %le3A_1072 : vector<16xf32>
      %all_reduce_population_count3A_1074 = tpu.all_reduce %le3A_1073 {dim = 0 : i64, kind = #tpu.reduction_kind<sum>} : vector<16xi1> -> vector<16xi32>
      %slice3A_1075 = vector.extract_strided_slice %all_reduce_population_count3A_1074 {offsets = [0], sizes = [1], strides = [1]} : vector<16xi32> to vector<1xi32>
      %squeeze3A_1076 = vector.extract %slice3A_1075[0] : i32 from vector<1xi32>
      %add3A_1077 = arith.addi %add3A_1069, %squeeze3A_1076 : i32
      %get3A_1078 = arith.constant 976 : index
      %get3A_1079 = tpu.vector_load %arg11[%get3A_1078] {strides = array<i32>} : memref<4096xf32, #tpu.memory_space<vmem>>, vector<16xf32>,
      %le3A_1080 = vector.broadcast %bitcast_convert_type3A_592 : f32 to vector<16xf32>
      %le3A_1081 = arith.cmpf ole, %get3A_1079, %le3A_1080 : vector<16xf32>
      %all_reduce_population_count3A_1082 = tpu.all_reduce %le3A_1081 {dim = 0 : i64, kind = #tpu.reduction_kind<sum>} : vector<16xi1> -> vector<16xi32>
      %slice3A_1083 = vector.extract_strided_slice %all_reduce_population_count3A_1082 {offsets = [0], sizes = [1], strides = [1]} : vector<16xi32> to vector<1xi32>
      %squeeze3A_1084 = vector.extract %slice3A_1083[0] : i32 from vector<1xi32>
      %add3A_1085 = arith.addi %add3A_1077, %squeeze3A_1084 : i32
      %get3A_1086 = arith.constant 992 : index
      %get3A_1087 = tpu.vector_load %arg11[%get3A_1086] {strides = array<i32>} : memref<4096xf32, #tpu.memory_space<vmem>>, vector<16xf32>,
      %le3A_1088 = vector.broadcast %bitcast_convert_type3A_592 : f32 to vector<16xf32>
      %le3A_1089 = arith.cmpf ole, %get3A_1087, %le3A_1088 : vector<16xf32>
      %all_reduce_population_count3A_1090 = tpu.all_reduce %le3A_1089 {dim = 0 : i64, kind = #tpu.reduction_kind<sum>} : vector<16xi1> -> vector<16xi32>
      %slice3A_1091 = vector.extract_strided_slice %all_reduce_population_count3A_1090 {offsets = [0], sizes = [1], strides = [1]} : vector<16xi32> to vector<1xi32>
      %squeeze3A_1092 = vector.extract %slice3A_1091[0] : i32 from vector<1xi32>
      %add3A_1093 = arith.addi %add3A_1085, %squeeze3A_1092 : i32
      %get3A_1094 = arith.constant 1008 : index
      %get3A_1095 = tpu.vector_load %arg11[%get3A_1094] {strides = array<i32>} : memref<4096xf32, #tpu.memory_space<vmem>>, vector<16xf32>,
      %le3A_1096 = vector.broadcast %bitcast_convert_type3A_592 : f32 to vector<16xf32>
      %le3A_1097 = arith.cmpf ole, %get3A_1095, %le3A_1096 : vector<16xf32>
      %all_reduce_population_count3A_1098 = tpu.all_reduce %le3A_1097 {dim = 0 : i64, kind = #tpu.reduction_kind<sum>} : vector<16xi1> -> vector<16xi32>
      %slice3A_1099 = vector.extract_strided_slice %all_reduce_population_count3A_1098 {offsets = [0], sizes = [1], strides = [1]} : vector<16xi32> to vector<1xi32>
      %squeeze3A_1100 = vector.extract %slice3A_1099[0] : i32 from vector<1xi32>
      %add3A_1101 = arith.addi %add3A_1093, %squeeze3A_1100 : i32
      %get3A_1102 = arith.constant 1024 : index
      %get3A_1103 = tpu.vector_load %arg11[%get3A_1102] {strides = array<i32>} : memref<4096xf32, #tpu.memory_space<vmem>>, vector<16xf32>,
      %le3A_1104 = vector.broadcast %bitcast_convert_type3A_592 : f32 to vector<16xf32>
      %le3A_1105 = arith.cmpf ole, %get3A_1103, %le3A_1104 : vector<16xf32>
      %all_reduce_population_count3A_1106 = tpu.all_reduce %le3A_1105 {dim = 0 : i64, kind = #tpu.reduction_kind<sum>} : vector<16xi1> -> vector<16xi32>
      %slice3A_1107 = vector.extract_strided_slice %all_reduce_population_count3A_1106 {offsets = [0], sizes = [1], strides = [1]} : vector<16xi32> to vector<1xi32>
      %squeeze3A_1108 = vector.extract %slice3A_1107[0] : i32 from vector<1xi32>
      %add3A_1109 = arith.addi %add3A_1101, %squeeze3A_1108 : i32
      %get3A_1110 = arith.constant 1040 : index
      %get3A_1111 = tpu.vector_load %arg11[%get3A_1110] {strides = array<i32>} : memref<4096xf32, #tpu.memory_space<vmem>>, vector<16xf32>,
      %le3A_1112 = vector.broadcast %bitcast_convert_type3A_592 : f32 to vector<16xf32>
      %le3A_1113 = arith.cmpf ole, %get3A_1111, %le3A_1112 : vector<16xf32>
      %all_reduce_population_count3A_1114 = tpu.all_reduce %le3A_1113 {dim = 0 : i64, kind = #tpu.reduction_kind<sum>} : vector<16xi1> -> vector<16xi32>
      %slice3A_1115 = vector.extract_strided_slice %all_reduce_population_count3A_1114 {offsets = [0], sizes = [1], strides = [1]} : vector<16xi32> to vector<1xi32>
      %squeeze3A_1116 = vector.extract %slice3A_1115[0] : i32 from vector<1xi32>
      %add3A_1117 = arith.addi %add3A_1109, %squeeze3A_1116 : i32
      %get3A_1118 = arith.constant 1056 : index
      %get3A_1119 = tpu.vector_load %arg11[%get3A_1118] {strides = array<i32>} : memref<4096xf32, #tpu.memory_space<vmem>>, vector<16xf32>,
      %le3A_1120 = vector.broadcast %bitcast_convert_type3A_592 : f32 to vector<16xf32>
      %le3A_1121 = arith.cmpf ole, %get3A_1119, %le3A_1120 : vector<16xf32>
      %all_reduce_population_count3A_1122 = tpu.all_reduce %le3A_1121 {dim = 0 : i64, kind = #tpu.reduction_kind<sum>} : vector<16xi1> -> vector<16xi32>
      %slice3A_1123 = vector.extract_strided_slice %all_reduce_population_count3A_1122 {offsets = [0], sizes = [1], strides = [1]} : vector<16xi32> to vector<1xi32>
      %squeeze3A_1124 = vector.extract %slice3A_1123[0] : i32 from vector<1xi32>
      %add3A_1125 = arith.addi %add3A_1117, %squeeze3A_1124 : i32
      %get3A_1126 = arith.constant 1072 : index
      %get3A_1127 = tpu.vector_load %arg11[%get3A_1126] {strides = array<i32>} : memref<4096xf32, #tpu.memory_space<vmem>>, vector<16xf32>,
      %le3A_1128 = vector.broadcast %bitcast_convert_type3A_592 : f32 to vector<16xf32>
      %le3A_1129 = arith.cmpf ole, %get3A_1127, %le3A_1128 : vector<16xf32>
      %all_reduce_population_count3A_1130 = tpu.all_reduce %le3A_1129 {dim = 0 : i64, kind = #tpu.reduction_kind<sum>} : vector<16xi1> -> vector<16xi32>
      %slice3A_1131 = vector.extract_strided_slice %all_reduce_population_count3A_1130 {offsets = [0], sizes = [1], strides = [1]} : vector<16xi32> to vector<1xi32>
      %squeeze3A_1132 = vector.extract %slice3A_1131[0] : i32 from vector<1xi32>
      %add3A_1133 = arith.addi %add3A_1125, %squeeze3A_1132 : i32
      %get3A_1134 = arith.constant 1088 : index
      %get3A_1135 = tpu.vector_load %arg11[%get3A_1134] {strides = array<i32>} : memref<4096xf32, #tpu.memory_space<vmem>>, vector<16xf32>,
      %le3A_1136 = vector.broadcast %bitcast_convert_type3A_592 : f32 to vector<16xf32>
      %le3A_1137 = arith.cmpf ole, %get3A_1135, %le3A_1136 : vector<16xf32>
      %all_reduce_population_count3A_1138 = tpu.all_reduce %le3A_1137 {dim = 0 : i64, kind = #tpu.reduction_kind<sum>} : vector<16xi1> -> vector<16xi32>
      %slice3A_1139 = vector.extract_strided_slice %all_reduce_population_count3A_1138 {offsets = [0], sizes = [1], strides = [1]} : vector<16xi32> to vector<1xi32>
      %squeeze3A_1140 = vector.extract %slice3A_1139[0] : i32 from vector<1xi32>
      %add3A_1141 = arith.addi %add3A_1133, %squeeze3A_1140 : i32
      %get3A_1142 = arith.constant 1104 : index
      %get3A_1143 = tpu.vector_load %arg11[%get3A_1142] {strides = array<i32>} : memref<4096xf32, #tpu.memory_space<vmem>>, vector<16xf32>,
      %le3A_1144 = vector.broadcast %bitcast_convert_type3A_592 : f32 to vector<16xf32>
      %le3A_1145 = arith.cmpf ole, %get3A_1143, %le3A_1144 : vector<16xf32>
      %all_reduce_population_count3A_1146 = tpu.all_reduce %le3A_1145 {dim = 0 : i64, kind = #tpu.reduction_kind<sum>} : vector<16xi1> -> vector<16xi32>
      %slice3A_1147 = vector.extract_strided_slice %all_reduce_population_count3A_1146 {offsets = [0], sizes = [1], strides = [1]} : vector<16xi32> to vector<1xi32>
      %squeeze3A_1148 = vector.extract %slice3A_1147[0] : i32 from vector<1xi32>
      %add3A_1149 = arith.addi %add3A_1141, %squeeze3A_1148 : i32
      %get3A_1150 = arith.constant 1120 : index
      %get3A_1151 = tpu.vector_load %arg11[%get3A_1150] {strides = array<i32>} : memref<4096xf32, #tpu.memory_space<vmem>>, vector<16xf32>,
      %le3A_1152 = vector.broadcast %bitcast_convert_type3A_592 : f32 to vector<16xf32>
      %le3A_1153 = arith.cmpf ole, %get3A_1151, %le3A_1152 : vector<16xf32>
      %all_reduce_population_count3A_1154 = tpu.all_reduce %le3A_1153 {dim = 0 : i64, kind = #tpu.reduction_kind<sum>} : vector<16xi1> -> vector<16xi32>
      %slice3A_1155 = vector.extract_strided_slice %all_reduce_population_count3A_1154 {offsets = [0], sizes = [1], strides = [1]} : vector<16xi32> to vector<1xi32>
      %squeeze3A_1156 = vector.extract %slice3A_1155[0] : i32 from vector<1xi32>
      %add3A_1157 = arith.addi %add3A_1149, %squeeze3A_1156 : i32
      %get3A_1158 = arith.constant 1136 : index
      %get3A_1159 = tpu.vector_load %arg11[%get3A_1158] {strides = array<i32>} : memref<4096xf32, #tpu.memory_space<vmem>>, vector<16xf32>,
      %le3A_1160 = vector.broadcast %bitcast_convert_type3A_592 : f32 to vector<16xf32>
      %le3A_1161 = arith.cmpf ole, %get3A_1159, %le3A_1160 : vector<16xf32>
      %all_reduce_population_count3A_1162 = tpu.all_reduce %le3A_1161 {dim = 0 : i64, kind = #tpu.reduction_kind<sum>} : vector<16xi1> -> vector<16xi32>
      %slice3A_1163 = vector.extract_strided_slice %all_reduce_population_count3A_1162 {offsets = [0], sizes = [1], strides = [1]} : vector<16xi32> to vector<1xi32>
      %squeeze3A_1164 = vector.extract %slice3A_1163[0] : i32 from vector<1xi32>
      %add3A_1165 = arith.addi %add3A_1157, %squeeze3A_1164 : i32
      %get3A_1166 = arith.constant 1152 : index
      %get3A_1167 = tpu.vector_load %arg11[%get3A_1166] {strides = array<i32>} : memref<4096xf32, #tpu.memory_space<vmem>>, vector<16xf32>,
      %le3A_1168 = vector.broadcast %bitcast_convert_type3A_592 : f32 to vector<16xf32>
      %le3A_1169 = arith.cmpf ole, %get3A_1167, %le3A_1168 : vector<16xf32>
      %all_reduce_population_count3A_1170 = tpu.all_reduce %le3A_1169 {dim = 0 : i64, kind = #tpu.reduction_kind<sum>} : vector<16xi1> -> vector<16xi32>
      %slice3A_1171 = vector.extract_strided_slice %all_reduce_population_count3A_1170 {offsets = [0], sizes = [1], strides = [1]} : vector<16xi32> to vector<1xi32>
      %squeeze3A_1172 = vector.extract %slice3A_1171[0] : i32 from vector<1xi32>
      %add3A_1173 = arith.addi %add3A_1165, %squeeze3A_1172 : i32
      %get3A_1174 = arith.constant 1168 : index
      %get3A_1175 = tpu.vector_load %arg11[%get3A_1174] {strides = array<i32>} : memref<4096xf32, #tpu.memory_space<vmem>>, vector<16xf32>,
      %le3A_1176 = vector.broadcast %bitcast_convert_type3A_592 : f32 to vector<16xf32>
      %le3A_1177 = arith.cmpf ole, %get3A_1175, %le3A_1176 : vector<16xf32>
      %all_reduce_population_count3A_1178 = tpu.all_reduce %le3A_1177 {dim = 0 : i64, kind = #tpu.reduction_kind<sum>} : vector<16xi1> -> vector<16xi32>
      %slice3A_1179 = vector.extract_strided_slice %all_reduce_population_count3A_1178 {offsets = [0], sizes = [1], strides = [1]} : vector<16xi32> to vector<1xi32>
      %squeeze3A_1180 = vector.extract %slice3A_1179[0] : i32 from vector<1xi32>
      %add3A_1181 = arith.addi %add3A_1173, %squeeze3A_1180 : i32
      %get3A_1182 = arith.constant 1184 : index
      %get3A_1183 = tpu.vector_load %arg11[%get3A_1182] {strides = array<i32>} : memref<4096xf32, #tpu.memory_space<vmem>>, vector<16xf32>,
      %le3A_1184 = vector.broadcast %bitcast_convert_type3A_592 : f32 to vector<16xf32>
      %le3A_1185 = arith.cmpf ole, %get3A_1183, %le3A_1184 : vector<16xf32>
      %all_reduce_population_count3A_1186 = tpu.all_reduce %le3A_1185 {dim = 0 : i64, kind = #tpu.reduction_kind<sum>} : vector<16xi1> -> vector<16xi32>
      %slice3A_1187 = vector.extract_strided_slice %all_reduce_population_count3A_1186 {offsets = [0], sizes = [1], strides = [1]} : vector<16xi32> to vector<1xi32>
      %squeeze3A_1188 = vector.extract %slice3A_1187[0] : i32 from vector<1xi32>
      %add3A_1189 = arith.addi %add3A_1181, %squeeze3A_1188 : i32
      %get3A_1190 = arith.constant 1200 : index
      %get3A_1191 = tpu.vector_load %arg11[%get3A_1190] {strides = array<i32>} : memref<4096xf32, #tpu.memory_space<vmem>>, vector<16xf32>,
      %le3A_1192 = vector.broadcast %bitcast_convert_type3A_592 : f32 to vector<16xf32>
      %le3A_1193 = arith.cmpf ole, %get3A_1191, %le3A_1192 : vector<16xf32>
      %all_reduce_population_count3A_1194 = tpu.all_reduce %le3A_1193 {dim = 0 : i64, kind = #tpu.reduction_kind<sum>} : vector<16xi1> -> vector<16xi32>
      %slice3A_1195 = vector.extract_strided_slice %all_reduce_population_count3A_1194 {offsets = [0], sizes = [1], strides = [1]} : vector<16xi32> to vector<1xi32>
      %squeeze3A_1196 = vector.extract %slice3A_1195[0] : i32 from vector<1xi32>
      %add3A_1197 = arith.addi %add3A_1189, %squeeze3A_1196 : i32
      %get3A_1198 = arith.constant 1216 : index
      %get3A_1199 = tpu.vector_load %arg11[%get3A_1198] {strides = array<i32>} : memref<4096xf32, #tpu.memory_space<vmem>>, vector<16xf32>,
      %le3A_1200 = vector.broadcast %bitcast_convert_type3A_592 : f32 to vector<16xf32>
      %le3A_1201 = arith.cmpf ole, %get3A_1199, %le3A_1200 : vector<16xf32>
      %all_reduce_population_count3A_1202 = tpu.all_reduce %le3A_1201 {dim = 0 : i64, kind = #tpu.reduction_kind<sum>} : vector<16xi1> -> vector<16xi32>
      %slice3A_1203 = vector.extract_strided_slice %all_reduce_population_count3A_1202 {offsets = [0], sizes = [1], strides = [1]} : vector<16xi32> to vector<1xi32>
      %squeeze3A_1204 = vector.extract %slice3A_1203[0] : i32 from vector<1xi32>
      %add3A_1205 = arith.addi %add3A_1197, %squeeze3A_1204 : i32
      %get3A_1206 = arith.constant 1232 : index
      %get3A_1207 = tpu.vector_load %arg11[%get3A_1206] {strides = array<i32>} : memref<4096xf32, #tpu.memory_space<vmem>>, vector<16xf32>,
      %le3A_1208 = vector.broadcast %bitcast_convert_type3A_592 : f32 to vector<16xf32>
      %le3A_1209 = arith.cmpf ole, %get3A_1207, %le3A_1208 : vector<16xf32>
      %all_reduce_population_count3A_1210 = tpu.all_reduce %le3A_1209 {dim = 0 : i64, kind = #tpu.reduction_kind<sum>} : vector<16xi1> -> vector<16xi32>
      %slice3A_1211 = vector.extract_strided_slice %all_reduce_population_count3A_1210 {offsets = [0], sizes = [1], strides = [1]} : vector<16xi32> to vector<1xi32>
      %squeeze3A_1212 = vector.extract %slice3A_1211[0] : i32 from vector<1xi32>
      %add3A_1213 = arith.addi %add3A_1205, %squeeze3A_1212 : i32
      %get3A_1214 = arith.constant 1248 : index
      %get3A_1215 = tpu.vector_load %arg11[%get3A_1214] {strides = array<i32>} : memref<4096xf32, #tpu.memory_space<vmem>>, vector<16xf32>,
      %le3A_1216 = vector.broadcast %bitcast_convert_type3A_592 : f32 to vector<16xf32>
      %le3A_1217 = arith.cmpf ole, %get3A_1215, %le3A_1216 : vector<16xf32>
      %all_reduce_population_count3A_1218 = tpu.all_reduce %le3A_1217 {dim = 0 : i64, kind = #tpu.reduction_kind<sum>} : vector<16xi1> -> vector<16xi32>
      %slice3A_1219 = vector.extract_strided_slice %all_reduce_population_count3A_1218 {offsets = [0], sizes = [1], strides = [1]} : vector<16xi32> to vector<1xi32>
      %squeeze3A_1220 = vector.extract %slice3A_1219[0] : i32 from vector<1xi32>
      %add3A_1221 = arith.addi %add3A_1213, %squeeze3A_1220 : i32
      %get3A_1222 = arith.constant 1264 : index
      %get3A_1223 = tpu.vector_load %arg11[%get3A_1222] {strides = array<i32>} : memref<4096xf32, #tpu.memory_space<vmem>>, vector<16xf32>,
      %le3A_1224 = vector.broadcast %bitcast_convert_type3A_592 : f32 to vector<16xf32>
      %le3A_1225 = arith.cmpf ole, %get3A_1223, %le3A_1224 : vector<16xf32>
      %all_reduce_population_count3A_1226 = tpu.all_reduce %le3A_1225 {dim = 0 : i64, kind = #tpu.reduction_kind<sum>} : vector<16xi1> -> vector<16xi32>
      %slice3A_1227 = vector.extract_strided_slice %all_reduce_population_count3A_1226 {offsets = [0], sizes = [1], strides = [1]} : vector<16xi32> to vector<1xi32>
      %squeeze3A_1228 = vector.extract %slice3A_1227[0] : i32 from vector<1xi32>
      %add3A_1229 = arith.addi %add3A_1221, %squeeze3A_1228 : i32
      %get3A_1230 = arith.constant 1280 : index
      %get3A_1231 = tpu.vector_load %arg11[%get3A_1230] {strides = array<i32>} : memref<4096xf32, #tpu.memory_space<vmem>>, vector<16xf32>,
      %le3A_1232 = vector.broadcast %bitcast_convert_type3A_592 : f32 to vector<16xf32>
      %le3A_1233 = arith.cmpf ole, %get3A_1231, %le3A_1232 : vector<16xf32>
      %all_reduce_population_count3A_1234 = tpu.all_reduce %le3A_1233 {dim = 0 : i64, kind = #tpu.reduction_kind<sum>} : vector<16xi1> -> vector<16xi32>
      %slice3A_1235 = vector.extract_strided_slice %all_reduce_population_count3A_1234 {offsets = [0], sizes = [1], strides = [1]} : vector<16xi32> to vector<1xi32>
      %squeeze3A_1236 = vector.extract %slice3A_1235[0] : i32 from vector<1xi32>
      %add3A_1237 = arith.addi %add3A_1229, %squeeze3A_1236 : i32
      %get3A_1238 = arith.constant 1296 : index
      %get3A_1239 = tpu.vector_load %arg11[%get3A_1238] {strides = array<i32>} : memref<4096xf32, #tpu.memory_space<vmem>>, vector<16xf32>,
      %le3A_1240 = vector.broadcast %bitcast_convert_type3A_592 : f32 to vector<16xf32>
      %le3A_1241 = arith.cmpf ole, %get3A_1239, %le3A_1240 : vector<16xf32>
      %all_reduce_population_count3A_1242 = tpu.all_reduce %le3A_1241 {dim = 0 : i64, kind = #tpu.reduction_kind<sum>} : vector<16xi1> -> vector<16xi32>
      %slice3A_1243 = vector.extract_strided_slice %all_reduce_population_count3A_1242 {offsets = [0], sizes = [1], strides = [1]} : vector<16xi32> to vector<1xi32>
      %squeeze3A_1244 = vector.extract %slice3A_1243[0] : i32 from vector<1xi32>
      %add3A_1245 = arith.addi %add3A_1237, %squeeze3A_1244 : i32
      %get3A_1246 = arith.constant 1312 : index
      %get3A_1247 = tpu.vector_load %arg11[%get3A_1246] {strides = array<i32>} : memref<4096xf32, #tpu.memory_space<vmem>>, vector<16xf32>,
      %le3A_1248 = vector.broadcast %bitcast_convert_type3A_592 : f32 to vector<16xf32>
      %le3A_1249 = arith.cmpf ole, %get3A_1247, %le3A_1248 : vector<16xf32>
      %all_reduce_population_count3A_1250 = tpu.all_reduce %le3A_1249 {dim = 0 : i64, kind = #tpu.reduction_kind<sum>} : vector<16xi1> -> vector<16xi32>
      %slice3A_1251 = vector.extract_strided_slice %all_reduce_population_count3A_1250 {offsets = [0], sizes = [1], strides = [1]} : vector<16xi32> to vector<1xi32>
      %squeeze3A_1252 = vector.extract %slice3A_1251[0] : i32 from vector<1xi32>
      %add3A_1253 = arith.addi %add3A_1245, %squeeze3A_1252 : i32
      %get3A_1254 = arith.constant 1328 : index
      %get3A_1255 = tpu.vector_load %arg11[%get3A_1254] {strides = array<i32>} : memref<4096xf32, #tpu.memory_space<vmem>>, vector<16xf32>,
      %le3A_1256 = vector.broadcast %bitcast_convert_type3A_592 : f32 to vector<16xf32>
      %le3A_1257 = arith.cmpf ole, %get3A_1255, %le3A_1256 : vector<16xf32>
      %all_reduce_population_count3A_1258 = tpu.all_reduce %le3A_1257 {dim = 0 : i64, kind = #tpu.reduction_kind<sum>} : vector<16xi1> -> vector<16xi32>
      %slice3A_1259 = vector.extract_strided_slice %all_reduce_population_count3A_1258 {offsets = [0], sizes = [1], strides = [1]} : vector<16xi32> to vector<1xi32>
      %squeeze3A_1260 = vector.extract %slice3A_1259[0] : i32 from vector<1xi32>
      %add3A_1261 = arith.addi %add3A_1253, %squeeze3A_1260 : i32
      %get3A_1262 = arith.constant 1344 : index
      %get3A_1263 = tpu.vector_load %arg11[%get3A_1262] {strides = array<i32>} : memref<4096xf32, #tpu.memory_space<vmem>>, vector<16xf32>,
      %le3A_1264 = vector.broadcast %bitcast_convert_type3A_592 : f32 to vector<16xf32>
      %le3A_1265 = arith.cmpf ole, %get3A_1263, %le3A_1264 : vector<16xf32>
      %all_reduce_population_count3A_1266 = tpu.all_reduce %le3A_1265 {dim = 0 : i64, kind = #tpu.reduction_kind<sum>} : vector<16xi1> -> vector<16xi32>
      %slice3A_1267 = vector.extract_strided_slice %all_reduce_population_count3A_1266 {offsets = [0], sizes = [1], strides = [1]} : vector<16xi32> to vector<1xi32>
      %squeeze3A_1268 = vector.extract %slice3A_1267[0] : i32 from vector<1xi32>
      %add3A_1269 = arith.addi %add3A_1261, %squeeze3A_1268 : i32
      %get3A_1270 = arith.constant 1360 : index
      %get3A_1271 = tpu.vector_load %arg11[%get3A_1270] {strides = array<i32>} : memref<4096xf32, #tpu.memory_space<vmem>>, vector<16xf32>,
      %le3A_1272 = vector.broadcast %bitcast_convert_type3A_592 : f32 to vector<16xf32>
      %le3A_1273 = arith.cmpf ole, %get3A_1271, %le3A_1272 : vector<16xf32>
      %all_reduce_population_count3A_1274 = tpu.all_reduce %le3A_1273 {dim = 0 : i64, kind = #tpu.reduction_kind<sum>} : vector<16xi1> -> vector<16xi32>
      %slice3A_1275 = vector.extract_strided_slice %all_reduce_population_count3A_1274 {offsets = [0], sizes = [1], strides = [1]} : vector<16xi32> to vector<1xi32>
      %squeeze3A_1276 = vector.extract %slice3A_1275[0] : i32 from vector<1xi32>
      %add3A_1277 = arith.addi %add3A_1269, %squeeze3A_1276 : i32
      %get3A_1278 = arith.constant 1376 : index
      %get3A_1279 = tpu.vector_load %arg11[%get3A_1278] {strides = array<i32>} : memref<4096xf32, #tpu.memory_space<vmem>>, vector<16xf32>,
      %le3A_1280 = vector.broadcast %bitcast_convert_type3A_592 : f32 to vector<16xf32>
      %le3A_1281 = arith.cmpf ole, %get3A_1279, %le3A_1280 : vector<16xf32>
      %all_reduce_population_count3A_1282 = tpu.all_reduce %le3A_1281 {dim = 0 : i64, kind = #tpu.reduction_kind<sum>} : vector<16xi1> -> vector<16xi32>
      %slice3A_1283 = vector.extract_strided_slice %all_reduce_population_count3A_1282 {offsets = [0], sizes = [1], strides = [1]} : vector<16xi32> to vector<1xi32>
      %squeeze3A_1284 = vector.extract %slice3A_1283[0] : i32 from vector<1xi32>
      %add3A_1285 = arith.addi %add3A_1277, %squeeze3A_1284 : i32
      %get3A_1286 = arith.constant 1392 : index
      %get3A_1287 = tpu.vector_load %arg11[%get3A_1286] {strides = array<i32>} : memref<4096xf32, #tpu.memory_space<vmem>>, vector<16xf32>,
      %le3A_1288 = vector.broadcast %bitcast_convert_type3A_592 : f32 to vector<16xf32>
      %le3A_1289 = arith.cmpf ole, %get3A_1287, %le3A_1288 : vector<16xf32>
      %all_reduce_population_count3A_1290 = tpu.all_reduce %le3A_1289 {dim = 0 : i64, kind = #tpu.reduction_kind<sum>} : vector<16xi1> -> vector<16xi32>
      %slice3A_1291 = vector.extract_strided_slice %all_reduce_population_count3A_1290 {offsets = [0], sizes = [1], strides = [1]} : vector<16xi32> to vector<1xi32>
      %squeeze3A_1292 = vector.extract %slice3A_1291[0] : i32 from vector<1xi32>
      %add3A_1293 = arith.addi %add3A_1285, %squeeze3A_1292 : i32
      %get3A_1294 = arith.constant 1408 : index
      %get3A_1295 = tpu.vector_load %arg11[%get3A_1294] {strides = array<i32>} : memref<4096xf32, #tpu.memory_space<vmem>>, vector<16xf32>,
      %le3A_1296 = vector.broadcast %bitcast_convert_type3A_592 : f32 to vector<16xf32>
      %le3A_1297 = arith.cmpf ole, %get3A_1295, %le3A_1296 : vector<16xf32>
      %all_reduce_population_count3A_1298 = tpu.all_reduce %le3A_1297 {dim = 0 : i64, kind = #tpu.reduction_kind<sum>} : vector<16xi1> -> vector<16xi32>
      %slice3A_1299 = vector.extract_strided_slice %all_reduce_population_count3A_1298 {offsets = [0], sizes = [1], strides = [1]} : vector<16xi32> to vector<1xi32>
      %squeeze3A_1300 = vector.extract %slice3A_1299[0] : i32 from vector<1xi32>
      %add3A_1301 = arith.addi %add3A_1293, %squeeze3A_1300 : i32
      %get3A_1302 = arith.constant 1424 : index
      %get3A_1303 = tpu.vector_load %arg11[%get3A_1302] {strides = array<i32>} : memref<4096xf32, #tpu.memory_space<vmem>>, vector<16xf32>,
      %le3A_1304 = vector.broadcast %bitcast_convert_type3A_592 : f32 to vector<16xf32>
      %le3A_1305 = arith.cmpf ole, %get3A_1303, %le3A_1304 : vector<16xf32>
      %all_reduce_population_count3A_1306 = tpu.all_reduce %le3A_1305 {dim = 0 : i64, kind = #tpu.reduction_kind<sum>} : vector<16xi1> -> vector<16xi32>
      %slice3A_1307 = vector.extract_strided_slice %all_reduce_population_count3A_1306 {offsets = [0], sizes = [1], strides = [1]} : vector<16xi32> to vector<1xi32>
      %squeeze3A_1308 = vector.extract %slice3A_1307[0] : i32 from vector<1xi32>
      %add3A_1309 = arith.addi %add3A_1301, %squeeze3A_1308 : i32
      %get3A_1310 = arith.constant 1440 : index
      %get3A_1311 = tpu.vector_load %arg11[%get3A_1310] {strides = array<i32>} : memref<4096xf32, #tpu.memory_space<vmem>>, vector<16xf32>,
      %le3A_1312 = vector.broadcast %bitcast_convert_type3A_592 : f32 to vector<16xf32>
      %le3A_1313 = arith.cmpf ole, %get3A_1311, %le3A_1312 : vector<16xf32>
      %all_reduce_population_count3A_1314 = tpu.all_reduce %le3A_1313 {dim = 0 : i64, kind = #tpu.reduction_kind<sum>} : vector<16xi1> -> vector<16xi32>
      %slice3A_1315 = vector.extract_strided_slice %all_reduce_population_count3A_1314 {offsets = [0], sizes = [1], strides = [1]} : vector<16xi32> to vector<1xi32>
      %squeeze3A_1316 = vector.extract %slice3A_1315[0] : i32 from vector<1xi32>
      %add3A_1317 = arith.addi %add3A_1309, %squeeze3A_1316 : i32
      %get3A_1318 = arith.constant 1456 : index
      %get3A_1319 = tpu.vector_load %arg11[%get3A_1318] {strides = array<i32>} : memref<4096xf32, #tpu.memory_space<vmem>>, vector<16xf32>,
      %le3A_1320 = vector.broadcast %bitcast_convert_type3A_592 : f32 to vector<16xf32>
      %le3A_1321 = arith.cmpf ole, %get3A_1319, %le3A_1320 : vector<16xf32>
      %all_reduce_population_count3A_1322 = tpu.all_reduce %le3A_1321 {dim = 0 : i64, kind = #tpu.reduction_kind<sum>} : vector<16xi1> -> vector<16xi32>
      %slice3A_1323 = vector.extract_strided_slice %all_reduce_population_count3A_1322 {offsets = [0], sizes = [1], strides = [1]} : vector<16xi32> to vector<1xi32>
      %squeeze3A_1324 = vector.extract %slice3A_1323[0] : i32 from vector<1xi32>
      %add3A_1325 = arith.addi %add3A_1317, %squeeze3A_1324 : i32
      %get3A_1326 = arith.constant 1472 : index
      %get3A_1327 = tpu.vector_load %arg11[%get3A_1326] {strides = array<i32>} : memref<4096xf32, #tpu.memory_space<vmem>>, vector<16xf32>,
      %le3A_1328 = vector.broadcast %bitcast_convert_type3A_592 : f32 to vector<16xf32>
      %le3A_1329 = arith.cmpf ole, %get3A_1327, %le3A_1328 : vector<16xf32>
      %all_reduce_population_count3A_1330 = tpu.all_reduce %le3A_1329 {dim = 0 : i64, kind = #tpu.reduction_kind<sum>} : vector<16xi1> -> vector<16xi32>
      %slice3A_1331 = vector.extract_strided_slice %all_reduce_population_count3A_1330 {offsets = [0], sizes = [1], strides = [1]} : vector<16xi32> to vector<1xi32>
      %squeeze3A_1332 = vector.extract %slice3A_1331[0] : i32 from vector<1xi32>
      %add3A_1333 = arith.addi %add3A_1325, %squeeze3A_1332 : i32
      %get3A_1334 = arith.constant 1488 : index
      %get3A_1335 = tpu.vector_load %arg11[%get3A_1334] {strides = array<i32>} : memref<4096xf32, #tpu.memory_space<vmem>>, vector<16xf32>,
      %le3A_1336 = vector.broadcast %bitcast_convert_type3A_592 : f32 to vector<16xf32>
      %le3A_1337 = arith.cmpf ole, %get3A_1335, %le3A_1336 : vector<16xf32>
      %all_reduce_population_count3A_1338 = tpu.all_reduce %le3A_1337 {dim = 0 : i64, kind = #tpu.reduction_kind<sum>} : vector<16xi1> -> vector<16xi32>
      %slice3A_1339 = vector.extract_strided_slice %all_reduce_population_count3A_1338 {offsets = [0], sizes = [1], strides = [1]} : vector<16xi32> to vector<1xi32>
      %squeeze3A_1340 = vector.extract %slice3A_1339[0] : i32 from vector<1xi32>
      %add3A_1341 = arith.addi %add3A_1333, %squeeze3A_1340 : i32
      %get3A_1342 = arith.constant 1504 : index
      %get3A_1343 = tpu.vector_load %arg11[%get3A_1342] {strides = array<i32>} : memref<4096xf32, #tpu.memory_space<vmem>>, vector<16xf32>,
      %le3A_1344 = vector.broadcast %bitcast_convert_type3A_592 : f32 to vector<16xf32>
      %le3A_1345 = arith.cmpf ole, %get3A_1343, %le3A_1344 : vector<16xf32>
      %all_reduce_population_count3A_1346 = tpu.all_reduce %le3A_1345 {dim = 0 : i64, kind = #tpu.reduction_kind<sum>} : vector<16xi1> -> vector<16xi32>
      %slice3A_1347 = vector.extract_strided_slice %all_reduce_population_count3A_1346 {offsets = [0], sizes = [1], strides = [1]} : vector<16xi32> to vector<1xi32>
      %squeeze3A_1348 = vector.extract %slice3A_1347[0] : i32 from vector<1xi32>
      %add3A_1349 = arith.addi %add3A_1341, %squeeze3A_1348 : i32
      %get3A_1350 = arith.constant 1520 : index
      %get3A_1351 = tpu.vector_load %arg11[%get3A_1350] {strides = array<i32>} : memref<4096xf32, #tpu.memory_space<vmem>>, vector<16xf32>,
      %le3A_1352 = vector.broadcast %bitcast_convert_type3A_592 : f32 to vector<16xf32>
      %le3A_1353 = arith.cmpf ole, %get3A_1351, %le3A_1352 : vector<16xf32>
      %all_reduce_population_count3A_1354 = tpu.all_reduce %le3A_1353 {dim = 0 : i64, kind = #tpu.reduction_kind<sum>} : vector<16xi1> -> vector<16xi32>
      %slice3A_1355 = vector.extract_strided_slice %all_reduce_population_count3A_1354 {offsets = [0], sizes = [1], strides = [1]} : vector<16xi32> to vector<1xi32>
      %squeeze3A_1356 = vector.extract %slice3A_1355[0] : i32 from vector<1xi32>
      %add3A_1357 = arith.addi %add3A_1349, %squeeze3A_1356 : i32
      %get3A_1358 = arith.constant 1536 : index
      %get3A_1359 = tpu.vector_load %arg11[%get3A_1358] {strides = array<i32>} : memref<4096xf32, #tpu.memory_space<vmem>>, vector<16xf32>,
      %le3A_1360 = vector.broadcast %bitcast_convert_type3A_592 : f32 to vector<16xf32>
      %le3A_1361 = arith.cmpf ole, %get3A_1359, %le3A_1360 : vector<16xf32>
      %all_reduce_population_count3A_1362 = tpu.all_reduce %le3A_1361 {dim = 0 : i64, kind = #tpu.reduction_kind<sum>} : vector<16xi1> -> vector<16xi32>
      %slice3A_1363 = vector.extract_strided_slice %all_reduce_population_count3A_1362 {offsets = [0], sizes = [1], strides = [1]} : vector<16xi32> to vector<1xi32>
      %squeeze3A_1364 = vector.extract %slice3A_1363[0] : i32 from vector<1xi32>
      %add3A_1365 = arith.addi %add3A_1357, %squeeze3A_1364 : i32
      %get3A_1366 = arith.constant 1552 : index
      %get3A_1367 = tpu.vector_load %arg11[%get3A_1366] {strides = array<i32>} : memref<4096xf32, #tpu.memory_space<vmem>>, vector<16xf32>,
      %le3A_1368 = vector.broadcast %bitcast_convert_type3A_592 : f32 to vector<16xf32>
      %le3A_1369 = arith.cmpf ole, %get3A_1367, %le3A_1368 : vector<16xf32>
      %all_reduce_population_count3A_1370 = tpu.all_reduce %le3A_1369 {dim = 0 : i64, kind = #tpu.reduction_kind<sum>} : vector<16xi1> -> vector<16xi32>
      %slice3A_1371 = vector.extract_strided_slice %all_reduce_population_count3A_1370 {offsets = [0], sizes = [1], strides = [1]} : vector<16xi32> to vector<1xi32>
      %squeeze3A_1372 = vector.extract %slice3A_1371[0] : i32 from vector<1xi32>
      %add3A_1373 = arith.addi %add3A_1365, %squeeze3A_1372 : i32
      %get3A_1374 = arith.constant 1568 : index
      %get3A_1375 = tpu.vector_load %arg11[%get3A_1374] {strides = array<i32>} : memref<4096xf32, #tpu.memory_space<vmem>>, vector<16xf32>,
      %le3A_1376 = vector.broadcast %bitcast_convert_type3A_592 : f32 to vector<16xf32>
      %le3A_1377 = arith.cmpf ole, %get3A_1375, %le3A_1376 : vector<16xf32>
      %all_reduce_population_count3A_1378 = tpu.all_reduce %le3A_1377 {dim = 0 : i64, kind = #tpu.reduction_kind<sum>} : vector<16xi1> -> vector<16xi32>
      %slice3A_1379 = vector.extract_strided_slice %all_reduce_population_count3A_1378 {offsets = [0], sizes = [1], strides = [1]} : vector<16xi32> to vector<1xi32>
      %squeeze3A_1380 = vector.extract %slice3A_1379[0] : i32 from vector<1xi32>
      %add3A_1381 = arith.addi %add3A_1373, %squeeze3A_1380 : i32
      %get3A_1382 = arith.constant 1584 : index
      %get3A_1383 = tpu.vector_load %arg11[%get3A_1382] {strides = array<i32>} : memref<4096xf32, #tpu.memory_space<vmem>>, vector<16xf32>,
      %le3A_1384 = vector.broadcast %bitcast_convert_type3A_592 : f32 to vector<16xf32>
      %le3A_1385 = arith.cmpf ole, %get3A_1383, %le3A_1384 : vector<16xf32>
      %all_reduce_population_count3A_1386 = tpu.all_reduce %le3A_1385 {dim = 0 : i64, kind = #tpu.reduction_kind<sum>} : vector<16xi1> -> vector<16xi32>
      %slice3A_1387 = vector.extract_strided_slice %all_reduce_population_count3A_1386 {offsets = [0], sizes = [1], strides = [1]} : vector<16xi32> to vector<1xi32>
      %squeeze3A_1388 = vector.extract %slice3A_1387[0] : i32 from vector<1xi32>
      %add3A_1389 = arith.addi %add3A_1381, %squeeze3A_1388 : i32
      %get3A_1390 = arith.constant 1600 : index
      %get3A_1391 = tpu.vector_load %arg11[%get3A_1390] {strides = array<i32>} : memref<4096xf32, #tpu.memory_space<vmem>>, vector<16xf32>,
      %le3A_1392 = vector.broadcast %bitcast_convert_type3A_592 : f32 to vector<16xf32>
      %le3A_1393 = arith.cmpf ole, %get3A_1391, %le3A_1392 : vector<16xf32>
      %all_reduce_population_count3A_1394 = tpu.all_reduce %le3A_1393 {dim = 0 : i64, kind = #tpu.reduction_kind<sum>} : vector<16xi1> -> vector<16xi32>
      %slice3A_1395 = vector.extract_strided_slice %all_reduce_population_count3A_1394 {offsets = [0], sizes = [1], strides = [1]} : vector<16xi32> to vector<1xi32>
      %squeeze3A_1396 = vector.extract %slice3A_1395[0] : i32 from vector<1xi32>
      %add3A_1397 = arith.addi %add3A_1389, %squeeze3A_1396 : i32
      %get3A_1398 = arith.constant 1616 : index
      %get3A_1399 = tpu.vector_load %arg11[%get3A_1398] {strides = array<i32>} : memref<4096xf32, #tpu.memory_space<vmem>>, vector<16xf32>,
      %le3A_1400 = vector.broadcast %bitcast_convert_type3A_592 : f32 to vector<16xf32>
      %le3A_1401 = arith.cmpf ole, %get3A_1399, %le3A_1400 : vector<16xf32>
      %all_reduce_population_count3A_1402 = tpu.all_reduce %le3A_1401 {dim = 0 : i64, kind = #tpu.reduction_kind<sum>} : vector<16xi1> -> vector<16xi32>
      %slice3A_1403 = vector.extract_strided_slice %all_reduce_population_count3A_1402 {offsets = [0], sizes = [1], strides = [1]} : vector<16xi32> to vector<1xi32>
      %squeeze3A_1404 = vector.extract %slice3A_1403[0] : i32 from vector<1xi32>
      %add3A_1405 = arith.addi %add3A_1397, %squeeze3A_1404 : i32
      %get3A_1406 = arith.constant 1632 : index
      %get3A_1407 = tpu.vector_load %arg11[%get3A_1406] {strides = array<i32>} : memref<4096xf32, #tpu.memory_space<vmem>>, vector<16xf32>,
      %le3A_1408 = vector.broadcast %bitcast_convert_type3A_592 : f32 to vector<16xf32>
      %le3A_1409 = arith.cmpf ole, %get3A_1407, %le3A_1408 : vector<16xf32>
      %all_reduce_population_count3A_1410 = tpu.all_reduce %le3A_1409 {dim = 0 : i64, kind = #tpu.reduction_kind<sum>} : vector<16xi1> -> vector<16xi32>
      %slice3A_1411 = vector.extract_strided_slice %all_reduce_population_count3A_1410 {offsets = [0], sizes = [1], strides = [1]} : vector<16xi32> to vector<1xi32>
      %squeeze3A_1412 = vector.extract %slice3A_1411[0] : i32 from vector<1xi32>
      %add3A_1413 = arith.addi %add3A_1405, %squeeze3A_1412 : i32
      %get3A_1414 = arith.constant 1648 : index
      %get3A_1415 = tpu.vector_load %arg11[%get3A_1414] {strides = array<i32>} : memref<4096xf32, #tpu.memory_space<vmem>>, vector<16xf32>,
      %le3A_1416 = vector.broadcast %bitcast_convert_type3A_592 : f32 to vector<16xf32>
      %le3A_1417 = arith.cmpf ole, %get3A_1415, %le3A_1416 : vector<16xf32>
      %all_reduce_population_count3A_1418 = tpu.all_reduce %le3A_1417 {dim = 0 : i64, kind = #tpu.reduction_kind<sum>} : vector<16xi1> -> vector<16xi32>
      %slice3A_1419 = vector.extract_strided_slice %all_reduce_population_count3A_1418 {offsets = [0], sizes = [1], strides = [1]} : vector<16xi32> to vector<1xi32>
      %squeeze3A_1420 = vector.extract %slice3A_1419[0] : i32 from vector<1xi32>
      %add3A_1421 = arith.addi %add3A_1413, %squeeze3A_1420 : i32
      %get3A_1422 = arith.constant 1664 : index
      %get3A_1423 = tpu.vector_load %arg11[%get3A_1422] {strides = array<i32>} : memref<4096xf32, #tpu.memory_space<vmem>>, vector<16xf32>,
      %le3A_1424 = vector.broadcast %bitcast_convert_type3A_592 : f32 to vector<16xf32>
      %le3A_1425 = arith.cmpf ole, %get3A_1423, %le3A_1424 : vector<16xf32>
      %all_reduce_population_count3A_1426 = tpu.all_reduce %le3A_1425 {dim = 0 : i64, kind = #tpu.reduction_kind<sum>} : vector<16xi1> -> vector<16xi32>
      %slice3A_1427 = vector.extract_strided_slice %all_reduce_population_count3A_1426 {offsets = [0], sizes = [1], strides = [1]} : vector<16xi32> to vector<1xi32>
      %squeeze3A_1428 = vector.extract %slice3A_1427[0] : i32 from vector<1xi32>
      %add3A_1429 = arith.addi %add3A_1421, %squeeze3A_1428 : i32
      %get3A_1430 = arith.constant 1680 : index
      %get3A_1431 = tpu.vector_load %arg11[%get3A_1430] {strides = array<i32>} : memref<4096xf32, #tpu.memory_space<vmem>>, vector<16xf32>,
      %le3A_1432 = vector.broadcast %bitcast_convert_type3A_592 : f32 to vector<16xf32>
      %le3A_1433 = arith.cmpf ole, %get3A_1431, %le3A_1432 : vector<16xf32>
      %all_reduce_population_count3A_1434 = tpu.all_reduce %le3A_1433 {dim = 0 : i64, kind = #tpu.reduction_kind<sum>} : vector<16xi1> -> vector<16xi32>
      %slice3A_1435 = vector.extract_strided_slice %all_reduce_population_count3A_1434 {offsets = [0], sizes = [1], strides = [1]} : vector<16xi32> to vector<1xi32>
      %squeeze3A_1436 = vector.extract %slice3A_1435[0] : i32 from vector<1xi32>
      %add3A_1437 = arith.addi %add3A_1429, %squeeze3A_1436 : i32
      %get3A_1438 = arith.constant 1696 : index
      %get3A_1439 = tpu.vector_load %arg11[%get3A_1438] {strides = array<i32>} : memref<4096xf32, #tpu.memory_space<vmem>>, vector<16xf32>,
      %le3A_1440 = vector.broadcast %bitcast_convert_type3A_592 : f32 to vector<16xf32>
      %le3A_1441 = arith.cmpf ole, %get3A_1439, %le3A_1440 : vector<16xf32>
      %all_reduce_population_count3A_1442 = tpu.all_reduce %le3A_1441 {dim = 0 : i64, kind = #tpu.reduction_kind<sum>} : vector<16xi1> -> vector<16xi32>
      %slice3A_1443 = vector.extract_strided_slice %all_reduce_population_count3A_1442 {offsets = [0], sizes = [1], strides = [1]} : vector<16xi32> to vector<1xi32>
      %squeeze3A_1444 = vector.extract %slice3A_1443[0] : i32 from vector<1xi32>
      %add3A_1445 = arith.addi %add3A_1437, %squeeze3A_1444 : i32
      %get3A_1446 = arith.constant 1712 : index
      %get3A_1447 = tpu.vector_load %arg11[%get3A_1446] {strides = array<i32>} : memref<4096xf32, #tpu.memory_space<vmem>>, vector<16xf32>,
      %le3A_1448 = vector.broadcast %bitcast_convert_type3A_592 : f32 to vector<16xf32>
      %le3A_1449 = arith.cmpf ole, %get3A_1447, %le3A_1448 : vector<16xf32>
      %all_reduce_population_count3A_1450 = tpu.all_reduce %le3A_1449 {dim = 0 : i64, kind = #tpu.reduction_kind<sum>} : vector<16xi1> -> vector<16xi32>
      %slice3A_1451 = vector.extract_strided_slice %all_reduce_population_count3A_1450 {offsets = [0], sizes = [1], strides = [1]} : vector<16xi32> to vector<1xi32>
      %squeeze3A_1452 = vector.extract %slice3A_1451[0] : i32 from vector<1xi32>
      %add3A_1453 = arith.addi %add3A_1445, %squeeze3A_1452 : i32
      %get3A_1454 = arith.constant 1728 : index
      %get3A_1455 = tpu.vector_load %arg11[%get3A_1454] {strides = array<i32>} : memref<4096xf32, #tpu.memory_space<vmem>>, vector<16xf32>,
      %le3A_1456 = vector.broadcast %bitcast_convert_type3A_592 : f32 to vector<16xf32>
      %le3A_1457 = arith.cmpf ole, %get3A_1455, %le3A_1456 : vector<16xf32>
      %all_reduce_population_count3A_1458 = tpu.all_reduce %le3A_1457 {dim = 0 : i64, kind = #tpu.reduction_kind<sum>} : vector<16xi1> -> vector<16xi32>
      %slice3A_1459 = vector.extract_strided_slice %all_reduce_population_count3A_1458 {offsets = [0], sizes = [1], strides = [1]} : vector<16xi32> to vector<1xi32>
      %squeeze3A_1460 = vector.extract %slice3A_1459[0] : i32 from vector<1xi32>
      %add3A_1461 = arith.addi %add3A_1453, %squeeze3A_1460 : i32
      %get3A_1462 = arith.constant 1744 : index
      %get3A_1463 = tpu.vector_load %arg11[%get3A_1462] {strides = array<i32>} : memref<4096xf32, #tpu.memory_space<vmem>>, vector<16xf32>,
      %le3A_1464 = vector.broadcast %bitcast_convert_type3A_592 : f32 to vector<16xf32>
      %le3A_1465 = arith.cmpf ole, %get3A_1463, %le3A_1464 : vector<16xf32>
      %all_reduce_population_count3A_1466 = tpu.all_reduce %le3A_1465 {dim = 0 : i64, kind = #tpu.reduction_kind<sum>} : vector<16xi1> -> vector<16xi32>
      %slice3A_1467 = vector.extract_strided_slice %all_reduce_population_count3A_1466 {offsets = [0], sizes = [1], strides = [1]} : vector<16xi32> to vector<1xi32>
      %squeeze3A_1468 = vector.extract %slice3A_1467[0] : i32 from vector<1xi32>
      %add3A_1469 = arith.addi %add3A_1461, %squeeze3A_1468 : i32
      %get3A_1470 = arith.constant 1760 : index
      %get3A_1471 = tpu.vector_load %arg11[%get3A_1470] {strides = array<i32>} : memref<4096xf32, #tpu.memory_space<vmem>>, vector<16xf32>,
      %le3A_1472 = vector.broadcast %bitcast_convert_type3A_592 : f32 to vector<16xf32>
      %le3A_1473 = arith.cmpf ole, %get3A_1471, %le3A_1472 : vector<16xf32>
      %all_reduce_population_count3A_1474 = tpu.all_reduce %le3A_1473 {dim = 0 : i64, kind = #tpu.reduction_kind<sum>} : vector<16xi1> -> vector<16xi32>
      %slice3A_1475 = vector.extract_strided_slice %all_reduce_population_count3A_1474 {offsets = [0], sizes = [1], strides = [1]} : vector<16xi32> to vector<1xi32>
      %squeeze3A_1476 = vector.extract %slice3A_1475[0] : i32 from vector<1xi32>
      %add3A_1477 = arith.addi %add3A_1469, %squeeze3A_1476 : i32
      %get3A_1478 = arith.constant 1776 : index
      %get3A_1479 = tpu.vector_load %arg11[%get3A_1478] {strides = array<i32>} : memref<4096xf32, #tpu.memory_space<vmem>>, vector<16xf32>,
      %le3A_1480 = vector.broadcast %bitcast_convert_type3A_592 : f32 to vector<16xf32>
      %le3A_1481 = arith.cmpf ole, %get3A_1479, %le3A_1480 : vector<16xf32>
      %all_reduce_population_count3A_1482 = tpu.all_reduce %le3A_1481 {dim = 0 : i64, kind = #tpu.reduction_kind<sum>} : vector<16xi1> -> vector<16xi32>
      %slice3A_1483 = vector.extract_strided_slice %all_reduce_population_count3A_1482 {offsets = [0], sizes = [1], strides = [1]} : vector<16xi32> to vector<1xi32>
      %squeeze3A_1484 = vector.extract %slice3A_1483[0] : i32 from vector<1xi32>
      %add3A_1485 = arith.addi %add3A_1477, %squeeze3A_1484 : i32
      %get3A_1486 = arith.constant 1792 : index
      %get3A_1487 = tpu.vector_load %arg11[%get3A_1486] {strides = array<i32>} : memref<4096xf32, #tpu.memory_space<vmem>>, vector<16xf32>,
      %le3A_1488 = vector.broadcast %bitcast_convert_type3A_592 : f32 to vector<16xf32>
      %le3A_1489 = arith.cmpf ole, %get3A_1487, %le3A_1488 : vector<16xf32>
      %all_reduce_population_count3A_1490 = tpu.all_reduce %le3A_1489 {dim = 0 : i64, kind = #tpu.reduction_kind<sum>} : vector<16xi1> -> vector<16xi32>
      %slice3A_1491 = vector.extract_strided_slice %all_reduce_population_count3A_1490 {offsets = [0], sizes = [1], strides = [1]} : vector<16xi32> to vector<1xi32>
      %squeeze3A_1492 = vector.extract %slice3A_1491[0] : i32 from vector<1xi32>
      %add3A_1493 = arith.addi %add3A_1485, %squeeze3A_1492 : i32
      %get3A_1494 = arith.constant 1808 : index
      %get3A_1495 = tpu.vector_load %arg11[%get3A_1494] {strides = array<i32>} : memref<4096xf32, #tpu.memory_space<vmem>>, vector<16xf32>,
      %le3A_1496 = vector.broadcast %bitcast_convert_type3A_592 : f32 to vector<16xf32>
      %le3A_1497 = arith.cmpf ole, %get3A_1495, %le3A_1496 : vector<16xf32>
      %all_reduce_population_count3A_1498 = tpu.all_reduce %le3A_1497 {dim = 0 : i64, kind = #tpu.reduction_kind<sum>} : vector<16xi1> -> vector<16xi32>
      %slice3A_1499 = vector.extract_strided_slice %all_reduce_population_count3A_1498 {offsets = [0], sizes = [1], strides = [1]} : vector<16xi32> to vector<1xi32>
      %squeeze3A_1500 = vector.extract %slice3A_1499[0] : i32 from vector<1xi32>
      %add3A_1501 = arith.addi %add3A_1493, %squeeze3A_1500 : i32
      %get3A_1502 = arith.constant 1824 : index
      %get3A_1503 = tpu.vector_load %arg11[%get3A_1502] {strides = array<i32>} : memref<4096xf32, #tpu.memory_space<vmem>>, vector<16xf32>,
      %le3A_1504 = vector.broadcast %bitcast_convert_type3A_592 : f32 to vector<16xf32>
      %le3A_1505 = arith.cmpf ole, %get3A_1503, %le3A_1504 : vector<16xf32>
      %all_reduce_population_count3A_1506 = tpu.all_reduce %le3A_1505 {dim = 0 : i64, kind = #tpu.reduction_kind<sum>} : vector<16xi1> -> vector<16xi32>
      %slice3A_1507 = vector.extract_strided_slice %all_reduce_population_count3A_1506 {offsets = [0], sizes = [1], strides = [1]} : vector<16xi32> to vector<1xi32>
      %squeeze3A_1508 = vector.extract %slice3A_1507[0] : i32 from vector<1xi32>
      %add3A_1509 = arith.addi %add3A_1501, %squeeze3A_1508 : i32
      %get3A_1510 = arith.constant 1840 : index
      %get3A_1511 = tpu.vector_load %arg11[%get3A_1510] {strides = array<i32>} : memref<4096xf32, #tpu.memory_space<vmem>>, vector<16xf32>,
      %le3A_1512 = vector.broadcast %bitcast_convert_type3A_592 : f32 to vector<16xf32>
      %le3A_1513 = arith.cmpf ole, %get3A_1511, %le3A_1512 : vector<16xf32>
      %all_reduce_population_count3A_1514 = tpu.all_reduce %le3A_1513 {dim = 0 : i64, kind = #tpu.reduction_kind<sum>} : vector<16xi1> -> vector<16xi32>
      %slice3A_1515 = vector.extract_strided_slice %all_reduce_population_count3A_1514 {offsets = [0], sizes = [1], strides = [1]} : vector<16xi32> to vector<1xi32>
      %squeeze3A_1516 = vector.extract %slice3A_1515[0] : i32 from vector<1xi32>
      %add3A_1517 = arith.addi %add3A_1509, %squeeze3A_1516 : i32
      %get3A_1518 = arith.constant 1856 : index
      %get3A_1519 = tpu.vector_load %arg11[%get3A_1518] {strides = array<i32>} : memref<4096xf32, #tpu.memory_space<vmem>>, vector<16xf32>,
      %le3A_1520 = vector.broadcast %bitcast_convert_type3A_592 : f32 to vector<16xf32>
      %le3A_1521 = arith.cmpf ole, %get3A_1519, %le3A_1520 : vector<16xf32>
      %all_reduce_population_count3A_1522 = tpu.all_reduce %le3A_1521 {dim = 0 : i64, kind = #tpu.reduction_kind<sum>} : vector<16xi1> -> vector<16xi32>
      %slice3A_1523 = vector.extract_strided_slice %all_reduce_population_count3A_1522 {offsets = [0], sizes = [1], strides = [1]} : vector<16xi32> to vector<1xi32>
      %squeeze3A_1524 = vector.extract %slice3A_1523[0] : i32 from vector<1xi32>
      %add3A_1525 = arith.addi %add3A_1517, %squeeze3A_1524 : i32
      %get3A_1526 = arith.constant 1872 : index
      %get3A_1527 = tpu.vector_load %arg11[%get3A_1526] {strides = array<i32>} : memref<4096xf32, #tpu.memory_space<vmem>>, vector<16xf32>,
      %le3A_1528 = vector.broadcast %bitcast_convert_type3A_592 : f32 to vector<16xf32>
      %le3A_1529 = arith.cmpf ole, %get3A_1527, %le3A_1528 : vector<16xf32>
      %all_reduce_population_count3A_1530 = tpu.all_reduce %le3A_1529 {dim = 0 : i64, kind = #tpu.reduction_kind<sum>} : vector<16xi1> -> vector<16xi32>
      %slice3A_1531 = vector.extract_strided_slice %all_reduce_population_count3A_1530 {offsets = [0], sizes = [1], strides = [1]} : vector<16xi32> to vector<1xi32>
      %squeeze3A_1532 = vector.extract %slice3A_1531[0] : i32 from vector<1xi32>
      %add3A_1533 = arith.addi %add3A_1525, %squeeze3A_1532 : i32
      %get3A_1534 = arith.constant 1888 : index
      %get3A_1535 = tpu.vector_load %arg11[%get3A_1534] {strides = array<i32>} : memref<4096xf32, #tpu.memory_space<vmem>>, vector<16xf32>,
      %le3A_1536 = vector.broadcast %bitcast_convert_type3A_592 : f32 to vector<16xf32>
      %le3A_1537 = arith.cmpf ole, %get3A_1535, %le3A_1536 : vector<16xf32>
      %all_reduce_population_count3A_1538 = tpu.all_reduce %le3A_1537 {dim = 0 : i64, kind = #tpu.reduction_kind<sum>} : vector<16xi1> -> vector<16xi32>
      %slice3A_1539 = vector.extract_strided_slice %all_reduce_population_count3A_1538 {offsets = [0], sizes = [1], strides = [1]} : vector<16xi32> to vector<1xi32>
      %squeeze3A_1540 = vector.extract %slice3A_1539[0] : i32 from vector<1xi32>
      %add3A_1541 = arith.addi %add3A_1533, %squeeze3A_1540 : i32
      %get3A_1542 = arith.constant 1904 : index
      %get3A_1543 = tpu.vector_load %arg11[%get3A_1542] {strides = array<i32>} : memref<4096xf32, #tpu.memory_space<vmem>>, vector<16xf32>,
      %le3A_1544 = vector.broadcast %bitcast_convert_type3A_592 : f32 to vector<16xf32>
      %le3A_1545 = arith.cmpf ole, %get3A_1543, %le3A_1544 : vector<16xf32>
      %all_reduce_population_count3A_1546 = tpu.all_reduce %le3A_1545 {dim = 0 : i64, kind = #tpu.reduction_kind<sum>} : vector<16xi1> -> vector<16xi32>
      %slice3A_1547 = vector.extract_strided_slice %all_reduce_population_count3A_1546 {offsets = [0], sizes = [1], strides = [1]} : vector<16xi32> to vector<1xi32>
      %squeeze3A_1548 = vector.extract %slice3A_1547[0] : i32 from vector<1xi32>
      %add3A_1549 = arith.addi %add3A_1541, %squeeze3A_1548 : i32
      %get3A_1550 = arith.constant 1920 : index
      %get3A_1551 = tpu.vector_load %arg11[%get3A_1550] {strides = array<i32>} : memref<4096xf32, #tpu.memory_space<vmem>>, vector<16xf32>,
      %le3A_1552 = vector.broadcast %bitcast_convert_type3A_592 : f32 to vector<16xf32>
      %le3A_1553 = arith.cmpf ole, %get3A_1551, %le3A_1552 : vector<16xf32>
      %all_reduce_population_count3A_1554 = tpu.all_reduce %le3A_1553 {dim = 0 : i64, kind = #tpu.reduction_kind<sum>} : vector<16xi1> -> vector<16xi32>
      %slice3A_1555 = vector.extract_strided_slice %all_reduce_population_count3A_1554 {offsets = [0], sizes = [1], strides = [1]} : vector<16xi32> to vector<1xi32>
      %squeeze3A_1556 = vector.extract %slice3A_1555[0] : i32 from vector<1xi32>
      %add3A_1557 = arith.addi %add3A_1549, %squeeze3A_1556 : i32
      %get3A_1558 = arith.constant 1936 : index
      %get3A_1559 = tpu.vector_load %arg11[%get3A_1558] {strides = array<i32>} : memref<4096xf32, #tpu.memory_space<vmem>>, vector<16xf32>,
      %le3A_1560 = vector.broadcast %bitcast_convert_type3A_592 : f32 to vector<16xf32>
      %le3A_1561 = arith.cmpf ole, %get3A_1559, %le3A_1560 : vector<16xf32>
      %all_reduce_population_count3A_1562 = tpu.all_reduce %le3A_1561 {dim = 0 : i64, kind = #tpu.reduction_kind<sum>} : vector<16xi1> -> vector<16xi32>
      %slice3A_1563 = vector.extract_strided_slice %all_reduce_population_count3A_1562 {offsets = [0], sizes = [1], strides = [1]} : vector<16xi32> to vector<1xi32>
      %squeeze3A_1564 = vector.extract %slice3A_1563[0] : i32 from vector<1xi32>
      %add3A_1565 = arith.addi %add3A_1557, %squeeze3A_1564 : i32
      %get3A_1566 = arith.constant 1952 : index
      %get3A_1567 = tpu.vector_load %arg11[%get3A_1566] {strides = array<i32>} : memref<4096xf32, #tpu.memory_space<vmem>>, vector<16xf32>,
      %le3A_1568 = vector.broadcast %bitcast_convert_type3A_592 : f32 to vector<16xf32>
      %le3A_1569 = arith.cmpf ole, %get3A_1567, %le3A_1568 : vector<16xf32>
      %all_reduce_population_count3A_1570 = tpu.all_reduce %le3A_1569 {dim = 0 : i64, kind = #tpu.reduction_kind<sum>} : vector<16xi1> -> vector<16xi32>
      %slice3A_1571 = vector.extract_strided_slice %all_reduce_population_count3A_1570 {offsets = [0], sizes = [1], strides = [1]} : vector<16xi32> to vector<1xi32>
      %squeeze3A_1572 = vector.extract %slice3A_1571[0] : i32 from vector<1xi32>
      %add3A_1573 = arith.addi %add3A_1565, %squeeze3A_1572 : i32
      %get3A_1574 = arith.constant 1968 : index
      %get3A_1575 = tpu.vector_load %arg11[%get3A_1574] {strides = array<i32>} : memref<4096xf32, #tpu.memory_space<vmem>>, vector<16xf32>,
      %le3A_1576 = vector.broadcast %bitcast_convert_type3A_592 : f32 to vector<16xf32>
      %le3A_1577 = arith.cmpf ole, %get3A_1575, %le3A_1576 : vector<16xf32>
      %all_reduce_population_count3A_1578 = tpu.all_reduce %le3A_1577 {dim = 0 : i64, kind = #tpu.reduction_kind<sum>} : vector<16xi1> -> vector<16xi32>
      %slice3A_1579 = vector.extract_strided_slice %all_reduce_population_count3A_1578 {offsets = [0], sizes = [1], strides = [1]} : vector<16xi32> to vector<1xi32>
      %squeeze3A_1580 = vector.extract %slice3A_1579[0] : i32 from vector<1xi32>
      %add3A_1581 = arith.addi %add3A_1573, %squeeze3A_1580 : i32
      %get3A_1582 = arith.constant 1984 : index
      %get3A_1583 = tpu.vector_load %arg11[%get3A_1582] {strides = array<i32>} : memref<4096xf32, #tpu.memory_space<vmem>>, vector<16xf32>,
      %le3A_1584 = vector.broadcast %bitcast_convert_type3A_592 : f32 to vector<16xf32>
      %le3A_1585 = arith.cmpf ole, %get3A_1583, %le3A_1584 : vector<16xf32>
      %all_reduce_population_count3A_1586 = tpu.all_reduce %le3A_1585 {dim = 0 : i64, kind = #tpu.reduction_kind<sum>} : vector<16xi1> -> vector<16xi32>
      %slice3A_1587 = vector.extract_strided_slice %all_reduce_population_count3A_1586 {offsets = [0], sizes = [1], strides = [1]} : vector<16xi32> to vector<1xi32>
      %squeeze3A_1588 = vector.extract %slice3A_1587[0] : i32 from vector<1xi32>
      %add3A_1589 = arith.addi %add3A_1581, %squeeze3A_1588 : i32
      %get3A_1590 = arith.constant 2000 : index
      %get3A_1591 = tpu.vector_load %arg11[%get3A_1590] {strides = array<i32>} : memref<4096xf32, #tpu.memory_space<vmem>>, vector<16xf32>,
      %le3A_1592 = vector.broadcast %bitcast_convert_type3A_592 : f32 to vector<16xf32>
      %le3A_1593 = arith.cmpf ole, %get3A_1591, %le3A_1592 : vector<16xf32>
      %all_reduce_population_count3A_1594 = tpu.all_reduce %le3A_1593 {dim = 0 : i64, kind = #tpu.reduction_kind<sum>} : vector<16xi1> -> vector<16xi32>
      %slice3A_1595 = vector.extract_strided_slice %all_reduce_population_count3A_1594 {offsets = [0], sizes = [1], strides = [1]} : vector<16xi32> to vector<1xi32>
      %squeeze3A_1596 = vector.extract %slice3A_1595[0] : i32 from vector<1xi32>
      %add3A_1597 = arith.addi %add3A_1589, %squeeze3A_1596 : i32
      %get3A_1598 = arith.constant 2016 : index
      %get3A_1599 = tpu.vector_load %arg11[%get3A_1598] {strides = array<i32>} : memref<4096xf32, #tpu.memory_space<vmem>>, vector<16xf32>,
      %le3A_1600 = vector.broadcast %bitcast_convert_type3A_592 : f32 to vector<16xf32>
      %le3A_1601 = arith.cmpf ole, %get3A_1599, %le3A_1600 : vector<16xf32>
      %all_reduce_population_count3A_1602 = tpu.all_reduce %le3A_1601 {dim = 0 : i64, kind = #tpu.reduction_kind<sum>} : vector<16xi1> -> vector<16xi32>
      %slice3A_1603 = vector.extract_strided_slice %all_reduce_population_count3A_1602 {offsets = [0], sizes = [1], strides = [1]} : vector<16xi32> to vector<1xi32>
      %squeeze3A_1604 = vector.extract %slice3A_1603[0] : i32 from vector<1xi32>
      %add3A_1605 = arith.addi %add3A_1597, %squeeze3A_1604 : i32
      %get3A_1606 = arith.constant 2032 : index
      %get3A_1607 = tpu.vector_load %arg11[%get3A_1606] {strides = array<i32>} : memref<4096xf32, #tpu.memory_space<vmem>>, vector<16xf32>,
      %le3A_1608 = vector.broadcast %bitcast_convert_type3A_592 : f32 to vector<16xf32>
      %le3A_1609 = arith.cmpf ole, %get3A_1607, %le3A_1608 : vector<16xf32>
      %all_reduce_population_count3A_1610 = tpu.all_reduce %le3A_1609 {dim = 0 : i64, kind = #tpu.reduction_kind<sum>} : vector<16xi1> -> vector<16xi32>
      %slice3A_1611 = vector.extract_strided_slice %all_reduce_population_count3A_1610 {offsets = [0], sizes = [1], strides = [1]} : vector<16xi32> to vector<1xi32>
      %squeeze3A_1612 = vector.extract %slice3A_1611[0] : i32 from vector<1xi32>
      %add3A_1613 = arith.addi %add3A_1605, %squeeze3A_1612 : i32
      %get3A_1614 = arith.constant 2048 : index
      %get3A_1615 = tpu.vector_load %arg11[%get3A_1614] {strides = array<i32>} : memref<4096xf32, #tpu.memory_space<vmem>>, vector<16xf32>,
      %le3A_1616 = vector.broadcast %bitcast_convert_type3A_592 : f32 to vector<16xf32>
      %le3A_1617 = arith.cmpf ole, %get3A_1615, %le3A_1616 : vector<16xf32>
      %all_reduce_population_count3A_1618 = tpu.all_reduce %le3A_1617 {dim = 0 : i64, kind = #tpu.reduction_kind<sum>} : vector<16xi1> -> vector<16xi32>
      %slice3A_1619 = vector.extract_strided_slice %all_reduce_population_count3A_1618 {offsets = [0], sizes = [1], strides = [1]} : vector<16xi32> to vector<1xi32>
      %squeeze3A_1620 = vector.extract %slice3A_1619[0] : i32 from vector<1xi32>
      %add3A_1621 = arith.addi %add3A_1613, %squeeze3A_1620 : i32
      %get3A_1622 = arith.constant 2064 : index
      %get3A_1623 = tpu.vector_load %arg11[%get3A_1622] {strides = array<i32>} : memref<4096xf32, #tpu.memory_space<vmem>>, vector<16xf32>,
      %le3A_1624 = vector.broadcast %bitcast_convert_type3A_592 : f32 to vector<16xf32>
      %le3A_1625 = arith.cmpf ole, %get3A_1623, %le3A_1624 : vector<16xf32>
      %all_reduce_population_count3A_1626 = tpu.all_reduce %le3A_1625 {dim = 0 : i64, kind = #tpu.reduction_kind<sum>} : vector<16xi1> -> vector<16xi32>
      %slice3A_1627 = vector.extract_strided_slice %all_reduce_population_count3A_1626 {offsets = [0], sizes = [1], strides = [1]} : vector<16xi32> to vector<1xi32>
      %squeeze3A_1628 = vector.extract %slice3A_1627[0] : i32 from vector<1xi32>
      %add3A_1629 = arith.addi %add3A_1621, %squeeze3A_1628 : i32
      %get3A_1630 = arith.constant 2080 : index
      %get3A_1631 = tpu.vector_load %arg11[%get3A_1630] {strides = array<i32>} : memref<4096xf32, #tpu.memory_space<vmem>>, vector<16xf32>,
      %le3A_1632 = vector.broadcast %bitcast_convert_type3A_592 : f32 to vector<16xf32>
      %le3A_1633 = arith.cmpf ole, %get3A_1631, %le3A_1632 : vector<16xf32>
      %all_reduce_population_count3A_1634 = tpu.all_reduce %le3A_1633 {dim = 0 : i64, kind = #tpu.reduction_kind<sum>} : vector<16xi1> -> vector<16xi32>
      %slice3A_1635 = vector.extract_strided_slice %all_reduce_population_count3A_1634 {offsets = [0], sizes = [1], strides = [1]} : vector<16xi32> to vector<1xi32>
      %squeeze3A_1636 = vector.extract %slice3A_1635[0] : i32 from vector<1xi32>
      %add3A_1637 = arith.addi %add3A_1629, %squeeze3A_1636 : i32
      %get3A_1638 = arith.constant 2096 : index
      %get3A_1639 = tpu.vector_load %arg11[%get3A_1638] {strides = array<i32>} : memref<4096xf32, #tpu.memory_space<vmem>>, vector<16xf32>,
      %le3A_1640 = vector.broadcast %bitcast_convert_type3A_592 : f32 to vector<16xf32>
      %le3A_1641 = arith.cmpf ole, %get3A_1639, %le3A_1640 : vector<16xf32>
      %all_reduce_population_count3A_1642 = tpu.all_reduce %le3A_1641 {dim = 0 : i64, kind = #tpu.reduction_kind<sum>} : vector<16xi1> -> vector<16xi32>
      %slice3A_1643 = vector.extract_strided_slice %all_reduce_population_count3A_1642 {offsets = [0], sizes = [1], strides = [1]} : vector<16xi32> to vector<1xi32>
      %squeeze3A_1644 = vector.extract %slice3A_1643[0] : i32 from vector<1xi32>
      %add3A_1645 = arith.addi %add3A_1637, %squeeze3A_1644 : i32
      %get3A_1646 = arith.constant 2112 : index
      %get3A_1647 = tpu.vector_load %arg11[%get3A_1646] {strides = array<i32>} : memref<4096xf32, #tpu.memory_space<vmem>>, vector<16xf32>,
      %le3A_1648 = vector.broadcast %bitcast_convert_type3A_592 : f32 to vector<16xf32>
      %le3A_1649 = arith.cmpf ole, %get3A_1647, %le3A_1648 : vector<16xf32>
      %all_reduce_population_count3A_1650 = tpu.all_reduce %le3A_1649 {dim = 0 : i64, kind = #tpu.reduction_kind<sum>} : vector<16xi1> -> vector<16xi32>
      %slice3A_1651 = vector.extract_strided_slice %all_reduce_population_count3A_1650 {offsets = [0], sizes = [1], strides = [1]} : vector<16xi32> to vector<1xi32>
      %squeeze3A_1652 = vector.extract %slice3A_1651[0] : i32 from vector<1xi32>
      %add3A_1653 = arith.addi %add3A_1645, %squeeze3A_1652 : i32
      %get3A_1654 = arith.constant 2128 : index
      %get3A_1655 = tpu.vector_load %arg11[%get3A_1654] {strides = array<i32>} : memref<4096xf32, #tpu.memory_space<vmem>>, vector<16xf32>,
      %le3A_1656 = vector.broadcast %bitcast_convert_type3A_592 : f32 to vector<16xf32>
      %le3A_1657 = arith.cmpf ole, %get3A_1655, %le3A_1656 : vector<16xf32>
      %all_reduce_population_count3A_1658 = tpu.all_reduce %le3A_1657 {dim = 0 : i64, kind = #tpu.reduction_kind<sum>} : vector<16xi1> -> vector<16xi32>
      %slice3A_1659 = vector.extract_strided_slice %all_reduce_population_count3A_1658 {offsets = [0], sizes = [1], strides = [1]} : vector<16xi32> to vector<1xi32>
      %squeeze3A_1660 = vector.extract %slice3A_1659[0] : i32 from vector<1xi32>
      %add3A_1661 = arith.addi %add3A_1653, %squeeze3A_1660 : i32
      %get3A_1662 = arith.constant 2144 : index
      %get3A_1663 = tpu.vector_load %arg11[%get3A_1662] {strides = array<i32>} : memref<4096xf32, #tpu.memory_space<vmem>>, vector<16xf32>,
      %le3A_1664 = vector.broadcast %bitcast_convert_type3A_592 : f32 to vector<16xf32>
      %le3A_1665 = arith.cmpf ole, %get3A_1663, %le3A_1664 : vector<16xf32>
      %all_reduce_population_count3A_1666 = tpu.all_reduce %le3A_1665 {dim = 0 : i64, kind = #tpu.reduction_kind<sum>} : vector<16xi1> -> vector<16xi32>
      %slice3A_1667 = vector.extract_strided_slice %all_reduce_population_count3A_1666 {offsets = [0], sizes = [1], strides = [1]} : vector<16xi32> to vector<1xi32>
      %squeeze3A_1668 = vector.extract %slice3A_1667[0] : i32 from vector<1xi32>
      %add3A_1669 = arith.addi %add3A_1661, %squeeze3A_1668 : i32
      %get3A_1670 = arith.constant 2160 : index
      %get3A_1671 = tpu.vector_load %arg11[%get3A_1670] {strides = array<i32>} : memref<4096xf32, #tpu.memory_space<vmem>>, vector<16xf32>,
      %le3A_1672 = vector.broadcast %bitcast_convert_type3A_592 : f32 to vector<16xf32>
      %le3A_1673 = arith.cmpf ole, %get3A_1671, %le3A_1672 : vector<16xf32>
      %all_reduce_population_count3A_1674 = tpu.all_reduce %le3A_1673 {dim = 0 : i64, kind = #tpu.reduction_kind<sum>} : vector<16xi1> -> vector<16xi32>
      %slice3A_1675 = vector.extract_strided_slice %all_reduce_population_count3A_1674 {offsets = [0], sizes = [1], strides = [1]} : vector<16xi32> to vector<1xi32>
      %squeeze3A_1676 = vector.extract %slice3A_1675[0] : i32 from vector<1xi32>
      %add3A_1677 = arith.addi %add3A_1669, %squeeze3A_1676 : i32
      %get3A_1678 = arith.constant 2176 : index
      %get3A_1679 = tpu.vector_load %arg11[%get3A_1678] {strides = array<i32>} : memref<4096xf32, #tpu.memory_space<vmem>>, vector<16xf32>,
      %le3A_1680 = vector.broadcast %bitcast_convert_type3A_592 : f32 to vector<16xf32>
      %le3A_1681 = arith.cmpf ole, %get3A_1679, %le3A_1680 : vector<16xf32>
      %all_reduce_population_count3A_1682 = tpu.all_reduce %le3A_1681 {dim = 0 : i64, kind = #tpu.reduction_kind<sum>} : vector<16xi1> -> vector<16xi32>
      %slice3A_1683 = vector.extract_strided_slice %all_reduce_population_count3A_1682 {offsets = [0], sizes = [1], strides = [1]} : vector<16xi32> to vector<1xi32>
      %squeeze3A_1684 = vector.extract %slice3A_1683[0] : i32 from vector<1xi32>
      %add3A_1685 = arith.addi %add3A_1677, %squeeze3A_1684 : i32
      %get3A_1686 = arith.constant 2192 : index
      %get3A_1687 = tpu.vector_load %arg11[%get3A_1686] {strides = array<i32>} : memref<4096xf32, #tpu.memory_space<vmem>>, vector<16xf32>,
      %le3A_1688 = vector.broadcast %bitcast_convert_type3A_592 : f32 to vector<16xf32>
      %le3A_1689 = arith.cmpf ole, %get3A_1687, %le3A_1688 : vector<16xf32>
      %all_reduce_population_count3A_1690 = tpu.all_reduce %le3A_1689 {dim = 0 : i64, kind = #tpu.reduction_kind<sum>} : vector<16xi1> -> vector<16xi32>
      %slice3A_1691 = vector.extract_strided_slice %all_reduce_population_count3A_1690 {offsets = [0], sizes = [1], strides = [1]} : vector<16xi32> to vector<1xi32>
      %squeeze3A_1692 = vector.extract %slice3A_1691[0] : i32 from vector<1xi32>
      %add3A_1693 = arith.addi %add3A_1685, %squeeze3A_1692 : i32
      %get3A_1694 = arith.constant 2208 : index
      %get3A_1695 = tpu.vector_load %arg11[%get3A_1694] {strides = array<i32>} : memref<4096xf32, #tpu.memory_space<vmem>>, vector<16xf32>,
      %le3A_1696 = vector.broadcast %bitcast_convert_type3A_592 : f32 to vector<16xf32>
      %le3A_1697 = arith.cmpf ole, %get3A_1695, %le3A_1696 : vector<16xf32>
      %all_reduce_population_count3A_1698 = tpu.all_reduce %le3A_1697 {dim = 0 : i64, kind = #tpu.reduction_kind<sum>} : vector<16xi1> -> vector<16xi32>
      %slice3A_1699 = vector.extract_strided_slice %all_reduce_population_count3A_1698 {offsets = [0], sizes = [1], strides = [1]} : vector<16xi32> to vector<1xi32>
      %squeeze3A_1700 = vector.extract %slice3A_1699[0] : i32 from vector<1xi32>
      %add3A_1701 = arith.addi %add3A_1693, %squeeze3A_1700 : i32
      %get3A_1702 = arith.constant 2224 : index
      %get3A_1703 = tpu.vector_load %arg11[%get3A_1702] {strides = array<i32>} : memref<4096xf32, #tpu.memory_space<vmem>>, vector<16xf32>,
      %le3A_1704 = vector.broadcast %bitcast_convert_type3A_592 : f32 to vector<16xf32>
      %le3A_1705 = arith.cmpf ole, %get3A_1703, %le3A_1704 : vector<16xf32>
      %all_reduce_population_count3A_1706 = tpu.all_reduce %le3A_1705 {dim = 0 : i64, kind = #tpu.reduction_kind<sum>} : vector<16xi1> -> vector<16xi32>
      %slice3A_1707 = vector.extract_strided_slice %all_reduce_population_count3A_1706 {offsets = [0], sizes = [1], strides = [1]} : vector<16xi32> to vector<1xi32>
      %squeeze3A_1708 = vector.extract %slice3A_1707[0] : i32 from vector<1xi32>
      %add3A_1709 = arith.addi %add3A_1701, %squeeze3A_1708 : i32
      %get3A_1710 = arith.constant 2240 : index
      %get3A_1711 = tpu.vector_load %arg11[%get3A_1710] {strides = array<i32>} : memref<4096xf32, #tpu.memory_space<vmem>>, vector<16xf32>,
      %le3A_1712 = vector.broadcast %bitcast_convert_type3A_592 : f32 to vector<16xf32>
      %le3A_1713 = arith.cmpf ole, %get3A_1711, %le3A_1712 : vector<16xf32>
      %all_reduce_population_count3A_1714 = tpu.all_reduce %le3A_1713 {dim = 0 : i64, kind = #tpu.reduction_kind<sum>} : vector<16xi1> -> vector<16xi32>
      %slice3A_1715 = vector.extract_strided_slice %all_reduce_population_count3A_1714 {offsets = [0], sizes = [1], strides = [1]} : vector<16xi32> to vector<1xi32>
      %squeeze3A_1716 = vector.extract %slice3A_1715[0] : i32 from vector<1xi32>
      %add3A_1717 = arith.addi %add3A_1709, %squeeze3A_1716 : i32
      %get3A_1718 = arith.constant 2256 : index
      %get3A_1719 = tpu.vector_load %arg11[%get3A_1718] {strides = array<i32>} : memref<4096xf32, #tpu.memory_space<vmem>>, vector<16xf32>,
      %le3A_1720 = vector.broadcast %bitcast_convert_type3A_592 : f32 to vector<16xf32>
      %le3A_1721 = arith.cmpf ole, %get3A_1719, %le3A_1720 : vector<16xf32>
      %all_reduce_population_count3A_1722 = tpu.all_reduce %le3A_1721 {dim = 0 : i64, kind = #tpu.reduction_kind<sum>} : vector<16xi1> -> vector<16xi32>
      %slice3A_1723 = vector.extract_strided_slice %all_reduce_population_count3A_1722 {offsets = [0], sizes = [1], strides = [1]} : vector<16xi32> to vector<1xi32>
      %squeeze3A_1724 = vector.extract %slice3A_1723[0] : i32 from vector<1xi32>
      %add3A_1725 = arith.addi %add3A_1717, %squeeze3A_1724 : i32
      %get3A_1726 = arith.constant 2272 : index
      %get3A_1727 = tpu.vector_load %arg11[%get3A_1726] {strides = array<i32>} : memref<4096xf32, #tpu.memory_space<vmem>>, vector<16xf32>,
      %le3A_1728 = vector.broadcast %bitcast_convert_type3A_592 : f32 to vector<16xf32>
      %le3A_1729 = arith.cmpf ole, %get3A_1727, %le3A_1728 : vector<16xf32>
      %all_reduce_population_count3A_1730 = tpu.all_reduce %le3A_1729 {dim = 0 : i64, kind = #tpu.reduction_kind<sum>} : vector<16xi1> -> vector<16xi32>
      %slice3A_1731 = vector.extract_strided_slice %all_reduce_population_count3A_1730 {offsets = [0], sizes = [1], strides = [1]} : vector<16xi32> to vector<1xi32>
      %squeeze3A_1732 = vector.extract %slice3A_1731[0] : i32 from vector<1xi32>
      %add3A_1733 = arith.addi %add3A_1725, %squeeze3A_1732 : i32
      %get3A_1734 = arith.constant 2288 : index
      %get3A_1735 = tpu.vector_load %arg11[%get3A_1734] {strides = array<i32>} : memref<4096xf32, #tpu.memory_space<vmem>>, vector<16xf32>,
      %le3A_1736 = vector.broadcast %bitcast_convert_type3A_592 : f32 to vector<16xf32>
      %le3A_1737 = arith.cmpf ole, %get3A_1735, %le3A_1736 : vector<16xf32>
      %all_reduce_population_count3A_1738 = tpu.all_reduce %le3A_1737 {dim = 0 : i64, kind = #tpu.reduction_kind<sum>} : vector<16xi1> -> vector<16xi32>
      %slice3A_1739 = vector.extract_strided_slice %all_reduce_population_count3A_1738 {offsets = [0], sizes = [1], strides = [1]} : vector<16xi32> to vector<1xi32>
      %squeeze3A_1740 = vector.extract %slice3A_1739[0] : i32 from vector<1xi32>
      %add3A_1741 = arith.addi %add3A_1733, %squeeze3A_1740 : i32
      %get3A_1742 = arith.constant 2304 : index
      %get3A_1743 = tpu.vector_load %arg11[%get3A_1742] {strides = array<i32>} : memref<4096xf32, #tpu.memory_space<vmem>>, vector<16xf32>,
      %le3A_1744 = vector.broadcast %bitcast_convert_type3A_592 : f32 to vector<16xf32>
      %le3A_1745 = arith.cmpf ole, %get3A_1743, %le3A_1744 : vector<16xf32>
      %all_reduce_population_count3A_1746 = tpu.all_reduce %le3A_1745 {dim = 0 : i64, kind = #tpu.reduction_kind<sum>} : vector<16xi1> -> vector<16xi32>
      %slice3A_1747 = vector.extract_strided_slice %all_reduce_population_count3A_1746 {offsets = [0], sizes = [1], strides = [1]} : vector<16xi32> to vector<1xi32>
      %squeeze3A_1748 = vector.extract %slice3A_1747[0] : i32 from vector<1xi32>
      %add3A_1749 = arith.addi %add3A_1741, %squeeze3A_1748 : i32
      %get3A_1750 = arith.constant 2320 : index
      %get3A_1751 = tpu.vector_load %arg11[%get3A_1750] {strides = array<i32>} : memref<4096xf32, #tpu.memory_space<vmem>>, vector<16xf32>,
      %le3A_1752 = vector.broadcast %bitcast_convert_type3A_592 : f32 to vector<16xf32>
      %le3A_1753 = arith.cmpf ole, %get3A_1751, %le3A_1752 : vector<16xf32>
      %all_reduce_population_count3A_1754 = tpu.all_reduce %le3A_1753 {dim = 0 : i64, kind = #tpu.reduction_kind<sum>} : vector<16xi1> -> vector<16xi32>
      %slice3A_1755 = vector.extract_strided_slice %all_reduce_population_count3A_1754 {offsets = [0], sizes = [1], strides = [1]} : vector<16xi32> to vector<1xi32>
      %squeeze3A_1756 = vector.extract %slice3A_1755[0] : i32 from vector<1xi32>
      %add3A_1757 = arith.addi %add3A_1749, %squeeze3A_1756 : i32
      %get3A_1758 = arith.constant 2336 : index
      %get3A_1759 = tpu.vector_load %arg11[%get3A_1758] {strides = array<i32>} : memref<4096xf32, #tpu.memory_space<vmem>>, vector<16xf32>,
      %le3A_1760 = vector.broadcast %bitcast_convert_type3A_592 : f32 to vector<16xf32>
      %le3A_1761 = arith.cmpf ole, %get3A_1759, %le3A_1760 : vector<16xf32>
      %all_reduce_population_count3A_1762 = tpu.all_reduce %le3A_1761 {dim = 0 : i64, kind = #tpu.reduction_kind<sum>} : vector<16xi1> -> vector<16xi32>
      %slice3A_1763 = vector.extract_strided_slice %all_reduce_population_count3A_1762 {offsets = [0], sizes = [1], strides = [1]} : vector<16xi32> to vector<1xi32>
      %squeeze3A_1764 = vector.extract %slice3A_1763[0] : i32 from vector<1xi32>
      %add3A_1765 = arith.addi %add3A_1757, %squeeze3A_1764 : i32
      %get3A_1766 = arith.constant 2352 : index
      %get3A_1767 = tpu.vector_load %arg11[%get3A_1766] {strides = array<i32>} : memref<4096xf32, #tpu.memory_space<vmem>>, vector<16xf32>,
      %le3A_1768 = vector.broadcast %bitcast_convert_type3A_592 : f32 to vector<16xf32>
      %le3A_1769 = arith.cmpf ole, %get3A_1767, %le3A_1768 : vector<16xf32>
      %all_reduce_population_count3A_1770 = tpu.all_reduce %le3A_1769 {dim = 0 : i64, kind = #tpu.reduction_kind<sum>} : vector<16xi1> -> vector<16xi32>
      %slice3A_1771 = vector.extract_strided_slice %all_reduce_population_count3A_1770 {offsets = [0], sizes = [1], strides = [1]} : vector<16xi32> to vector<1xi32>
      %squeeze3A_1772 = vector.extract %slice3A_1771[0] : i32 from vector<1xi32>
      %add3A_1773 = arith.addi %add3A_1765, %squeeze3A_1772 : i32
      %get3A_1774 = arith.constant 2368 : index
      %get3A_1775 = tpu.vector_load %arg11[%get3A_1774] {strides = array<i32>} : memref<4096xf32, #tpu.memory_space<vmem>>, vector<16xf32>,
      %le3A_1776 = vector.broadcast %bitcast_convert_type3A_592 : f32 to vector<16xf32>
      %le3A_1777 = arith.cmpf ole, %get3A_1775, %le3A_1776 : vector<16xf32>
      %all_reduce_population_count3A_1778 = tpu.all_reduce %le3A_1777 {dim = 0 : i64, kind = #tpu.reduction_kind<sum>} : vector<16xi1> -> vector<16xi32>
      %slice3A_1779 = vector.extract_strided_slice %all_reduce_population_count3A_1778 {offsets = [0], sizes = [1], strides = [1]} : vector<16xi32> to vector<1xi32>
      %squeeze3A_1780 = vector.extract %slice3A_1779[0] : i32 from vector<1xi32>
      %add3A_1781 = arith.addi %add3A_1773, %squeeze3A_1780 : i32
      %get3A_1782 = arith.constant 2384 : index
      %get3A_1783 = tpu.vector_load %arg11[%get3A_1782] {strides = array<i32>} : memref<4096xf32, #tpu.memory_space<vmem>>, vector<16xf32>,
      %le3A_1784 = vector.broadcast %bitcast_convert_type3A_592 : f32 to vector<16xf32>
      %le3A_1785 = arith.cmpf ole, %get3A_1783, %le3A_1784 : vector<16xf32>
      %all_reduce_population_count3A_1786 = tpu.all_reduce %le3A_1785 {dim = 0 : i64, kind = #tpu.reduction_kind<sum>} : vector<16xi1> -> vector<16xi32>
      %slice3A_1787 = vector.extract_strided_slice %all_reduce_population_count3A_1786 {offsets = [0], sizes = [1], strides = [1]} : vector<16xi32> to vector<1xi32>
      %squeeze3A_1788 = vector.extract %slice3A_1787[0] : i32 from vector<1xi32>
      %add3A_1789 = arith.addi %add3A_1781, %squeeze3A_1788 : i32
      %get3A_1790 = arith.constant 2400 : index
      %get3A_1791 = tpu.vector_load %arg11[%get3A_1790] {strides = array<i32>} : memref<4096xf32, #tpu.memory_space<vmem>>, vector<16xf32>,
      %le3A_1792 = vector.broadcast %bitcast_convert_type3A_592 : f32 to vector<16xf32>
      %le3A_1793 = arith.cmpf ole, %get3A_1791, %le3A_1792 : vector<16xf32>
      %all_reduce_population_count3A_1794 = tpu.all_reduce %le3A_1793 {dim = 0 : i64, kind = #tpu.reduction_kind<sum>} : vector<16xi1> -> vector<16xi32>
      %slice3A_1795 = vector.extract_strided_slice %all_reduce_population_count3A_1794 {offsets = [0], sizes = [1], strides = [1]} : vector<16xi32> to vector<1xi32>
      %squeeze3A_1796 = vector.extract %slice3A_1795[0] : i32 from vector<1xi32>
      %add3A_1797 = arith.addi %add3A_1789, %squeeze3A_1796 : i32
      %get3A_1798 = arith.constant 2416 : index
      %get3A_1799 = tpu.vector_load %arg11[%get3A_1798] {strides = array<i32>} : memref<4096xf32, #tpu.memory_space<vmem>>, vector<16xf32>,
      %le3A_1800 = vector.broadcast %bitcast_convert_type3A_592 : f32 to vector<16xf32>
      %le3A_1801 = arith.cmpf ole, %get3A_1799, %le3A_1800 : vector<16xf32>
      %all_reduce_population_count3A_1802 = tpu.all_reduce %le3A_1801 {dim = 0 : i64, kind = #tpu.reduction_kind<sum>} : vector<16xi1> -> vector<16xi32>
      %slice3A_1803 = vector.extract_strided_slice %all_reduce_population_count3A_1802 {offsets = [0], sizes = [1], strides = [1]} : vector<16xi32> to vector<1xi32>
      %squeeze3A_1804 = vector.extract %slice3A_1803[0] : i32 from vector<1xi32>
      %add3A_1805 = arith.addi %add3A_1797, %squeeze3A_1804 : i32
      %get3A_1806 = arith.constant 2432 : index
      %get3A_1807 = tpu.vector_load %arg11[%get3A_1806] {strides = array<i32>} : memref<4096xf32, #tpu.memory_space<vmem>>, vector<16xf32>,
      %le3A_1808 = vector.broadcast %bitcast_convert_type3A_592 : f32 to vector<16xf32>
      %le3A_1809 = arith.cmpf ole, %get3A_1807, %le3A_1808 : vector<16xf32>
      %all_reduce_population_count3A_1810 = tpu.all_reduce %le3A_1809 {dim = 0 : i64, kind = #tpu.reduction_kind<sum>} : vector<16xi1> -> vector<16xi32>
      %slice3A_1811 = vector.extract_strided_slice %all_reduce_population_count3A_1810 {offsets = [0], sizes = [1], strides = [1]} : vector<16xi32> to vector<1xi32>
      %squeeze3A_1812 = vector.extract %slice3A_1811[0] : i32 from vector<1xi32>
      %add3A_1813 = arith.addi %add3A_1805, %squeeze3A_1812 : i32
      %get3A_1814 = arith.constant 2448 : index
      %get3A_1815 = tpu.vector_load %arg11[%get3A_1814] {strides = array<i32>} : memref<4096xf32, #tpu.memory_space<vmem>>, vector<16xf32>,
      %le3A_1816 = vector.broadcast %bitcast_convert_type3A_592 : f32 to vector<16xf32>
      %le3A_1817 = arith.cmpf ole, %get3A_1815, %le3A_1816 : vector<16xf32>
      %all_reduce_population_count3A_1818 = tpu.all_reduce %le3A_1817 {dim = 0 : i64, kind = #tpu.reduction_kind<sum>} : vector<16xi1> -> vector<16xi32>
      %slice3A_1819 = vector.extract_strided_slice %all_reduce_population_count3A_1818 {offsets = [0], sizes = [1], strides = [1]} : vector<16xi32> to vector<1xi32>
      %squeeze3A_1820 = vector.extract %slice3A_1819[0] : i32 from vector<1xi32>
      %add3A_1821 = arith.addi %add3A_1813, %squeeze3A_1820 : i32
      %get3A_1822 = arith.constant 2464 : index
      %get3A_1823 = tpu.vector_load %arg11[%get3A_1822] {strides = array<i32>} : memref<4096xf32, #tpu.memory_space<vmem>>, vector<16xf32>,
      %le3A_1824 = vector.broadcast %bitcast_convert_type3A_592 : f32 to vector<16xf32>
      %le3A_1825 = arith.cmpf ole, %get3A_1823, %le3A_1824 : vector<16xf32>
      %all_reduce_population_count3A_1826 = tpu.all_reduce %le3A_1825 {dim = 0 : i64, kind = #tpu.reduction_kind<sum>} : vector<16xi1> -> vector<16xi32>
      %slice3A_1827 = vector.extract_strided_slice %all_reduce_population_count3A_1826 {offsets = [0], sizes = [1], strides = [1]} : vector<16xi32> to vector<1xi32>
      %squeeze3A_1828 = vector.extract %slice3A_1827[0] : i32 from vector<1xi32>
      %add3A_1829 = arith.addi %add3A_1821, %squeeze3A_1828 : i32
      %get3A_1830 = arith.constant 2480 : index
      %get3A_1831 = tpu.vector_load %arg11[%get3A_1830] {strides = array<i32>} : memref<4096xf32, #tpu.memory_space<vmem>>, vector<16xf32>,
      %le3A_1832 = vector.broadcast %bitcast_convert_type3A_592 : f32 to vector<16xf32>
      %le3A_1833 = arith.cmpf ole, %get3A_1831, %le3A_1832 : vector<16xf32>
      %all_reduce_population_count3A_1834 = tpu.all_reduce %le3A_1833 {dim = 0 : i64, kind = #tpu.reduction_kind<sum>} : vector<16xi1> -> vector<16xi32>
      %slice3A_1835 = vector.extract_strided_slice %all_reduce_population_count3A_1834 {offsets = [0], sizes = [1], strides = [1]} : vector<16xi32> to vector<1xi32>
      %squeeze3A_1836 = vector.extract %slice3A_1835[0] : i32 from vector<1xi32>
      %add3A_1837 = arith.addi %add3A_1829, %squeeze3A_1836 : i32
      %get3A_1838 = arith.constant 2496 : index
      %get3A_1839 = tpu.vector_load %arg11[%get3A_1838] {strides = array<i32>} : memref<4096xf32, #tpu.memory_space<vmem>>, vector<16xf32>,
      %le3A_1840 = vector.broadcast %bitcast_convert_type3A_592 : f32 to vector<16xf32>
      %le3A_1841 = arith.cmpf ole, %get3A_1839, %le3A_1840 : vector<16xf32>
      %all_reduce_population_count3A_1842 = tpu.all_reduce %le3A_1841 {dim = 0 : i64, kind = #tpu.reduction_kind<sum>} : vector<16xi1> -> vector<16xi32>
      %slice3A_1843 = vector.extract_strided_slice %all_reduce_population_count3A_1842 {offsets = [0], sizes = [1], strides = [1]} : vector<16xi32> to vector<1xi32>
      %squeeze3A_1844 = vector.extract %slice3A_1843[0] : i32 from vector<1xi32>
      %add3A_1845 = arith.addi %add3A_1837, %squeeze3A_1844 : i32
      %get3A_1846 = arith.constant 2512 : index
      %get3A_1847 = tpu.vector_load %arg11[%get3A_1846] {strides = array<i32>} : memref<4096xf32, #tpu.memory_space<vmem>>, vector<16xf32>,
      %le3A_1848 = vector.broadcast %bitcast_convert_type3A_592 : f32 to vector<16xf32>
      %le3A_1849 = arith.cmpf ole, %get3A_1847, %le3A_1848 : vector<16xf32>
      %all_reduce_population_count3A_1850 = tpu.all_reduce %le3A_1849 {dim = 0 : i64, kind = #tpu.reduction_kind<sum>} : vector<16xi1> -> vector<16xi32>
      %slice3A_1851 = vector.extract_strided_slice %all_reduce_population_count3A_1850 {offsets = [0], sizes = [1], strides = [1]} : vector<16xi32> to vector<1xi32>
      %squeeze3A_1852 = vector.extract %slice3A_1851[0] : i32 from vector<1xi32>
      %add3A_1853 = arith.addi %add3A_1845, %squeeze3A_1852 : i32
      %get3A_1854 = arith.constant 2528 : index
      %get3A_1855 = tpu.vector_load %arg11[%get3A_1854] {strides = array<i32>} : memref<4096xf32, #tpu.memory_space<vmem>>, vector<16xf32>,
      %le3A_1856 = vector.broadcast %bitcast_convert_type3A_592 : f32 to vector<16xf32>
      %le3A_1857 = arith.cmpf ole, %get3A_1855, %le3A_1856 : vector<16xf32>
      %all_reduce_population_count3A_1858 = tpu.all_reduce %le3A_1857 {dim = 0 : i64, kind = #tpu.reduction_kind<sum>} : vector<16xi1> -> vector<16xi32>
      %slice3A_1859 = vector.extract_strided_slice %all_reduce_population_count3A_1858 {offsets = [0], sizes = [1], strides = [1]} : vector<16xi32> to vector<1xi32>
      %squeeze3A_1860 = vector.extract %slice3A_1859[0] : i32 from vector<1xi32>
      %add3A_1861 = arith.addi %add3A_1853, %squeeze3A_1860 : i32
      %get3A_1862 = arith.constant 2544 : index
      %get3A_1863 = tpu.vector_load %arg11[%get3A_1862] {strides = array<i32>} : memref<4096xf32, #tpu.memory_space<vmem>>, vector<16xf32>,
      %le3A_1864 = vector.broadcast %bitcast_convert_type3A_592 : f32 to vector<16xf32>
      %le3A_1865 = arith.cmpf ole, %get3A_1863, %le3A_1864 : vector<16xf32>
      %all_reduce_population_count3A_1866 = tpu.all_reduce %le3A_1865 {dim = 0 : i64, kind = #tpu.reduction_kind<sum>} : vector<16xi1> -> vector<16xi32>
      %slice3A_1867 = vector.extract_strided_slice %all_reduce_population_count3A_1866 {offsets = [0], sizes = [1], strides = [1]} : vector<16xi32> to vector<1xi32>
      %squeeze3A_1868 = vector.extract %slice3A_1867[0] : i32 from vector<1xi32>
      %add3A_1869 = arith.addi %add3A_1861, %squeeze3A_1868 : i32
      %get3A_1870 = arith.constant 2560 : index
      %get3A_1871 = tpu.vector_load %arg11[%get3A_1870] {strides = array<i32>} : memref<4096xf32, #tpu.memory_space<vmem>>, vector<16xf32>,
      %le3A_1872 = vector.broadcast %bitcast_convert_type3A_592 : f32 to vector<16xf32>
      %le3A_1873 = arith.cmpf ole, %get3A_1871, %le3A_1872 : vector<16xf32>
      %all_reduce_population_count3A_1874 = tpu.all_reduce %le3A_1873 {dim = 0 : i64, kind = #tpu.reduction_kind<sum>} : vector<16xi1> -> vector<16xi32>
      %slice3A_1875 = vector.extract_strided_slice %all_reduce_population_count3A_1874 {offsets = [0], sizes = [1], strides = [1]} : vector<16xi32> to vector<1xi32>
      %squeeze3A_1876 = vector.extract %slice3A_1875[0] : i32 from vector<1xi32>
      %add3A_1877 = arith.addi %add3A_1869, %squeeze3A_1876 : i32
      %get3A_1878 = arith.constant 2576 : index
      %get3A_1879 = tpu.vector_load %arg11[%get3A_1878] {strides = array<i32>} : memref<4096xf32, #tpu.memory_space<vmem>>, vector<16xf32>,
      %le3A_1880 = vector.broadcast %bitcast_convert_type3A_592 : f32 to vector<16xf32>
      %le3A_1881 = arith.cmpf ole, %get3A_1879, %le3A_1880 : vector<16xf32>
      %all_reduce_population_count3A_1882 = tpu.all_reduce %le3A_1881 {dim = 0 : i64, kind = #tpu.reduction_kind<sum>} : vector<16xi1> -> vector<16xi32>
      %slice3A_1883 = vector.extract_strided_slice %all_reduce_population_count3A_1882 {offsets = [0], sizes = [1], strides = [1]} : vector<16xi32> to vector<1xi32>
      %squeeze3A_1884 = vector.extract %slice3A_1883[0] : i32 from vector<1xi32>
      %add3A_1885 = arith.addi %add3A_1877, %squeeze3A_1884 : i32
      %get3A_1886 = arith.constant 2592 : index
      %get3A_1887 = tpu.vector_load %arg11[%get3A_1886] {strides = array<i32>} : memref<4096xf32, #tpu.memory_space<vmem>>, vector<16xf32>,
      %le3A_1888 = vector.broadcast %bitcast_convert_type3A_592 : f32 to vector<16xf32>
      %le3A_1889 = arith.cmpf ole, %get3A_1887, %le3A_1888 : vector<16xf32>
      %all_reduce_population_count3A_1890 = tpu.all_reduce %le3A_1889 {dim = 0 : i64, kind = #tpu.reduction_kind<sum>} : vector<16xi1> -> vector<16xi32>
      %slice3A_1891 = vector.extract_strided_slice %all_reduce_population_count3A_1890 {offsets = [0], sizes = [1], strides = [1]} : vector<16xi32> to vector<1xi32>
      %squeeze3A_1892 = vector.extract %slice3A_1891[0] : i32 from vector<1xi32>
      %add3A_1893 = arith.addi %add3A_1885, %squeeze3A_1892 : i32
      %get3A_1894 = arith.constant 2608 : index
      %get3A_1895 = tpu.vector_load %arg11[%get3A_1894] {strides = array<i32>} : memref<4096xf32, #tpu.memory_space<vmem>>, vector<16xf32>,
      %le3A_1896 = vector.broadcast %bitcast_convert_type3A_592 : f32 to vector<16xf32>
      %le3A_1897 = arith.cmpf ole, %get3A_1895, %le3A_1896 : vector<16xf32>
      %all_reduce_population_count3A_1898 = tpu.all_reduce %le3A_1897 {dim = 0 : i64, kind = #tpu.reduction_kind<sum>} : vector<16xi1> -> vector<16xi32>
      %slice3A_1899 = vector.extract_strided_slice %all_reduce_population_count3A_1898 {offsets = [0], sizes = [1], strides = [1]} : vector<16xi32> to vector<1xi32>
      %squeeze3A_1900 = vector.extract %slice3A_1899[0] : i32 from vector<1xi32>
      %add3A_1901 = arith.addi %add3A_1893, %squeeze3A_1900 : i32
      %get3A_1902 = arith.constant 2624 : index
      %get3A_1903 = tpu.vector_load %arg11[%get3A_1902] {strides = array<i32>} : memref<4096xf32, #tpu.memory_space<vmem>>, vector<16xf32>,
      %le3A_1904 = vector.broadcast %bitcast_convert_type3A_592 : f32 to vector<16xf32>
      %le3A_1905 = arith.cmpf ole, %get3A_1903, %le3A_1904 : vector<16xf32>
      %all_reduce_population_count3A_1906 = tpu.all_reduce %le3A_1905 {dim = 0 : i64, kind = #tpu.reduction_kind<sum>} : vector<16xi1> -> vector<16xi32>
      %slice3A_1907 = vector.extract_strided_slice %all_reduce_population_count3A_1906 {offsets = [0], sizes = [1], strides = [1]} : vector<16xi32> to vector<1xi32>
      %squeeze3A_1908 = vector.extract %slice3A_1907[0] : i32 from vector<1xi32>
      %add3A_1909 = arith.addi %add3A_1901, %squeeze3A_1908 : i32
      %get3A_1910 = arith.constant 2640 : index
      %get3A_1911 = tpu.vector_load %arg11[%get3A_1910] {strides = array<i32>} : memref<4096xf32, #tpu.memory_space<vmem>>, vector<16xf32>,
      %le3A_1912 = vector.broadcast %bitcast_convert_type3A_592 : f32 to vector<16xf32>
      %le3A_1913 = arith.cmpf ole, %get3A_1911, %le3A_1912 : vector<16xf32>
      %all_reduce_population_count3A_1914 = tpu.all_reduce %le3A_1913 {dim = 0 : i64, kind = #tpu.reduction_kind<sum>} : vector<16xi1> -> vector<16xi32>
      %slice3A_1915 = vector.extract_strided_slice %all_reduce_population_count3A_1914 {offsets = [0], sizes = [1], strides = [1]} : vector<16xi32> to vector<1xi32>
      %squeeze3A_1916 = vector.extract %slice3A_1915[0] : i32 from vector<1xi32>
      %add3A_1917 = arith.addi %add3A_1909, %squeeze3A_1916 : i32
      %get3A_1918 = arith.constant 2656 : index
      %get3A_1919 = tpu.vector_load %arg11[%get3A_1918] {strides = array<i32>} : memref<4096xf32, #tpu.memory_space<vmem>>, vector<16xf32>,
      %le3A_1920 = vector.broadcast %bitcast_convert_type3A_592 : f32 to vector<16xf32>
      %le3A_1921 = arith.cmpf ole, %get3A_1919, %le3A_1920 : vector<16xf32>
      %all_reduce_population_count3A_1922 = tpu.all_reduce %le3A_1921 {dim = 0 : i64, kind = #tpu.reduction_kind<sum>} : vector<16xi1> -> vector<16xi32>
      %slice3A_1923 = vector.extract_strided_slice %all_reduce_population_count3A_1922 {offsets = [0], sizes = [1], strides = [1]} : vector<16xi32> to vector<1xi32>
      %squeeze3A_1924 = vector.extract %slice3A_1923[0] : i32 from vector<1xi32>
      %add3A_1925 = arith.addi %add3A_1917, %squeeze3A_1924 : i32
      %get3A_1926 = arith.constant 2672 : index
      %get3A_1927 = tpu.vector_load %arg11[%get3A_1926] {strides = array<i32>} : memref<4096xf32, #tpu.memory_space<vmem>>, vector<16xf32>,
      %le3A_1928 = vector.broadcast %bitcast_convert_type3A_592 : f32 to vector<16xf32>
      %le3A_1929 = arith.cmpf ole, %get3A_1927, %le3A_1928 : vector<16xf32>
      %all_reduce_population_count3A_1930 = tpu.all_reduce %le3A_1929 {dim = 0 : i64, kind = #tpu.reduction_kind<sum>} : vector<16xi1> -> vector<16xi32>
      %slice3A_1931 = vector.extract_strided_slice %all_reduce_population_count3A_1930 {offsets = [0], sizes = [1], strides = [1]} : vector<16xi32> to vector<1xi32>
      %squeeze3A_1932 = vector.extract %slice3A_1931[0] : i32 from vector<1xi32>
      %add3A_1933 = arith.addi %add3A_1925, %squeeze3A_1932 : i32
      %get3A_1934 = arith.constant 2688 : index
      %get3A_1935 = tpu.vector_load %arg11[%get3A_1934] {strides = array<i32>} : memref<4096xf32, #tpu.memory_space<vmem>>, vector<16xf32>,
      %le3A_1936 = vector.broadcast %bitcast_convert_type3A_592 : f32 to vector<16xf32>
      %le3A_1937 = arith.cmpf ole, %get3A_1935, %le3A_1936 : vector<16xf32>
      %all_reduce_population_count3A_1938 = tpu.all_reduce %le3A_1937 {dim = 0 : i64, kind = #tpu.reduction_kind<sum>} : vector<16xi1> -> vector<16xi32>
      %slice3A_1939 = vector.extract_strided_slice %all_reduce_population_count3A_1938 {offsets = [0], sizes = [1], strides = [1]} : vector<16xi32> to vector<1xi32>
      %squeeze3A_1940 = vector.extract %slice3A_1939[0] : i32 from vector<1xi32>
      %add3A_1941 = arith.addi %add3A_1933, %squeeze3A_1940 : i32
      %get3A_1942 = arith.constant 2704 : index
      %get3A_1943 = tpu.vector_load %arg11[%get3A_1942] {strides = array<i32>} : memref<4096xf32, #tpu.memory_space<vmem>>, vector<16xf32>,
      %le3A_1944 = vector.broadcast %bitcast_convert_type3A_592 : f32 to vector<16xf32>
      %le3A_1945 = arith.cmpf ole, %get3A_1943, %le3A_1944 : vector<16xf32>
      %all_reduce_population_count3A_1946 = tpu.all_reduce %le3A_1945 {dim = 0 : i64, kind = #tpu.reduction_kind<sum>} : vector<16xi1> -> vector<16xi32>
      %slice3A_1947 = vector.extract_strided_slice %all_reduce_population_count3A_1946 {offsets = [0], sizes = [1], strides = [1]} : vector<16xi32> to vector<1xi32>
      %squeeze3A_1948 = vector.extract %slice3A_1947[0] : i32 from vector<1xi32>
      %add3A_1949 = arith.addi %add3A_1941, %squeeze3A_1948 : i32
      %get3A_1950 = arith.constant 2720 : index
      %get3A_1951 = tpu.vector_load %arg11[%get3A_1950] {strides = array<i32>} : memref<4096xf32, #tpu.memory_space<vmem>>, vector<16xf32>,
      %le3A_1952 = vector.broadcast %bitcast_convert_type3A_592 : f32 to vector<16xf32>
      %le3A_1953 = arith.cmpf ole, %get3A_1951, %le3A_1952 : vector<16xf32>
      %all_reduce_population_count3A_1954 = tpu.all_reduce %le3A_1953 {dim = 0 : i64, kind = #tpu.reduction_kind<sum>} : vector<16xi1> -> vector<16xi32>
      %slice3A_1955 = vector.extract_strided_slice %all_reduce_population_count3A_1954 {offsets = [0], sizes = [1], strides = [1]} : vector<16xi32> to vector<1xi32>
      %squeeze3A_1956 = vector.extract %slice3A_1955[0] : i32 from vector<1xi32>
      %add3A_1957 = arith.addi %add3A_1949, %squeeze3A_1956 : i32
      %get3A_1958 = arith.constant 2736 : index
      %get3A_1959 = tpu.vector_load %arg11[%get3A_1958] {strides = array<i32>} : memref<4096xf32, #tpu.memory_space<vmem>>, vector<16xf32>,
      %le3A_1960 = vector.broadcast %bitcast_convert_type3A_592 : f32 to vector<16xf32>
      %le3A_1961 = arith.cmpf ole, %get3A_1959, %le3A_1960 : vector<16xf32>
      %all_reduce_population_count3A_1962 = tpu.all_reduce %le3A_1961 {dim = 0 : i64, kind = #tpu.reduction_kind<sum>} : vector<16xi1> -> vector<16xi32>
      %slice3A_1963 = vector.extract_strided_slice %all_reduce_population_count3A_1962 {offsets = [0], sizes = [1], strides = [1]} : vector<16xi32> to vector<1xi32>
      %squeeze3A_1964 = vector.extract %slice3A_1963[0] : i32 from vector<1xi32>
      %add3A_1965 = arith.addi %add3A_1957, %squeeze3A_1964 : i32
      %get3A_1966 = arith.constant 2752 : index
      %get3A_1967 = tpu.vector_load %arg11[%get3A_1966] {strides = array<i32>} : memref<4096xf32, #tpu.memory_space<vmem>>, vector<16xf32>,
      %le3A_1968 = vector.broadcast %bitcast_convert_type3A_592 : f32 to vector<16xf32>
      %le3A_1969 = arith.cmpf ole, %get3A_1967, %le3A_1968 : vector<16xf32>
      %all_reduce_population_count3A_1970 = tpu.all_reduce %le3A_1969 {dim = 0 : i64, kind = #tpu.reduction_kind<sum>} : vector<16xi1> -> vector<16xi32>
      %slice3A_1971 = vector.extract_strided_slice %all_reduce_population_count3A_1970 {offsets = [0], sizes = [1], strides = [1]} : vector<16xi32> to vector<1xi32>
      %squeeze3A_1972 = vector.extract %slice3A_1971[0] : i32 from vector<1xi32>
      %add3A_1973 = arith.addi %add3A_1965, %squeeze3A_1972 : i32
      %get3A_1974 = arith.constant 2768 : index
      %get3A_1975 = tpu.vector_load %arg11[%get3A_1974] {strides = array<i32>} : memref<4096xf32, #tpu.memory_space<vmem>>, vector<16xf32>,
      %le3A_1976 = vector.broadcast %bitcast_convert_type3A_592 : f32 to vector<16xf32>
      %le3A_1977 = arith.cmpf ole, %get3A_1975, %le3A_1976 : vector<16xf32>
      %all_reduce_population_count3A_1978 = tpu.all_reduce %le3A_1977 {dim = 0 : i64, kind = #tpu.reduction_kind<sum>} : vector<16xi1> -> vector<16xi32>
      %slice3A_1979 = vector.extract_strided_slice %all_reduce_population_count3A_1978 {offsets = [0], sizes = [1], strides = [1]} : vector<16xi32> to vector<1xi32>
      %squeeze3A_1980 = vector.extract %slice3A_1979[0] : i32 from vector<1xi32>
      %add3A_1981 = arith.addi %add3A_1973, %squeeze3A_1980 : i32
      %get3A_1982 = arith.constant 2784 : index
      %get3A_1983 = tpu.vector_load %arg11[%get3A_1982] {strides = array<i32>} : memref<4096xf32, #tpu.memory_space<vmem>>, vector<16xf32>,
      %le3A_1984 = vector.broadcast %bitcast_convert_type3A_592 : f32 to vector<16xf32>
      %le3A_1985 = arith.cmpf ole, %get3A_1983, %le3A_1984 : vector<16xf32>
      %all_reduce_population_count3A_1986 = tpu.all_reduce %le3A_1985 {dim = 0 : i64, kind = #tpu.reduction_kind<sum>} : vector<16xi1> -> vector<16xi32>
      %slice3A_1987 = vector.extract_strided_slice %all_reduce_population_count3A_1986 {offsets = [0], sizes = [1], strides = [1]} : vector<16xi32> to vector<1xi32>
      %squeeze3A_1988 = vector.extract %slice3A_1987[0] : i32 from vector<1xi32>
      %add3A_1989 = arith.addi %add3A_1981, %squeeze3A_1988 : i32
      %get3A_1990 = arith.constant 2800 : index
      %get3A_1991 = tpu.vector_load %arg11[%get3A_1990] {strides = array<i32>} : memref<4096xf32, #tpu.memory_space<vmem>>, vector<16xf32>,
      %le3A_1992 = vector.broadcast %bitcast_convert_type3A_592 : f32 to vector<16xf32>
      %le3A_1993 = arith.cmpf ole, %get3A_1991, %le3A_1992 : vector<16xf32>
      %all_reduce_population_count3A_1994 = tpu.all_reduce %le3A_1993 {dim = 0 : i64, kind = #tpu.reduction_kind<sum>} : vector<16xi1> -> vector<16xi32>
      %slice3A_1995 = vector.extract_strided_slice %all_reduce_population_count3A_1994 {offsets = [0], sizes = [1], strides = [1]} : vector<16xi32> to vector<1xi32>
      %squeeze3A_1996 = vector.extract %slice3A_1995[0] : i32 from vector<1xi32>
      %add3A_1997 = arith.addi %add3A_1989, %squeeze3A_1996 : i32
      %get3A_1998 = arith.constant 2816 : index
      %get3A_1999 = tpu.vector_load %arg11[%get3A_1998] {strides = array<i32>} : memref<4096xf32, #tpu.memory_space<vmem>>, vector<16xf32>,
      %le3A_2000 = vector.broadcast %bitcast_convert_type3A_592 : f32 to vector<16xf32>
      %le3A_2001 = arith.cmpf ole, %get3A_1999, %le3A_2000 : vector<16xf32>
      %all_reduce_population_count3A_2002 = tpu.all_reduce %le3A_2001 {dim = 0 : i64, kind = #tpu.reduction_kind<sum>} : vector<16xi1> -> vector<16xi32>
      %slice3A_2003 = vector.extract_strided_slice %all_reduce_population_count3A_2002 {offsets = [0], sizes = [1], strides = [1]} : vector<16xi32> to vector<1xi32>
      %squeeze3A_2004 = vector.extract %slice3A_2003[0] : i32 from vector<1xi32>
      %add3A_2005 = arith.addi %add3A_1997, %squeeze3A_2004 : i32
      %get3A_2006 = arith.constant 2832 : index
      %get3A_2007 = tpu.vector_load %arg11[%get3A_2006] {strides = array<i32>} : memref<4096xf32, #tpu.memory_space<vmem>>, vector<16xf32>,
      %le3A_2008 = vector.broadcast %bitcast_convert_type3A_592 : f32 to vector<16xf32>
      %le3A_2009 = arith.cmpf ole, %get3A_2007, %le3A_2008 : vector<16xf32>
      %all_reduce_population_count3A_2010 = tpu.all_reduce %le3A_2009 {dim = 0 : i64, kind = #tpu.reduction_kind<sum>} : vector<16xi1> -> vector<16xi32>
      %slice3A_2011 = vector.extract_strided_slice %all_reduce_population_count3A_2010 {offsets = [0], sizes = [1], strides = [1]} : vector<16xi32> to vector<1xi32>
      %squeeze3A_2012 = vector.extract %slice3A_2011[0] : i32 from vector<1xi32>
      %add3A_2013 = arith.addi %add3A_2005, %squeeze3A_2012 : i32
      %get3A_2014 = arith.constant 2848 : index
      %get3A_2015 = tpu.vector_load %arg11[%get3A_2014] {strides = array<i32>} : memref<4096xf32, #tpu.memory_space<vmem>>, vector<16xf32>,
      %le3A_2016 = vector.broadcast %bitcast_convert_type3A_592 : f32 to vector<16xf32>
      %le3A_2017 = arith.cmpf ole, %get3A_2015, %le3A_2016 : vector<16xf32>
      %all_reduce_population_count3A_2018 = tpu.all_reduce %le3A_2017 {dim = 0 : i64, kind = #tpu.reduction_kind<sum>} : vector<16xi1> -> vector<16xi32>
      %slice3A_2019 = vector.extract_strided_slice %all_reduce_population_count3A_2018 {offsets = [0], sizes = [1], strides = [1]} : vector<16xi32> to vector<1xi32>
      %squeeze3A_2020 = vector.extract %slice3A_2019[0] : i32 from vector<1xi32>
      %add3A_2021 = arith.addi %add3A_2013, %squeeze3A_2020 : i32
      %get3A_2022 = arith.constant 2864 : index
      %get3A_2023 = tpu.vector_load %arg11[%get3A_2022] {strides = array<i32>} : memref<4096xf32, #tpu.memory_space<vmem>>, vector<16xf32>,
      %le3A_2024 = vector.broadcast %bitcast_convert_type3A_592 : f32 to vector<16xf32>
      %le3A_2025 = arith.cmpf ole, %get3A_2023, %le3A_2024 : vector<16xf32>
      %all_reduce_population_count3A_2026 = tpu.all_reduce %le3A_2025 {dim = 0 : i64, kind = #tpu.reduction_kind<sum>} : vector<16xi1> -> vector<16xi32>
      %slice3A_2027 = vector.extract_strided_slice %all_reduce_population_count3A_2026 {offsets = [0], sizes = [1], strides = [1]} : vector<16xi32> to vector<1xi32>
      %squeeze3A_2028 = vector.extract %slice3A_2027[0] : i32 from vector<1xi32>
      %add3A_2029 = arith.addi %add3A_2021, %squeeze3A_2028 : i32
      %get3A_2030 = arith.constant 2880 : index
      %get3A_2031 = tpu.vector_load %arg11[%get3A_2030] {strides = array<i32>} : memref<4096xf32, #tpu.memory_space<vmem>>, vector<16xf32>,
      %le3A_2032 = vector.broadcast %bitcast_convert_type3A_592 : f32 to vector<16xf32>
      %le3A_2033 = arith.cmpf ole, %get3A_2031, %le3A_2032 : vector<16xf32>
      %all_reduce_population_count3A_2034 = tpu.all_reduce %le3A_2033 {dim = 0 : i64, kind = #tpu.reduction_kind<sum>} : vector<16xi1> -> vector<16xi32>
      %slice3A_2035 = vector.extract_strided_slice %all_reduce_population_count3A_2034 {offsets = [0], sizes = [1], strides = [1]} : vector<16xi32> to vector<1xi32>
      %squeeze3A_2036 = vector.extract %slice3A_2035[0] : i32 from vector<1xi32>
      %add3A_2037 = arith.addi %add3A_2029, %squeeze3A_2036 : i32
      %get3A_2038 = arith.constant 2896 : index
      %get3A_2039 = tpu.vector_load %arg11[%get3A_2038] {strides = array<i32>} : memref<4096xf32, #tpu.memory_space<vmem>>, vector<16xf32>,
      %le3A_2040 = vector.broadcast %bitcast_convert_type3A_592 : f32 to vector<16xf32>
      %le3A_2041 = arith.cmpf ole, %get3A_2039, %le3A_2040 : vector<16xf32>
      %all_reduce_population_count3A_2042 = tpu.all_reduce %le3A_2041 {dim = 0 : i64, kind = #tpu.reduction_kind<sum>} : vector<16xi1> -> vector<16xi32>
      %slice3A_2043 = vector.extract_strided_slice %all_reduce_population_count3A_2042 {offsets = [0], sizes = [1], strides = [1]} : vector<16xi32> to vector<1xi32>
      %squeeze3A_2044 = vector.extract %slice3A_2043[0] : i32 from vector<1xi32>
      %add3A_2045 = arith.addi %add3A_2037, %squeeze3A_2044 : i32
      %get3A_2046 = arith.constant 2912 : index
      %get3A_2047 = tpu.vector_load %arg11[%get3A_2046] {strides = array<i32>} : memref<4096xf32, #tpu.memory_space<vmem>>, vector<16xf32>,
      %le3A_2048 = vector.broadcast %bitcast_convert_type3A_592 : f32 to vector<16xf32>
      %le3A_2049 = arith.cmpf ole, %get3A_2047, %le3A_2048 : vector<16xf32>
      %all_reduce_population_count3A_2050 = tpu.all_reduce %le3A_2049 {dim = 0 : i64, kind = #tpu.reduction_kind<sum>} : vector<16xi1> -> vector<16xi32>
      %slice3A_2051 = vector.extract_strided_slice %all_reduce_population_count3A_2050 {offsets = [0], sizes = [1], strides = [1]} : vector<16xi32> to vector<1xi32>
      %squeeze3A_2052 = vector.extract %slice3A_2051[0] : i32 from vector<1xi32>
      %add3A_2053 = arith.addi %add3A_2045, %squeeze3A_2052 : i32
      %get3A_2054 = arith.constant 2928 : index
      %get3A_2055 = tpu.vector_load %arg11[%get3A_2054] {strides = array<i32>} : memref<4096xf32, #tpu.memory_space<vmem>>, vector<16xf32>,
      %le3A_2056 = vector.broadcast %bitcast_convert_type3A_592 : f32 to vector<16xf32>
      %le3A_2057 = arith.cmpf ole, %get3A_2055, %le3A_2056 : vector<16xf32>
      %all_reduce_population_count3A_2058 = tpu.all_reduce %le3A_2057 {dim = 0 : i64, kind = #tpu.reduction_kind<sum>} : vector<16xi1> -> vector<16xi32>
      %slice3A_2059 = vector.extract_strided_slice %all_reduce_population_count3A_2058 {offsets = [0], sizes = [1], strides = [1]} : vector<16xi32> to vector<1xi32>
      %squeeze3A_2060 = vector.extract %slice3A_2059[0] : i32 from vector<1xi32>
      %add3A_2061 = arith.addi %add3A_2053, %squeeze3A_2060 : i32
      %get3A_2062 = arith.constant 2944 : index
      %get3A_2063 = tpu.vector_load %arg11[%get3A_2062] {strides = array<i32>} : memref<4096xf32, #tpu.memory_space<vmem>>, vector<16xf32>,
      %le3A_2064 = vector.broadcast %bitcast_convert_type3A_592 : f32 to vector<16xf32>
      %le3A_2065 = arith.cmpf ole, %get3A_2063, %le3A_2064 : vector<16xf32>
      %all_reduce_population_count3A_2066 = tpu.all_reduce %le3A_2065 {dim = 0 : i64, kind = #tpu.reduction_kind<sum>} : vector<16xi1> -> vector<16xi32>
      %slice3A_2067 = vector.extract_strided_slice %all_reduce_population_count3A_2066 {offsets = [0], sizes = [1], strides = [1]} : vector<16xi32> to vector<1xi32>
      %squeeze3A_2068 = vector.extract %slice3A_2067[0] : i32 from vector<1xi32>
      %add3A_2069 = arith.addi %add3A_2061, %squeeze3A_2068 : i32
      %get3A_2070 = arith.constant 2960 : index
      %get3A_2071 = tpu.vector_load %arg11[%get3A_2070] {strides = array<i32>} : memref<4096xf32, #tpu.memory_space<vmem>>, vector<16xf32>,
      %le3A_2072 = vector.broadcast %bitcast_convert_type3A_592 : f32 to vector<16xf32>
      %le3A_2073 = arith.cmpf ole, %get3A_2071, %le3A_2072 : vector<16xf32>
      %all_reduce_population_count3A_2074 = tpu.all_reduce %le3A_2073 {dim = 0 : i64, kind = #tpu.reduction_kind<sum>} : vector<16xi1> -> vector<16xi32>
      %slice3A_2075 = vector.extract_strided_slice %all_reduce_population_count3A_2074 {offsets = [0], sizes = [1], strides = [1]} : vector<16xi32> to vector<1xi32>
      %squeeze3A_2076 = vector.extract %slice3A_2075[0] : i32 from vector<1xi32>
      %add3A_2077 = arith.addi %add3A_2069, %squeeze3A_2076 : i32
      %get3A_2078 = arith.constant 2976 : index
      %get3A_2079 = tpu.vector_load %arg11[%get3A_2078] {strides = array<i32>} : memref<4096xf32, #tpu.memory_space<vmem>>, vector<16xf32>,
      %le3A_2080 = vector.broadcast %bitcast_convert_type3A_592 : f32 to vector<16xf32>
      %le3A_2081 = arith.cmpf ole, %get3A_2079, %le3A_2080 : vector<16xf32>
      %all_reduce_population_count3A_2082 = tpu.all_reduce %le3A_2081 {dim = 0 : i64, kind = #tpu.reduction_kind<sum>} : vector<16xi1> -> vector<16xi32>
      %slice3A_2083 = vector.extract_strided_slice %all_reduce_population_count3A_2082 {offsets = [0], sizes = [1], strides = [1]} : vector<16xi32> to vector<1xi32>
      %squeeze3A_2084 = vector.extract %slice3A_2083[0] : i32 from vector<1xi32>
      %add3A_2085 = arith.addi %add3A_2077, %squeeze3A_2084 : i32
      %get3A_2086 = arith.constant 2992 : index
      %get3A_2087 = tpu.vector_load %arg11[%get3A_2086] {strides = array<i32>} : memref<4096xf32, #tpu.memory_space<vmem>>, vector<16xf32>,
      %le3A_2088 = vector.broadcast %bitcast_convert_type3A_592 : f32 to vector<16xf32>
      %le3A_2089 = arith.cmpf ole, %get3A_2087, %le3A_2088 : vector<16xf32>
      %all_reduce_population_count3A_2090 = tpu.all_reduce %le3A_2089 {dim = 0 : i64, kind = #tpu.reduction_kind<sum>} : vector<16xi1> -> vector<16xi32>
      %slice3A_2091 = vector.extract_strided_slice %all_reduce_population_count3A_2090 {offsets = [0], sizes = [1], strides = [1]} : vector<16xi32> to vector<1xi32>
      %squeeze3A_2092 = vector.extract %slice3A_2091[0] : i32 from vector<1xi32>
      %add3A_2093 = arith.addi %add3A_2085, %squeeze3A_2092 : i32
      %get3A_2094 = arith.constant 3008 : index
      %get3A_2095 = tpu.vector_load %arg11[%get3A_2094] {strides = array<i32>} : memref<4096xf32, #tpu.memory_space<vmem>>, vector<16xf32>,
      %le3A_2096 = vector.broadcast %bitcast_convert_type3A_592 : f32 to vector<16xf32>
      %le3A_2097 = arith.cmpf ole, %get3A_2095, %le3A_2096 : vector<16xf32>
      %all_reduce_population_count3A_2098 = tpu.all_reduce %le3A_2097 {dim = 0 : i64, kind = #tpu.reduction_kind<sum>} : vector<16xi1> -> vector<16xi32>
      %slice3A_2099 = vector.extract_strided_slice %all_reduce_population_count3A_2098 {offsets = [0], sizes = [1], strides = [1]} : vector<16xi32> to vector<1xi32>
      %squeeze3A_2100 = vector.extract %slice3A_2099[0] : i32 from vector<1xi32>
      %add3A_2101 = arith.addi %add3A_2093, %squeeze3A_2100 : i32
      %get3A_2102 = arith.constant 3024 : index
      %get3A_2103 = tpu.vector_load %arg11[%get3A_2102] {strides = array<i32>} : memref<4096xf32, #tpu.memory_space<vmem>>, vector<16xf32>,
      %le3A_2104 = vector.broadcast %bitcast_convert_type3A_592 : f32 to vector<16xf32>
      %le3A_2105 = arith.cmpf ole, %get3A_2103, %le3A_2104 : vector<16xf32>
      %all_reduce_population_count3A_2106 = tpu.all_reduce %le3A_2105 {dim = 0 : i64, kind = #tpu.reduction_kind<sum>} : vector<16xi1> -> vector<16xi32>
      %slice3A_2107 = vector.extract_strided_slice %all_reduce_population_count3A_2106 {offsets = [0], sizes = [1], strides = [1]} : vector<16xi32> to vector<1xi32>
      %squeeze3A_2108 = vector.extract %slice3A_2107[0] : i32 from vector<1xi32>
      %add3A_2109 = arith.addi %add3A_2101, %squeeze3A_2108 : i32
      %get3A_2110 = arith.constant 3040 : index
      %get3A_2111 = tpu.vector_load %arg11[%get3A_2110] {strides = array<i32>} : memref<4096xf32, #tpu.memory_space<vmem>>, vector<16xf32>,
      %le3A_2112 = vector.broadcast %bitcast_convert_type3A_592 : f32 to vector<16xf32>
      %le3A_2113 = arith.cmpf ole, %get3A_2111, %le3A_2112 : vector<16xf32>
      %all_reduce_population_count3A_2114 = tpu.all_reduce %le3A_2113 {dim = 0 : i64, kind = #tpu.reduction_kind<sum>} : vector<16xi1> -> vector<16xi32>
      %slice3A_2115 = vector.extract_strided_slice %all_reduce_population_count3A_2114 {offsets = [0], sizes = [1], strides = [1]} : vector<16xi32> to vector<1xi32>
      %squeeze3A_2116 = vector.extract %slice3A_2115[0] : i32 from vector<1xi32>
      %add3A_2117 = arith.addi %add3A_2109, %squeeze3A_2116 : i32
      %get3A_2118 = arith.constant 3056 : index
      %get3A_2119 = tpu.vector_load %arg11[%get3A_2118] {strides = array<i32>} : memref<4096xf32, #tpu.memory_space<vmem>>, vector<16xf32>,
      %le3A_2120 = vector.broadcast %bitcast_convert_type3A_592 : f32 to vector<16xf32>
      %le3A_2121 = arith.cmpf ole, %get3A_2119, %le3A_2120 : vector<16xf32>
      %all_reduce_population_count3A_2122 = tpu.all_reduce %le3A_2121 {dim = 0 : i64, kind = #tpu.reduction_kind<sum>} : vector<16xi1> -> vector<16xi32>
      %slice3A_2123 = vector.extract_strided_slice %all_reduce_population_count3A_2122 {offsets = [0], sizes = [1], strides = [1]} : vector<16xi32> to vector<1xi32>
      %squeeze3A_2124 = vector.extract %slice3A_2123[0] : i32 from vector<1xi32>
      %add3A_2125 = arith.addi %add3A_2117, %squeeze3A_2124 : i32
      %get3A_2126 = arith.constant 3072 : index
      %get3A_2127 = tpu.vector_load %arg11[%get3A_2126] {strides = array<i32>} : memref<4096xf32, #tpu.memory_space<vmem>>, vector<16xf32>,
      %le3A_2128 = vector.broadcast %bitcast_convert_type3A_592 : f32 to vector<16xf32>
      %le3A_2129 = arith.cmpf ole, %get3A_2127, %le3A_2128 : vector<16xf32>
      %all_reduce_population_count3A_2130 = tpu.all_reduce %le3A_2129 {dim = 0 : i64, kind = #tpu.reduction_kind<sum>} : vector<16xi1> -> vector<16xi32>
      %slice3A_2131 = vector.extract_strided_slice %all_reduce_population_count3A_2130 {offsets = [0], sizes = [1], strides = [1]} : vector<16xi32> to vector<1xi32>
      %squeeze3A_2132 = vector.extract %slice3A_2131[0] : i32 from vector<1xi32>
      %add3A_2133 = arith.addi %add3A_2125, %squeeze3A_2132 : i32
      %get3A_2134 = arith.constant 3088 : index
      %get3A_2135 = tpu.vector_load %arg11[%get3A_2134] {strides = array<i32>} : memref<4096xf32, #tpu.memory_space<vmem>>, vector<16xf32>,
      %le3A_2136 = vector.broadcast %bitcast_convert_type3A_592 : f32 to vector<16xf32>
      %le3A_2137 = arith.cmpf ole, %get3A_2135, %le3A_2136 : vector<16xf32>
      %all_reduce_population_count3A_2138 = tpu.all_reduce %le3A_2137 {dim = 0 : i64, kind = #tpu.reduction_kind<sum>} : vector<16xi1> -> vector<16xi32>
      %slice3A_2139 = vector.extract_strided_slice %all_reduce_population_count3A_2138 {offsets = [0], sizes = [1], strides = [1]} : vector<16xi32> to vector<1xi32>
      %squeeze3A_2140 = vector.extract %slice3A_2139[0] : i32 from vector<1xi32>
      %add3A_2141 = arith.addi %add3A_2133, %squeeze3A_2140 : i32
      %get3A_2142 = arith.constant 3104 : index
      %get3A_2143 = tpu.vector_load %arg11[%get3A_2142] {strides = array<i32>} : memref<4096xf32, #tpu.memory_space<vmem>>, vector<16xf32>,
      %le3A_2144 = vector.broadcast %bitcast_convert_type3A_592 : f32 to vector<16xf32>
      %le3A_2145 = arith.cmpf ole, %get3A_2143, %le3A_2144 : vector<16xf32>
      %all_reduce_population_count3A_2146 = tpu.all_reduce %le3A_2145 {dim = 0 : i64, kind = #tpu.reduction_kind<sum>} : vector<16xi1> -> vector<16xi32>
      %slice3A_2147 = vector.extract_strided_slice %all_reduce_population_count3A_2146 {offsets = [0], sizes = [1], strides = [1]} : vector<16xi32> to vector<1xi32>
      %squeeze3A_2148 = vector.extract %slice3A_2147[0] : i32 from vector<1xi32>
      %add3A_2149 = arith.addi %add3A_2141, %squeeze3A_2148 : i32
      %get3A_2150 = arith.constant 3120 : index
      %get3A_2151 = tpu.vector_load %arg11[%get3A_2150] {strides = array<i32>} : memref<4096xf32, #tpu.memory_space<vmem>>, vector<16xf32>,
      %le3A_2152 = vector.broadcast %bitcast_convert_type3A_592 : f32 to vector<16xf32>
      %le3A_2153 = arith.cmpf ole, %get3A_2151, %le3A_2152 : vector<16xf32>
      %all_reduce_population_count3A_2154 = tpu.all_reduce %le3A_2153 {dim = 0 : i64, kind = #tpu.reduction_kind<sum>} : vector<16xi1> -> vector<16xi32>
      %slice3A_2155 = vector.extract_strided_slice %all_reduce_population_count3A_2154 {offsets = [0], sizes = [1], strides = [1]} : vector<16xi32> to vector<1xi32>
      %squeeze3A_2156 = vector.extract %slice3A_2155[0] : i32 from vector<1xi32>
      %add3A_2157 = arith.addi %add3A_2149, %squeeze3A_2156 : i32
      %get3A_2158 = arith.constant 3136 : index
      %get3A_2159 = tpu.vector_load %arg11[%get3A_2158] {strides = array<i32>} : memref<4096xf32, #tpu.memory_space<vmem>>, vector<16xf32>,
      %le3A_2160 = vector.broadcast %bitcast_convert_type3A_592 : f32 to vector<16xf32>
      %le3A_2161 = arith.cmpf ole, %get3A_2159, %le3A_2160 : vector<16xf32>
      %all_reduce_population_count3A_2162 = tpu.all_reduce %le3A_2161 {dim = 0 : i64, kind = #tpu.reduction_kind<sum>} : vector<16xi1> -> vector<16xi32>
      %slice3A_2163 = vector.extract_strided_slice %all_reduce_population_count3A_2162 {offsets = [0], sizes = [1], strides = [1]} : vector<16xi32> to vector<1xi32>
      %squeeze3A_2164 = vector.extract %slice3A_2163[0] : i32 from vector<1xi32>
      %add3A_2165 = arith.addi %add3A_2157, %squeeze3A_2164 : i32
      %get3A_2166 = arith.constant 3152 : index
      %get3A_2167 = tpu.vector_load %arg11[%get3A_2166] {strides = array<i32>} : memref<4096xf32, #tpu.memory_space<vmem>>, vector<16xf32>,
      %le3A_2168 = vector.broadcast %bitcast_convert_type3A_592 : f32 to vector<16xf32>
      %le3A_2169 = arith.cmpf ole, %get3A_2167, %le3A_2168 : vector<16xf32>
      %all_reduce_population_count3A_2170 = tpu.all_reduce %le3A_2169 {dim = 0 : i64, kind = #tpu.reduction_kind<sum>} : vector<16xi1> -> vector<16xi32>
      %slice3A_2171 = vector.extract_strided_slice %all_reduce_population_count3A_2170 {offsets = [0], sizes = [1], strides = [1]} : vector<16xi32> to vector<1xi32>
      %squeeze3A_2172 = vector.extract %slice3A_2171[0] : i32 from vector<1xi32>
      %add3A_2173 = arith.addi %add3A_2165, %squeeze3A_2172 : i32
      %get3A_2174 = arith.constant 3168 : index
      %get3A_2175 = tpu.vector_load %arg11[%get3A_2174] {strides = array<i32>} : memref<4096xf32, #tpu.memory_space<vmem>>, vector<16xf32>,
      %le3A_2176 = vector.broadcast %bitcast_convert_type3A_592 : f32 to vector<16xf32>
      %le3A_2177 = arith.cmpf ole, %get3A_2175, %le3A_2176 : vector<16xf32>
      %all_reduce_population_count3A_2178 = tpu.all_reduce %le3A_2177 {dim = 0 : i64, kind = #tpu.reduction_kind<sum>} : vector<16xi1> -> vector<16xi32>
      %slice3A_2179 = vector.extract_strided_slice %all_reduce_population_count3A_2178 {offsets = [0], sizes = [1], strides = [1]} : vector<16xi32> to vector<1xi32>
      %squeeze3A_2180 = vector.extract %slice3A_2179[0] : i32 from vector<1xi32>
      %add3A_2181 = arith.addi %add3A_2173, %squeeze3A_2180 : i32
      %get3A_2182 = arith.constant 3184 : index
      %get3A_2183 = tpu.vector_load %arg11[%get3A_2182] {strides = array<i32>} : memref<4096xf32, #tpu.memory_space<vmem>>, vector<16xf32>,
      %le3A_2184 = vector.broadcast %bitcast_convert_type3A_592 : f32 to vector<16xf32>
      %le3A_2185 = arith.cmpf ole, %get3A_2183, %le3A_2184 : vector<16xf32>
      %all_reduce_population_count3A_2186 = tpu.all_reduce %le3A_2185 {dim = 0 : i64, kind = #tpu.reduction_kind<sum>} : vector<16xi1> -> vector<16xi32>
      %slice3A_2187 = vector.extract_strided_slice %all_reduce_population_count3A_2186 {offsets = [0], sizes = [1], strides = [1]} : vector<16xi32> to vector<1xi32>
      %squeeze3A_2188 = vector.extract %slice3A_2187[0] : i32 from vector<1xi32>
      %add3A_2189 = arith.addi %add3A_2181, %squeeze3A_2188 : i32
      %get3A_2190 = arith.constant 3200 : index
      %get3A_2191 = tpu.vector_load %arg11[%get3A_2190] {strides = array<i32>} : memref<4096xf32, #tpu.memory_space<vmem>>, vector<16xf32>,
      %le3A_2192 = vector.broadcast %bitcast_convert_type3A_592 : f32 to vector<16xf32>
      %le3A_2193 = arith.cmpf ole, %get3A_2191, %le3A_2192 : vector<16xf32>
      %all_reduce_population_count3A_2194 = tpu.all_reduce %le3A_2193 {dim = 0 : i64, kind = #tpu.reduction_kind<sum>} : vector<16xi1> -> vector<16xi32>
      %slice3A_2195 = vector.extract_strided_slice %all_reduce_population_count3A_2194 {offsets = [0], sizes = [1], strides = [1]} : vector<16xi32> to vector<1xi32>
      %squeeze3A_2196 = vector.extract %slice3A_2195[0] : i32 from vector<1xi32>
      %add3A_2197 = arith.addi %add3A_2189, %squeeze3A_2196 : i32
      %get3A_2198 = arith.constant 3216 : index
      %get3A_2199 = tpu.vector_load %arg11[%get3A_2198] {strides = array<i32>} : memref<4096xf32, #tpu.memory_space<vmem>>, vector<16xf32>,
      %le3A_2200 = vector.broadcast %bitcast_convert_type3A_592 : f32 to vector<16xf32>
      %le3A_2201 = arith.cmpf ole, %get3A_2199, %le3A_2200 : vector<16xf32>
      %all_reduce_population_count3A_2202 = tpu.all_reduce %le3A_2201 {dim = 0 : i64, kind = #tpu.reduction_kind<sum>} : vector<16xi1> -> vector<16xi32>
      %slice3A_2203 = vector.extract_strided_slice %all_reduce_population_count3A_2202 {offsets = [0], sizes = [1], strides = [1]} : vector<16xi32> to vector<1xi32>
      %squeeze3A_2204 = vector.extract %slice3A_2203[0] : i32 from vector<1xi32>
      %add3A_2205 = arith.addi %add3A_2197, %squeeze3A_2204 : i32
      %get3A_2206 = arith.constant 3232 : index
      %get3A_2207 = tpu.vector_load %arg11[%get3A_2206] {strides = array<i32>} : memref<4096xf32, #tpu.memory_space<vmem>>, vector<16xf32>,
      %le3A_2208 = vector.broadcast %bitcast_convert_type3A_592 : f32 to vector<16xf32>
      %le3A_2209 = arith.cmpf ole, %get3A_2207, %le3A_2208 : vector<16xf32>
      %all_reduce_population_count3A_2210 = tpu.all_reduce %le3A_2209 {dim = 0 : i64, kind = #tpu.reduction_kind<sum>} : vector<16xi1> -> vector<16xi32>
      %slice3A_2211 = vector.extract_strided_slice %all_reduce_population_count3A_2210 {offsets = [0], sizes = [1], strides = [1]} : vector<16xi32> to vector<1xi32>
      %squeeze3A_2212 = vector.extract %slice3A_2211[0] : i32 from vector<1xi32>
      %add3A_2213 = arith.addi %add3A_2205, %squeeze3A_2212 : i32
      %get3A_2214 = arith.constant 3248 : index
      %get3A_2215 = tpu.vector_load %arg11[%get3A_2214] {strides = array<i32>} : memref<4096xf32, #tpu.memory_space<vmem>>, vector<16xf32>,
      %le3A_2216 = vector.broadcast %bitcast_convert_type3A_592 : f32 to vector<16xf32>
      %le3A_2217 = arith.cmpf ole, %get3A_2215, %le3A_2216 : vector<16xf32>
      %all_reduce_population_count3A_2218 = tpu.all_reduce %le3A_2217 {dim = 0 : i64, kind = #tpu.reduction_kind<sum>} : vector<16xi1> -> vector<16xi32>
      %slice3A_2219 = vector.extract_strided_slice %all_reduce_population_count3A_2218 {offsets = [0], sizes = [1], strides = [1]} : vector<16xi32> to vector<1xi32>
      %squeeze3A_2220 = vector.extract %slice3A_2219[0] : i32 from vector<1xi32>
      %add3A_2221 = arith.addi %add3A_2213, %squeeze3A_2220 : i32
      %get3A_2222 = arith.constant 3264 : index
      %get3A_2223 = tpu.vector_load %arg11[%get3A_2222] {strides = array<i32>} : memref<4096xf32, #tpu.memory_space<vmem>>, vector<16xf32>,
      %le3A_2224 = vector.broadcast %bitcast_convert_type3A_592 : f32 to vector<16xf32>
      %le3A_2225 = arith.cmpf ole, %get3A_2223, %le3A_2224 : vector<16xf32>
      %all_reduce_population_count3A_2226 = tpu.all_reduce %le3A_2225 {dim = 0 : i64, kind = #tpu.reduction_kind<sum>} : vector<16xi1> -> vector<16xi32>
      %slice3A_2227 = vector.extract_strided_slice %all_reduce_population_count3A_2226 {offsets = [0], sizes = [1], strides = [1]} : vector<16xi32> to vector<1xi32>
      %squeeze3A_2228 = vector.extract %slice3A_2227[0] : i32 from vector<1xi32>
      %add3A_2229 = arith.addi %add3A_2221, %squeeze3A_2228 : i32
      %get3A_2230 = arith.constant 3280 : index
      %get3A_2231 = tpu.vector_load %arg11[%get3A_2230] {strides = array<i32>} : memref<4096xf32, #tpu.memory_space<vmem>>, vector<16xf32>,
      %le3A_2232 = vector.broadcast %bitcast_convert_type3A_592 : f32 to vector<16xf32>
      %le3A_2233 = arith.cmpf ole, %get3A_2231, %le3A_2232 : vector<16xf32>
      %all_reduce_population_count3A_2234 = tpu.all_reduce %le3A_2233 {dim = 0 : i64, kind = #tpu.reduction_kind<sum>} : vector<16xi1> -> vector<16xi32>
      %slice3A_2235 = vector.extract_strided_slice %all_reduce_population_count3A_2234 {offsets = [0], sizes = [1], strides = [1]} : vector<16xi32> to vector<1xi32>
      %squeeze3A_2236 = vector.extract %slice3A_2235[0] : i32 from vector<1xi32>
      %add3A_2237 = arith.addi %add3A_2229, %squeeze3A_2236 : i32
      %get3A_2238 = arith.constant 3296 : index
      %get3A_2239 = tpu.vector_load %arg11[%get3A_2238] {strides = array<i32>} : memref<4096xf32, #tpu.memory_space<vmem>>, vector<16xf32>,
      %le3A_2240 = vector.broadcast %bitcast_convert_type3A_592 : f32 to vector<16xf32>
      %le3A_2241 = arith.cmpf ole, %get3A_2239, %le3A_2240 : vector<16xf32>
      %all_reduce_population_count3A_2242 = tpu.all_reduce %le3A_2241 {dim = 0 : i64, kind = #tpu.reduction_kind<sum>} : vector<16xi1> -> vector<16xi32>
      %slice3A_2243 = vector.extract_strided_slice %all_reduce_population_count3A_2242 {offsets = [0], sizes = [1], strides = [1]} : vector<16xi32> to vector<1xi32>
      %squeeze3A_2244 = vector.extract %slice3A_2243[0] : i32 from vector<1xi32>
      %add3A_2245 = arith.addi %add3A_2237, %squeeze3A_2244 : i32
      %get3A_2246 = arith.constant 3312 : index
      %get3A_2247 = tpu.vector_load %arg11[%get3A_2246] {strides = array<i32>} : memref<4096xf32, #tpu.memory_space<vmem>>, vector<16xf32>,
      %le3A_2248 = vector.broadcast %bitcast_convert_type3A_592 : f32 to vector<16xf32>
      %le3A_2249 = arith.cmpf ole, %get3A_2247, %le3A_2248 : vector<16xf32>
      %all_reduce_population_count3A_2250 = tpu.all_reduce %le3A_2249 {dim = 0 : i64, kind = #tpu.reduction_kind<sum>} : vector<16xi1> -> vector<16xi32>
      %slice3A_2251 = vector.extract_strided_slice %all_reduce_population_count3A_2250 {offsets = [0], sizes = [1], strides = [1]} : vector<16xi32> to vector<1xi32>
      %squeeze3A_2252 = vector.extract %slice3A_2251[0] : i32 from vector<1xi32>
      %add3A_2253 = arith.addi %add3A_2245, %squeeze3A_2252 : i32
      %get3A_2254 = arith.constant 3328 : index
      %get3A_2255 = tpu.vector_load %arg11[%get3A_2254] {strides = array<i32>} : memref<4096xf32, #tpu.memory_space<vmem>>, vector<16xf32>,
      %le3A_2256 = vector.broadcast %bitcast_convert_type3A_592 : f32 to vector<16xf32>
      %le3A_2257 = arith.cmpf ole, %get3A_2255, %le3A_2256 : vector<16xf32>
      %all_reduce_population_count3A_2258 = tpu.all_reduce %le3A_2257 {dim = 0 : i64, kind = #tpu.reduction_kind<sum>} : vector<16xi1> -> vector<16xi32>
      %slice3A_2259 = vector.extract_strided_slice %all_reduce_population_count3A_2258 {offsets = [0], sizes = [1], strides = [1]} : vector<16xi32> to vector<1xi32>
      %squeeze3A_2260 = vector.extract %slice3A_2259[0] : i32 from vector<1xi32>
      %add3A_2261 = arith.addi %add3A_2253, %squeeze3A_2260 : i32
      %get3A_2262 = arith.constant 3344 : index
      %get3A_2263 = tpu.vector_load %arg11[%get3A_2262] {strides = array<i32>} : memref<4096xf32, #tpu.memory_space<vmem>>, vector<16xf32>,
      %le3A_2264 = vector.broadcast %bitcast_convert_type3A_592 : f32 to vector<16xf32>
      %le3A_2265 = arith.cmpf ole, %get3A_2263, %le3A_2264 : vector<16xf32>
      %all_reduce_population_count3A_2266 = tpu.all_reduce %le3A_2265 {dim = 0 : i64, kind = #tpu.reduction_kind<sum>} : vector<16xi1> -> vector<16xi32>
      %slice3A_2267 = vector.extract_strided_slice %all_reduce_population_count3A_2266 {offsets = [0], sizes = [1], strides = [1]} : vector<16xi32> to vector<1xi32>
      %squeeze3A_2268 = vector.extract %slice3A_2267[0] : i32 from vector<1xi32>
      %add3A_2269 = arith.addi %add3A_2261, %squeeze3A_2268 : i32
      %get3A_2270 = arith.constant 3360 : index
      %get3A_2271 = tpu.vector_load %arg11[%get3A_2270] {strides = array<i32>} : memref<4096xf32, #tpu.memory_space<vmem>>, vector<16xf32>,
      %le3A_2272 = vector.broadcast %bitcast_convert_type3A_592 : f32 to vector<16xf32>
      %le3A_2273 = arith.cmpf ole, %get3A_2271, %le3A_2272 : vector<16xf32>
      %all_reduce_population_count3A_2274 = tpu.all_reduce %le3A_2273 {dim = 0 : i64, kind = #tpu.reduction_kind<sum>} : vector<16xi1> -> vector<16xi32>
      %slice3A_2275 = vector.extract_strided_slice %all_reduce_population_count3A_2274 {offsets = [0], sizes = [1], strides = [1]} : vector<16xi32> to vector<1xi32>
      %squeeze3A_2276 = vector.extract %slice3A_2275[0] : i32 from vector<1xi32>
      %add3A_2277 = arith.addi %add3A_2269, %squeeze3A_2276 : i32
      %get3A_2278 = arith.constant 3376 : index
      %get3A_2279 = tpu.vector_load %arg11[%get3A_2278] {strides = array<i32>} : memref<4096xf32, #tpu.memory_space<vmem>>, vector<16xf32>,
      %le3A_2280 = vector.broadcast %bitcast_convert_type3A_592 : f32 to vector<16xf32>
      %le3A_2281 = arith.cmpf ole, %get3A_2279, %le3A_2280 : vector<16xf32>
      %all_reduce_population_count3A_2282 = tpu.all_reduce %le3A_2281 {dim = 0 : i64, kind = #tpu.reduction_kind<sum>} : vector<16xi1> -> vector<16xi32>
      %slice3A_2283 = vector.extract_strided_slice %all_reduce_population_count3A_2282 {offsets = [0], sizes = [1], strides = [1]} : vector<16xi32> to vector<1xi32>
      %squeeze3A_2284 = vector.extract %slice3A_2283[0] : i32 from vector<1xi32>
      %add3A_2285 = arith.addi %add3A_2277, %squeeze3A_2284 : i32
      %get3A_2286 = arith.constant 3392 : index
      %get3A_2287 = tpu.vector_load %arg11[%get3A_2286] {strides = array<i32>} : memref<4096xf32, #tpu.memory_space<vmem>>, vector<16xf32>,
      %le3A_2288 = vector.broadcast %bitcast_convert_type3A_592 : f32 to vector<16xf32>
      %le3A_2289 = arith.cmpf ole, %get3A_2287, %le3A_2288 : vector<16xf32>
      %all_reduce_population_count3A_2290 = tpu.all_reduce %le3A_2289 {dim = 0 : i64, kind = #tpu.reduction_kind<sum>} : vector<16xi1> -> vector<16xi32>
      %slice3A_2291 = vector.extract_strided_slice %all_reduce_population_count3A_2290 {offsets = [0], sizes = [1], strides = [1]} : vector<16xi32> to vector<1xi32>
      %squeeze3A_2292 = vector.extract %slice3A_2291[0] : i32 from vector<1xi32>
      %add3A_2293 = arith.addi %add3A_2285, %squeeze3A_2292 : i32
      %get3A_2294 = arith.constant 3408 : index
      %get3A_2295 = tpu.vector_load %arg11[%get3A_2294] {strides = array<i32>} : memref<4096xf32, #tpu.memory_space<vmem>>, vector<16xf32>,
      %le3A_2296 = vector.broadcast %bitcast_convert_type3A_592 : f32 to vector<16xf32>
      %le3A_2297 = arith.cmpf ole, %get3A_2295, %le3A_2296 : vector<16xf32>
      %all_reduce_population_count3A_2298 = tpu.all_reduce %le3A_2297 {dim = 0 : i64, kind = #tpu.reduction_kind<sum>} : vector<16xi1> -> vector<16xi32>
      %slice3A_2299 = vector.extract_strided_slice %all_reduce_population_count3A_2298 {offsets = [0], sizes = [1], strides = [1]} : vector<16xi32> to vector<1xi32>
      %squeeze3A_2300 = vector.extract %slice3A_2299[0] : i32 from vector<1xi32>
      %add3A_2301 = arith.addi %add3A_2293, %squeeze3A_2300 : i32
      %get3A_2302 = arith.constant 3424 : index
      %get3A_2303 = tpu.vector_load %arg11[%get3A_2302] {strides = array<i32>} : memref<4096xf32, #tpu.memory_space<vmem>>, vector<16xf32>,
      %le3A_2304 = vector.broadcast %bitcast_convert_type3A_592 : f32 to vector<16xf32>
      %le3A_2305 = arith.cmpf ole, %get3A_2303, %le3A_2304 : vector<16xf32>
      %all_reduce_population_count3A_2306 = tpu.all_reduce %le3A_2305 {dim = 0 : i64, kind = #tpu.reduction_kind<sum>} : vector<16xi1> -> vector<16xi32>
      %slice3A_2307 = vector.extract_strided_slice %all_reduce_population_count3A_2306 {offsets = [0], sizes = [1], strides = [1]} : vector<16xi32> to vector<1xi32>
      %squeeze3A_2308 = vector.extract %slice3A_2307[0] : i32 from vector<1xi32>
      %add3A_2309 = arith.addi %add3A_2301, %squeeze3A_2308 : i32
      %get3A_2310 = arith.constant 3440 : index
      %get3A_2311 = tpu.vector_load %arg11[%get3A_2310] {strides = array<i32>} : memref<4096xf32, #tpu.memory_space<vmem>>, vector<16xf32>,
      %le3A_2312 = vector.broadcast %bitcast_convert_type3A_592 : f32 to vector<16xf32>
      %le3A_2313 = arith.cmpf ole, %get3A_2311, %le3A_2312 : vector<16xf32>
      %all_reduce_population_count3A_2314 = tpu.all_reduce %le3A_2313 {dim = 0 : i64, kind = #tpu.reduction_kind<sum>} : vector<16xi1> -> vector<16xi32>
      %slice3A_2315 = vector.extract_strided_slice %all_reduce_population_count3A_2314 {offsets = [0], sizes = [1], strides = [1]} : vector<16xi32> to vector<1xi32>
      %squeeze3A_2316 = vector.extract %slice3A_2315[0] : i32 from vector<1xi32>
      %add3A_2317 = arith.addi %add3A_2309, %squeeze3A_2316 : i32
      %get3A_2318 = arith.constant 3456 : index
      %get3A_2319 = tpu.vector_load %arg11[%get3A_2318] {strides = array<i32>} : memref<4096xf32, #tpu.memory_space<vmem>>, vector<16xf32>,
      %le3A_2320 = vector.broadcast %bitcast_convert_type3A_592 : f32 to vector<16xf32>
      %le3A_2321 = arith.cmpf ole, %get3A_2319, %le3A_2320 : vector<16xf32>
      %all_reduce_population_count3A_2322 = tpu.all_reduce %le3A_2321 {dim = 0 : i64, kind = #tpu.reduction_kind<sum>} : vector<16xi1> -> vector<16xi32>
      %slice3A_2323 = vector.extract_strided_slice %all_reduce_population_count3A_2322 {offsets = [0], sizes = [1], strides = [1]} : vector<16xi32> to vector<1xi32>
      %squeeze3A_2324 = vector.extract %slice3A_2323[0] : i32 from vector<1xi32>
      %add3A_2325 = arith.addi %add3A_2317, %squeeze3A_2324 : i32
      %get3A_2326 = arith.constant 3472 : index
      %get3A_2327 = tpu.vector_load %arg11[%get3A_2326] {strides = array<i32>} : memref<4096xf32, #tpu.memory_space<vmem>>, vector<16xf32>,
      %le3A_2328 = vector.broadcast %bitcast_convert_type3A_592 : f32 to vector<16xf32>
      %le3A_2329 = arith.cmpf ole, %get3A_2327, %le3A_2328 : vector<16xf32>
      %all_reduce_population_count3A_2330 = tpu.all_reduce %le3A_2329 {dim = 0 : i64, kind = #tpu.reduction_kind<sum>} : vector<16xi1> -> vector<16xi32>
      %slice3A_2331 = vector.extract_strided_slice %all_reduce_population_count3A_2330 {offsets = [0], sizes = [1], strides = [1]} : vector<16xi32> to vector<1xi32>
      %squeeze3A_2332 = vector.extract %slice3A_2331[0] : i32 from vector<1xi32>
      %add3A_2333 = arith.addi %add3A_2325, %squeeze3A_2332 : i32
      %get3A_2334 = arith.constant 3488 : index
      %get3A_2335 = tpu.vector_load %arg11[%get3A_2334] {strides = array<i32>} : memref<4096xf32, #tpu.memory_space<vmem>>, vector<16xf32>,
      %le3A_2336 = vector.broadcast %bitcast_convert_type3A_592 : f32 to vector<16xf32>
      %le3A_2337 = arith.cmpf ole, %get3A_2335, %le3A_2336 : vector<16xf32>
      %all_reduce_population_count3A_2338 = tpu.all_reduce %le3A_2337 {dim = 0 : i64, kind = #tpu.reduction_kind<sum>} : vector<16xi1> -> vector<16xi32>
      %slice3A_2339 = vector.extract_strided_slice %all_reduce_population_count3A_2338 {offsets = [0], sizes = [1], strides = [1]} : vector<16xi32> to vector<1xi32>
      %squeeze3A_2340 = vector.extract %slice3A_2339[0] : i32 from vector<1xi32>
      %add3A_2341 = arith.addi %add3A_2333, %squeeze3A_2340 : i32
      %get3A_2342 = arith.constant 3504 : index
      %get3A_2343 = tpu.vector_load %arg11[%get3A_2342] {strides = array<i32>} : memref<4096xf32, #tpu.memory_space<vmem>>, vector<16xf32>,
      %le3A_2344 = vector.broadcast %bitcast_convert_type3A_592 : f32 to vector<16xf32>
      %le3A_2345 = arith.cmpf ole, %get3A_2343, %le3A_2344 : vector<16xf32>
      %all_reduce_population_count3A_2346 = tpu.all_reduce %le3A_2345 {dim = 0 : i64, kind = #tpu.reduction_kind<sum>} : vector<16xi1> -> vector<16xi32>
      %slice3A_2347 = vector.extract_strided_slice %all_reduce_population_count3A_2346 {offsets = [0], sizes = [1], strides = [1]} : vector<16xi32> to vector<1xi32>
      %squeeze3A_2348 = vector.extract %slice3A_2347[0] : i32 from vector<1xi32>
      %add3A_2349 = arith.addi %add3A_2341, %squeeze3A_2348 : i32
      %get3A_2350 = arith.constant 3520 : index
      %get3A_2351 = tpu.vector_load %arg11[%get3A_2350] {strides = array<i32>} : memref<4096xf32, #tpu.memory_space<vmem>>, vector<16xf32>,
      %le3A_2352 = vector.broadcast %bitcast_convert_type3A_592 : f32 to vector<16xf32>
      %le3A_2353 = arith.cmpf ole, %get3A_2351, %le3A_2352 : vector<16xf32>
      %all_reduce_population_count3A_2354 = tpu.all_reduce %le3A_2353 {dim = 0 : i64, kind = #tpu.reduction_kind<sum>} : vector<16xi1> -> vector<16xi32>
      %slice3A_2355 = vector.extract_strided_slice %all_reduce_population_count3A_2354 {offsets = [0], sizes = [1], strides = [1]} : vector<16xi32> to vector<1xi32>
      %squeeze3A_2356 = vector.extract %slice3A_2355[0] : i32 from vector<1xi32>
      %add3A_2357 = arith.addi %add3A_2349, %squeeze3A_2356 : i32
      %get3A_2358 = arith.constant 3536 : index
      %get3A_2359 = tpu.vector_load %arg11[%get3A_2358] {strides = array<i32>} : memref<4096xf32, #tpu.memory_space<vmem>>, vector<16xf32>,
      %le3A_2360 = vector.broadcast %bitcast_convert_type3A_592 : f32 to vector<16xf32>
      %le3A_2361 = arith.cmpf ole, %get3A_2359, %le3A_2360 : vector<16xf32>
      %all_reduce_population_count3A_2362 = tpu.all_reduce %le3A_2361 {dim = 0 : i64, kind = #tpu.reduction_kind<sum>} : vector<16xi1> -> vector<16xi32>
      %slice3A_2363 = vector.extract_strided_slice %all_reduce_population_count3A_2362 {offsets = [0], sizes = [1], strides = [1]} : vector<16xi32> to vector<1xi32>
      %squeeze3A_2364 = vector.extract %slice3A_2363[0] : i32 from vector<1xi32>
      %add3A_2365 = arith.addi %add3A_2357, %squeeze3A_2364 : i32
      %get3A_2366 = arith.constant 3552 : index
      %get3A_2367 = tpu.vector_load %arg11[%get3A_2366] {strides = array<i32>} : memref<4096xf32, #tpu.memory_space<vmem>>, vector<16xf32>,
      %le3A_2368 = vector.broadcast %bitcast_convert_type3A_592 : f32 to vector<16xf32>
      %le3A_2369 = arith.cmpf ole, %get3A_2367, %le3A_2368 : vector<16xf32>
      %all_reduce_population_count3A_2370 = tpu.all_reduce %le3A_2369 {dim = 0 : i64, kind = #tpu.reduction_kind<sum>} : vector<16xi1> -> vector<16xi32>
      %slice3A_2371 = vector.extract_strided_slice %all_reduce_population_count3A_2370 {offsets = [0], sizes = [1], strides = [1]} : vector<16xi32> to vector<1xi32>
      %squeeze3A_2372 = vector.extract %slice3A_2371[0] : i32 from vector<1xi32>
      %add3A_2373 = arith.addi %add3A_2365, %squeeze3A_2372 : i32
      %get3A_2374 = arith.constant 3568 : index
      %get3A_2375 = tpu.vector_load %arg11[%get3A_2374] {strides = array<i32>} : memref<4096xf32, #tpu.memory_space<vmem>>, vector<16xf32>,
      %le3A_2376 = vector.broadcast %bitcast_convert_type3A_592 : f32 to vector<16xf32>
      %le3A_2377 = arith.cmpf ole, %get3A_2375, %le3A_2376 : vector<16xf32>
      %all_reduce_population_count3A_2378 = tpu.all_reduce %le3A_2377 {dim = 0 : i64, kind = #tpu.reduction_kind<sum>} : vector<16xi1> -> vector<16xi32>
      %slice3A_2379 = vector.extract_strided_slice %all_reduce_population_count3A_2378 {offsets = [0], sizes = [1], strides = [1]} : vector<16xi32> to vector<1xi32>
      %squeeze3A_2380 = vector.extract %slice3A_2379[0] : i32 from vector<1xi32>
      %add3A_2381 = arith.addi %add3A_2373, %squeeze3A_2380 : i32
      %get3A_2382 = arith.constant 3584 : index
      %get3A_2383 = tpu.vector_load %arg11[%get3A_2382] {strides = array<i32>} : memref<4096xf32, #tpu.memory_space<vmem>>, vector<16xf32>,
      %le3A_2384 = vector.broadcast %bitcast_convert_type3A_592 : f32 to vector<16xf32>
      %le3A_2385 = arith.cmpf ole, %get3A_2383, %le3A_2384 : vector<16xf32>
      %all_reduce_population_count3A_2386 = tpu.all_reduce %le3A_2385 {dim = 0 : i64, kind = #tpu.reduction_kind<sum>} : vector<16xi1> -> vector<16xi32>
      %slice3A_2387 = vector.extract_strided_slice %all_reduce_population_count3A_2386 {offsets = [0], sizes = [1], strides = [1]} : vector<16xi32> to vector<1xi32>
      %squeeze3A_2388 = vector.extract %slice3A_2387[0] : i32 from vector<1xi32>
      %add3A_2389 = arith.addi %add3A_2381, %squeeze3A_2388 : i32
      %get3A_2390 = arith.constant 3600 : index
      %get3A_2391 = tpu.vector_load %arg11[%get3A_2390] {strides = array<i32>} : memref<4096xf32, #tpu.memory_space<vmem>>, vector<16xf32>,
      %le3A_2392 = vector.broadcast %bitcast_convert_type3A_592 : f32 to vector<16xf32>
      %le3A_2393 = arith.cmpf ole, %get3A_2391, %le3A_2392 : vector<16xf32>
      %all_reduce_population_count3A_2394 = tpu.all_reduce %le3A_2393 {dim = 0 : i64, kind = #tpu.reduction_kind<sum>} : vector<16xi1> -> vector<16xi32>
      %slice3A_2395 = vector.extract_strided_slice %all_reduce_population_count3A_2394 {offsets = [0], sizes = [1], strides = [1]} : vector<16xi32> to vector<1xi32>
      %squeeze3A_2396 = vector.extract %slice3A_2395[0] : i32 from vector<1xi32>
      %add3A_2397 = arith.addi %add3A_2389, %squeeze3A_2396 : i32
      %get3A_2398 = arith.constant 3616 : index
      %get3A_2399 = tpu.vector_load %arg11[%get3A_2398] {strides = array<i32>} : memref<4096xf32, #tpu.memory_space<vmem>>, vector<16xf32>,
      %le3A_2400 = vector.broadcast %bitcast_convert_type3A_592 : f32 to vector<16xf32>
      %le3A_2401 = arith.cmpf ole, %get3A_2399, %le3A_2400 : vector<16xf32>
      %all_reduce_population_count3A_2402 = tpu.all_reduce %le3A_2401 {dim = 0 : i64, kind = #tpu.reduction_kind<sum>} : vector<16xi1> -> vector<16xi32>
      %slice3A_2403 = vector.extract_strided_slice %all_reduce_population_count3A_2402 {offsets = [0], sizes = [1], strides = [1]} : vector<16xi32> to vector<1xi32>
      %squeeze3A_2404 = vector.extract %slice3A_2403[0] : i32 from vector<1xi32>
      %add3A_2405 = arith.addi %add3A_2397, %squeeze3A_2404 : i32
      %get3A_2406 = arith.constant 3632 : index
      %get3A_2407 = tpu.vector_load %arg11[%get3A_2406] {strides = array<i32>} : memref<4096xf32, #tpu.memory_space<vmem>>, vector<16xf32>,
      %le3A_2408 = vector.broadcast %bitcast_convert_type3A_592 : f32 to vector<16xf32>
      %le3A_2409 = arith.cmpf ole, %get3A_2407, %le3A_2408 : vector<16xf32>
      %all_reduce_population_count3A_2410 = tpu.all_reduce %le3A_2409 {dim = 0 : i64, kind = #tpu.reduction_kind<sum>} : vector<16xi1> -> vector<16xi32>
      %slice3A_2411 = vector.extract_strided_slice %all_reduce_population_count3A_2410 {offsets = [0], sizes = [1], strides = [1]} : vector<16xi32> to vector<1xi32>
      %squeeze3A_2412 = vector.extract %slice3A_2411[0] : i32 from vector<1xi32>
      %add3A_2413 = arith.addi %add3A_2405, %squeeze3A_2412 : i32
      %get3A_2414 = arith.constant 3648 : index
      %get3A_2415 = tpu.vector_load %arg11[%get3A_2414] {strides = array<i32>} : memref<4096xf32, #tpu.memory_space<vmem>>, vector<16xf32>,
      %le3A_2416 = vector.broadcast %bitcast_convert_type3A_592 : f32 to vector<16xf32>
      %le3A_2417 = arith.cmpf ole, %get3A_2415, %le3A_2416 : vector<16xf32>
      %all_reduce_population_count3A_2418 = tpu.all_reduce %le3A_2417 {dim = 0 : i64, kind = #tpu.reduction_kind<sum>} : vector<16xi1> -> vector<16xi32>
      %slice3A_2419 = vector.extract_strided_slice %all_reduce_population_count3A_2418 {offsets = [0], sizes = [1], strides = [1]} : vector<16xi32> to vector<1xi32>
      %squeeze3A_2420 = vector.extract %slice3A_2419[0] : i32 from vector<1xi32>
      %add3A_2421 = arith.addi %add3A_2413, %squeeze3A_2420 : i32
      %get3A_2422 = arith.constant 3664 : index
      %get3A_2423 = tpu.vector_load %arg11[%get3A_2422] {strides = array<i32>} : memref<4096xf32, #tpu.memory_space<vmem>>, vector<16xf32>,
      %le3A_2424 = vector.broadcast %bitcast_convert_type3A_592 : f32 to vector<16xf32>
      %le3A_2425 = arith.cmpf ole, %get3A_2423, %le3A_2424 : vector<16xf32>
      %all_reduce_population_count3A_2426 = tpu.all_reduce %le3A_2425 {dim = 0 : i64, kind = #tpu.reduction_kind<sum>} : vector<16xi1> -> vector<16xi32>
      %slice3A_2427 = vector.extract_strided_slice %all_reduce_population_count3A_2426 {offsets = [0], sizes = [1], strides = [1]} : vector<16xi32> to vector<1xi32>
      %squeeze3A_2428 = vector.extract %slice3A_2427[0] : i32 from vector<1xi32>
      %add3A_2429 = arith.addi %add3A_2421, %squeeze3A_2428 : i32
      %get3A_2430 = arith.constant 3680 : index
      %get3A_2431 = tpu.vector_load %arg11[%get3A_2430] {strides = array<i32>} : memref<4096xf32, #tpu.memory_space<vmem>>, vector<16xf32>,
      %le3A_2432 = vector.broadcast %bitcast_convert_type3A_592 : f32 to vector<16xf32>
      %le3A_2433 = arith.cmpf ole, %get3A_2431, %le3A_2432 : vector<16xf32>
      %all_reduce_population_count3A_2434 = tpu.all_reduce %le3A_2433 {dim = 0 : i64, kind = #tpu.reduction_kind<sum>} : vector<16xi1> -> vector<16xi32>
      %slice3A_2435 = vector.extract_strided_slice %all_reduce_population_count3A_2434 {offsets = [0], sizes = [1], strides = [1]} : vector<16xi32> to vector<1xi32>
      %squeeze3A_2436 = vector.extract %slice3A_2435[0] : i32 from vector<1xi32>
      %add3A_2437 = arith.addi %add3A_2429, %squeeze3A_2436 : i32
      %get3A_2438 = arith.constant 3696 : index
      %get3A_2439 = tpu.vector_load %arg11[%get3A_2438] {strides = array<i32>} : memref<4096xf32, #tpu.memory_space<vmem>>, vector<16xf32>,
      %le3A_2440 = vector.broadcast %bitcast_convert_type3A_592 : f32 to vector<16xf32>
      %le3A_2441 = arith.cmpf ole, %get3A_2439, %le3A_2440 : vector<16xf32>
      %all_reduce_population_count3A_2442 = tpu.all_reduce %le3A_2441 {dim = 0 : i64, kind = #tpu.reduction_kind<sum>} : vector<16xi1> -> vector<16xi32>
      %slice3A_2443 = vector.extract_strided_slice %all_reduce_population_count3A_2442 {offsets = [0], sizes = [1], strides = [1]} : vector<16xi32> to vector<1xi32>
      %squeeze3A_2444 = vector.extract %slice3A_2443[0] : i32 from vector<1xi32>
      %add3A_2445 = arith.addi %add3A_2437, %squeeze3A_2444 : i32
      %get3A_2446 = arith.constant 3712 : index
      %get3A_2447 = tpu.vector_load %arg11[%get3A_2446] {strides = array<i32>} : memref<4096xf32, #tpu.memory_space<vmem>>, vector<16xf32>,
      %le3A_2448 = vector.broadcast %bitcast_convert_type3A_592 : f32 to vector<16xf32>
      %le3A_2449 = arith.cmpf ole, %get3A_2447, %le3A_2448 : vector<16xf32>
      %all_reduce_population_count3A_2450 = tpu.all_reduce %le3A_2449 {dim = 0 : i64, kind = #tpu.reduction_kind<sum>} : vector<16xi1> -> vector<16xi32>
      %slice3A_2451 = vector.extract_strided_slice %all_reduce_population_count3A_2450 {offsets = [0], sizes = [1], strides = [1]} : vector<16xi32> to vector<1xi32>
      %squeeze3A_2452 = vector.extract %slice3A_2451[0] : i32 from vector<1xi32>
      %add3A_2453 = arith.addi %add3A_2445, %squeeze3A_2452 : i32
      %get3A_2454 = arith.constant 3728 : index
      %get3A_2455 = tpu.vector_load %arg11[%get3A_2454] {strides = array<i32>} : memref<4096xf32, #tpu.memory_space<vmem>>, vector<16xf32>,
      %le3A_2456 = vector.broadcast %bitcast_convert_type3A_592 : f32 to vector<16xf32>
      %le3A_2457 = arith.cmpf ole, %get3A_2455, %le3A_2456 : vector<16xf32>
      %all_reduce_population_count3A_2458 = tpu.all_reduce %le3A_2457 {dim = 0 : i64, kind = #tpu.reduction_kind<sum>} : vector<16xi1> -> vector<16xi32>
      %slice3A_2459 = vector.extract_strided_slice %all_reduce_population_count3A_2458 {offsets = [0], sizes = [1], strides = [1]} : vector<16xi32> to vector<1xi32>
      %squeeze3A_2460 = vector.extract %slice3A_2459[0] : i32 from vector<1xi32>
      %add3A_2461 = arith.addi %add3A_2453, %squeeze3A_2460 : i32
      %get3A_2462 = arith.constant 3744 : index
      %get3A_2463 = tpu.vector_load %arg11[%get3A_2462] {strides = array<i32>} : memref<4096xf32, #tpu.memory_space<vmem>>, vector<16xf32>,
      %le3A_2464 = vector.broadcast %bitcast_convert_type3A_592 : f32 to vector<16xf32>
      %le3A_2465 = arith.cmpf ole, %get3A_2463, %le3A_2464 : vector<16xf32>
      %all_reduce_population_count3A_2466 = tpu.all_reduce %le3A_2465 {dim = 0 : i64, kind = #tpu.reduction_kind<sum>} : vector<16xi1> -> vector<16xi32>
      %slice3A_2467 = vector.extract_strided_slice %all_reduce_population_count3A_2466 {offsets = [0], sizes = [1], strides = [1]} : vector<16xi32> to vector<1xi32>
      %squeeze3A_2468 = vector.extract %slice3A_2467[0] : i32 from vector<1xi32>
      %add3A_2469 = arith.addi %add3A_2461, %squeeze3A_2468 : i32
      %get3A_2470 = arith.constant 3760 : index
      %get3A_2471 = tpu.vector_load %arg11[%get3A_2470] {strides = array<i32>} : memref<4096xf32, #tpu.memory_space<vmem>>, vector<16xf32>,
      %le3A_2472 = vector.broadcast %bitcast_convert_type3A_592 : f32 to vector<16xf32>
      %le3A_2473 = arith.cmpf ole, %get3A_2471, %le3A_2472 : vector<16xf32>
      %all_reduce_population_count3A_2474 = tpu.all_reduce %le3A_2473 {dim = 0 : i64, kind = #tpu.reduction_kind<sum>} : vector<16xi1> -> vector<16xi32>
      %slice3A_2475 = vector.extract_strided_slice %all_reduce_population_count3A_2474 {offsets = [0], sizes = [1], strides = [1]} : vector<16xi32> to vector<1xi32>
      %squeeze3A_2476 = vector.extract %slice3A_2475[0] : i32 from vector<1xi32>
      %add3A_2477 = arith.addi %add3A_2469, %squeeze3A_2476 : i32
      %get3A_2478 = arith.constant 3776 : index
      %get3A_2479 = tpu.vector_load %arg11[%get3A_2478] {strides = array<i32>} : memref<4096xf32, #tpu.memory_space<vmem>>, vector<16xf32>,
      %le3A_2480 = vector.broadcast %bitcast_convert_type3A_592 : f32 to vector<16xf32>
      %le3A_2481 = arith.cmpf ole, %get3A_2479, %le3A_2480 : vector<16xf32>
      %all_reduce_population_count3A_2482 = tpu.all_reduce %le3A_2481 {dim = 0 : i64, kind = #tpu.reduction_kind<sum>} : vector<16xi1> -> vector<16xi32>
      %slice3A_2483 = vector.extract_strided_slice %all_reduce_population_count3A_2482 {offsets = [0], sizes = [1], strides = [1]} : vector<16xi32> to vector<1xi32>
      %squeeze3A_2484 = vector.extract %slice3A_2483[0] : i32 from vector<1xi32>
      %add3A_2485 = arith.addi %add3A_2477, %squeeze3A_2484 : i32
      %get3A_2486 = arith.constant 3792 : index
      %get3A_2487 = tpu.vector_load %arg11[%get3A_2486] {strides = array<i32>} : memref<4096xf32, #tpu.memory_space<vmem>>, vector<16xf32>,
      %le3A_2488 = vector.broadcast %bitcast_convert_type3A_592 : f32 to vector<16xf32>
      %le3A_2489 = arith.cmpf ole, %get3A_2487, %le3A_2488 : vector<16xf32>
      %all_reduce_population_count3A_2490 = tpu.all_reduce %le3A_2489 {dim = 0 : i64, kind = #tpu.reduction_kind<sum>} : vector<16xi1> -> vector<16xi32>
      %slice3A_2491 = vector.extract_strided_slice %all_reduce_population_count3A_2490 {offsets = [0], sizes = [1], strides = [1]} : vector<16xi32> to vector<1xi32>
      %squeeze3A_2492 = vector.extract %slice3A_2491[0] : i32 from vector<1xi32>
      %add3A_2493 = arith.addi %add3A_2485, %squeeze3A_2492 : i32
      %get3A_2494 = arith.constant 3808 : index
      %get3A_2495 = tpu.vector_load %arg11[%get3A_2494] {strides = array<i32>} : memref<4096xf32, #tpu.memory_space<vmem>>, vector<16xf32>,
      %le3A_2496 = vector.broadcast %bitcast_convert_type3A_592 : f32 to vector<16xf32>
      %le3A_2497 = arith.cmpf ole, %get3A_2495, %le3A_2496 : vector<16xf32>
      %all_reduce_population_count3A_2498 = tpu.all_reduce %le3A_2497 {dim = 0 : i64, kind = #tpu.reduction_kind<sum>} : vector<16xi1> -> vector<16xi32>
      %slice3A_2499 = vector.extract_strided_slice %all_reduce_population_count3A_2498 {offsets = [0], sizes = [1], strides = [1]} : vector<16xi32> to vector<1xi32>
      %squeeze3A_2500 = vector.extract %slice3A_2499[0] : i32 from vector<1xi32>
      %add3A_2501 = arith.addi %add3A_2493, %squeeze3A_2500 : i32
      %get3A_2502 = arith.constant 3824 : index
      %get3A_2503 = tpu.vector_load %arg11[%get3A_2502] {strides = array<i32>} : memref<4096xf32, #tpu.memory_space<vmem>>, vector<16xf32>,
      %le3A_2504 = vector.broadcast %bitcast_convert_type3A_592 : f32 to vector<16xf32>
      %le3A_2505 = arith.cmpf ole, %get3A_2503, %le3A_2504 : vector<16xf32>
      %all_reduce_population_count3A_2506 = tpu.all_reduce %le3A_2505 {dim = 0 : i64, kind = #tpu.reduction_kind<sum>} : vector<16xi1> -> vector<16xi32>
      %slice3A_2507 = vector.extract_strided_slice %all_reduce_population_count3A_2506 {offsets = [0], sizes = [1], strides = [1]} : vector<16xi32> to vector<1xi32>
      %squeeze3A_2508 = vector.extract %slice3A_2507[0] : i32 from vector<1xi32>
      %add3A_2509 = arith.addi %add3A_2501, %squeeze3A_2508 : i32
      %get3A_2510 = arith.constant 3840 : index
      %get3A_2511 = tpu.vector_load %arg11[%get3A_2510] {strides = array<i32>} : memref<4096xf32, #tpu.memory_space<vmem>>, vector<16xf32>,
      %le3A_2512 = vector.broadcast %bitcast_convert_type3A_592 : f32 to vector<16xf32>
      %le3A_2513 = arith.cmpf ole, %get3A_2511, %le3A_2512 : vector<16xf32>
      %all_reduce_population_count3A_2514 = tpu.all_reduce %le3A_2513 {dim = 0 : i64, kind = #tpu.reduction_kind<sum>} : vector<16xi1> -> vector<16xi32>
      %slice3A_2515 = vector.extract_strided_slice %all_reduce_population_count3A_2514 {offsets = [0], sizes = [1], strides = [1]} : vector<16xi32> to vector<1xi32>
      %squeeze3A_2516 = vector.extract %slice3A_2515[0] : i32 from vector<1xi32>
      %add3A_2517 = arith.addi %add3A_2509, %squeeze3A_2516 : i32
      %get3A_2518 = arith.constant 3856 : index
      %get3A_2519 = tpu.vector_load %arg11[%get3A_2518] {strides = array<i32>} : memref<4096xf32, #tpu.memory_space<vmem>>, vector<16xf32>,
      %le3A_2520 = vector.broadcast %bitcast_convert_type3A_592 : f32 to vector<16xf32>
      %le3A_2521 = arith.cmpf ole, %get3A_2519, %le3A_2520 : vector<16xf32>
      %all_reduce_population_count3A_2522 = tpu.all_reduce %le3A_2521 {dim = 0 : i64, kind = #tpu.reduction_kind<sum>} : vector<16xi1> -> vector<16xi32>
      %slice3A_2523 = vector.extract_strided_slice %all_reduce_population_count3A_2522 {offsets = [0], sizes = [1], strides = [1]} : vector<16xi32> to vector<1xi32>
      %squeeze3A_2524 = vector.extract %slice3A_2523[0] : i32 from vector<1xi32>
      %add3A_2525 = arith.addi %add3A_2517, %squeeze3A_2524 : i32
      %get3A_2526 = arith.constant 3872 : index
      %get3A_2527 = tpu.vector_load %arg11[%get3A_2526] {strides = array<i32>} : memref<4096xf32, #tpu.memory_space<vmem>>, vector<16xf32>,
      %le3A_2528 = vector.broadcast %bitcast_convert_type3A_592 : f32 to vector<16xf32>
      %le3A_2529 = arith.cmpf ole, %get3A_2527, %le3A_2528 : vector<16xf32>
      %all_reduce_population_count3A_2530 = tpu.all_reduce %le3A_2529 {dim = 0 : i64, kind = #tpu.reduction_kind<sum>} : vector<16xi1> -> vector<16xi32>
      %slice3A_2531 = vector.extract_strided_slice %all_reduce_population_count3A_2530 {offsets = [0], sizes = [1], strides = [1]} : vector<16xi32> to vector<1xi32>
      %squeeze3A_2532 = vector.extract %slice3A_2531[0] : i32 from vector<1xi32>
      %add3A_2533 = arith.addi %add3A_2525, %squeeze3A_2532 : i32
      %get3A_2534 = arith.constant 3888 : index
      %get3A_2535 = tpu.vector_load %arg11[%get3A_2534] {strides = array<i32>} : memref<4096xf32, #tpu.memory_space<vmem>>, vector<16xf32>,
      %le3A_2536 = vector.broadcast %bitcast_convert_type3A_592 : f32 to vector<16xf32>
      %le3A_2537 = arith.cmpf ole, %get3A_2535, %le3A_2536 : vector<16xf32>
      %all_reduce_population_count3A_2538 = tpu.all_reduce %le3A_2537 {dim = 0 : i64, kind = #tpu.reduction_kind<sum>} : vector<16xi1> -> vector<16xi32>
      %slice3A_2539 = vector.extract_strided_slice %all_reduce_population_count3A_2538 {offsets = [0], sizes = [1], strides = [1]} : vector<16xi32> to vector<1xi32>
      %squeeze3A_2540 = vector.extract %slice3A_2539[0] : i32 from vector<1xi32>
      %add3A_2541 = arith.addi %add3A_2533, %squeeze3A_2540 : i32
      %get3A_2542 = arith.constant 3904 : index
      %get3A_2543 = tpu.vector_load %arg11[%get3A_2542] {strides = array<i32>} : memref<4096xf32, #tpu.memory_space<vmem>>, vector<16xf32>,
      %le3A_2544 = vector.broadcast %bitcast_convert_type3A_592 : f32 to vector<16xf32>
      %le3A_2545 = arith.cmpf ole, %get3A_2543, %le3A_2544 : vector<16xf32>
      %all_reduce_population_count3A_2546 = tpu.all_reduce %le3A_2545 {dim = 0 : i64, kind = #tpu.reduction_kind<sum>} : vector<16xi1> -> vector<16xi32>
      %slice3A_2547 = vector.extract_strided_slice %all_reduce_population_count3A_2546 {offsets = [0], sizes = [1], strides = [1]} : vector<16xi32> to vector<1xi32>
      %squeeze3A_2548 = vector.extract %slice3A_2547[0] : i32 from vector<1xi32>
      %add3A_2549 = arith.addi %add3A_2541, %squeeze3A_2548 : i32
      %get3A_2550 = arith.constant 3920 : index
      %get3A_2551 = tpu.vector_load %arg11[%get3A_2550] {strides = array<i32>} : memref<4096xf32, #tpu.memory_space<vmem>>, vector<16xf32>,
      %le3A_2552 = vector.broadcast %bitcast_convert_type3A_592 : f32 to vector<16xf32>
      %le3A_2553 = arith.cmpf ole, %get3A_2551, %le3A_2552 : vector<16xf32>
      %all_reduce_population_count3A_2554 = tpu.all_reduce %le3A_2553 {dim = 0 : i64, kind = #tpu.reduction_kind<sum>} : vector<16xi1> -> vector<16xi32>
      %slice3A_2555 = vector.extract_strided_slice %all_reduce_population_count3A_2554 {offsets = [0], sizes = [1], strides = [1]} : vector<16xi32> to vector<1xi32>
      %squeeze3A_2556 = vector.extract %slice3A_2555[0] : i32 from vector<1xi32>
      %add3A_2557 = arith.addi %add3A_2549, %squeeze3A_2556 : i32
      %get3A_2558 = arith.constant 3936 : index
      %get3A_2559 = tpu.vector_load %arg11[%get3A_2558] {strides = array<i32>} : memref<4096xf32, #tpu.memory_space<vmem>>, vector<16xf32>,
      %le3A_2560 = vector.broadcast %bitcast_convert_type3A_592 : f32 to vector<16xf32>
      %le3A_2561 = arith.cmpf ole, %get3A_2559, %le3A_2560 : vector<16xf32>
      %all_reduce_population_count3A_2562 = tpu.all_reduce %le3A_2561 {dim = 0 : i64, kind = #tpu.reduction_kind<sum>} : vector<16xi1> -> vector<16xi32>
      %slice3A_2563 = vector.extract_strided_slice %all_reduce_population_count3A_2562 {offsets = [0], sizes = [1], strides = [1]} : vector<16xi32> to vector<1xi32>
      %squeeze3A_2564 = vector.extract %slice3A_2563[0] : i32 from vector<1xi32>
      %add3A_2565 = arith.addi %add3A_2557, %squeeze3A_2564 : i32
      %get3A_2566 = arith.constant 3952 : index
      %get3A_2567 = tpu.vector_load %arg11[%get3A_2566] {strides = array<i32>} : memref<4096xf32, #tpu.memory_space<vmem>>, vector<16xf32>,
      %le3A_2568 = vector.broadcast %bitcast_convert_type3A_592 : f32 to vector<16xf32>
      %le3A_2569 = arith.cmpf ole, %get3A_2567, %le3A_2568 : vector<16xf32>
      %all_reduce_population_count3A_2570 = tpu.all_reduce %le3A_2569 {dim = 0 : i64, kind = #tpu.reduction_kind<sum>} : vector<16xi1> -> vector<16xi32>
      %slice3A_2571 = vector.extract_strided_slice %all_reduce_population_count3A_2570 {offsets = [0], sizes = [1], strides = [1]} : vector<16xi32> to vector<1xi32>
      %squeeze3A_2572 = vector.extract %slice3A_2571[0] : i32 from vector<1xi32>
      %add3A_2573 = arith.addi %add3A_2565, %squeeze3A_2572 : i32
      %get3A_2574 = arith.constant 3968 : index
      %get3A_2575 = tpu.vector_load %arg11[%get3A_2574] {strides = array<i32>} : memref<4096xf32, #tpu.memory_space<vmem>>, vector<16xf32>,
      %le3A_2576 = vector.broadcast %bitcast_convert_type3A_592 : f32 to vector<16xf32>
      %le3A_2577 = arith.cmpf ole, %get3A_2575, %le3A_2576 : vector<16xf32>
      %all_reduce_population_count3A_2578 = tpu.all_reduce %le3A_2577 {dim = 0 : i64, kind = #tpu.reduction_kind<sum>} : vector<16xi1> -> vector<16xi32>
      %slice3A_2579 = vector.extract_strided_slice %all_reduce_population_count3A_2578 {offsets = [0], sizes = [1], strides = [1]} : vector<16xi32> to vector<1xi32>
      %squeeze3A_2580 = vector.extract %slice3A_2579[0] : i32 from vector<1xi32>
      %add3A_2581 = arith.addi %add3A_2573, %squeeze3A_2580 : i32
      %get3A_2582 = arith.constant 3984 : index
      %get3A_2583 = tpu.vector_load %arg11[%get3A_2582] {strides = array<i32>} : memref<4096xf32, #tpu.memory_space<vmem>>, vector<16xf32>,
      %le3A_2584 = vector.broadcast %bitcast_convert_type3A_592 : f32 to vector<16xf32>
      %le3A_2585 = arith.cmpf ole, %get3A_2583, %le3A_2584 : vector<16xf32>
      %all_reduce_population_count3A_2586 = tpu.all_reduce %le3A_2585 {dim = 0 : i64, kind = #tpu.reduction_kind<sum>} : vector<16xi1> -> vector<16xi32>
      %slice3A_2587 = vector.extract_strided_slice %all_reduce_population_count3A_2586 {offsets = [0], sizes = [1], strides = [1]} : vector<16xi32> to vector<1xi32>
      %squeeze3A_2588 = vector.extract %slice3A_2587[0] : i32 from vector<1xi32>
      %add3A_2589 = arith.addi %add3A_2581, %squeeze3A_2588 : i32
      %get3A_2590 = arith.constant 4000 : index
      %get3A_2591 = tpu.vector_load %arg11[%get3A_2590] {strides = array<i32>} : memref<4096xf32, #tpu.memory_space<vmem>>, vector<16xf32>,
      %le3A_2592 = vector.broadcast %bitcast_convert_type3A_592 : f32 to vector<16xf32>
      %le3A_2593 = arith.cmpf ole, %get3A_2591, %le3A_2592 : vector<16xf32>
      %all_reduce_population_count3A_2594 = tpu.all_reduce %le3A_2593 {dim = 0 : i64, kind = #tpu.reduction_kind<sum>} : vector<16xi1> -> vector<16xi32>
      %slice3A_2595 = vector.extract_strided_slice %all_reduce_population_count3A_2594 {offsets = [0], sizes = [1], strides = [1]} : vector<16xi32> to vector<1xi32>
      %squeeze3A_2596 = vector.extract %slice3A_2595[0] : i32 from vector<1xi32>
      %add3A_2597 = arith.addi %add3A_2589, %squeeze3A_2596 : i32
      %get3A_2598 = arith.constant 4016 : index
      %get3A_2599 = tpu.vector_load %arg11[%get3A_2598] {strides = array<i32>} : memref<4096xf32, #tpu.memory_space<vmem>>, vector<16xf32>,
      %le3A_2600 = vector.broadcast %bitcast_convert_type3A_592 : f32 to vector<16xf32>
      %le3A_2601 = arith.cmpf ole, %get3A_2599, %le3A_2600 : vector<16xf32>
      %all_reduce_population_count3A_2602 = tpu.all_reduce %le3A_2601 {dim = 0 : i64, kind = #tpu.reduction_kind<sum>} : vector<16xi1> -> vector<16xi32>
      %slice3A_2603 = vector.extract_strided_slice %all_reduce_population_count3A_2602 {offsets = [0], sizes = [1], strides = [1]} : vector<16xi32> to vector<1xi32>
      %squeeze3A_2604 = vector.extract %slice3A_2603[0] : i32 from vector<1xi32>
      %add3A_2605 = arith.addi %add3A_2597, %squeeze3A_2604 : i32
      %get3A_2606 = arith.constant 4032 : index
      %get3A_2607 = tpu.vector_load %arg11[%get3A_2606] {strides = array<i32>} : memref<4096xf32, #tpu.memory_space<vmem>>, vector<16xf32>,
      %le3A_2608 = vector.broadcast %bitcast_convert_type3A_592 : f32 to vector<16xf32>
      %le3A_2609 = arith.cmpf ole, %get3A_2607, %le3A_2608 : vector<16xf32>
      %all_reduce_population_count3A_2610 = tpu.all_reduce %le3A_2609 {dim = 0 : i64, kind = #tpu.reduction_kind<sum>} : vector<16xi1> -> vector<16xi32>
      %slice3A_2611 = vector.extract_strided_slice %all_reduce_population_count3A_2610 {offsets = [0], sizes = [1], strides = [1]} : vector<16xi32> to vector<1xi32>
      %squeeze3A_2612 = vector.extract %slice3A_2611[0] : i32 from vector<1xi32>
      %add3A_2613 = arith.addi %add3A_2605, %squeeze3A_2612 : i32
      %get3A_2614 = arith.constant 4048 : index
      %get3A_2615 = tpu.vector_load %arg11[%get3A_2614] {strides = array<i32>} : memref<4096xf32, #tpu.memory_space<vmem>>, vector<16xf32>,
      %le3A_2616 = vector.broadcast %bitcast_convert_type3A_592 : f32 to vector<16xf32>
      %le3A_2617 = arith.cmpf ole, %get3A_2615, %le3A_2616 : vector<16xf32>
      %all_reduce_population_count3A_2618 = tpu.all_reduce %le3A_2617 {dim = 0 : i64, kind = #tpu.reduction_kind<sum>} : vector<16xi1> -> vector<16xi32>
      %slice3A_2619 = vector.extract_strided_slice %all_reduce_population_count3A_2618 {offsets = [0], sizes = [1], strides = [1]} : vector<16xi32> to vector<1xi32>
      %squeeze3A_2620 = vector.extract %slice3A_2619[0] : i32 from vector<1xi32>
      %add3A_2621 = arith.addi %add3A_2613, %squeeze3A_2620 : i32
      %get3A_2622 = arith.constant 4064 : index
      %get3A_2623 = tpu.vector_load %arg11[%get3A_2622] {strides = array<i32>} : memref<4096xf32, #tpu.memory_space<vmem>>, vector<16xf32>,
      %le3A_2624 = vector.broadcast %bitcast_convert_type3A_592 : f32 to vector<16xf32>
      %le3A_2625 = arith.cmpf ole, %get3A_2623, %le3A_2624 : vector<16xf32>
      %all_reduce_population_count3A_2626 = tpu.all_reduce %le3A_2625 {dim = 0 : i64, kind = #tpu.reduction_kind<sum>} : vector<16xi1> -> vector<16xi32>
      %slice3A_2627 = vector.extract_strided_slice %all_reduce_population_count3A_2626 {offsets = [0], sizes = [1], strides = [1]} : vector<16xi32> to vector<1xi32>
      %squeeze3A_2628 = vector.extract %slice3A_2627[0] : i32 from vector<1xi32>
      %add3A_2629 = arith.addi %add3A_2621, %squeeze3A_2628 : i32
      %get3A_2630 = arith.constant 4080 : index
      %get3A_2631 = tpu.vector_load %arg11[%get3A_2630] {strides = array<i32>} : memref<4096xf32, #tpu.memory_space<vmem>>, vector<16xf32>,
      %le3A_2632 = vector.broadcast %bitcast_convert_type3A_592 : f32 to vector<16xf32>
      %le3A_2633 = arith.cmpf ole, %get3A_2631, %le3A_2632 : vector<16xf32>
      %all_reduce_population_count3A_2634 = tpu.all_reduce %le3A_2633 {dim = 0 : i64, kind = #tpu.reduction_kind<sum>} : vector<16xi1> -> vector<16xi32>
      %slice3A_2635 = vector.extract_strided_slice %all_reduce_population_count3A_2634 {offsets = [0], sizes = [1], strides = [1]} : vector<16xi32> to vector<1xi32>
      %squeeze3A_2636 = vector.extract %slice3A_2635[0] : i32 from vector<1xi32>
      %add3A_2637 = arith.addi %add3A_2629, %squeeze3A_2636 : i32
      %ge3A = arith.constant 2049 : i32
      %ge3A_2638 = arith.cmpi sge, %add3A_2637, %ge3A : i32
      %add3A_2639 = arith.constant 1 : i32
      %add3A_2640 = arith.addi %add3A_591, %add3A_2639 : i32
      %select_n3A_2641 = arith.select %ge3A_2638, %scan3A_569, %add3A_2640 : i32
      %select_n3A_2642 = arith.select %ge3A_2638, %add3A_591, %scan3A_570 : i32
      scf.yield %select_n3A_2641, %select_n3A_2642 : i32, i32
    }
    %scan3A_395 = arith.constant 30 : i32
    %bitcast_convert_type3A = arith.bitcast %scan3A_394#0 : i32 to f32
    %get3A_396 = arith.constant 0 : index
    %get3A_397 = tpu.vector_load %arg10[%get3A_396] {strides = array<i32>} : memref<256xf32, #tpu.memory_space<vmem>>, vector<16xf32>,
    %gt3A = vector.broadcast %bitcast_convert_type3A : f32 to vector<16xf32>
    %gt3A_398 = arith.cmpf ogt, %get3A_397, %gt3A : vector<16xf32>
    %jit3A = arith.constant 1.000000e+00 : f32
    %jit3A_399 = arith.constant 0.000000e+00 : f32
    %broadcast_in_dim3A = vector.broadcast %jit3A : f32 to vector<16xf32>
    %broadcast_in_dim3A_400 = vector.broadcast %jit3A_399 : f32 to vector<16xf32>
    %select_n3A = arith.select %gt3A_398, %broadcast_in_dim3A, %broadcast_in_dim3A_400 : vector<16xi1>, vector<16xf32>
    %swap3A_401 = arith.constant 0 : index
    %swap3A_402 = tpu.vector_load %arg12[%swap3A_401] {strides = array<i32>} : memref<256xf32, #tpu.memory_space<vmem>>, vector<16xf32>,
    tpu.vector_store %arg12[%swap3A_401], %select_n3A {strides = array<i32>} : memref<256xf32, #tpu.memory_space<vmem>>, vector<16xf32>,
    %get3A_403 = arith.constant 16 : index
    %get3A_404 = tpu.vector_load %arg10[%get3A_403] {strides = array<i32>} : memref<256xf32, #tpu.memory_space<vmem>>, vector<16xf32>,
    %gt3A_405 = vector.broadcast %bitcast_convert_type3A : f32 to vector<16xf32>
    %gt3A_406 = arith.cmpf ogt, %get3A_404, %gt3A_405 : vector<16xf32>
    %jit3A_407 = arith.constant 1.000000e+00 : f32
    %jit3A_408 = arith.constant 0.000000e+00 : f32
    %broadcast_in_dim3A_409 = vector.broadcast %jit3A_407 : f32 to vector<16xf32>
    %broadcast_in_dim3A_410 = vector.broadcast %jit3A_408 : f32 to vector<16xf32>
    %select_n3A_411 = arith.select %gt3A_406, %broadcast_in_dim3A_409, %broadcast_in_dim3A_410 : vector<16xi1>, vector<16xf32>
    %swap3A_412 = arith.constant 16 : index
    %swap3A_413 = tpu.vector_load %arg12[%swap3A_412] {strides = array<i32>} : memref<256xf32, #tpu.memory_space<vmem>>, vector<16xf32>,
    tpu.vector_store %arg12[%swap3A_412], %select_n3A_411 {strides = array<i32>} : memref<256xf32, #tpu.memory_space<vmem>>, vector<16xf32>,
    %get3A_414 = arith.constant 32 : index
    %get3A_415 = tpu.vector_load %arg10[%get3A_414] {strides = array<i32>} : memref<256xf32, #tpu.memory_space<vmem>>, vector<16xf32>,
    %gt3A_416 = vector.broadcast %bitcast_convert_type3A : f32 to vector<16xf32>
    %gt3A_417 = arith.cmpf ogt, %get3A_415, %gt3A_416 : vector<16xf32>
    %jit3A_418 = arith.constant 1.000000e+00 : f32
    %jit3A_419 = arith.constant 0.000000e+00 : f32
    %broadcast_in_dim3A_420 = vector.broadcast %jit3A_418 : f32 to vector<16xf32>
    %broadcast_in_dim3A_421 = vector.broadcast %jit3A_419 : f32 to vector<16xf32>
    %select_n3A_422 = arith.select %gt3A_417, %broadcast_in_dim3A_420, %broadcast_in_dim3A_421 : vector<16xi1>, vector<16xf32>
    %swap3A_423 = arith.constant 32 : index
    %swap3A_424 = tpu.vector_load %arg12[%swap3A_423] {strides = array<i32>} : memref<256xf32, #tpu.memory_space<vmem>>, vector<16xf32>,
    tpu.vector_store %arg12[%swap3A_423], %select_n3A_422 {strides = array<i32>} : memref<256xf32, #tpu.memory_space<vmem>>, vector<16xf32>,
    %get3A_425 = arith.constant 48 : index
    %get3A_426 = tpu.vector_load %arg10[%get3A_425] {strides = array<i32>} : memref<256xf32, #tpu.memory_space<vmem>>, vector<16xf32>,
    %gt3A_427 = vector.broadcast %bitcast_convert_type3A : f32 to vector<16xf32>
    %gt3A_428 = arith.cmpf ogt, %get3A_426, %gt3A_427 : vector<16xf32>
    %jit3A_429 = arith.constant 1.000000e+00 : f32
    %jit3A_430 = arith.constant 0.000000e+00 : f32
    %broadcast_in_dim3A_431 = vector.broadcast %jit3A_429 : f32 to vector<16xf32>
    %broadcast_in_dim3A_432 = vector.broadcast %jit3A_430 : f32 to vector<16xf32>
    %select_n3A_433 = arith.select %gt3A_428, %broadcast_in_dim3A_431, %broadcast_in_dim3A_432 : vector<16xi1>, vector<16xf32>
    %swap3A_434 = arith.constant 48 : index
    %swap3A_435 = tpu.vector_load %arg12[%swap3A_434] {strides = array<i32>} : memref<256xf32, #tpu.memory_space<vmem>>, vector<16xf32>,
    tpu.vector_store %arg12[%swap3A_434], %select_n3A_433 {strides = array<i32>} : memref<256xf32, #tpu.memory_space<vmem>>, vector<16xf32>,
    %get3A_436 = arith.constant 64 : index
    %get3A_437 = tpu.vector_load %arg10[%get3A_436] {strides = array<i32>} : memref<256xf32, #tpu.memory_space<vmem>>, vector<16xf32>,
    %gt3A_438 = vector.broadcast %bitcast_convert_type3A : f32 to vector<16xf32>
    %gt3A_439 = arith.cmpf ogt, %get3A_437, %gt3A_438 : vector<16xf32>
    %jit3A_440 = arith.constant 1.000000e+00 : f32
    %jit3A_441 = arith.constant 0.000000e+00 : f32
    %broadcast_in_dim3A_442 = vector.broadcast %jit3A_440 : f32 to vector<16xf32>
    %broadcast_in_dim3A_443 = vector.broadcast %jit3A_441 : f32 to vector<16xf32>
    %select_n3A_444 = arith.select %gt3A_439, %broadcast_in_dim3A_442, %broadcast_in_dim3A_443 : vector<16xi1>, vector<16xf32>
    %swap3A_445 = arith.constant 64 : index
    %swap3A_446 = tpu.vector_load %arg12[%swap3A_445] {strides = array<i32>} : memref<256xf32, #tpu.memory_space<vmem>>, vector<16xf32>,
    tpu.vector_store %arg12[%swap3A_445], %select_n3A_444 {strides = array<i32>} : memref<256xf32, #tpu.memory_space<vmem>>, vector<16xf32>,
    %get3A_447 = arith.constant 80 : index
    %get3A_448 = tpu.vector_load %arg10[%get3A_447] {strides = array<i32>} : memref<256xf32, #tpu.memory_space<vmem>>, vector<16xf32>,
    %gt3A_449 = vector.broadcast %bitcast_convert_type3A : f32 to vector<16xf32>
    %gt3A_450 = arith.cmpf ogt, %get3A_448, %gt3A_449 : vector<16xf32>
    %jit3A_451 = arith.constant 1.000000e+00 : f32
    %jit3A_452 = arith.constant 0.000000e+00 : f32
    %broadcast_in_dim3A_453 = vector.broadcast %jit3A_451 : f32 to vector<16xf32>
    %broadcast_in_dim3A_454 = vector.broadcast %jit3A_452 : f32 to vector<16xf32>
    %select_n3A_455 = arith.select %gt3A_450, %broadcast_in_dim3A_453, %broadcast_in_dim3A_454 : vector<16xi1>, vector<16xf32>
    %swap3A_456 = arith.constant 80 : index
    %swap3A_457 = tpu.vector_load %arg12[%swap3A_456] {strides = array<i32>} : memref<256xf32, #tpu.memory_space<vmem>>, vector<16xf32>,
    tpu.vector_store %arg12[%swap3A_456], %select_n3A_455 {strides = array<i32>} : memref<256xf32, #tpu.memory_space<vmem>>, vector<16xf32>,
    %get3A_458 = arith.constant 96 : index
    %get3A_459 = tpu.vector_load %arg10[%get3A_458] {strides = array<i32>} : memref<256xf32, #tpu.memory_space<vmem>>, vector<16xf32>,
    %gt3A_460 = vector.broadcast %bitcast_convert_type3A : f32 to vector<16xf32>
    %gt3A_461 = arith.cmpf ogt, %get3A_459, %gt3A_460 : vector<16xf32>
    %jit3A_462 = arith.constant 1.000000e+00 : f32
    %jit3A_463 = arith.constant 0.000000e+00 : f32
    %broadcast_in_dim3A_464 = vector.broadcast %jit3A_462 : f32 to vector<16xf32>
    %broadcast_in_dim3A_465 = vector.broadcast %jit3A_463 : f32 to vector<16xf32>
    %select_n3A_466 = arith.select %gt3A_461, %broadcast_in_dim3A_464, %broadcast_in_dim3A_465 : vector<16xi1>, vector<16xf32>
    %swap3A_467 = arith.constant 96 : index
    %swap3A_468 = tpu.vector_load %arg12[%swap3A_467] {strides = array<i32>} : memref<256xf32, #tpu.memory_space<vmem>>, vector<16xf32>,
    tpu.vector_store %arg12[%swap3A_467], %select_n3A_466 {strides = array<i32>} : memref<256xf32, #tpu.memory_space<vmem>>, vector<16xf32>,
    %get3A_469 = arith.constant 112 : index
    %get3A_470 = tpu.vector_load %arg10[%get3A_469] {strides = array<i32>} : memref<256xf32, #tpu.memory_space<vmem>>, vector<16xf32>,
    %gt3A_471 = vector.broadcast %bitcast_convert_type3A : f32 to vector<16xf32>
    %gt3A_472 = arith.cmpf ogt, %get3A_470, %gt3A_471 : vector<16xf32>
    %jit3A_473 = arith.constant 1.000000e+00 : f32
    %jit3A_474 = arith.constant 0.000000e+00 : f32
    %broadcast_in_dim3A_475 = vector.broadcast %jit3A_473 : f32 to vector<16xf32>
    %broadcast_in_dim3A_476 = vector.broadcast %jit3A_474 : f32 to vector<16xf32>
    %select_n3A_477 = arith.select %gt3A_472, %broadcast_in_dim3A_475, %broadcast_in_dim3A_476 : vector<16xi1>, vector<16xf32>
    %swap3A_478 = arith.constant 112 : index
    %swap3A_479 = tpu.vector_load %arg12[%swap3A_478] {strides = array<i32>} : memref<256xf32, #tpu.memory_space<vmem>>, vector<16xf32>,
    tpu.vector_store %arg12[%swap3A_478], %select_n3A_477 {strides = array<i32>} : memref<256xf32, #tpu.memory_space<vmem>>, vector<16xf32>,
    %get3A_480 = arith.constant 128 : index
    %get3A_481 = tpu.vector_load %arg10[%get3A_480] {strides = array<i32>} : memref<256xf32, #tpu.memory_space<vmem>>, vector<16xf32>,
    %gt3A_482 = vector.broadcast %bitcast_convert_type3A : f32 to vector<16xf32>
    %gt3A_483 = arith.cmpf ogt, %get3A_481, %gt3A_482 : vector<16xf32>
    %jit3A_484 = arith.constant 1.000000e+00 : f32
    %jit3A_485 = arith.constant 0.000000e+00 : f32
    %broadcast_in_dim3A_486 = vector.broadcast %jit3A_484 : f32 to vector<16xf32>
    %broadcast_in_dim3A_487 = vector.broadcast %jit3A_485 : f32 to vector<16xf32>
    %select_n3A_488 = arith.select %gt3A_483, %broadcast_in_dim3A_486, %broadcast_in_dim3A_487 : vector<16xi1>, vector<16xf32>
    %swap3A_489 = arith.constant 128 : index
    %swap3A_490 = tpu.vector_load %arg12[%swap3A_489] {strides = array<i32>} : memref<256xf32, #tpu.memory_space<vmem>>, vector<16xf32>,
    tpu.vector_store %arg12[%swap3A_489], %select_n3A_488 {strides = array<i32>} : memref<256xf32, #tpu.memory_space<vmem>>, vector<16xf32>,
    %get3A_491 = arith.constant 144 : index
    %get3A_492 = tpu.vector_load %arg10[%get3A_491] {strides = array<i32>} : memref<256xf32, #tpu.memory_space<vmem>>, vector<16xf32>,
    %gt3A_493 = vector.broadcast %bitcast_convert_type3A : f32 to vector<16xf32>
    %gt3A_494 = arith.cmpf ogt, %get3A_492, %gt3A_493 : vector<16xf32>
    %jit3A_495 = arith.constant 1.000000e+00 : f32
    %jit3A_496 = arith.constant 0.000000e+00 : f32
    %broadcast_in_dim3A_497 = vector.broadcast %jit3A_495 : f32 to vector<16xf32>
    %broadcast_in_dim3A_498 = vector.broadcast %jit3A_496 : f32 to vector<16xf32>
    %select_n3A_499 = arith.select %gt3A_494, %broadcast_in_dim3A_497, %broadcast_in_dim3A_498 : vector<16xi1>, vector<16xf32>
    %swap3A_500 = arith.constant 144 : index
    %swap3A_501 = tpu.vector_load %arg12[%swap3A_500] {strides = array<i32>} : memref<256xf32, #tpu.memory_space<vmem>>, vector<16xf32>,
    tpu.vector_store %arg12[%swap3A_500], %select_n3A_499 {strides = array<i32>} : memref<256xf32, #tpu.memory_space<vmem>>, vector<16xf32>,
    %get3A_502 = arith.constant 160 : index
    %get3A_503 = tpu.vector_load %arg10[%get3A_502] {strides = array<i32>} : memref<256xf32, #tpu.memory_space<vmem>>, vector<16xf32>,
    %gt3A_504 = vector.broadcast %bitcast_convert_type3A : f32 to vector<16xf32>
    %gt3A_505 = arith.cmpf ogt, %get3A_503, %gt3A_504 : vector<16xf32>
    %jit3A_506 = arith.constant 1.000000e+00 : f32
    %jit3A_507 = arith.constant 0.000000e+00 : f32
    %broadcast_in_dim3A_508 = vector.broadcast %jit3A_506 : f32 to vector<16xf32>
    %broadcast_in_dim3A_509 = vector.broadcast %jit3A_507 : f32 to vector<16xf32>
    %select_n3A_510 = arith.select %gt3A_505, %broadcast_in_dim3A_508, %broadcast_in_dim3A_509 : vector<16xi1>, vector<16xf32>
    %swap3A_511 = arith.constant 160 : index
    %swap3A_512 = tpu.vector_load %arg12[%swap3A_511] {strides = array<i32>} : memref<256xf32, #tpu.memory_space<vmem>>, vector<16xf32>,
    tpu.vector_store %arg12[%swap3A_511], %select_n3A_510 {strides = array<i32>} : memref<256xf32, #tpu.memory_space<vmem>>, vector<16xf32>,
    %get3A_513 = arith.constant 176 : index
    %get3A_514 = tpu.vector_load %arg10[%get3A_513] {strides = array<i32>} : memref<256xf32, #tpu.memory_space<vmem>>, vector<16xf32>,
    %gt3A_515 = vector.broadcast %bitcast_convert_type3A : f32 to vector<16xf32>
    %gt3A_516 = arith.cmpf ogt, %get3A_514, %gt3A_515 : vector<16xf32>
    %jit3A_517 = arith.constant 1.000000e+00 : f32
    %jit3A_518 = arith.constant 0.000000e+00 : f32
    %broadcast_in_dim3A_519 = vector.broadcast %jit3A_517 : f32 to vector<16xf32>
    %broadcast_in_dim3A_520 = vector.broadcast %jit3A_518 : f32 to vector<16xf32>
    %select_n3A_521 = arith.select %gt3A_516, %broadcast_in_dim3A_519, %broadcast_in_dim3A_520 : vector<16xi1>, vector<16xf32>
    %swap3A_522 = arith.constant 176 : index
    %swap3A_523 = tpu.vector_load %arg12[%swap3A_522] {strides = array<i32>} : memref<256xf32, #tpu.memory_space<vmem>>, vector<16xf32>,
    tpu.vector_store %arg12[%swap3A_522], %select_n3A_521 {strides = array<i32>} : memref<256xf32, #tpu.memory_space<vmem>>, vector<16xf32>,
    %get3A_524 = arith.constant 192 : index
    %get3A_525 = tpu.vector_load %arg10[%get3A_524] {strides = array<i32>} : memref<256xf32, #tpu.memory_space<vmem>>, vector<16xf32>,
    %gt3A_526 = vector.broadcast %bitcast_convert_type3A : f32 to vector<16xf32>
    %gt3A_527 = arith.cmpf ogt, %get3A_525, %gt3A_526 : vector<16xf32>
    %jit3A_528 = arith.constant 1.000000e+00 : f32
    %jit3A_529 = arith.constant 0.000000e+00 : f32
    %broadcast_in_dim3A_530 = vector.broadcast %jit3A_528 : f32 to vector<16xf32>
    %broadcast_in_dim3A_531 = vector.broadcast %jit3A_529 : f32 to vector<16xf32>
    %select_n3A_532 = arith.select %gt3A_527, %broadcast_in_dim3A_530, %broadcast_in_dim3A_531 : vector<16xi1>, vector<16xf32>
    %swap3A_533 = arith.constant 192 : index
    %swap3A_534 = tpu.vector_load %arg12[%swap3A_533] {strides = array<i32>} : memref<256xf32, #tpu.memory_space<vmem>>, vector<16xf32>,
    tpu.vector_store %arg12[%swap3A_533], %select_n3A_532 {strides = array<i32>} : memref<256xf32, #tpu.memory_space<vmem>>, vector<16xf32>,
    %get3A_535 = arith.constant 208 : index
    %get3A_536 = tpu.vector_load %arg10[%get3A_535] {strides = array<i32>} : memref<256xf32, #tpu.memory_space<vmem>>, vector<16xf32>,
    %gt3A_537 = vector.broadcast %bitcast_convert_type3A : f32 to vector<16xf32>
    %gt3A_538 = arith.cmpf ogt, %get3A_536, %gt3A_537 : vector<16xf32>
    %jit3A_539 = arith.constant 1.000000e+00 : f32
    %jit3A_540 = arith.constant 0.000000e+00 : f32
    %broadcast_in_dim3A_541 = vector.broadcast %jit3A_539 : f32 to vector<16xf32>
    %broadcast_in_dim3A_542 = vector.broadcast %jit3A_540 : f32 to vector<16xf32>
    %select_n3A_543 = arith.select %gt3A_538, %broadcast_in_dim3A_541, %broadcast_in_dim3A_542 : vector<16xi1>, vector<16xf32>
    %swap3A_544 = arith.constant 208 : index
    %swap3A_545 = tpu.vector_load %arg12[%swap3A_544] {strides = array<i32>} : memref<256xf32, #tpu.memory_space<vmem>>, vector<16xf32>,
    tpu.vector_store %arg12[%swap3A_544], %select_n3A_543 {strides = array<i32>} : memref<256xf32, #tpu.memory_space<vmem>>, vector<16xf32>,
    %get3A_546 = arith.constant 224 : index
    %get3A_547 = tpu.vector_load %arg10[%get3A_546] {strides = array<i32>} : memref<256xf32, #tpu.memory_space<vmem>>, vector<16xf32>,
    %gt3A_548 = vector.broadcast %bitcast_convert_type3A : f32 to vector<16xf32>
    %gt3A_549 = arith.cmpf ogt, %get3A_547, %gt3A_548 : vector<16xf32>
    %jit3A_550 = arith.constant 1.000000e+00 : f32
    %jit3A_551 = arith.constant 0.000000e+00 : f32
    %broadcast_in_dim3A_552 = vector.broadcast %jit3A_550 : f32 to vector<16xf32>
    %broadcast_in_dim3A_553 = vector.broadcast %jit3A_551 : f32 to vector<16xf32>
    %select_n3A_554 = arith.select %gt3A_549, %broadcast_in_dim3A_552, %broadcast_in_dim3A_553 : vector<16xi1>, vector<16xf32>
    %swap3A_555 = arith.constant 224 : index
    %swap3A_556 = tpu.vector_load %arg12[%swap3A_555] {strides = array<i32>} : memref<256xf32, #tpu.memory_space<vmem>>, vector<16xf32>,
    tpu.vector_store %arg12[%swap3A_555], %select_n3A_554 {strides = array<i32>} : memref<256xf32, #tpu.memory_space<vmem>>, vector<16xf32>,
    %get3A_557 = arith.constant 240 : index
    %get3A_558 = tpu.vector_load %arg10[%get3A_557] {strides = array<i32>} : memref<256xf32, #tpu.memory_space<vmem>>, vector<16xf32>,
    %gt3A_559 = vector.broadcast %bitcast_convert_type3A : f32 to vector<16xf32>
    %gt3A_560 = arith.cmpf ogt, %get3A_558, %gt3A_559 : vector<16xf32>
    %jit3A_561 = arith.constant 1.000000e+00 : f32
    %jit3A_562 = arith.constant 0.000000e+00 : f32
    %broadcast_in_dim3A_563 = vector.broadcast %jit3A_561 : f32 to vector<16xf32>
    %broadcast_in_dim3A_564 = vector.broadcast %jit3A_562 : f32 to vector<16xf32>
    %select_n3A_565 = arith.select %gt3A_560, %broadcast_in_dim3A_563, %broadcast_in_dim3A_564 : vector<16xi1>, vector<16xf32>
    %swap3A_566 = arith.constant 240 : index
    %swap3A_567 = tpu.vector_load %arg12[%swap3A_566] {strides = array<i32>} : memref<256xf32, #tpu.memory_space<vmem>>, vector<16xf32>,
    tpu.vector_store %arg12[%swap3A_566], %select_n3A_565 {strides = array<i32>} : memref<256xf32, #tpu.memory_space<vmem>>, vector<16xf32>,
    "tpu.region"() ({
      %run_scoped3A = tpu.sem_alloc : memref<!tpu.dma_semaphore, #tpu.memory_space<semaphore_mem>>
      %dma_start3A_568 = tpu.memref_slice %arg6[%mul3A_0] : memref<4096xf32, #tpu.memory_space<hbm>> -> memref<256xf32, #tpu.memory_space<hbm>>
      %dma_start3A_569 = tpu.memref_slice %arg6[%mul3A_0] : memref<4096xf32, #tpu.memory_space<hbm>> -> memref<256xf32, #tpu.memory_space<hbm>>
      tpu.enqueue_dma source(%arg12 : memref<256xf32, #tpu.memory_space<vmem>>) target(%dma_start3A_569 : memref<256xf32, #tpu.memory_space<hbm>>) target_semaphore(%run_scoped3A : memref<!tpu.dma_semaphore, #tpu.memory_space<semaphore_mem>>)
      %dma_wait3A_570 = tpu.memref_slice %arg6[%mul3A_0] : memref<4096xf32, #tpu.memory_space<hbm>> -> memref<256xf32, #tpu.memory_space<hbm>>
      %dma_wait3A_571 = tpu.memref_slice %arg6[%mul3A_0] : memref<4096xf32, #tpu.memory_space<hbm>> -> memref<256xf32, #tpu.memory_space<hbm>>
      tpu.wait_dma2 semaphore(%run_scoped3A : memref<!tpu.dma_semaphore, #tpu.memory_space<semaphore_mem>>) src(%arg12 : memref<256xf32, #tpu.memory_space<vmem>>) dst(%dma_wait3A_571 : memref<256xf32, #tpu.memory_space<hbm>>)
      tpu.yield
    }) : () -> ()
    return
  }
}

module attributes {stable_mosaic.version = 14 : i64} {
  func.func @_mul_kernel(%arg0: i32, %arg1: memref<512x4096xf32, #tpu.memory_space<vmem>>, %arg2: memref<1x4096xf32, #tpu.memory_space<vmem>>, %arg3: memref<512x4096xf32, #tpu.memory_space<vmem>>) attributes {dimension_semantics = [#tpu.dimension_semantics<arbitrary>], iteration_bounds = array<i64: 16>, scalar_prefetch = 0 : i64, scratch_operands = 0 : i64, tpu.core_type = #tpu.core_type<tc>, window_params = [{transform_indices = @transform_0, window_bounds = array<i64: 512, 4096>}, {pipeline_mode = #tpu.pipeline_mode<synchronous>, transform_indices = @transform_1, window_bounds = array<i64: 1, 4096>}, {transform_indices = @transform_2, window_bounds = array<i64: 512, 4096>}]} {
    %get3A = arith.constant 0 : index
    %get3A_0 = arith.constant 0 : index
    %get3A_1 = vector.load %arg1[%get3A, %get3A_0] : memref<512x4096xf32, #tpu.memory_space<vmem>>, vector<512x4096xf32>
    %get3A_2 = arith.constant 0 : index
    %get3A_3 = arith.constant 0 : index
    %get3A_4 = vector.load %arg2[%get3A_2, %get3A_3] : memref<1x4096xf32, #tpu.memory_space<vmem>>, vector<1x4096xf32>
    %mul3A = vector.broadcast %get3A_4 : vector<1x4096xf32> to vector<512x4096xf32>
    %mul3A_5 = arith.mulf %get3A_1, %mul3A : vector<512x4096xf32>
    %swap3A = arith.constant 0 : index
    %swap3A_6 = arith.constant 0 : index
    %swap3A_7 = vector.load %arg3[%swap3A, %swap3A_6] : memref<512x4096xf32, #tpu.memory_space<vmem>>, vector<512x4096xf32>
    tpu.vector_store %arg3[%swap3A, %swap3A_6], %mul3A_5 {strides = array<i32>} : memref<512x4096xf32, #tpu.memory_space<vmem>>, vector<512x4096xf32>,
    return
  }
  func.func @transform_0(%arg0: i32) -> (i32, i32) {
    %c0_i32 = arith.constant 0 : i32
    %c0_i32_0 = arith.constant 0 : i32
    return %arg0, %c0_i32 : i32, i32
  }
  func.func @transform_1(%arg0: i32) -> (i32, i32) {
    %c0_i32 = arith.constant 0 : i32
    %c0_i32_0 = arith.constant 0 : i32
    %c0_i32_1 = arith.constant 0 : i32
    return %c0_i32, %c0_i32_0 : i32, i32
  }
  func.func @transform_2(%arg0: i32) -> (i32, i32) {
    %c0_i32 = arith.constant 0 : i32
    %c0_i32_0 = arith.constant 0 : i32
    return %arg0, %c0_i32 : i32, i32
  }
}

</mosaic_0001>

<sc_bundles>
// kernel: _run.4.cloned.1.call-start
scs
__scs_entry_jumppad:
0x0: {  	(pc) =	sbr.rel $0x88, $3  }
0x1: {  	(tag) =	ssettag $0x0;
	lr =	simm.s32 $0x1  }
0x2: {  	[smem:$0x3F9D] =	sst lr;
	_ =	strace $0xD0000000  }
0x3: {  	_ = 	snop  }
0x4: {  	_ = 	snop  }
0x5: {  	_ = 	snop  }
0x6: {  	_ = 	snop  }
0x7: {  	_ = 	snop  }
__scs_overlays_trampoline_lowered:
0x8: {  	[smem:$0x3FAC] =	sst s0  }
0x9: {  	[smem:$0x3FAD] =	sst s1  }
0xa: {  	[smem:$0x3FAE] =	sst s2  }
0xb: {  	[smem:$0x3FAF] =	sst s3  }
0xc: {  	[smem:$0x3FB0] =	sst s4  }
0xd: {  	[smem:$0x3FB1] =	sst s5  }
0xe: {  	[smem:$0x3FB2] =	sst s6  }
0xf: {  	[smem:$0x3FB3] =	sst s7  }
0x10: {  	[smem:$0x3FB4] =	sst s8  }
0x11: {  	[smem:$0x3FB5] =	sst s9;
	s0 =	simm.s32 @!p0 $0x0  }
0x12: {  	s1 =	sld [smem:$0x3F9B];
	s0 =	simm.s32 @p0 $0x1  }
0x13: {  	[smem:$0x3FB6] =	sst s0;
	s0 =	simm.s32 @!p1 $0x0  }
0x14: {  	s2 =	sld [smem:$0x3F9A];
	s0 =	simm.s32 @p1 $0x1  }
0x15: {  	[smem:$0x3FB7] =	sst s0;
	s0 =	simm.s32 @!p2 $0x0  }
0x16: {  	s3 =	sld [smem:$0x3FDB];
	s0 =	simm.s32 @p2 $0x1  }
0x17: {  	s4 =	simm.s32 $0x1BF5;
	[smem:$0x3FB9] =	sst s0  }
0x18: {  	s0 =	sld [smem:$0x3F9C];
	_ =	swait.ge [sflag:s4], $0x0  }
0x19: {  	s7 =	sld [smem:$0x3F9D]  }
0x1a: {  	s8 =	sadd.s32 $0xFFFFE003, lr  }
0x1b: {  	s9 =	sadd.s32 $0xFFFFFEF7, lr;
	s5 =	simm.s32 $0xFFFFFFFF;
	p2 =	slt.u32 s8, $0xFFFFF086  }
0x1c: {  	p1 =	slt.u32 s9, $0xF7A;
	s5 =	simm.s32 @!p2 $0x0  }
0x1d: {  	s5 =	simm.s32 @p1 $0x1;
	p0 =	seq.s32 s7, s2  }
0x1e: {  	s7 =	smul.u32 @!p0 $0xF7A, s2;
	p2 =	seq.s32 @!p0 s5, $0x0  }
0x1f: {  	s9 =	smul.u32 $0xF7A, s1;
	s8 =	simm.s32 @!p0 $0x1BF5;
	p2 =	por !p2, p0  }
0x20: {  	[sflag:s8] =	ssyncset.s32 @!p0 $0xFFFFF086;
	s6 =	sadd.s32 @!p0 s3, s7;
	s7 =	simm.s32 @!p0 $0x108  }
0x21: {  	s3 =	sadd.s32 s3, s9;
	s6 =	sadd.s32 @!p0 $0x88, s6;
	s7 =	simm.s32 @p2 $0x1082  }
0x22: {  	[simem:s7], [sflag:s8] =	dma.local @!p0 [hbm:s6], $0xF7A  }
0x23: {  	s9 =	sor.u32 $0xD0000000, s2;
	s6 =	simm.s32 $0x108;
	_ =	swait.ge @!p0 [sflag:s8], $0x0  }
0x24: {  	s3 =	sadd.s32 $0x88, s3;
	s6 =	simm.s32 @!p1 $0x1082;
	[sflag:s4] =	ssyncset.s32 $0xFFFFF086  }
0x25: {  	[simem:s6], [sflag:s4] =	dma.local [hbm:s3], $0xF7A  }
0x26: {  	[smem:$0x3F9D] =	sst s1;
	(tag) =	ssettag s2;
	_ =	strace s9  }
0x27: {  	s1 =	sld [smem:$0x3FAD]  }
0x28: {  	s2 =	sld [smem:$0x3FAE]  }
0x29: {  	s4 =	sld [smem:$0x3FB0]  }
0x2a: {  	p0 =	seq.s32 s5, $0x0;
	s5 =	sld [smem:$0x3FB1]  }
0x2b: {  	s6 =	sld [smem:$0x3FB2]  }
0x2c: {  	s7 =	sld [smem:$0x3FB3]  }
0x2d: {  	s3 =	simm.s32 $0x108;
	s8 =	sld [smem:$0x3FB4]  }
0x2e: {  	s3 =	simm.s32 @!p0 $0x1082;
	s9 =	sld [smem:$0x3FB5]  }
0x2f: {  	lr =	sadd.s32 s0, s3;
	s0 =	sld [smem:$0x3FAC]  }
0x30: {  	s3 =	sld [smem:$0x3FAF]  }
0x31: {  	[smem:$0x3FB8] =	sst s10  }
0x32: {  	s10 =	sld [smem:$0x3FB6];
	_ =	sdelay $0x3  }
0x33: {  	p0 =	seq.s32 s10, $0x1;
	s10 =	sld [smem:$0x3FB8];
	_ =	sdelay $0x3  }
0x34: {  	[smem:$0x3FB8] =	sst s10  }
0x35: {  	s10 =	sld [smem:$0x3FB7];
	_ =	sdelay $0x3  }
0x36: {  	p1 =	seq.s32 s10, $0x1;
	s10 =	sld [smem:$0x3FB8];
	_ =	sdelay $0x3  }
0x37: {  	[smem:$0x3FB8] =	sst s10  }
0x38: {  	s10 =	sld [smem:$0x3FB9]  }
0x39: {  	_ = 	snop;
	(pc) =	sbr.ind lr, $3  }
0x3a: {  	_ = 	snop  }
0x3b: {  	_ = 	snop  }
0x3c: {  	p2 =	seq.s32 s10, $0x1;
	s10 =	sld [smem:$0x3FB8]  }
0x3d: {  	_ =	shalt  }
0x3e: {  	_ =	shalt  }
0x3f: {  	_ =	shalt  }
0x40: {  	_ =	shalt  }
0x41: {  	_ =	shalt  }
0x42: {  	_ =	shalt  }
0x43: {  	_ =	shalt  }
0x44: {  	_ =	shalt  }
0x45: {  	_ =	shalt  }
0x46: {  	_ =	shalt  }
0x47: {  	_ =	shalt  }
0x48: {  	_ =	shalt  }
0x49: {  	_ =	shalt  }
0x4a: {  	_ =	shalt  }
0x4b: {  	_ =	shalt  }
0x4c: {  	_ =	shalt  }
0x4d: {  	_ =	shalt  }
0x4e: {  	_ =	shalt  }
0x4f: {  	_ =	shalt  }
0x50: {  	_ =	shalt  }
0x51: {  	_ =	shalt  }
0x52: {  	_ =	shalt  }
0x53: {  	_ =	shalt  }
0x54: {  	_ =	shalt  }
0x55: {  	_ =	shalt  }
0x56: {  	_ =	shalt  }
0x57: {  	_ =	shalt  }
0x58: {  	_ =	shalt  }
0x59: {  	_ =	shalt  }
0x5a: {  	_ =	shalt  }
0x5b: {  	_ =	shalt  }
0x5c: {  	_ =	shalt  }
0x5d: {  	_ =	shalt  }
0x5e: {  	_ =	shalt  }
0x5f: {  	_ =	shalt  }
0x60: {  	_ =	shalt  }
0x61: {  	_ =	shalt  }
0x62: {  	_ =	shalt  }
0x63: {  	_ =	shalt  }
0x64: {  	_ =	shalt  }
0x65: {  	_ =	shalt  }
0x66: {  	_ =	shalt  }
0x67: {  	_ =	shalt  }
0x68: {  	_ =	shalt  }
0x69: {  	_ =	shalt  }
0x6a: {  	_ =	shalt  }
0x6b: {  	_ =	shalt  }
0x6c: {  	_ =	shalt  }
0x6d: {  	_ =	shalt  }
0x6e: {  	_ =	shalt  }
0x6f: {  	_ =	shalt  }
0x70: {  	_ =	shalt  }
0x71: {  	_ =	shalt  }
0x72: {  	_ =	shalt  }
0x73: {  	_ =	shalt  }
0x74: {  	_ =	shalt  }
0x75: {  	_ =	shalt  }
0x76: {  	_ =	shalt  }
0x77: {  	_ =	shalt  }
0x78: {  	_ =	shalt  }
0x79: {  	_ =	shalt  }
0x7a: {  	_ =	shalt  }
0x7b: {  	_ =	shalt  }
0x7c: {  	_ =	shalt  }
0x7d: {  	_ =	shalt  }
0x7e: {  	_ =	shalt  }
0x7f: {  	_ =	shalt  }
0x80: {  	_ =	shalt  }
0x81: {  	_ =	shalt  }
0x82: {  	_ =	shalt  }
0x83: {  	_ =	shalt  }
0x84: {  	_ =	shalt  }
0x85: {  	_ =	shalt  }
0x86: {  	_ =	shalt  }
0x87: {  	_ =	shalt  }
.Lfunc_end0:
.L_simem_size_0:
called_computation_lowered:
.L_overlay_start_0:
0x88: {  	s0 =	sld [smem:$0x3FD9]  }
0x89: {  	s1 =	sld [smem:$0x3FFE];
	_ =	sdelay $0x3  }
0x8a: {  	s0 =	sadd.s32 s1, s0  }
0x8b: {  	[smem:$0x3FC4] =	sst s0  }
0x8c: {  	_ = 	snop  }
0x8d: {  	s0 =	sld [smem:$0x3FD0]  }
0x8e: {  	s14 =	sld [smem:$0x3FC8]  }
0x8f: {  	s2 =	sld [smem:$0x3FC7]  }
0x90: {  	s4 =	simm.s32 $0xA;
	s5 =	simm.s32 $0x10;
	s3 =	sld [smem:$0x3FC6]  }
0x91: {  	[smem:s5], [sflag:s4] =	dma.local [hbm:s0], $0x1  }
0x92: {  	_ =	swait.eq [sflag:s4], $0x1  }
0x93: {  	[sflag:s4] =	ssyncset.done $0x0  }
0x94: {  	s15 =	sld [smem:$0x10];
	[sflag:s4] =	ssyncadd.s32 $0xFFFFFFFF  }
0x95: {  	s16 =	sld [smem:$0x11];
	(tm) =	ssettm $0x1  }
0x96: {  	s17 =	sld [smem:$0x3FFB];
	_ =	sdelay $0x3  }
0x97: {  	_ =	strace s17  }
0x98: {  	s5 =	sld [smem:$0x3FFC];
	_ =	sdelay $0x3  }
0x99: {  	_ =	strace s5  }
0x9a: {  	s5 =	sld [smem:$0x3FFD];
	_ =	sdelay $0x3  }
0x9b: {  	_ =	strace s5  }
0x9c: {  	_ =	strace $0x8FFFFFFF  }
0x9d: {  	s18 =	sld [smem:$0x3FDB];
	_ =	sdelay $0x1  }
0x9e: {  	s6 =	simm.s32 $_scs_section_size  }
0x9f: {  	s7 =	simm.s32 $_size__tile_overlayer_lowered;
	s8 =	simm.s32 $_tile_overlayer_lowered  }
0xa0: {  	s21 =	simm.s32 $0x1BFF;
	s20 =	sshll.u32 s8, $0x1;
	s5 =	sadd.s32 s6, s18  }
0xa1: {  	s9 =	simm.s32 $0x0;
	s19 =	sshll.u32 s7, $0x1;
	s7 =	sadd.s32 s20, s5  }
0xa2: {  	[timem:s9], [sflag:s21] =	dma.local [hbm:s7], s19  }
0xa3: {  	_ =	swait.ge [sflag:s21], s19  }
0xa4: {  	s6 =	ssub.s32 $0x0, s19;
	[sflag:s21] =	ssyncset.done $0x0  }
0xa5: {  	[sflag:s21] =	ssyncadd.s32 s6;
	_ =	sdelay $0x1  }
0xa6: {  	s22 =	simm.s32 $0x1B8B  }
0xa7: {  	_ =	swait.ge [sflag:s22], $0x1  }
0xa8: {  	[sflag:s22] =	ssyncset.done $0x0  }
0xa9: {  	s23 =	simm.s32 $0x1B8E;
	[sflag:s22] =	ssyncadd.s32 $0xFFFFFFFF  }
0xaa: {  	s24 =	simm.s32 $execute0_lowered;
	[smem:$0x3FD2] =	sst s23  }
0xab: {  	s6 =	sshll.u32 s24, $0x1;
	_ =	strace $0x80000046;
	[dreg:$0x1] =	wrdreg $0xFFFFFFFF  }
0xac: {  	s25 =	simm.s32 $_size_execute0_lowered;
	s5 =	sadd.s32 s5, s6;
	[dreg:$0x0] =	wrdreg $0x0  }
0xad: {  	s6 =	sshll.u32 s25, $0x1;
	[dreg:$0x2] =	wrdreg s5  }
0xae: {  	[dreg:$0x3] =	wrdreg s6  }
0xaf: {  	[dreg:$0x4] =	wrdreg $0xC0  }
0xb0: {  	_ =	task [dreg:s9], $0x5FFFF  }
0xb1: {  	[dreg:$0x1] =	wrdreg $0xFFFFFFFF  }
0xb2: {  	[dreg:$0x0] =	wrdreg $0x60  }
0xb3: {  	[dreg:$0x2] =	wrdreg s14  }
0xb4: {  	[dreg:$0x3] =	wrdreg s2  }
0xb5: {  	[dreg:$0x4] =	wrdreg s3  }
0xb6: {  	[dreg:$0x5] =	wrdreg s16  }
0xb7: {  	[dreg:$0x6] =	wrdreg s15  }
0xb8: {  	[dreg:$0x7] =	wrdreg $0x15000  }
0xb9: {  	[dreg:$0x8] =	wrdreg $0x9  }
0xba: {  	_ =	task.clear_ibuf [dreg:s9], $0x9FFFF;
	_ =	strace $0x90000046  }
0xbb: {  	s26 =	simm.s32 $0x9;
	_ =	strace $0x80000048  }
0xbc: {  	_ =	swait.ge [sflag:s26], $0x1  }
0xbd: {  	[sflag:s26] =	ssyncadd.s32 $0xFFFFFFFF  }
0xbe: {  	_ =	strace $0x90000048  }
0xbf: {  	_ =	sfence  }
0xc0: {  	s28 =	sld [smem:$0x0];
	_ =	sdelay $0x1  }
0xc1: {  	s29 =	srdreg.scid  }
0xc2: {  	s30 =	sshll.u32 s29, $0xD;
	s31 =	sshrl.u32 s29, $0x2  }
0xc3: {  	s1 =	sand.u32 $0x1, s29;
	s2 =	sand.u32 $0x4000, s30;
	s0 =	sadd.s32 s31, s28  }
0xc4: {  	s1 =	sor.u32 s2, s1;
	s0 =	sshll.u32 s0, $0x11  }
0xc5: {  	s0 =	sor.u32 s0, s1  }
0xc6: {  	s0 =	sadd.s32 $0x8F2B, s0  }
0xc7: {  	[sflag:s0] =	ssyncadd.remote.s32 $0x1  }
0xc8: {  	_ =	sfence.sel $0xFFFF  }
0xc9: {  	[dreg:$0x0] =	wrdreg $0xFFFFFFFF;
	(pc) =	sbr.abs _section_cstart, $3  }
0xca: {  	[dreg:$0x1] =	wrdreg $0xFFFFFFFF  }
0xcb: {  	_ =	task.clear_ibuf [dreg:s9], $0x2FFFF;
	_ =	strace $0x9FFFFFFF  }
0xcc: {  	(tm) =	ssettm $0x7FFFFFFF  }
0xcd: {  	_ =	shalt  }
tec
execute0_lowered:
.L_overlay_start_1:
0x0: {  	(tag) =	ssettag $0x1  }
0x1: {  	s0 =	rddreg [dreg:$0x0]  }
0x2: {  	s1 =	rddreg [dreg:$0x1]  }
0x3: {  	s2 =	rddreg [dreg:$0x2]  }
0x4: {  	s5 =	rddreg [dreg:$0x3];
	s8 =	simm.s32 $0x0;
	s3 =	stileid.u32  }
0x5: {  	[smem:$0x7FF] =	sst s8;
	s6 =	sshll.u32 s3, $0x5  }
0x6: {  	s4 =	rddreg [dreg:$0x5];
	_ =	strace $0x80000047;
	s0 =	sadd.s32 s0, s6  }
0x7: {  	[tilespmem:s8], [sflag:$0x1] =	stream.linear.gather [hbm4b:s0+s8], $0x100, $0x38;
	[tilespmem:$0x1600] =	vst v63  }
0x8: {  	s20 =	simm.s32 $0x100;
	s19 =	sadd.s32 s1, s6  }
0x9: {  	[tilespmem:s20], [sflag:$0x2] =	stream.linear.gather [hbm4b:s19+s8], $0x100, $0x38;
	[tilespmem:$0x1600] =	vst v63  }
0xa: {  	s22 =	simm.s32 $0x200;
	s23 =	simm.s32 $0x1;
	s21 =	sadd.s32 s2, s6  }
0xb: {  	[tilespmem:s22], [sflag:$0x3] =	stream.linear.gather [hbm4b:s21+s8], $0x100, $0x38;
	[tilespmem:$0x1600] =	vst v63  }
0xc: {  	_ =	swait.ge [sflag:s23], $0x100  }
0xd: {  	[sflag:s23] =	ssyncset.done $0x0  }
0xe: {  	s24 =	simm.s32 $0x2;
	[sflag:s23] =	ssyncadd.s32 $0xFFFFFF00  }
0xf: {  	_ =	swait.ge [sflag:s24], $0x100  }
0x10: {  	[sflag:s24] =	ssyncset.done $0x0  }
0x11: {  	s25 =	simm.s32 $0x3;
	[sflag:s24] =	ssyncadd.s32 $0xFFFFFF00  }
0x12: {  	_ =	swait.ge [sflag:s25], $0x100  }
0x13: {  	[sflag:s25] =	ssyncset.done $0x0  }
0x14: {  	[sflag:s25] =	ssyncadd.s32 $0xFFFFFF00  }
0x15: {  	v0 =	vld [tilespmem:$0x100];
	_ =	sdelay $0x4  }
0x16: {  	v0 =	vmul.f32 $5.000000000e-01, v0;
	_ =	sdelay $0x1  }
0x17: {  	v0 =	vmul.f32 $1.442695020e+00, v0;
	_ =	sdelay $0x1  }
0x18: {  	(erf) = vpow2.f32 v0;
	_ =	sdelay $0x4  }
0x19: {  	v0 =	vld [tilespmem:$0x200];
	_ =	sdelay $0x1  }
0x1a: {  	v1 =	vld [tilespmem:$0x0];
	_ =	sdelay $0x1  }
0x1b: {  	v2 =	vpop (erf)  }
0x1c: {  	v0 =	vmul.f32 v2, v0;
	_ =	sdelay $0x1  }
0x1d: {  	v0 =	vadd.f32 v0, v1;
	_ =	sdelay $0x1  }
0x1e: {  	v0 =	vsub.f32 $0.0e+00, v0;
	_ =	sdelay $0x1  }
0x1f: {  	v0 =	vmul.f32 $1.442695020e+00, v0;
	_ =	sdelay $0x1  }
0x20: {  	(erf) = vpow2.f32 v0;
	_ =	sdelay $0x3  }
0x21: {  	v0 =	vld [tilespmem:$0x110];
	_ =	sdelay $0x4  }
0x22: {  	v0 =	vmul.f32 $5.000000000e-01, v0;
	v1 =	vpop (erf)  }
0x23: {  	v1 =	vadd.f32 $1.000000000e+00, v1  }
0x24: {  	v0 =	vmul.f32 $1.442695020e+00, v0  }
0x25: {  	(erf) = vrcp.f32 v1  }
0x26: {  	(erf) = vpow2.f32 v0;
	_ =	sdelay $0x4  }
0x27: {  	v1 =	vld [tilespmem:$0x210];
	_ =	sdelay $0x1  }
0x28: {  	v2 =	vld [tilespmem:$0x10]  }
0x29: {  	v0 =	vpop (erf)  }
0x2a: {  	v3 =	vpop (erf)  }
0x2b: {  	v1 =	vmul.f32 v3, v1;
	_ =	sdelay $0x1  }
0x2c: {  	v1 =	vadd.f32 v1, v2;
	_ =	sdelay $0x1  }
0x2d: {  	v1 =	vsub.f32 $0.0e+00, v1;
	_ =	sdelay $0x1  }
0x2e: {  	v1 =	vmul.f32 $1.442695020e+00, v1;
	_ =	sdelay $0x1  }
0x2f: {  	(erf) = vpow2.f32 v1;
	_ =	sdelay $0x3  }
0x30: {  	v1 =	vld [tilespmem:$0x120];
	_ =	sdelay $0x4  }
0x31: {  	v1 =	vmul.f32 $5.000000000e-01, v1;
	v2 =	vpop (erf)  }
0x32: {  	v2 =	vadd.f32 $1.000000000e+00, v2  }
0x33: {  	v1 =	vmul.f32 $1.442695020e+00, v1  }
0x34: {  	(erf) = vrcp.f32 v2  }
0x35: {  	(erf) = vpow2.f32 v1;
	_ =	sdelay $0x4  }
0x36: {  	v2 =	vld [tilespmem:$0x220];
	_ =	sdelay $0x1  }
0x37: {  	v3 =	vld [tilespmem:$0x20]  }
0x38: {  	v1 =	vpop (erf)  }
0x39: {  	v4 =	vpop (erf)  }
0x3a: {  	v2 =	vmul.f32 v4, v2;
	_ =	sdelay $0x1  }
0x3b: {  	v2 =	vadd.f32 v2, v3;
	_ =	sdelay $0x1  }
0x3c: {  	v2 =	vsub.f32 $0.0e+00, v2;
	_ =	sdelay $0x1  }
0x3d: {  	v2 =	vmul.f32 $1.442695020e+00, v2;
	_ =	sdelay $0x1  }
0x3e: {  	(erf) = vpow2.f32 v2;
	_ =	sdelay $0x3  }
0x3f: {  	v2 =	vld [tilespmem:$0x130];
	_ =	sdelay $0x4  }
0x40: {  	v2 =	vmul.f32 $5.000000000e-01, v2;
	v3 =	vpop (erf)  }
0x41: {  	v3 =	vadd.f32 $1.000000000e+00, v3  }
0x42: {  	v2 =	vmul.f32 $1.442695020e+00, v2  }
0x43: {  	(erf) = vrcp.f32 v3  }
0x44: {  	(erf) = vpow2.f32 v2;
	_ =	sdelay $0x4  }
0x45: {  	v3 =	vld [tilespmem:$0x230];
	_ =	sdelay $0x1  }
0x46: {  	v63 =	vld [tilespmem:$0x30]  }
0x47: {  	v2 =	vpop (erf)  }
0x48: {  	v5 =	vpop (erf)  }
0x49: {  	v3 =	vmul.f32 v5, v3;
	_ =	sdelay $0x1  }
0x4a: {  	v3 =	vadd.f32 v3, v63;
	_ =	sdelay $0x1  }
0x4b: {  	v3 =	vsub.f32 $0.0e+00, v3;
	_ =	sdelay $0x1  }
0x4c: {  	v3 =	vmul.f32 $1.442695020e+00, v3;
	_ =	sdelay $0x1  }
0x4d: {  	(erf) = vpow2.f32 v3;
	_ =	sdelay $0x3  }
0x4e: {  	v3 =	vld [tilespmem:$0x140];
	_ =	sdelay $0x4  }
0x4f: {  	v3 =	vmul.f32 $5.000000000e-01, v3;
	v8 =	vpop (erf)  }
0x50: {  	v4 =	vadd.f32 $1.000000000e+00, v8  }
0x51: {  	v3 =	vmul.f32 $1.442695020e+00, v3  }
0x52: {  	(erf) = vrcp.f32 v4  }
0x53: {  	(erf) = vpow2.f32 v3;
	_ =	sdelay $0x4  }
0x54: {  	v9 =	vld [tilespmem:$0x240];
	_ =	sdelay $0x1  }
0x55: {  	v10 =	vld [tilespmem:$0x40]  }
0x56: {  	v3 =	vpop (erf)  }
0x57: {  	v6 =	vpop (erf)  }
0x58: {  	v4 =	vmul.f32 v6, v9;
	_ =	sdelay $0x1  }
0x59: {  	v4 =	vadd.f32 v4, v10;
	_ =	sdelay $0x1  }
0x5a: {  	v4 =	vsub.f32 $0.0e+00, v4;
	_ =	sdelay $0x1  }
0x5b: {  	v4 =	vmul.f32 $1.442695020e+00, v4;
	_ =	sdelay $0x1  }
0x5c: {  	(erf) = vpow2.f32 v4;
	_ =	sdelay $0x3  }
0x5d: {  	v11 =	vld [tilespmem:$0x150];
	_ =	sdelay $0x4  }
0x5e: {  	v4 =	vmul.f32 $5.000000000e-01, v11;
	v12 =	vpop (erf)  }
0x5f: {  	v5 =	vadd.f32 $1.000000000e+00, v12  }
0x60: {  	v4 =	vmul.f32 $1.442695020e+00, v4  }
0x61: {  	(erf) = vrcp.f32 v5  }
0x62: {  	(erf) = vpow2.f32 v4;
	_ =	sdelay $0x4  }
0x63: {  	v13 =	vld [tilespmem:$0x250];
	_ =	sdelay $0x1  }
0x64: {  	v14 =	vld [tilespmem:$0x50]  }
0x65: {  	v4 =	vpop (erf)  }
0x66: {  	v7 =	vpop (erf)  }
0x67: {  	v5 =	vmul.f32 v7, v13;
	_ =	sdelay $0x1  }
0x68: {  	v5 =	vadd.f32 v5, v14;
	_ =	sdelay $0x1  }
0x69: {  	v5 =	vsub.f32 $0.0e+00, v5;
	_ =	sdelay $0x1  }
0x6a: {  	v5 =	vmul.f32 $1.442695020e+00, v5;
	_ =	sdelay $0x1  }
0x6b: {  	(erf) = vpow2.f32 v5;
	_ =	sdelay $0x3  }
0x6c: {  	v15 =	vld [tilespmem:$0x160];
	_ =	sdelay $0x4  }
0x6d: {  	v5 =	vmul.f32 $5.000000000e-01, v15;
	v16 =	vpop (erf)  }
0x6e: {  	v6 =	vadd.f32 $1.000000000e+00, v16  }
0x6f: {  	v5 =	vmul.f32 $1.442695020e+00, v5  }
0x70: {  	(erf) = vrcp.f32 v6  }
0x71: {  	(erf) = vpow2.f32 v5;
	_ =	sdelay $0x4  }
0x72: {  	v17 =	vld [tilespmem:$0x260];
	_ =	sdelay $0x1  }
0x73: {  	v18 =	vld [tilespmem:$0x60]  }
0x74: {  	v5 =	vpop (erf)  }
0x75: {  	v8 =	vpop (erf)  }
0x76: {  	v6 =	vmul.f32 v8, v17;
	_ =	sdelay $0x1  }
0x77: {  	v6 =	vadd.f32 v6, v18;
	_ =	sdelay $0x1  }
0x78: {  	v6 =	vsub.f32 $0.0e+00, v6;
	_ =	sdelay $0x1  }
0x79: {  	v6 =	vmul.f32 $1.442695020e+00, v6;
	_ =	sdelay $0x1  }
0x7a: {  	(erf) = vpow2.f32 v6;
	_ =	sdelay $0x3  }
0x7b: {  	v19 =	vld [tilespmem:$0x170];
	_ =	sdelay $0x4  }
0x7c: {  	v6 =	vmul.f32 $5.000000000e-01, v19;
	v20 =	vpop (erf)  }
0x7d: {  	v7 =	vadd.f32 $1.000000000e+00, v20  }
0x7e: {  	v6 =	vmul.f32 $1.442695020e+00, v6  }
0x7f: {  	(erf) = vrcp.f32 v7  }
0x80: {  	(erf) = vpow2.f32 v6;
	_ =	sdelay $0x4  }
0x81: {  	v21 =	vld [tilespmem:$0x270];
	_ =	sdelay $0x1  }
0x82: {  	v22 =	vld [tilespmem:$0x70]  }
0x83: {  	v23 =	vpop (erf)  }
0x84: {  	v9 =	vpop (erf)  }
0x85: {  	v7 =	vmul.f32 v9, v21;
	_ =	sdelay $0x1  }
0x86: {  	v7 =	vadd.f32 v7, v22;
	_ =	sdelay $0x1  }
0x87: {  	v7 =	vsub.f32 $0.0e+00, v7;
	_ =	sdelay $0x1  }
0x88: {  	v7 =	vmul.f32 $1.442695020e+00, v7;
	_ =	sdelay $0x1  }
0x89: {  	(erf) = vpow2.f32 v7;
	_ =	sdelay $0x3  }
0x8a: {  	v24 =	vld [tilespmem:$0x180];
	_ =	sdelay $0x4  }
0x8b: {  	v7 =	vmul.f32 $5.000000000e-01, v24;
	v25 =	vpop (erf)  }
0x8c: {  	v8 =	vadd.f32 $1.000000000e+00, v25  }
0x8d: {  	v7 =	vmul.f32 $1.442695020e+00, v7  }
0x8e: {  	(erf) = vrcp.f32 v8  }
0x8f: {  	(erf) = vpow2.f32 v7;
	_ =	sdelay $0x4  }
0x90: {  	v26 =	vld [tilespmem:$0x280];
	_ =	sdelay $0x1  }
0x91: {  	v27 =	vld [tilespmem:$0x80]  }
0x92: {  	v28 =	vpop (erf)  }
0x93: {  	v10 =	vpop (erf)  }
0x94: {  	v8 =	vmul.f32 v10, v26;
	_ =	sdelay $0x1  }
0x95: {  	v8 =	vadd.f32 v8, v27;
	_ =	sdelay $0x1  }
0x96: {  	v8 =	vsub.f32 $0.0e+00, v8;
	_ =	sdelay $0x1  }
0x97: {  	v8 =	vmul.f32 $1.442695020e+00, v8;
	_ =	sdelay $0x1  }
0x98: {  	(erf) = vpow2.f32 v8;
	_ =	sdelay $0x3  }
0x99: {  	v29 =	vld [tilespmem:$0x190];
	_ =	sdelay $0x4  }
0x9a: {  	v8 =	vmul.f32 $5.000000000e-01, v29;
	v30 =	vpop (erf)  }
0x9b: {  	v9 =	vadd.f32 $1.000000000e+00, v30  }
0x9c: {  	v8 =	vmul.f32 $1.442695020e+00, v8  }
0x9d: {  	(erf) = vrcp.f32 v9  }
0x9e: {  	(erf) = vpow2.f32 v8;
	_ =	sdelay $0x4  }
0x9f: {  	v31 =	vld [tilespmem:$0x290];
	_ =	sdelay $0x1  }
0xa0: {  	v32 =	vld [tilespmem:$0x90]  }
0xa1: {  	v33 =	vpop (erf)  }
0xa2: {  	v11 =	vpop (erf)  }
0xa3: {  	v8 =	vmul.f32 v11, v31;
	_ =	sdelay $0x1  }
0xa4: {  	v8 =	vadd.f32 v8, v32;
	_ =	sdelay $0x1  }
0xa5: {  	v8 =	vsub.f32 $0.0e+00, v8;
	_ =	sdelay $0x1  }
0xa6: {  	v8 =	vmul.f32 $1.442695020e+00, v8;
	_ =	sdelay $0x1  }
0xa7: {  	(erf) = vpow2.f32 v8;
	_ =	sdelay $0x3  }
0xa8: {  	v34 =	vld [tilespmem:$0x1A0];
	_ =	sdelay $0x4  }
0xa9: {  	v8 =	vmul.f32 $5.000000000e-01, v34;
	v35 =	vpop (erf)  }
0xaa: {  	v9 =	vadd.f32 $1.000000000e+00, v35  }
0xab: {  	v8 =	vmul.f32 $1.442695020e+00, v8  }
0xac: {  	(erf) = vrcp.f32 v9  }
0xad: {  	(erf) = vpow2.f32 v8;
	_ =	sdelay $0x4  }
0xae: {  	v36 =	vld [tilespmem:$0x2A0];
	_ =	sdelay $0x1  }
0xaf: {  	v37 =	vld [tilespmem:$0xA0]  }
0xb0: {  	v38 =	vpop (erf)  }
0xb1: {  	v12 =	vpop (erf)  }
0xb2: {  	v8 =	vmul.f32 v12, v36;
	_ =	sdelay $0x1  }
0xb3: {  	v8 =	vadd.f32 v8, v37;
	_ =	sdelay $0x1  }
0xb4: {  	v8 =	vsub.f32 $0.0e+00, v8;
	_ =	sdelay $0x1  }
0xb5: {  	v8 =	vmul.f32 $1.442695020e+00, v8;
	_ =	sdelay $0x1  }
0xb6: {  	(erf) = vpow2.f32 v8;
	_ =	sdelay $0x3  }
0xb7: {  	v39 =	vld [tilespmem:$0x1B0];
	_ =	sdelay $0x4  }
0xb8: {  	v8 =	vmul.f32 $5.000000000e-01, v39;
	v40 =	vpop (erf)  }
0xb9: {  	v9 =	vadd.f32 $1.000000000e+00, v40  }
0xba: {  	v8 =	vmul.f32 $1.442695020e+00, v8  }
0xbb: {  	(erf) = vrcp.f32 v9  }
0xbc: {  	(erf) = vpow2.f32 v8;
	_ =	sdelay $0x4  }
0xbd: {  	v41 =	vld [tilespmem:$0x2B0];
	_ =	sdelay $0x1  }
0xbe: {  	v42 =	vld [tilespmem:$0xB0]  }
0xbf: {  	v43 =	vpop (erf)  }
0xc0: {  	v13 =	vpop (erf)  }
0xc1: {  	v8 =	vmul.f32 v13, v41;
	_ =	sdelay $0x1  }
0xc2: {  	v8 =	vadd.f32 v8, v42;
	_ =	sdelay $0x1  }
0xc3: {  	v8 =	vsub.f32 $0.0e+00, v8;
	_ =	sdelay $0x1  }
0xc4: {  	v8 =	vmul.f32 $1.442695020e+00, v8;
	_ =	sdelay $0x1  }
0xc5: {  	(erf) = vpow2.f32 v8;
	_ =	sdelay $0x3  }
0xc6: {  	v44 =	vld [tilespmem:$0x1C0];
	_ =	sdelay $0x4  }
0xc7: {  	v8 =	vmul.f32 $5.000000000e-01, v44;
	v45 =	vpop (erf)  }
0xc8: {  	v9 =	vadd.f32 $1.000000000e+00, v45  }
0xc9: {  	v8 =	vmul.f32 $1.442695020e+00, v8  }
0xca: {  	(erf) = vrcp.f32 v9  }
0xcb: {  	(erf) = vpow2.f32 v8;
	_ =	sdelay $0x4  }
0xcc: {  	v46 =	vld [tilespmem:$0x2C0];
	_ =	sdelay $0x1  }
0xcd: {  	v47 =	vld [tilespmem:$0xC0]  }
0xce: {  	v48 =	vpop (erf)  }
0xcf: {  	v14 =	vpop (erf)  }
0xd0: {  	v8 =	vmul.f32 v14, v46;
	_ =	sdelay $0x1  }
0xd1: {  	v8 =	vadd.f32 v8, v47;
	_ =	sdelay $0x1  }
0xd2: {  	v8 =	vsub.f32 $0.0e+00, v8;
	_ =	sdelay $0x1  }
0xd3: {  	v8 =	vmul.f32 $1.442695020e+00, v8;
	_ =	sdelay $0x1  }
0xd4: {  	(erf) = vpow2.f32 v8;
	_ =	sdelay $0x3  }
0xd5: {  	v49 =	vld [tilespmem:$0x1D0];
	_ =	sdelay $0x4  }
0xd6: {  	v8 =	vmul.f32 $5.000000000e-01, v49;
	v50 =	vpop (erf)  }
0xd7: {  	v9 =	vadd.f32 $1.000000000e+00, v50  }
0xd8: {  	v8 =	vmul.f32 $1.442695020e+00, v8  }
0xd9: {  	(erf) = vrcp.f32 v9  }
0xda: {  	(erf) = vpow2.f32 v8;
	_ =	sdelay $0x4  }
0xdb: {  	v51 =	vld [tilespmem:$0x2D0];
	_ =	sdelay $0x1  }
0xdc: {  	v52 =	vld [tilespmem:$0xD0]  }
0xdd: {  	v53 =	vpop (erf)  }
0xde: {  	v15 =	vpop (erf)  }
0xdf: {  	v8 =	vmul.f32 v15, v51;
	_ =	sdelay $0x1  }
0xe0: {  	v8 =	vadd.f32 v8, v52;
	_ =	sdelay $0x1  }
0xe1: {  	v8 =	vsub.f32 $0.0e+00, v8;
	_ =	sdelay $0x1  }
0xe2: {  	v8 =	vmul.f32 $1.442695020e+00, v8;
	_ =	sdelay $0x1  }
0xe3: {  	(erf) = vpow2.f32 v8;
	_ =	sdelay $0x3  }
0xe4: {  	v54 =	vld [tilespmem:$0x1E0];
	_ =	sdelay $0x4  }
0xe5: {  	v8 =	vmul.f32 $5.000000000e-01, v54;
	v55 =	vpop (erf)  }
0xe6: {  	v9 =	vadd.f32 $1.000000000e+00, v55  }
0xe7: {  	v8 =	vmul.f32 $1.442695020e+00, v8  }
0xe8: {  	(erf) = vrcp.f32 v9  }
0xe9: {  	(erf) = vpow2.f32 v8;
	_ =	sdelay $0x4  }
0xea: {  	v56 =	vld [tilespmem:$0x2E0];
	_ =	sdelay $0x1  }
0xeb: {  	v57 =	vld [tilespmem:$0xE0]  }
0xec: {  	v58 =	vpop (erf)  }
0xed: {  	v16 =	vpop (erf)  }
0xee: {  	v8 =	vmul.f32 v16, v56;
	_ =	sdelay $0x1  }
0xef: {  	v8 =	vadd.f32 v8, v57;
	_ =	sdelay $0x1  }
0xf0: {  	v8 =	vsub.f32 $0.0e+00, v8;
	_ =	sdelay $0x1  }
0xf1: {  	v8 =	vmul.f32 $1.442695020e+00, v8;
	_ =	sdelay $0x1  }
0xf2: {  	(erf) = vpow2.f32 v8;
	_ =	sdelay $0x3  }
0xf3: {  	v59 =	vld [tilespmem:$0x1F0];
	_ =	sdelay $0x4  }
0xf4: {  	v8 =	vmul.f32 $5.000000000e-01, v59;
	v60 =	vpop (erf)  }
0xf5: {  	v9 =	vadd.f32 $1.000000000e+00, v60  }
0xf6: {  	v8 =	vmul.f32 $1.442695020e+00, v8  }
0xf7: {  	(erf) = vrcp.f32 v9  }
0xf8: {  	(erf) = vpow2.f32 v8;
	_ =	sdelay $0x4  }
0xf9: {  	v61 =	vld [tilespmem:$0x2F0];
	_ =	sdelay $0x1  }
0xfa: {  	v62 =	vld [tilespmem:$0xF0]  }
0xfb: {  	v63 =	vpop (erf)  }
0xfc: {  	v17 =	vpop (erf)  }
0xfd: {  	v8 =	vmul.f32 v17, v61;
	_ =	sdelay $0x1  }
0xfe: {  	v8 =	vadd.f32 v8, v62;
	_ =	sdelay $0x1  }
0xff: {  	v8 =	vsub.f32 $0.0e+00, v8;
	_ =	sdelay $0x1  }
0x100: {  	v8 =	vmul.f32 $1.442695020e+00, v8;
	_ =	sdelay $0x1  }
0x101: {  	(erf) = vpow2.f32 v8;
	_ =	sdelay $0x6  }
0x102: {  	[tilespmem:$0x300] =	vst v0  }
0x103: {  	[tilespmem:$0x310] =	vst v1  }
0x104: {  	[tilespmem:$0x320] =	vst v2;
	v0 =	vpop (erf)  }
0x105: {  	[tilespmem:$0x330] =	vst v3;
	v0 =	vadd.f32 $1.000000000e+00, v0  }
0x106: {  	[tilespmem:$0x340] =	vst v4  }
0x107: {  	[tilespmem:$0x350] =	vst v5;
	(erf) = vrcp.f32 v0  }
0x108: {  	[tilespmem:$0x360] =	vst v23  }
0x109: {  	[tilespmem:$0x370] =	vst v28  }
0x10a: {  	[tilespmem:$0x380] =	vst v33  }
0x10b: {  	[tilespmem:$0x390] =	vst v38  }
0x10c: {  	[tilespmem:$0x3A0] =	vst v43  }
0x10d: {  	[tilespmem:$0x3B0] =	vst v48  }
0x10e: {  	[tilespmem:$0x3C0] =	vst v53  }
0x10f: {  	[tilespmem:$0x3D0] =	vst v58  }
0x110: {  	s28 =	simm.s32 $0x300;
	[tilespmem:$0x3E0] =	vst v63;
	v0 =	vpop (erf)  }
0x111: {  	s29 =	simm.s32 $0x4;
	s26 =	sadd.s32 s5, s6;
	[dreg:$0x7] =	wrdreg s6;
	[tilespmem:$0x3F0] =	vst v0  }
0x112: {  	[hbm4b:s26+s8] =	stream.linear.scatter [tilespmem:s28], [sflag:$0x4], $0x100, $0x38;
	[tilespmem:$0x1600] =	vst v63  }
0x113: {  	_ =	swait.ge [sflag:s29], $0x100  }
0x114: {  	s30 =	sshll.u32 s3, $0x8;
	[sflag:s29] =	ssyncset.done $0x0  }
0x115: {  	s2 =	sadd.s32 s30, s4;
	[sflag:s29] =	ssyncadd.s32 $0xFFFFFF00  }
0x116: {  	[spmem:s2] =	stream.linear.scatter [tilespmem:s28], [sflag:$0x4], $0x100, $0x38;
	[tilespmem:$0x1600] =	vst v63  }
0x117: {  	_ =	swait.ge [sflag:s29], $0x100  }
0x118: {  	[sflag:s29] =	ssyncset.done $0x0  }
0x119: {  	[sflag:s29] =	ssyncadd.s32 $0xFFFFFF00  }
0x11a: {  	s31 =	simm.s32 $0x400;
	[bflag:$0x0] =	sbarrier.arrive $0xFFFF  }
0x11b: {  	[tilespmem:s31], [sflag:$0x4] =	stream.linear.gather [spmem:s4], $0x1000, $0x38;
	[tilespmem:$0x1600] =	vst v63  }
0x11c: {  	_ =	swait.ge [sflag:s29], $0x1000  }
0x11d: {  	[sflag:s29] =	ssyncset.done $0x0  }
0x11e: {  	[sflag:s29] =	ssyncadd.s32 $0xFFFFF000  }
0x11f: {  	s1 =	simm.s32 $0x1E;
	s0 =	simm.s32 $0x3F800000;
	v0 =	vld [tilespmem:$0x400]  }
.LBB2_1:
0x120: {  	[dreg:$0x9] =	wrdreg s1  }
0x121: {  	[dreg:$0x8] =	wrdreg s0  }
0x122: {  	s0 =	rddreg [dreg:$0x8]  }
0x123: {  	s30 =	rddreg [dreg:$0x8]  }
0x124: {  	s1 =	simm.s32 $0x1;
	s0 =	ssub.s32 s0, s8;
	p0 =	sne.s32 s30, s8  }
0x125: {  	s2 =	sshra.s32 s0, $0x1F;
	s1 =	simm.s32 @!p0 $0x0  }
0x126: {  	s31 =	sand.u32 $0x1, s0;
	s1 =	sor.u32 s1, s2  }
0x127: {  	s7 =	sshrl.u32 s0, $0x1F;
	p1 =	seq.s32 s31, $0x1;
	p6 =	sne.s32 s1, $0x1  }
0x128: {  	s0 =	sadd.s32 s7, s0;
	p0 =	por !p6, !p1  }
0x129: {  	s0 =	sshra.s32 s0, $0x1;
	s1 =	simm.s32 $0x1;
	p0 =	por !p0, !p0  }
0x12a: {  	s0 =	sadd.s32 s8, s0;
	s1 =	simm.s32 @!p0 $0x0  }
0x12b: {  	v2 =	vld [tilespmem:$0x410];
	s7 =	ssub.s32 s0, s1  }
0x12c: {  	v3 =	vld [tilespmem:$0x420];
	v1 =	vmov s7  }
0x12d: {  	v4 =	vld [tilespmem:$0x430];
	v1 =	vbroadcast v1, $0x0  }
0x12e: {  	v5 =	vld [tilespmem:$0x440]  }
0x12f: {  	v6 =	vld [tilespmem:$0x450];
	vm0 =	vle.f32 v0, v1  }
0x130: {  	vm13 =	vle.f32 v2, v1;
	v2 =	vld [tilespmem:$0x460];
	v7 =	vmpcnt.ones.xlane vm0  }
0x131: {  	vm14 =	vle.f32 v3, v1;
	v3 =	vld [tilespmem:$0x470];
	v8 =	vmpcnt.ones.xlane vm13  }
0x132: {  	v37 =	vld [tilespmem:$0x480];
	vm15 =	vle.f32 v4, v1;
	v36 =	vmpcnt.ones.xlane vm14;
	(v2sf) =	vpush v7, $0x0  }
0x133: {  	v39 =	vld [tilespmem:$0x490];
	vm4 =	vle.f32 v5, v1;
	v38 =	vmpcnt.ones.xlane vm15;
	(v2sf) =	vpush v8, $0x0  }
0x134: {  	v41 =	vld [tilespmem:$0x4A0];
	vm5 =	vle.f32 v6, v1;
	v40 =	vmpcnt.ones.xlane vm4;
	(v2sf) =	vpush v36, $0x0  }
0x135: {  	v42 =	vmpcnt.ones.xlane vm5;
	vm6 =	vle.f32 v2, v1;
	v2 =	vld [tilespmem:$0x4B0];
	(v2sf) =	vpush v38, $0x0  }
0x136: {  	vm7 =	vle.f32 v3, v1;
	v3 =	vld [tilespmem:$0x4C0];
	v43 =	vmpcnt.ones.xlane vm6;
	(v2sf) =	vpush v40, $0x0  }
0x137: {  	v45 =	vld [tilespmem:$0x4D0];
	vm8 =	vle.f32 v37, v1;
	v44 =	vmpcnt.ones.xlane vm7;
	(v2sf) =	vpush v42, $0x0  }
0x138: {  	v47 =	vld [tilespmem:$0x4E0];
	vm9 =	vle.f32 v39, v1;
	v46 =	vmpcnt.ones.xlane vm8;
	(v2sf) =	vpush v43, $0x0  }
0x139: {  	v49 =	vld [tilespmem:$0x4F0];
	vm10 =	vle.f32 v41, v1;
	v48 =	vmpcnt.ones.xlane vm9;
	(v2sf) =	vpush v44, $0x0  }
0x13a: {  	v50 =	vmpcnt.ones.xlane vm10;
	vm11 =	vle.f32 v2, v1;
	v2 =	vld [tilespmem:$0x500];
	(v2sf) =	vpush v46, $0x0  }
0x13b: {  	vm12 =	vle.f32 v3, v1;
	v3 =	vld [tilespmem:$0x510];
	v51 =	vmpcnt.ones.xlane vm11;
	(v2sf) =	vpush v48, $0x0  }
0x13c: {  	v53 =	vld [tilespmem:$0x520];
	vm13 =	vle.f32 v45, v1;
	v52 =	vmpcnt.ones.xlane vm12;
	(v2sf) =	vpush v50, $0x0  }
0x13d: {  	v55 =	vld [tilespmem:$0x530];
	vm14 =	vle.f32 v47, v1;
	v54 =	vmpcnt.ones.xlane vm13;
	(v2sf) =	vpush v51, $0x0  }
0x13e: {  	v57 =	vld [tilespmem:$0x540];
	vm15 =	vle.f32 v49, v1;
	v56 =	vmpcnt.ones.xlane vm14;
	(v2sf) =	vpush v52, $0x0  }
0x13f: {  	v58 =	vmpcnt.ones.xlane vm15;
	vm4 =	vle.f32 v2, v1;
	v2 =	vld [tilespmem:$0x550];
	(v2sf) =	vpush v54, $0x0  }
0x140: {  	vm5 =	vle.f32 v3, v1;
	v3 =	vld [tilespmem:$0x560];
	v59 =	vmpcnt.ones.xlane vm4;
	(v2sf) =	vpush v56, $0x0  }
0x141: {  	v61 =	vld [tilespmem:$0x570];
	vm6 =	vle.f32 v53, v1;
	v60 =	vmpcnt.ones.xlane vm5;
	s13 =	spop (v2sf);
	(v2sf) =	vpush v58, $0x0  }
0x142: {  	v63 =	vld [tilespmem:$0x580];
	vm7 =	vle.f32 v55, v1;
	v62 =	vmpcnt.ones.xlane vm6;
	s1 =	spop (v2sf);
	(v2sf) =	vpush v59, $0x0  }
0x143: {  	v13 =	vld [tilespmem:$0x590];
	vm8 =	vle.f32 v57, v1;
	v12 =	vmpcnt.ones.xlane vm7;
	s14 =	spop (v2sf);
	(v2sf) =	vpush v60, $0x0  }
0x144: {  	v14 =	vmpcnt.ones.xlane vm8;
	vm9 =	vle.f32 v2, v1;
	v2 =	vld [tilespmem:$0x5A0];
	s15 =	spop (v2sf);
	(v2sf) =	vpush v62, $0x0  }
0x145: {  	vm10 =	vle.f32 v3, v1;
	v3 =	vld [tilespmem:$0x5B0];
	v15 =	vmpcnt.ones.xlane vm9;
	s16 =	spop (v2sf);
	(v2sf) =	vpush v12, $0x0  }
0x146: {  	v17 =	vld [tilespmem:$0x5C0];
	vm11 =	vle.f32 v61, v1;
	v16 =	vmpcnt.ones.xlane vm10;
	s17 =	spop (v2sf);
	(v2sf) =	vpush v14, $0x0  }
0x147: {  	v19 =	vld [tilespmem:$0x5D0];
	vm12 =	vle.f32 v63, v1;
	v18 =	vmpcnt.ones.xlane vm11;
	s18 =	spop (v2sf);
	(v2sf) =	vpush v15, $0x0  }
0x148: {  	v21 =	vld [tilespmem:$0x5E0];
	vm13 =	vle.f32 v13, v1;
	v20 =	vmpcnt.ones.xlane vm12;
	s19 =	spop (v2sf);
	(v2sf) =	vpush v16, $0x0  }
0x149: {  	v22 =	vmpcnt.ones.xlane vm13;
	vm14 =	vle.f32 v2, v1;
	v2 =	vld [tilespmem:$0x5F0];
	s20 =	spop (v2sf);
	(v2sf) =	vpush v18, $0x0  }
0x14a: {  	vm15 =	vle.f32 v3, v1;
	v3 =	vld [tilespmem:$0x600];
	v23 =	vmpcnt.ones.xlane vm14;
	s21 =	spop (v2sf);
	(v2sf) =	vpush v20, $0x0  }
0x14b: {  	v25 =	vld [tilespmem:$0x610];
	vm4 =	vle.f32 v17, v1;
	v24 =	vmpcnt.ones.xlane vm15;
	s22 =	spop (v2sf);
	(v2sf) =	vpush v22, $0x0  }
0x14c: {  	v27 =	vld [tilespmem:$0x620];
	vm5 =	vle.f32 v19, v1;
	v26 =	vmpcnt.ones.xlane vm4;
	s23 =	spop (v2sf);
	(v2sf) =	vpush v23, $0x0  }
0x14d: {  	v29 =	vld [tilespmem:$0x630];
	vm6 =	vle.f32 v21, v1;
	v28 =	vmpcnt.ones.xlane vm5;
	s24 =	spop (v2sf);
	(v2sf) =	vpush v24, $0x0  }
0x14e: {  	v30 =	vmpcnt.ones.xlane vm6;
	vm7 =	vle.f32 v2, v1;
	v2 =	vld [tilespmem:$0x640];
	s25 =	spop (v2sf);
	(v2sf) =	vpush v26, $0x0  }
0x14f: {  	vm8 =	vle.f32 v3, v1;
	v3 =	vld [tilespmem:$0x650];
	v31 =	vmpcnt.ones.xlane vm7;
	s26 =	spop (v2sf);
	(v2sf) =	vpush v28, $0x0  }
0x150: {  	v33 =	vld [tilespmem:$0x660];
	vm9 =	vle.f32 v25, v1;
	v32 =	vmpcnt.ones.xlane vm8;
	s28 =	spop (v2sf);
	(v2sf) =	vpush v30, $0x0  }
0x151: {  	v35 =	vld [tilespmem:$0x670];
	vm10 =	vle.f32 v27, v1;
	v34 =	vmpcnt.ones.xlane vm9;
	s29 =	spop (v2sf);
	(v2sf) =	vpush v31, $0x0  }
0x152: {  	v37 =	vld [tilespmem:$0x680];
	vm11 =	vle.f32 v29, v1;
	v36 =	vmpcnt.ones.xlane vm10;
	s30 =	spop (v2sf);
	(v2sf) =	vpush v32, $0x0  }
0x153: {  	v38 =	vmpcnt.ones.xlane vm11;
	vm12 =	vle.f32 v2, v1;
	v2 =	vld [tilespmem:$0x690];
	s31 =	spop (v2sf);
	(v2sf) =	vpush v34, $0x0  }
0x154: {  	vm13 =	vle.f32 v3, v1;
	v3 =	vld [tilespmem:$0x6A0];
	v39 =	vmpcnt.ones.xlane vm12;
	s3 =	spop (v2sf);
	(v2sf) =	vpush v36, $0x0  }
0x155: {  	v41 =	vld [tilespmem:$0x6B0];
	vm14 =	vle.f32 v33, v1;
	v40 =	vmpcnt.ones.xlane vm13;
	s11 =	spop (v2sf);
	(v2sf) =	vpush v38, $0x0  }
0x156: {  	v43 =	vld [tilespmem:$0x6C0];
	vm15 =	vle.f32 v35, v1;
	v42 =	vmpcnt.ones.xlane vm14;
	s10 =	spop (v2sf);
	(v2sf) =	vpush v39, $0x0  }
0x157: {  	v45 =	vld [tilespmem:$0x6D0];
	vm4 =	vle.f32 v37, v1;
	s6 =	sadd.s32 s13, s1;
	v44 =	vmpcnt.ones.xlane vm15;
	s9 =	spop (v2sf);
	(v2sf) =	vpush v40, $0x0  }
0x158: {  	v46 =	vmpcnt.ones.xlane vm4;
	s1 =	sadd.s32 s14, s6;
	vm5 =	vle.f32 v2, v1;
	v2 =	vld [tilespmem:$0x6E0];
	s4 =	spop (v2sf);
	(v2sf) =	vpush v42, $0x0  }
0x159: {  	s1 =	sadd.s32 s15, s1;
	vm6 =	vle.f32 v3, v1;
	v3 =	vld [tilespmem:$0x6F0];
	v47 =	vmpcnt.ones.xlane vm5;
	(v2sf) =	vpush v44, $0x0;
	s12 =	spop (v2sf)  }
0x15a: {  	v49 =	vld [tilespmem:$0x700];
	s1 =	sadd.s32 s16, s1;
	vm7 =	vle.f32 v41, v1;
	v48 =	vmpcnt.ones.xlane vm6;
	(v2sf) =	vpush v46, $0x0;
	s13 =	spop (v2sf)  }
0x15b: {  	v51 =	vld [tilespmem:$0x710];
	s1 =	sadd.s32 s17, s1;
	vm8 =	vle.f32 v43, v1;
	v50 =	vmpcnt.ones.xlane vm7;
	(v2sf) =	vpush v47, $0x0;
	s14 =	spop (v2sf)  }
0x15c: {  	v53 =	vld [tilespmem:$0x720];
	vm9 =	vle.f32 v45, v1;
	s1 =	sadd.s32 s18, s1;
	v52 =	vmpcnt.ones.xlane vm8;
	(v2sf) =	vpush v48, $0x0;
	s15 =	spop (v2sf)  }
0x15d: {  	v54 =	vmpcnt.ones.xlane vm9;
	s1 =	sadd.s32 s19, s1;
	vm10 =	vle.f32 v2, v1;
	v2 =	vld [tilespmem:$0x730];
	(v2sf) =	vpush v50, $0x0;
	s2 =	spop (v2sf)  }
0x15e: {  	s1 =	sadd.s32 s20, s1;
	vm11 =	vle.f32 v3, v1;
	v3 =	vld [tilespmem:$0x740];
	v55 =	vmpcnt.ones.xlane vm10;
	(v2sf) =	vpush v52, $0x0;
	s17 =	spop (v2sf)  }
0x15f: {  	v57 =	vld [tilespmem:$0x750];
	s1 =	sadd.s32 s21, s1;
	vm12 =	vle.f32 v49, v1;
	v56 =	vmpcnt.ones.xlane vm11;
	(v2sf) =	vpush v54, $0x0;
	s18 =	spop (v2sf)  }
0x160: {  	v59 =	vld [tilespmem:$0x760];
	s1 =	sadd.s32 s22, s1;
	vm13 =	vle.f32 v51, v1;
	v58 =	vmpcnt.ones.xlane vm12;
	(v2sf) =	vpush v55, $0x0;
	s19 =	spop (v2sf)  }
0x161: {  	v61 =	vld [tilespmem:$0x770];
	vm14 =	vle.f32 v53, v1;
	s1 =	sadd.s32 s23, s1;
	v60 =	vmpcnt.ones.xlane vm13;
	(v2sf) =	vpush v56, $0x0;
	s20 =	spop (v2sf)  }
0x162: {  	v62 =	vmpcnt.ones.xlane vm14;
	s1 =	sadd.s32 s24, s1;
	vm15 =	vle.f32 v2, v1;
	v2 =	vld [tilespmem:$0x780];
	(v2sf) =	vpush v58, $0x0;
	s21 =	spop (v2sf)  }
0x163: {  	s1 =	sadd.s32 s25, s1;
	vm4 =	vle.f32 v3, v1;
	v3 =	vld [tilespmem:$0x790];
	v63 =	vmpcnt.ones.xlane vm15;
	(v2sf) =	vpush v60, $0x0;
	s22 =	spop (v2sf)  }
0x164: {  	v13 =	vld [tilespmem:$0x7A0];
	s1 =	sadd.s32 s26, s1;
	vm5 =	vle.f32 v57, v1;
	v12 =	vmpcnt.ones.xlane vm4;
	(v2sf) =	vpush v62, $0x0;
	s23 =	spop (v2sf)  }
0x165: {  	v15 =	vld [tilespmem:$0x7B0];
	s1 =	sadd.s32 s28, s1;
	vm6 =	vle.f32 v59, v1;
	v14 =	vmpcnt.ones.xlane vm5;
	(v2sf) =	vpush v63, $0x0;
	s24 =	spop (v2sf)  }
0x166: {  	v17 =	vld [tilespmem:$0x7C0];
	vm7 =	vle.f32 v61, v1;
	s1 =	sadd.s32 s29, s1;
	v16 =	vmpcnt.ones.xlane vm6;
	(v2sf) =	vpush v12, $0x0;
	s25 =	spop (v2sf)  }
0x167: {  	v18 =	vmpcnt.ones.xlane vm7;
	s1 =	sadd.s32 s30, s1;
	vm8 =	vle.f32 v2, v1;
	v2 =	vld [tilespmem:$0x7D0];
	(v2sf) =	vpush v14, $0x0;
	s26 =	spop (v2sf)  }
0x168: {  	s1 =	sadd.s32 s31, s1;
	vm9 =	vle.f32 v3, v1;
	v3 =	vld [tilespmem:$0x7E0];
	v19 =	vmpcnt.ones.xlane vm8;
	(v2sf) =	vpush v16, $0x0;
	s28 =	spop (v2sf)  }
0x169: {  	v21 =	vld [tilespmem:$0x7F0];
	s1 =	sadd.s32 s3, s1;
	vm10 =	vle.f32 v13, v1;
	v20 =	vmpcnt.ones.xlane vm9;
	(v2sf) =	vpush v18, $0x0;
	s29 =	spop (v2sf)  }
0x16a: {  	v23 =	vld [tilespmem:$0x800];
	s1 =	sadd.s32 s11, s1;
	vm11 =	vle.f32 v15, v1;
	v22 =	vmpcnt.ones.xlane vm10;
	(v2sf) =	vpush v19, $0x0;
	s30 =	spop (v2sf)  }
0x16b: {  	v25 =	vld [tilespmem:$0x810];
	vm12 =	vle.f32 v17, v1;
	s1 =	sadd.s32 s10, s1;
	v24 =	vmpcnt.ones.xlane vm11;
	(v2sf) =	vpush v20, $0x0;
	s31 =	spop (v2sf)  }
0x16c: {  	v26 =	vmpcnt.ones.xlane vm12;
	s1 =	sadd.s32 s9, s1;
	vm13 =	vle.f32 v2, v1;
	v2 =	vld [tilespmem:$0x820];
	(v2sf) =	vpush v22, $0x0;
	s0 =	spop (v2sf)  }
0x16d: {  	s1 =	sadd.s32 s4, s1;
	vm14 =	vle.f32 v3, v1;
	v3 =	vld [tilespmem:$0x830];
	v27 =	vmpcnt.ones.xlane vm13;
	(v2sf) =	vpush v24, $0x0;
	s3 =	spop (v2sf)  }
0x16e: {  	v29 =	vld [tilespmem:$0x840];
	s1 =	sadd.s32 s12, s1;
	vm15 =	vle.f32 v21, v1;
	v28 =	vmpcnt.ones.xlane vm14;
	(v2sf) =	vpush v26, $0x0;
	s5 =	spop (v2sf)  }
0x16f: {  	v31 =	vld [tilespmem:$0x850];
	s1 =	sadd.s32 s13, s1;
	vm4 =	vle.f32 v23, v1;
	v30 =	vmpcnt.ones.xlane vm15;
	(v2sf) =	vpush v27, $0x0;
	s6 =	spop (v2sf)  }
0x170: {  	v33 =	vld [tilespmem:$0x860];
	vm5 =	vle.f32 v25, v1;
	s1 =	sadd.s32 s14, s1;
	v32 =	vmpcnt.ones.xlane vm4;
	(v2sf) =	vpush v28, $0x0;
	s4 =	spop (v2sf)  }
0x171: {  	v34 =	vmpcnt.ones.xlane vm5;
	s1 =	sadd.s32 s15, s1;
	vm6 =	vle.f32 v2, v1;
	v2 =	vld [tilespmem:$0x870];
	(v2sf) =	vpush v30, $0x0;
	s12 =	spop (v2sf)  }
0x172: {  	s1 =	sadd.s32 s2, s1;
	vm7 =	vle.f32 v3, v1;
	v3 =	vld [tilespmem:$0x880];
	v35 =	vmpcnt.ones.xlane vm6;
	(v2sf) =	vpush v32, $0x0;
	s13 =	spop (v2sf)  }
0x173: {  	v37 =	vld [tilespmem:$0x890];
	s1 =	sadd.s32 s17, s1;
	vm8 =	vle.f32 v29, v1;
	v36 =	vmpcnt.ones.xlane vm7;
	(v2sf) =	vpush v34, $0x0;
	s14 =	spop (v2sf)  }
0x174: {  	v39 =	vld [tilespmem:$0x8A0];
	s1 =	sadd.s32 s18, s1;
	vm9 =	vle.f32 v31, v1;
	v38 =	vmpcnt.ones.xlane vm8;
	(v2sf) =	vpush v35, $0x0;
	s15 =	spop (v2sf)  }
0x175: {  	v41 =	vld [tilespmem:$0x8B0];
	vm10 =	vle.f32 v33, v1;
	s1 =	sadd.s32 s19, s1;
	v40 =	vmpcnt.ones.xlane vm9;
	(v2sf) =	vpush v36, $0x0;
	s2 =	spop (v2sf)  }
0x176: {  	v42 =	vmpcnt.ones.xlane vm10;
	s1 =	sadd.s32 s20, s1;
	vm11 =	vle.f32 v2, v1;
	v2 =	vld [tilespmem:$0x8C0];
	(v2sf) =	vpush v38, $0x0;
	s16 =	spop (v2sf)  }
0x177: {  	s1 =	sadd.s32 s21, s1;
	vm12 =	vle.f32 v3, v1;
	v3 =	vld [tilespmem:$0x8D0];
	v43 =	vmpcnt.ones.xlane vm11;
	(v2sf) =	vpush v40, $0x0;
	s17 =	spop (v2sf)  }
0x178: {  	v45 =	vld [tilespmem:$0x8E0];
	s1 =	sadd.s32 s22, s1;
	vm13 =	vle.f32 v37, v1;
	v44 =	vmpcnt.ones.xlane vm12;
	(v2sf) =	vpush v42, $0x0;
	s18 =	spop (v2sf)  }
0x179: {  	v47 =	vld [tilespmem:$0x8F0];
	s1 =	sadd.s32 s23, s1;
	vm14 =	vle.f32 v39, v1;
	v46 =	vmpcnt.ones.xlane vm13;
	(v2sf) =	vpush v43, $0x0;
	s19 =	spop (v2sf)  }
0x17a: {  	v49 =	vld [tilespmem:$0x900];
	vm15 =	vle.f32 v41, v1;
	s1 =	sadd.s32 s24, s1;
	v48 =	vmpcnt.ones.xlane vm14;
	(v2sf) =	vpush v44, $0x0;
	s20 =	spop (v2sf)  }
0x17b: {  	v50 =	vmpcnt.ones.xlane vm15;
	s1 =	sadd.s32 s25, s1;
	vm4 =	vle.f32 v2, v1;
	v2 =	vld [tilespmem:$0x910];
	(v2sf) =	vpush v46, $0x0;
	s21 =	spop (v2sf)  }
0x17c: {  	s1 =	sadd.s32 s26, s1;
	vm5 =	vle.f32 v3, v1;
	v3 =	vld [tilespmem:$0x920];
	v51 =	vmpcnt.ones.xlane vm4;
	(v2sf) =	vpush v48, $0x0;
	s22 =	spop (v2sf)  }
0x17d: {  	v53 =	vld [tilespmem:$0x930];
	s1 =	sadd.s32 s28, s1;
	vm6 =	vle.f32 v45, v1;
	v52 =	vmpcnt.ones.xlane vm5;
	(v2sf) =	vpush v50, $0x0;
	s23 =	spop (v2sf)  }
0x17e: {  	v55 =	vld [tilespmem:$0x940];
	s1 =	sadd.s32 s29, s1;
	vm7 =	vle.f32 v47, v1;
	v54 =	vmpcnt.ones.xlane vm6;
	(v2sf) =	vpush v51, $0x0;
	s24 =	spop (v2sf)  }
0x17f: {  	v57 =	vld [tilespmem:$0x950];
	vm8 =	vle.f32 v49, v1;
	s1 =	sadd.s32 s30, s1;
	v56 =	vmpcnt.ones.xlane vm7;
	(v2sf) =	vpush v52, $0x0;
	s25 =	spop (v2sf)  }
0x180: {  	v58 =	vmpcnt.ones.xlane vm8;
	s1 =	sadd.s32 s31, s1;
	vm9 =	vle.f32 v2, v1;
	v2 =	vld [tilespmem:$0x960];
	(v2sf) =	vpush v54, $0x0;
	s26 =	spop (v2sf)  }
0x181: {  	s0 =	sadd.s32 s0, s1;
	vm10 =	vle.f32 v3, v1;
	v3 =	vld [tilespmem:$0x970];
	v59 =	vmpcnt.ones.xlane vm9;
	(v2sf) =	vpush v56, $0x0;
	s28 =	spop (v2sf)  }
0x182: {  	v61 =	vld [tilespmem:$0x980];
	s0 =	sadd.s32 s3, s0;
	vm11 =	vle.f32 v53, v1;
	v60 =	vmpcnt.ones.xlane vm10;
	(v2sf) =	vpush v58, $0x0;
	s29 =	spop (v2sf)  }
0x183: {  	s0 =	sadd.s32 s5, s0;
	vm12 =	vle.f32 v55, v1;
	v62 =	vmpcnt.ones.xlane vm11;
	(v2sf) =	vpush v59, $0x0;
	s30 =	spop (v2sf)  }
0x184: {  	vm13 =	vle.f32 v57, v1;
	s0 =	sadd.s32 s6, s0;
	v5 =	vmpcnt.ones.xlane vm12;
	(v2sf) =	vpush v60, $0x0;
	s1 =	spop (v2sf)  }
0x185: {  	v6 =	vmpcnt.ones.xlane vm13;
	s0 =	sadd.s32 s4, s0;
	vm14 =	vle.f32 v2, v1;
	(v2sf) =	vpush v62, $0x0;
	s3 =	spop (v2sf)  }
0x186: {  	s0 =	sadd.s32 s12, s0;
	vm15 =	vle.f32 v3, v1;
	v2 =	vmpcnt.ones.xlane vm14;
	(v2sf) =	vpush v5, $0x0;
	s5 =	spop (v2sf)  }
0x187: {  	s0 =	sadd.s32 s13, s0;
	vm4 =	vle.f32 v61, v1;
	v3 =	vmpcnt.ones.xlane vm15;
	(v2sf) =	vpush v6, $0x0;
	s6 =	spop (v2sf)  }
0x188: {  	s0 =	sadd.s32 s14, s0;
	(v2sf) =	vpush v2, $0x0;
	v2 =	vmpcnt.ones.xlane vm4;
	s4 =	spop (v2sf)  }
0x189: {  	[dreg:$0xa] =	wrdreg s8;
	s0 =	sadd.s32 s15, s0;
	(v2sf) =	vpush v3, $0x0;
	s8 =	spop (v2sf)  }
0x18a: {  	s0 =	sadd.s32 s2, s0;
	(v2sf) =	vpush v2, $0x0;
	s9 =	spop (v2sf)  }
0x18b: {  	s0 =	sadd.s32 s16, s0;
	s10 =	spop (v2sf)  }
0x18c: {  	s0 =	sadd.s32 s17, s0;
	s11 =	spop (v2sf)  }
0x18d: {  	s0 =	sadd.s32 s18, s0;
	s2 =	spop (v2sf)  }
0x18e: {  	s0 =	sadd.s32 s19, s0;
	s14 =	spop (v2sf)  }
0x18f: {  	s0 =	sadd.s32 s20, s0;
	s15 =	spop (v2sf)  }
0x190: {  	s0 =	sadd.s32 s21, s0;
	v2 =	vld [tilespmem:$0x990];
	s12 =	spop (v2sf)  }
0x191: {  	s0 =	sadd.s32 s22, s0;
	s13 =	spop (v2sf)  }
0x192: {  	s0 =	sadd.s32 s23, s0;
	s17 =	spop (v2sf)  }
0x193: {  	s0 =	sadd.s32 s24, s0;
	s18 =	spop (v2sf)  }
0x194: {  	s0 =	sadd.s32 s25, s0;
	s19 =	spop (v2sf)  }
0x195: {  	s0 =	sadd.s32 s26, s0;
	vm5 =	vle.f32 v2, v1;
	s21 =	spop (v2sf)  }
0x196: {  	s26 =	sadd.s32 s28, s0;
	v2 =	vmpcnt.ones.xlane vm5;
	s23 =	spop (v2sf)  }
0x197: {  	s22 =	sadd.s32 s29, s26;
	s24 =	spop (v2sf)  }
0x198: {  	s22 =	sadd.s32 s30, s22;
	(v2sf) =	vpush v2, $0x0;
	v2 =	vld [tilespmem:$0x9A0];
	s25 =	spop (v2sf)  }
0x199: {  	s1 =	sadd.s32 s1, s22;
	v3 =	vld [tilespmem:$0x9B0];
	s28 =	spop (v2sf)  }
0x19a: {  	s1 =	sadd.s32 s3, s1;
	v63 =	vld [tilespmem:$0x9C0]  }
0x19b: {  	s1 =	sadd.s32 s5, s1;
	v12 =	vld [tilespmem:$0x9D0]  }
0x19c: {  	s1 =	sadd.s32 s6, s1;
	v13 =	vld [tilespmem:$0x9E0]  }
0x19d: {  	s1 =	sadd.s32 s4, s1;
	vm6 =	vle.f32 v2, v1;
	v2 =	vld [tilespmem:$0x9F0]  }
0x19e: {  	s1 =	sadd.s32 s8, s1;
	vm7 =	vle.f32 v3, v1;
	v14 =	vmpcnt.ones.xlane vm6;
	v3 =	vld [tilespmem:$0xA00]  }
0x19f: {  	s1 =	sadd.s32 s9, s1;
	v15 =	vmpcnt.ones.xlane vm7;
	v16 =	vld [tilespmem:$0xA10];
	vm8 =	vle.f32 v63, v1  }
0x1a0: {  	s1 =	sadd.s32 s10, s1;
	(v2sf) =	vpush v14, $0x0;
	v18 =	vld [tilespmem:$0xA20];
	vm9 =	vle.f32 v12, v1;
	v17 =	vmpcnt.ones.xlane vm8  }
0x1a1: {  	s1 =	sadd.s32 s11, s1;
	v20 =	vld [tilespmem:$0xA30];
	(v2sf) =	vpush v15, $0x0;
	vm10 =	vle.f32 v13, v1;
	v19 =	vmpcnt.ones.xlane vm9  }
0x1a2: {  	s1 =	sadd.s32 s2, s1;
	vm11 =	vle.f32 v2, v1;
	v2 =	vld [tilespmem:$0xA40];
	v21 =	vmpcnt.ones.xlane vm10;
	(v2sf) =	vpush v17, $0x0  }
0x1a3: {  	s1 =	sadd.s32 s14, s1;
	vm12 =	vle.f32 v3, v1;
	v3 =	vld [tilespmem:$0xA50];
	v22 =	vmpcnt.ones.xlane vm11;
	(v2sf) =	vpush v19, $0x0  }
0x1a4: {  	s1 =	sadd.s32 s15, s1;
	v24 =	vld [tilespmem:$0xA60];
	vm13 =	vle.f32 v16, v1;
	v23 =	vmpcnt.ones.xlane vm12;
	(v2sf) =	vpush v21, $0x0  }
0x1a5: {  	s1 =	sadd.s32 s12, s1;
	v26 =	vld [tilespmem:$0xA70];
	vm14 =	vle.f32 v18, v1;
	v25 =	vmpcnt.ones.xlane vm13;
	(v2sf) =	vpush v22, $0x0  }
0x1a6: {  	s1 =	sadd.s32 s13, s1;
	v28 =	vld [tilespmem:$0xA80];
	vm15 =	vle.f32 v20, v1;
	v27 =	vmpcnt.ones.xlane vm14;
	(v2sf) =	vpush v23, $0x0  }
0x1a7: {  	s1 =	sadd.s32 s17, s1;
	v29 =	vmpcnt.ones.xlane vm15;
	vm4 =	vle.f32 v2, v1;
	v2 =	vld [tilespmem:$0xA90];
	(v2sf) =	vpush v25, $0x0  }
0x1a8: {  	s1 =	sadd.s32 s18, s1;
	vm5 =	vle.f32 v3, v1;
	v3 =	vld [tilespmem:$0xAA0];
	v30 =	vmpcnt.ones.xlane vm4;
	(v2sf) =	vpush v27, $0x0  }
0x1a9: {  	s1 =	sadd.s32 s19, s1;
	v32 =	vld [tilespmem:$0xAB0];
	vm6 =	vle.f32 v24, v1;
	v31 =	vmpcnt.ones.xlane vm5;
	(v2sf) =	vpush v29, $0x0  }
0x1aa: {  	s1 =	sadd.s32 s21, s1;
	v34 =	vld [tilespmem:$0xAC0];
	vm7 =	vle.f32 v26, v1;
	v33 =	vmpcnt.ones.xlane vm6;
	(v2sf) =	vpush v30, $0x0  }
0x1ab: {  	s1 =	sadd.s32 s23, s1;
	v36 =	vld [tilespmem:$0xAD0];
	v35 =	vmpcnt.ones.xlane vm7;
	vm8 =	vle.f32 v28, v1;
	(v2sf) =	vpush v31, $0x0  }
0x1ac: {  	s1 =	sadd.s32 s24, s1;
	v37 =	vmpcnt.ones.xlane vm8;
	vm9 =	vle.f32 v2, v1;
	v2 =	vld [tilespmem:$0xAE0];
	(v2sf) =	vpush v33, $0x0  }
0x1ad: {  	s1 =	sadd.s32 s25, s1;
	vm10 =	vle.f32 v3, v1;
	v3 =	vld [tilespmem:$0xAF0];
	v38 =	vmpcnt.ones.xlane vm9;
	(v2sf) =	vpush v35, $0x0  }
0x1ae: {  	s0 =	sadd.s32 s28, s1;
	v40 =	vld [tilespmem:$0xB00];
	vm11 =	vle.f32 v32, v1;
	s2 =	spop (v2sf);
	v39 =	vmpcnt.ones.xlane vm10;
	(v2sf) =	vpush v37, $0x0  }
0x1af: {  	v42 =	vld [tilespmem:$0xB10];
	vm12 =	vle.f32 v34, v1;
	v41 =	vmpcnt.ones.xlane vm11;
	s0 =	sadd.s32 s2, s0;
	s3 =	spop (v2sf);
	(v2sf) =	vpush v38, $0x0  }
0x1b0: {  	v44 =	vld [tilespmem:$0xB20];
	vm13 =	vle.f32 v36, v1;
	v43 =	vmpcnt.ones.xlane vm12;
	s0 =	sadd.s32 s3, s0;
	s4 =	spop (v2sf);
	(v2sf) =	vpush v39, $0x0  }
0x1b1: {  	v45 =	vmpcnt.ones.xlane vm13;
	s0 =	sadd.s32 s4, s0;
	vm14 =	vle.f32 v2, v1;
	v2 =	vld [tilespmem:$0xB30];
	s5 =	spop (v2sf);
	(v2sf) =	vpush v41, $0x0  }
0x1b2: {  	vm15 =	vle.f32 v3, v1;
	v3 =	vld [tilespmem:$0xB40];
	v46 =	vmpcnt.ones.xlane vm14;
	s0 =	sadd.s32 s5, s0;
	s6 =	spop (v2sf);
	(v2sf) =	vpush v43, $0x0  }
0x1b3: {  	v48 =	vld [tilespmem:$0xB50];
	vm4 =	vle.f32 v40, v1;
	v47 =	vmpcnt.ones.xlane vm15;
	s0 =	sadd.s32 s6, s0;
	s8 =	spop (v2sf);
	(v2sf) =	vpush v45, $0x0  }
0x1b4: {  	v50 =	vld [tilespmem:$0xB60];
	vm5 =	vle.f32 v42, v1;
	v49 =	vmpcnt.ones.xlane vm4;
	s0 =	sadd.s32 s8, s0;
	s9 =	spop (v2sf);
	(v2sf) =	vpush v46, $0x0  }
0x1b5: {  	v52 =	vld [tilespmem:$0xB70];
	vm6 =	vle.f32 v44, v1;
	v51 =	vmpcnt.ones.xlane vm5;
	s0 =	sadd.s32 s9, s0;
	s10 =	spop (v2sf);
	(v2sf) =	vpush v47, $0x0  }
0x1b6: {  	v53 =	vmpcnt.ones.xlane vm6;
	vm7 =	vle.f32 v2, v1;
	v2 =	vld [tilespmem:$0xB80];
	s0 =	sadd.s32 s10, s0;
	s11 =	spop (v2sf);
	(v2sf) =	vpush v49, $0x0  }
0x1b7: {  	vm8 =	vle.f32 v3, v1;
	v3 =	vld [tilespmem:$0xB90];
	v54 =	vmpcnt.ones.xlane vm7;
	s0 =	sadd.s32 s11, s0;
	s12 =	spop (v2sf);
	(v2sf) =	vpush v51, $0x0  }
0x1b8: {  	v56 =	vld [tilespmem:$0xBA0];
	vm9 =	vle.f32 v48, v1;
	v55 =	vmpcnt.ones.xlane vm8;
	s0 =	sadd.s32 s12, s0;
	s13 =	spop (v2sf);
	(v2sf) =	vpush v53, $0x0  }
0x1b9: {  	v58 =	vld [tilespmem:$0xBB0];
	vm10 =	vle.f32 v50, v1;
	v57 =	vmpcnt.ones.xlane vm9;
	s0 =	sadd.s32 s13, s0;
	s14 =	spop (v2sf);
	(v2sf) =	vpush v54, $0x0  }
0x1ba: {  	v60 =	vld [tilespmem:$0xBC0];
	vm11 =	vle.f32 v52, v1;
	v59 =	vmpcnt.ones.xlane vm10;
	s0 =	sadd.s32 s14, s0;
	s15 =	spop (v2sf);
	(v2sf) =	vpush v55, $0x0  }
0x1bb: {  	v61 =	vmpcnt.ones.xlane vm11;
	vm12 =	vle.f32 v2, v1;
	v2 =	vld [tilespmem:$0xBD0];
	s0 =	sadd.s32 s15, s0;
	s16 =	spop (v2sf);
	(v2sf) =	vpush v57, $0x0  }
0x1bc: {  	vm13 =	vle.f32 v3, v1;
	v3 =	vld [tilespmem:$0xBE0];
	v62 =	vmpcnt.ones.xlane vm12;
	s0 =	sadd.s32 s16, s0;
	s17 =	spop (v2sf);
	(v2sf) =	vpush v59, $0x0  }
0x1bd: {  	v12 =	vld [tilespmem:$0xBF0];
	vm14 =	vle.f32 v56, v1;
	v63 =	vmpcnt.ones.xlane vm13;
	s0 =	sadd.s32 s17, s0;
	s18 =	spop (v2sf);
	(v2sf) =	vpush v61, $0x0  }
0x1be: {  	v14 =	vld [tilespmem:$0xC00];
	vm15 =	vle.f32 v58, v1;
	v13 =	vmpcnt.ones.xlane vm14;
	s0 =	sadd.s32 s18, s0;
	s19 =	spop (v2sf);
	(v2sf) =	vpush v62, $0x0  }
0x1bf: {  	v16 =	vld [tilespmem:$0xC10];
	vm4 =	vle.f32 v60, v1;
	v15 =	vmpcnt.ones.xlane vm15;
	s0 =	sadd.s32 s19, s0;
	s20 =	spop (v2sf);
	(v2sf) =	vpush v63, $0x0  }
0x1c0: {  	v17 =	vmpcnt.ones.xlane vm4;
	vm5 =	vle.f32 v2, v1;
	v2 =	vld [tilespmem:$0xC20];
	s0 =	sadd.s32 s20, s0;
	s21 =	spop (v2sf);
	(v2sf) =	vpush v13, $0x0  }
0x1c1: {  	vm6 =	vle.f32 v3, v1;
	v3 =	vld [tilespmem:$0xC30];
	v18 =	vmpcnt.ones.xlane vm5;
	s0 =	sadd.s32 s21, s0;
	s22 =	spop (v2sf);
	(v2sf) =	vpush v15, $0x0  }
0x1c2: {  	v20 =	vld [tilespmem:$0xC40];
	vm7 =	vle.f32 v12, v1;
	v19 =	vmpcnt.ones.xlane vm6;
	s0 =	sadd.s32 s22, s0;
	s23 =	spop (v2sf);
	(v2sf) =	vpush v17, $0x0  }
0x1c3: {  	v22 =	vld [tilespmem:$0xC50];
	vm8 =	vle.f32 v14, v1;
	v21 =	vmpcnt.ones.xlane vm7;
	s0 =	sadd.s32 s23, s0;
	s24 =	spop (v2sf);
	(v2sf) =	vpush v18, $0x0  }
0x1c4: {  	v24 =	vld [tilespmem:$0xC60];
	vm9 =	vle.f32 v16, v1;
	v23 =	vmpcnt.ones.xlane vm8;
	s0 =	sadd.s32 s24, s0;
	s25 =	spop (v2sf);
	(v2sf) =	vpush v19, $0x0  }
0x1c5: {  	v25 =	vmpcnt.ones.xlane vm9;
	vm10 =	vle.f32 v2, v1;
	v2 =	vld [tilespmem:$0xC70];
	s0 =	sadd.s32 s25, s0;
	s26 =	spop (v2sf);
	(v2sf) =	vpush v21, $0x0  }
0x1c6: {  	vm11 =	vle.f32 v3, v1;
	v3 =	vld [tilespmem:$0xC80];
	v26 =	vmpcnt.ones.xlane vm10;
	s0 =	sadd.s32 s26, s0;
	s28 =	spop (v2sf);
	(v2sf) =	vpush v23, $0x0  }
0x1c7: {  	v28 =	vld [tilespmem:$0xC90];
	vm12 =	vle.f32 v20, v1;
	v27 =	vmpcnt.ones.xlane vm11;
	s0 =	sadd.s32 s28, s0;
	s29 =	spop (v2sf);
	(v2sf) =	vpush v25, $0x0  }
0x1c8: {  	v30 =	vld [tilespmem:$0xCA0];
	vm13 =	vle.f32 v22, v1;
	v29 =	vmpcnt.ones.xlane vm12;
	s0 =	sadd.s32 s29, s0;
	s30 =	spop (v2sf);
	(v2sf) =	vpush v26, $0x0  }
0x1c9: {  	v32 =	vld [tilespmem:$0xCB0];
	vm14 =	vle.f32 v24, v1;
	v31 =	vmpcnt.ones.xlane vm13;
	s0 =	sadd.s32 s30, s0;
	s31 =	spop (v2sf);
	(v2sf) =	vpush v27, $0x0  }
0x1ca: {  	v33 =	vmpcnt.ones.xlane vm14;
	vm15 =	vle.f32 v2, v1;
	v2 =	vld [tilespmem:$0xCC0];
	s0 =	sadd.s32 s31, s0;
	s2 =	spop (v2sf);
	(v2sf) =	vpush v29, $0x0  }
0x1cb: {  	vm4 =	vle.f32 v3, v1;
	v3 =	vld [tilespmem:$0xCD0];
	v34 =	vmpcnt.ones.xlane vm15;
	s0 =	sadd.s32 s2, s0;
	s3 =	spop (v2sf);
	(v2sf) =	vpush v31, $0x0  }
0x1cc: {  	v36 =	vld [tilespmem:$0xCE0];
	vm5 =	vle.f32 v28, v1;
	v35 =	vmpcnt.ones.xlane vm4;
	s0 =	sadd.s32 s3, s0;
	s4 =	spop (v2sf);
	(v2sf) =	vpush v33, $0x0  }
0x1cd: {  	v38 =	vld [tilespmem:$0xCF0];
	vm6 =	vle.f32 v30, v1;
	v37 =	vmpcnt.ones.xlane vm5;
	s0 =	sadd.s32 s4, s0;
	s5 =	spop (v2sf);
	(v2sf) =	vpush v34, $0x0  }
0x1ce: {  	v40 =	vld [tilespmem:$0xD00];
	vm7 =	vle.f32 v32, v1;
	v39 =	vmpcnt.ones.xlane vm6;
	s0 =	sadd.s32 s5, s0;
	s6 =	spop (v2sf);
	(v2sf) =	vpush v35, $0x0  }
0x1cf: {  	v41 =	vmpcnt.ones.xlane vm7;
	vm8 =	vle.f32 v2, v1;
	v2 =	vld [tilespmem:$0xD10];
	s0 =	sadd.s32 s6, s0;
	s8 =	spop (v2sf);
	(v2sf) =	vpush v37, $0x0  }
0x1d0: {  	vm9 =	vle.f32 v3, v1;
	v3 =	vld [tilespmem:$0xD20];
	v42 =	vmpcnt.ones.xlane vm8;
	s0 =	sadd.s32 s8, s0;
	s9 =	spop (v2sf);
	(v2sf) =	vpush v39, $0x0  }
0x1d1: {  	v44 =	vld [tilespmem:$0xD30];
	vm10 =	vle.f32 v36, v1;
	v43 =	vmpcnt.ones.xlane vm9;
	s0 =	sadd.s32 s9, s0;
	s10 =	spop (v2sf);
	(v2sf) =	vpush v41, $0x0  }
0x1d2: {  	v46 =	vld [tilespmem:$0xD40];
	vm11 =	vle.f32 v38, v1;
	v45 =	vmpcnt.ones.xlane vm10;
	s0 =	sadd.s32 s10, s0;
	s11 =	spop (v2sf);
	(v2sf) =	vpush v42, $0x0  }
0x1d3: {  	v48 =	vld [tilespmem:$0xD50];
	vm12 =	vle.f32 v40, v1;
	v47 =	vmpcnt.ones.xlane vm11;
	s0 =	sadd.s32 s11, s0;
	s12 =	spop (v2sf);
	(v2sf) =	vpush v43, $0x0  }
0x1d4: {  	v49 =	vmpcnt.ones.xlane vm12;
	vm13 =	vle.f32 v2, v1;
	v2 =	vld [tilespmem:$0xD60];
	s0 =	sadd.s32 s12, s0;
	s13 =	spop (v2sf);
	(v2sf) =	vpush v45, $0x0  }
0x1d5: {  	vm14 =	vle.f32 v3, v1;
	v3 =	vld [tilespmem:$0xD70];
	v50 =	vmpcnt.ones.xlane vm13;
	s0 =	sadd.s32 s13, s0;
	s14 =	spop (v2sf);
	(v2sf) =	vpush v47, $0x0  }
0x1d6: {  	v52 =	vld [tilespmem:$0xD80];
	vm15 =	vle.f32 v44, v1;
	v51 =	vmpcnt.ones.xlane vm14;
	s0 =	sadd.s32 s14, s0;
	s15 =	spop (v2sf);
	(v2sf) =	vpush v49, $0x0  }
0x1d7: {  	v54 =	vld [tilespmem:$0xD90];
	vm4 =	vle.f32 v46, v1;
	v53 =	vmpcnt.ones.xlane vm15;
	s0 =	sadd.s32 s15, s0;
	s16 =	spop (v2sf);
	(v2sf) =	vpush v50, $0x0  }
0x1d8: {  	v56 =	vld [tilespmem:$0xDA0];
	vm5 =	vle.f32 v48, v1;
	v55 =	vmpcnt.ones.xlane vm4;
	s0 =	sadd.s32 s16, s0;
	s17 =	spop (v2sf);
	(v2sf) =	vpush v51, $0x0  }
0x1d9: {  	v57 =	vmpcnt.ones.xlane vm5;
	vm6 =	vle.f32 v2, v1;
	v2 =	vld [tilespmem:$0xDB0];
	s0 =	sadd.s32 s17, s0;
	s18 =	spop (v2sf);
	(v2sf) =	vpush v53, $0x0  }
0x1da: {  	vm7 =	vle.f32 v3, v1;
	v3 =	vld [tilespmem:$0xDC0];
	v58 =	vmpcnt.ones.xlane vm6;
	s0 =	sadd.s32 s18, s0;
	s19 =	spop (v2sf);
	(v2sf) =	vpush v55, $0x0  }
0x1db: {  	v60 =	vld [tilespmem:$0xDD0];
	vm8 =	vle.f32 v52, v1;
	v59 =	vmpcnt.ones.xlane vm7;
	s0 =	sadd.s32 s19, s0;
	s20 =	spop (v2sf);
	(v2sf) =	vpush v57, $0x0  }
0x1dc: {  	v62 =	vld [tilespmem:$0xDE0];
	vm9 =	vle.f32 v54, v1;
	v61 =	vmpcnt.ones.xlane vm8;
	s0 =	sadd.s32 s20, s0;
	s21 =	spop (v2sf);
	(v2sf) =	vpush v58, $0x0  }
0x1dd: {  	v12 =	vld [tilespmem:$0xDF0];
	vm10 =	vle.f32 v56, v1;
	v63 =	vmpcnt.ones.xlane vm9;
	s0 =	sadd.s32 s21, s0;
	s22 =	spop (v2sf);
	(v2sf) =	vpush v59, $0x0  }
0x1de: {  	v13 =	vmpcnt.ones.xlane vm10;
	vm11 =	vle.f32 v2, v1;
	v2 =	vld [tilespmem:$0xE00];
	s0 =	sadd.s32 s22, s0;
	s23 =	spop (v2sf);
	(v2sf) =	vpush v61, $0x0  }
0x1df: {  	vm12 =	vle.f32 v3, v1;
	v3 =	vld [tilespmem:$0xE10];
	v14 =	vmpcnt.ones.xlane vm11;
	s0 =	sadd.s32 s23, s0;
	s24 =	spop (v2sf);
	(v2sf) =	vpush v63, $0x0  }
0x1e0: {  	v16 =	vld [tilespmem:$0xE20];
	vm13 =	vle.f32 v60, v1;
	v15 =	vmpcnt.ones.xlane vm12;
	s0 =	sadd.s32 s24, s0;
	s25 =	spop (v2sf);
	(v2sf) =	vpush v13, $0x0  }
0x1e1: {  	v18 =	vld [tilespmem:$0xE30];
	vm14 =	vle.f32 v62, v1;
	v17 =	vmpcnt.ones.xlane vm13;
	s0 =	sadd.s32 s25, s0;
	s26 =	spop (v2sf);
	(v2sf) =	vpush v14, $0x0  }
0x1e2: {  	v20 =	vld [tilespmem:$0xE40];
	vm15 =	vle.f32 v12, v1;
	v19 =	vmpcnt.ones.xlane vm14;
	s0 =	sadd.s32 s26, s0;
	s28 =	spop (v2sf);
	(v2sf) =	vpush v15, $0x0  }
0x1e3: {  	v21 =	vmpcnt.ones.xlane vm15;
	vm4 =	vle.f32 v2, v1;
	v2 =	vld [tilespmem:$0xE50];
	s0 =	sadd.s32 s28, s0;
	s29 =	spop (v2sf);
	(v2sf) =	vpush v17, $0x0  }
0x1e4: {  	vm5 =	vle.f32 v3, v1;
	v3 =	vld [tilespmem:$0xE60];
	v22 =	vmpcnt.ones.xlane vm4;
	s0 =	sadd.s32 s29, s0;
	s30 =	spop (v2sf);
	(v2sf) =	vpush v19, $0x0  }
0x1e5: {  	v24 =	vld [tilespmem:$0xE70];
	vm6 =	vle.f32 v16, v1;
	v23 =	vmpcnt.ones.xlane vm5;
	s0 =	sadd.s32 s30, s0;
	s31 =	spop (v2sf);
	(v2sf) =	vpush v21, $0x0  }
0x1e6: {  	v26 =	vld [tilespmem:$0xE80];
	vm7 =	vle.f32 v18, v1;
	v25 =	vmpcnt.ones.xlane vm6;
	s0 =	sadd.s32 s31, s0;
	s2 =	spop (v2sf);
	(v2sf) =	vpush v22, $0x0  }
0x1e7: {  	v28 =	vld [tilespmem:$0xE90];
	vm8 =	vle.f32 v20, v1;
	v27 =	vmpcnt.ones.xlane vm7;
	s0 =	sadd.s32 s2, s0;
	s3 =	spop (v2sf);
	(v2sf) =	vpush v23, $0x0  }
0x1e8: {  	v29 =	vmpcnt.ones.xlane vm8;
	vm9 =	vle.f32 v2, v1;
	v2 =	vld [tilespmem:$0xEA0];
	s0 =	sadd.s32 s3, s0;
	s4 =	spop (v2sf);
	(v2sf) =	vpush v25, $0x0  }
0x1e9: {  	vm10 =	vle.f32 v3, v1;
	v3 =	vld [tilespmem:$0xEB0];
	v30 =	vmpcnt.ones.xlane vm9;
	s0 =	sadd.s32 s4, s0;
	s5 =	spop (v2sf);
	(v2sf) =	vpush v27, $0x0  }
0x1ea: {  	v32 =	vld [tilespmem:$0xEC0];
	vm11 =	vle.f32 v24, v1;
	v31 =	vmpcnt.ones.xlane vm10;
	s0 =	sadd.s32 s5, s0;
	s6 =	spop (v2sf);
	(v2sf) =	vpush v29, $0x0  }
0x1eb: {  	v34 =	vld [tilespmem:$0xED0];
	vm12 =	vle.f32 v26, v1;
	v33 =	vmpcnt.ones.xlane vm11;
	s0 =	sadd.s32 s6, s0;
	s8 =	spop (v2sf);
	(v2sf) =	vpush v30, $0x0  }
0x1ec: {  	v36 =	vld [tilespmem:$0xEE0];
	vm13 =	vle.f32 v28, v1;
	v35 =	vmpcnt.ones.xlane vm12;
	s0 =	sadd.s32 s8, s0;
	s9 =	spop (v2sf);
	(v2sf) =	vpush v31, $0x0  }
0x1ed: {  	v37 =	vmpcnt.ones.xlane vm13;
	vm14 =	vle.f32 v2, v1;
	v2 =	vld [tilespmem:$0xEF0];
	s0 =	sadd.s32 s9, s0;
	s10 =	spop (v2sf);
	(v2sf) =	vpush v33, $0x0  }
0x1ee: {  	vm15 =	vle.f32 v3, v1;
	v3 =	vld [tilespmem:$0xF00];
	v38 =	vmpcnt.ones.xlane vm14;
	s0 =	sadd.s32 s10, s0;
	s11 =	spop (v2sf);
	(v2sf) =	vpush v35, $0x0  }
0x1ef: {  	v40 =	vld [tilespmem:$0xF10];
	vm4 =	vle.f32 v32, v1;
	v39 =	vmpcnt.ones.xlane vm15;
	s0 =	sadd.s32 s11, s0;
	s12 =	spop (v2sf);
	(v2sf) =	vpush v37, $0x0  }
0x1f0: {  	v42 =	vld [tilespmem:$0xF20];
	vm5 =	vle.f32 v34, v1;
	v41 =	vmpcnt.ones.xlane vm4;
	s0 =	sadd.s32 s12, s0;
	s13 =	spop (v2sf);
	(v2sf) =	vpush v38, $0x0  }
0x1f1: {  	v44 =	vld [tilespmem:$0xF30];
	vm6 =	vle.f32 v36, v1;
	v43 =	vmpcnt.ones.xlane vm5;
	s0 =	sadd.s32 s13, s0;
	s14 =	spop (v2sf);
	(v2sf) =	vpush v39, $0x0  }
0x1f2: {  	v45 =	vmpcnt.ones.xlane vm6;
	vm7 =	vle.f32 v2, v1;
	v2 =	vld [tilespmem:$0xF40];
	s0 =	sadd.s32 s14, s0;
	s15 =	spop (v2sf);
	(v2sf) =	vpush v41, $0x0  }
0x1f3: {  	vm8 =	vle.f32 v3, v1;
	v3 =	vld [tilespmem:$0xF50];
	v46 =	vmpcnt.ones.xlane vm7;
	s0 =	sadd.s32 s15, s0;
	s16 =	spop (v2sf);
	(v2sf) =	vpush v43, $0x0  }
0x1f4: {  	v48 =	vld [tilespmem:$0xF60];
	vm9 =	vle.f32 v40, v1;
	v47 =	vmpcnt.ones.xlane vm8;
	s0 =	sadd.s32 s16, s0;
	s17 =	spop (v2sf);
	(v2sf) =	vpush v45, $0x0  }
0x1f5: {  	v50 =	vld [tilespmem:$0xF70];
	vm10 =	vle.f32 v42, v1;
	v49 =	vmpcnt.ones.xlane vm9;
	s0 =	sadd.s32 s17, s0;
	s18 =	spop (v2sf);
	(v2sf) =	vpush v46, $0x0  }
0x1f6: {  	v52 =	vld [tilespmem:$0xF80];
	vm11 =	vle.f32 v44, v1;
	v51 =	vmpcnt.ones.xlane vm10;
	s0 =	sadd.s32 s18, s0;
	s19 =	spop (v2sf);
	(v2sf) =	vpush v47, $0x0  }
0x1f7: {  	v53 =	vmpcnt.ones.xlane vm11;
	vm12 =	vle.f32 v2, v1;
	v2 =	vld [tilespmem:$0xF90];
	s0 =	sadd.s32 s19, s0;
	s20 =	spop (v2sf);
	(v2sf) =	vpush v49, $0x0  }
0x1f8: {  	vm13 =	vle.f32 v3, v1;
	v3 =	vld [tilespmem:$0xFA0];
	v54 =	vmpcnt.ones.xlane vm12;
	s0 =	sadd.s32 s20, s0;
	s21 =	spop (v2sf);
	(v2sf) =	vpush v51, $0x0  }
0x1f9: {  	v56 =	vld [tilespmem:$0xFB0];
	vm14 =	vle.f32 v48, v1;
	v55 =	vmpcnt.ones.xlane vm13;
	s0 =	sadd.s32 s21, s0;
	s22 =	spop (v2sf);
	(v2sf) =	vpush v53, $0x0  }
0x1fa: {  	v58 =	vld [tilespmem:$0xFC0];
	vm15 =	vle.f32 v50, v1;
	v57 =	vmpcnt.ones.xlane vm14;
	s0 =	sadd.s32 s22, s0;
	s23 =	spop (v2sf);
	(v2sf) =	vpush v54, $0x0  }
0x1fb: {  	v60 =	vld [tilespmem:$0xFD0];
	vm4 =	vle.f32 v52, v1;
	v59 =	vmpcnt.ones.xlane vm15;
	s0 =	sadd.s32 s23, s0;
	s24 =	spop (v2sf);
	(v2sf) =	vpush v55, $0x0  }
0x1fc: {  	v61 =	vmpcnt.ones.xlane vm4;
	vm5 =	vle.f32 v2, v1;
	v2 =	vld [tilespmem:$0xFE0];
	s0 =	sadd.s32 s24, s0;
	s25 =	spop (v2sf);
	(v2sf) =	vpush v57, $0x0  }
0x1fd: {  	vm6 =	vle.f32 v3, v1;
	v3 =	vld [tilespmem:$0xFF0];
	v62 =	vmpcnt.ones.xlane vm5;
	s0 =	sadd.s32 s25, s0;
	s26 =	spop (v2sf);
	(v2sf) =	vpush v59, $0x0  }
0x1fe: {  	v12 =	vld [tilespmem:$0x1000];
	vm7 =	vle.f32 v56, v1;
	v63 =	vmpcnt.ones.xlane vm6;
	s0 =	sadd.s32 s26, s0;
	s28 =	spop (v2sf);
	(v2sf) =	vpush v61, $0x0  }
0x1ff: {  	v14 =	vld [tilespmem:$0x1010];
	vm8 =	vle.f32 v58, v1;
	v13 =	vmpcnt.ones.xlane vm7;
	s0 =	sadd.s32 s28, s0;
	s29 =	spop (v2sf);
	(v2sf) =	vpush v62, $0x0  }
0x200: {  	v16 =	vld [tilespmem:$0x1020];
	vm9 =	vle.f32 v60, v1;
	v15 =	vmpcnt.ones.xlane vm8;
	s0 =	sadd.s32 s29, s0;
	s30 =	spop (v2sf);
	(v2sf) =	vpush v63, $0x0  }
0x201: {  	v17 =	vmpcnt.ones.xlane vm9;
	vm10 =	vle.f32 v2, v1;
	v2 =	vld [tilespmem:$0x1030];
	s0 =	sadd.s32 s30, s0;
	s31 =	spop (v2sf);
	(v2sf) =	vpush v13, $0x0  }
0x202: {  	vm11 =	vle.f32 v3, v1;
	v3 =	vld [tilespmem:$0x1040];
	v18 =	vmpcnt.ones.xlane vm10;
	s0 =	sadd.s32 s31, s0;
	s2 =	spop (v2sf);
	(v2sf) =	vpush v15, $0x0  }
0x203: {  	v20 =	vld [tilespmem:$0x1050];
	vm12 =	vle.f32 v12, v1;
	v19 =	vmpcnt.ones.xlane vm11;
	s0 =	sadd.s32 s2, s0;
	s3 =	spop (v2sf);
	(v2sf) =	vpush v17, $0x0  }
0x204: {  	v22 =	vld [tilespmem:$0x1060];
	vm13 =	vle.f32 v14, v1;
	v21 =	vmpcnt.ones.xlane vm12;
	s0 =	sadd.s32 s3, s0;
	s4 =	spop (v2sf);
	(v2sf) =	vpush v18, $0x0  }
0x205: {  	v24 =	vld [tilespmem:$0x1070];
	vm14 =	vle.f32 v16, v1;
	v23 =	vmpcnt.ones.xlane vm13;
	s0 =	sadd.s32 s4, s0;
	s5 =	spop (v2sf);
	(v2sf) =	vpush v19, $0x0  }
0x206: {  	v25 =	vmpcnt.ones.xlane vm14;
	vm15 =	vle.f32 v2, v1;
	v2 =	vld [tilespmem:$0x1080];
	s0 =	sadd.s32 s5, s0;
	s6 =	spop (v2sf);
	(v2sf) =	vpush v21, $0x0  }
0x207: {  	vm4 =	vle.f32 v3, v1;
	v3 =	vld [tilespmem:$0x1090];
	v26 =	vmpcnt.ones.xlane vm15;
	s0 =	sadd.s32 s6, s0;
	s8 =	spop (v2sf);
	(v2sf) =	vpush v23, $0x0  }
0x208: {  	v28 =	vld [tilespmem:$0x10A0];
	vm5 =	vle.f32 v20, v1;
	v27 =	vmpcnt.ones.xlane vm4;
	s0 =	sadd.s32 s8, s0;
	s9 =	spop (v2sf);
	(v2sf) =	vpush v25, $0x0  }
0x209: {  	v30 =	vld [tilespmem:$0x10B0];
	vm6 =	vle.f32 v22, v1;
	v29 =	vmpcnt.ones.xlane vm5;
	s0 =	sadd.s32 s9, s0;
	s10 =	spop (v2sf);
	(v2sf) =	vpush v26, $0x0  }
0x20a: {  	v32 =	vld [tilespmem:$0x10C0];
	vm7 =	vle.f32 v24, v1;
	v31 =	vmpcnt.ones.xlane vm6;
	s0 =	sadd.s32 s10, s0;
	s11 =	spop (v2sf);
	(v2sf) =	vpush v27, $0x0  }
0x20b: {  	v33 =	vmpcnt.ones.xlane vm7;
	vm8 =	vle.f32 v2, v1;
	v2 =	vld [tilespmem:$0x10D0];
	s0 =	sadd.s32 s11, s0;
	s12 =	spop (v2sf);
	(v2sf) =	vpush v29, $0x0  }
0x20c: {  	vm9 =	vle.f32 v3, v1;
	v3 =	vld [tilespmem:$0x10E0];
	v34 =	vmpcnt.ones.xlane vm8;
	s0 =	sadd.s32 s12, s0;
	s13 =	spop (v2sf);
	(v2sf) =	vpush v31, $0x0  }
0x20d: {  	v36 =	vld [tilespmem:$0x10F0];
	vm10 =	vle.f32 v28, v1;
	v35 =	vmpcnt.ones.xlane vm9;
	s0 =	sadd.s32 s13, s0;
	s14 =	spop (v2sf);
	(v2sf) =	vpush v33, $0x0  }
0x20e: {  	v38 =	vld [tilespmem:$0x1100];
	vm11 =	vle.f32 v30, v1;
	v37 =	vmpcnt.ones.xlane vm10;
	s0 =	sadd.s32 s14, s0;
	s15 =	spop (v2sf);
	(v2sf) =	vpush v34, $0x0  }
0x20f: {  	v40 =	vld [tilespmem:$0x1110];
	vm12 =	vle.f32 v32, v1;
	v39 =	vmpcnt.ones.xlane vm11;
	s0 =	sadd.s32 s15, s0;
	s16 =	spop (v2sf);
	(v2sf) =	vpush v35, $0x0  }
0x210: {  	v41 =	vmpcnt.ones.xlane vm12;
	vm13 =	vle.f32 v2, v1;
	v2 =	vld [tilespmem:$0x1120];
	s0 =	sadd.s32 s16, s0;
	s17 =	spop (v2sf);
	(v2sf) =	vpush v37, $0x0  }
0x211: {  	vm14 =	vle.f32 v3, v1;
	v3 =	vld [tilespmem:$0x1130];
	v42 =	vmpcnt.ones.xlane vm13;
	s0 =	sadd.s32 s17, s0;
	s18 =	spop (v2sf);
	(v2sf) =	vpush v39, $0x0  }
0x212: {  	v44 =	vld [tilespmem:$0x1140];
	vm15 =	vle.f32 v36, v1;
	v43 =	vmpcnt.ones.xlane vm14;
	s0 =	sadd.s32 s18, s0;
	s19 =	spop (v2sf);
	(v2sf) =	vpush v41, $0x0  }
0x213: {  	v46 =	vld [tilespmem:$0x1150];
	vm4 =	vle.f32 v38, v1;
	v45 =	vmpcnt.ones.xlane vm15;
	s0 =	sadd.s32 s19, s0;
	s20 =	spop (v2sf);
	(v2sf) =	vpush v42, $0x0  }
0x214: {  	v48 =	vld [tilespmem:$0x1160];
	vm5 =	vle.f32 v40, v1;
	v47 =	vmpcnt.ones.xlane vm4;
	s0 =	sadd.s32 s20, s0;
	s21 =	spop (v2sf);
	(v2sf) =	vpush v43, $0x0  }
0x215: {  	v49 =	vmpcnt.ones.xlane vm5;
	vm6 =	vle.f32 v2, v1;
	v2 =	vld [tilespmem:$0x1170];
	s0 =	sadd.s32 s21, s0;
	s22 =	spop (v2sf);
	(v2sf) =	vpush v45, $0x0  }
0x216: {  	vm7 =	vle.f32 v3, v1;
	v3 =	vld [tilespmem:$0x1180];
	v50 =	vmpcnt.ones.xlane vm6;
	s0 =	sadd.s32 s22, s0;
	s23 =	spop (v2sf);
	(v2sf) =	vpush v47, $0x0  }
0x217: {  	v52 =	vld [tilespmem:$0x1190];
	vm8 =	vle.f32 v44, v1;
	v51 =	vmpcnt.ones.xlane vm7;
	s0 =	sadd.s32 s23, s0;
	s24 =	spop (v2sf);
	(v2sf) =	vpush v49, $0x0  }
0x218: {  	v54 =	vld [tilespmem:$0x11A0];
	vm9 =	vle.f32 v46, v1;
	v53 =	vmpcnt.ones.xlane vm8;
	s0 =	sadd.s32 s24, s0;
	s25 =	spop (v2sf);
	(v2sf) =	vpush v50, $0x0  }
0x219: {  	v56 =	vld [tilespmem:$0x11B0];
	vm10 =	vle.f32 v48, v1;
	v55 =	vmpcnt.ones.xlane vm9;
	s0 =	sadd.s32 s25, s0;
	s26 =	spop (v2sf);
	(v2sf) =	vpush v51, $0x0  }
0x21a: {  	v57 =	vmpcnt.ones.xlane vm10;
	vm11 =	vle.f32 v2, v1;
	v2 =	vld [tilespmem:$0x11C0];
	s0 =	sadd.s32 s26, s0;
	s28 =	spop (v2sf);
	(v2sf) =	vpush v53, $0x0  }
0x21b: {  	vm12 =	vle.f32 v3, v1;
	v3 =	vld [tilespmem:$0x11D0];
	v58 =	vmpcnt.ones.xlane vm11;
	s0 =	sadd.s32 s28, s0;
	s29 =	spop (v2sf);
	(v2sf) =	vpush v55, $0x0  }
0x21c: {  	v60 =	vld [tilespmem:$0x11E0];
	vm13 =	vle.f32 v52, v1;
	v59 =	vmpcnt.ones.xlane vm12;
	s0 =	sadd.s32 s29, s0;
	s30 =	spop (v2sf);
	(v2sf) =	vpush v57, $0x0  }
0x21d: {  	v62 =	vld [tilespmem:$0x11F0];
	vm14 =	vle.f32 v54, v1;
	v61 =	vmpcnt.ones.xlane vm13;
	s0 =	sadd.s32 s30, s0;
	s31 =	spop (v2sf);
	(v2sf) =	vpush v58, $0x0  }
0x21e: {  	v12 =	vld [tilespmem:$0x1200];
	vm15 =	vle.f32 v56, v1;
	v63 =	vmpcnt.ones.xlane vm14;
	s0 =	sadd.s32 s31, s0;
	s2 =	spop (v2sf);
	(v2sf) =	vpush v59, $0x0  }
0x21f: {  	v13 =	vmpcnt.ones.xlane vm15;
	vm4 =	vle.f32 v2, v1;
	v2 =	vld [tilespmem:$0x1210];
	s0 =	sadd.s32 s2, s0;
	s3 =	spop (v2sf);
	(v2sf) =	vpush v61, $0x0  }
0x220: {  	vm5 =	vle.f32 v3, v1;
	v3 =	vld [tilespmem:$0x1220];
	v14 =	vmpcnt.ones.xlane vm4;
	s0 =	sadd.s32 s3, s0;
	s4 =	spop (v2sf);
	(v2sf) =	vpush v63, $0x0  }
0x221: {  	v16 =	vld [tilespmem:$0x1230];
	vm6 =	vle.f32 v60, v1;
	v15 =	vmpcnt.ones.xlane vm5;
	s0 =	sadd.s32 s4, s0;
	s5 =	spop (v2sf);
	(v2sf) =	vpush v13, $0x0  }
0x222: {  	v18 =	vld [tilespmem:$0x1240];
	vm7 =	vle.f32 v62, v1;
	v17 =	vmpcnt.ones.xlane vm6;
	s0 =	sadd.s32 s5, s0;
	s6 =	spop (v2sf);
	(v2sf) =	vpush v14, $0x0  }
0x223: {  	v20 =	vld [tilespmem:$0x1250];
	vm8 =	vle.f32 v12, v1;
	v19 =	vmpcnt.ones.xlane vm7;
	s0 =	sadd.s32 s6, s0;
	s8 =	spop (v2sf);
	(v2sf) =	vpush v15, $0x0  }
0x224: {  	v21 =	vmpcnt.ones.xlane vm8;
	vm9 =	vle.f32 v2, v1;
	v2 =	vld [tilespmem:$0x1260];
	s0 =	sadd.s32 s8, s0;
	s9 =	spop (v2sf);
	(v2sf) =	vpush v17, $0x0  }
0x225: {  	vm10 =	vle.f32 v3, v1;
	v3 =	vld [tilespmem:$0x1270];
	v22 =	vmpcnt.ones.xlane vm9;
	s0 =	sadd.s32 s9, s0;
	s10 =	spop (v2sf);
	(v2sf) =	vpush v19, $0x0  }
0x226: {  	v24 =	vld [tilespmem:$0x1280];
	vm11 =	vle.f32 v16, v1;
	v23 =	vmpcnt.ones.xlane vm10;
	s0 =	sadd.s32 s10, s0;
	s11 =	spop (v2sf);
	(v2sf) =	vpush v21, $0x0  }
0x227: {  	v26 =	vld [tilespmem:$0x1290];
	vm12 =	vle.f32 v18, v1;
	v25 =	vmpcnt.ones.xlane vm11;
	s0 =	sadd.s32 s11, s0;
	s12 =	spop (v2sf);
	(v2sf) =	vpush v22, $0x0  }
0x228: {  	v28 =	vld [tilespmem:$0x12A0];
	vm13 =	vle.f32 v20, v1;
	v27 =	vmpcnt.ones.xlane vm12;
	s0 =	sadd.s32 s12, s0;
	s13 =	spop (v2sf);
	(v2sf) =	vpush v23, $0x0  }
0x229: {  	v29 =	vmpcnt.ones.xlane vm13;
	vm14 =	vle.f32 v2, v1;
	v2 =	vld [tilespmem:$0x12B0];
	s0 =	sadd.s32 s13, s0;
	s14 =	spop (v2sf);
	(v2sf) =	vpush v25, $0x0  }
0x22a: {  	vm15 =	vle.f32 v3, v1;
	v3 =	vld [tilespmem:$0x12C0];
	v30 =	vmpcnt.ones.xlane vm14;
	s0 =	sadd.s32 s14, s0;
	s15 =	spop (v2sf);
	(v2sf) =	vpush v27, $0x0  }
0x22b: {  	v32 =	vld [tilespmem:$0x12D0];
	vm4 =	vle.f32 v24, v1;
	v31 =	vmpcnt.ones.xlane vm15;
	s0 =	sadd.s32 s15, s0;
	s16 =	spop (v2sf);
	(v2sf) =	vpush v29, $0x0  }
0x22c: {  	v34 =	vld [tilespmem:$0x12E0];
	vm5 =	vle.f32 v26, v1;
	v33 =	vmpcnt.ones.xlane vm4;
	s0 =	sadd.s32 s16, s0;
	s17 =	spop (v2sf);
	(v2sf) =	vpush v30, $0x0  }
0x22d: {  	v36 =	vld [tilespmem:$0x12F0];
	vm6 =	vle.f32 v28, v1;
	v35 =	vmpcnt.ones.xlane vm5;
	s0 =	sadd.s32 s17, s0;
	s18 =	spop (v2sf);
	(v2sf) =	vpush v31, $0x0  }
0x22e: {  	v37 =	vmpcnt.ones.xlane vm6;
	vm7 =	vle.f32 v2, v1;
	v2 =	vld [tilespmem:$0x1300];
	s0 =	sadd.s32 s18, s0;
	s19 =	spop (v2sf);
	(v2sf) =	vpush v33, $0x0  }
0x22f: {  	vm8 =	vle.f32 v3, v1;
	v3 =	vld [tilespmem:$0x1310];
	v38 =	vmpcnt.ones.xlane vm7;
	s0 =	sadd.s32 s19, s0;
	s20 =	spop (v2sf);
	(v2sf) =	vpush v35, $0x0  }
0x230: {  	v40 =	vld [tilespmem:$0x1320];
	vm9 =	vle.f32 v32, v1;
	v39 =	vmpcnt.ones.xlane vm8;
	s0 =	sadd.s32 s20, s0;
	s21 =	spop (v2sf);
	(v2sf) =	vpush v37, $0x0  }
0x231: {  	v42 =	vld [tilespmem:$0x1330];
	vm10 =	vle.f32 v34, v1;
	v41 =	vmpcnt.ones.xlane vm9;
	s0 =	sadd.s32 s21, s0;
	s22 =	spop (v2sf);
	(v2sf) =	vpush v38, $0x0  }
0x232: {  	v44 =	vld [tilespmem:$0x1340];
	vm11 =	vle.f32 v36, v1;
	v43 =	vmpcnt.ones.xlane vm10;
	s0 =	sadd.s32 s22, s0;
	s23 =	spop (v2sf);
	(v2sf) =	vpush v39, $0x0  }
0x233: {  	v45 =	vmpcnt.ones.xlane vm11;
	vm12 =	vle.f32 v2, v1;
	v2 =	vld [tilespmem:$0x1350];
	s0 =	sadd.s32 s23, s0;
	s24 =	spop (v2sf);
	(v2sf) =	vpush v41, $0x0  }
0x234: {  	vm13 =	vle.f32 v3, v1;
	v3 =	vld [tilespmem:$0x1360];
	v46 =	vmpcnt.ones.xlane vm12;
	s0 =	sadd.s32 s24, s0;
	s25 =	spop (v2sf);
	(v2sf) =	vpush v43, $0x0  }
0x235: {  	v48 =	vld [tilespmem:$0x1370];
	vm14 =	vle.f32 v40, v1;
	v47 =	vmpcnt.ones.xlane vm13;
	s0 =	sadd.s32 s25, s0;
	s26 =	spop (v2sf);
	(v2sf) =	vpush v45, $0x0  }
0x236: {  	v50 =	vld [tilespmem:$0x1380];
	vm15 =	vle.f32 v42, v1;
	v49 =	vmpcnt.ones.xlane vm14;
	s0 =	sadd.s32 s26, s0;
	s28 =	spop (v2sf);
	(v2sf) =	vpush v46, $0x0  }
0x237: {  	v52 =	vld [tilespmem:$0x1390];
	vm4 =	vle.f32 v44, v1;
	v51 =	vmpcnt.ones.xlane vm15;
	s0 =	sadd.s32 s28, s0;
	s29 =	spop (v2sf);
	(v2sf) =	vpush v47, $0x0  }
0x238: {  	v53 =	vmpcnt.ones.xlane vm4;
	vm5 =	vle.f32 v2, v1;
	v2 =	vld [tilespmem:$0x13A0];
	s0 =	sadd.s32 s29, s0;
	s30 =	spop (v2sf);
	(v2sf) =	vpush v49, $0x0  }
0x239: {  	vm6 =	vle.f32 v3, v1;
	v3 =	vld [tilespmem:$0x13B0];
	v54 =	vmpcnt.ones.xlane vm5;
	s0 =	sadd.s32 s30, s0;
	s31 =	spop (v2sf);
	(v2sf) =	vpush v51, $0x0  }
0x23a: {  	v56 =	vld [tilespmem:$0x13C0];
	vm7 =	vle.f32 v48, v1;
	v55 =	vmpcnt.ones.xlane vm6;
	s0 =	sadd.s32 s31, s0;
	s2 =	spop (v2sf);
	(v2sf) =	vpush v53, $0x0  }
0x23b: {  	v58 =	vld [tilespmem:$0x13D0];
	vm8 =	vle.f32 v50, v1;
	v57 =	vmpcnt.ones.xlane vm7;
	s0 =	sadd.s32 s2, s0;
	s3 =	spop (v2sf);
	(v2sf) =	vpush v54, $0x0  }
0x23c: {  	v60 =	vld [tilespmem:$0x13E0];
	vm9 =	vle.f32 v52, v1;
	v59 =	vmpcnt.ones.xlane vm8;
	s0 =	sadd.s32 s3, s0;
	s4 =	spop (v2sf);
	(v2sf) =	vpush v55, $0x0  }
0x23d: {  	v61 =	vmpcnt.ones.xlane vm9;
	vm10 =	vle.f32 v2, v1;
	v2 =	vld [tilespmem:$0x13F0];
	s0 =	sadd.s32 s4, s0;
	s5 =	spop (v2sf);
	(v2sf) =	vpush v57, $0x0  }
0x23e: {  	vm11 =	vle.f32 v3, v1;
	v62 =	vmpcnt.ones.xlane vm10;
	(v2sf) =	vpush v59, $0x0;
	s0 =	sadd.s32 s5, s0;
	s6 =	spop (v2sf)  }
0x23f: {  	vm12 =	vle.f32 v56, v1;
	v3 =	vmpcnt.ones.xlane vm11;
	(v2sf) =	vpush v61, $0x0;
	s0 =	sadd.s32 s6, s0;
	s8 =	spop (v2sf)  }
0x240: {  	vm13 =	vle.f32 v58, v1;
	v4 =	vmpcnt.ones.xlane vm12;
	(v2sf) =	vpush v62, $0x0;
	s0 =	sadd.s32 s8, s0;
	s9 =	spop (v2sf)  }
0x241: {  	vm14 =	vle.f32 v60, v1;
	(v2sf) =	vpush v3, $0x0;
	s0 =	sadd.s32 s9, s0;
	s10 =	spop (v2sf);
	v3 =	vmpcnt.ones.xlane vm13  }
0x242: {  	v63 =	vmpcnt.ones.xlane vm14;
	vm15 =	vle.f32 v2, v1;
	(v2sf) =	vpush v4, $0x0;
	s11 =	spop (v2sf);
	s0 =	sadd.s32 s10, s0  }
0x243: {  	v1 =	vmpcnt.ones.xlane vm15;
	s12 =	spop (v2sf);
	(v2sf) =	vpush v3, $0x0;
	s0 =	sadd.s32 s11, s0  }
0x244: {  	s0 =	sadd.s32 s12, s0;
	s13 =	spop (v2sf);
	(v2sf) =	vpush v63, $0x0  }
0x245: {  	s0 =	sadd.s32 s13, s0;
	s14 =	spop (v2sf);
	(v2sf) =	vpush v1, $0x0  }
0x246: {  	s15 =	spop (v2sf);
	s0 =	sadd.s32 s14, s0  }
0x247: {  	s16 =	spop (v2sf);
	s0 =	sadd.s32 s15, s0  }
0x248: {  	s17 =	spop (v2sf);
	s0 =	sadd.s32 s16, s0  }
0x249: {  	s18 =	spop (v2sf);
	s0 =	sadd.s32 s17, s0  }
0x24a: {  	s19 =	spop (v2sf);
	s0 =	sadd.s32 s18, s0  }
0x24b: {  	s20 =	spop (v2sf);
	s0 =	sadd.s32 s19, s0  }
0x24c: {  	s21 =	spop (v2sf);
	s0 =	sadd.s32 s20, s0  }
0x24d: {  	s22 =	spop (v2sf);
	s0 =	sadd.s32 s21, s0  }
0x24e: {  	s23 =	spop (v2sf);
	s0 =	sadd.s32 s22, s0  }
0x24f: {  	s24 =	spop (v2sf);
	s0 =	sadd.s32 s23, s0  }
0x250: {  	s25 =	spop (v2sf);
	s0 =	sadd.s32 s24, s0  }
0x251: {  	s31 =	rddreg [dreg:$0x9];
	s26 =	spop (v2sf);
	s0 =	sadd.s32 s25, s0  }
0x252: {  	p1 =	sne.s32 s31, $0x1;
	s28 =	spop (v2sf);
	s0 =	sadd.s32 s26, s0  }
.Ltmp0:
0x253: {  	s29 =	spop (v2sf);
	s0 =	sadd.s32 s28, s0;
	(pc) =	sbr.rel @p1 .LBB2_1-.Ltmp0, $4  }
0x254: {  	s0 =	sadd.s32 s29, s0;
	s30 =	spop (v2sf)  }
0x255: {  	s2 =	rddreg [dreg:$0xa];
	s0 =	sadd.s32 s30, s0  }
0x256: {  	s8 =	sadd.s32 $0x1, s7;
	p0 =	sgt.s32 s0, $0x800;
	s0 =	rddreg [dreg:$0x8]  }
0x257: {  	s1 =	sadd.s32 $0xFFFFFFFF, s31;
	s8 =	smov.u32 @p0 s2;
	s0 =	smov.u32 @p0 s7  }
0x258: {  	v0 =	vld [tilespmem:$0x300]  }
0x259: {  	v1 =	vld [tilespmem:$0x310]  }
0x25a: {  	v2 =	vmov s8;
	v3 =	vld [tilespmem:$0x320]  }
0x25b: {  	v4 =	vld [tilespmem:$0x330];
	v2 =	vbroadcast v2, $0x0  }
0x25c: {  	v5 =	vld [tilespmem:$0x340]  }
0x25d: {  	v40 =	vimm.f32 $0.0e+00;
	v6 =	vld [tilespmem:$0x350];
	vm0 =	vgt.f32 v0, v2  }
0x25e: {  	v41 =	vld [tilespmem:$0x360];
	vm13 =	vgt.f32 v1, v2;
	v7 =	vsel vm0, $0x3F800000, v40  }
0x25f: {  	v43 =	vld [tilespmem:$0x370];
	vm14 =	vgt.f32 v3, v2;
	v42 =	vsel vm13, $0x3F800000, v40;
	[tilespmem:$0x1400] =	vst v7  }
0x260: {  	v45 =	vld [tilespmem:$0x380];
	vm15 =	vgt.f32 v4, v2;
	v44 =	vsel vm14, $0x3F800000, v40;
	[tilespmem:$0x1410] =	vst v42  }
0x261: {  	v47 =	vld [tilespmem:$0x390];
	vm4 =	vgt.f32 v5, v2;
	v46 =	vsel vm15, $0x3F800000, v40;
	[tilespmem:$0x1420] =	vst v44  }
0x262: {  	v49 =	vld [tilespmem:$0x3A0];
	vm5 =	vgt.f32 v6, v2;
	v48 =	vsel vm4, $0x3F800000, v40;
	[tilespmem:$0x1430] =	vst v46  }
0x263: {  	v51 =	vld [tilespmem:$0x3B0];
	vm6 =	vgt.f32 v41, v2;
	v50 =	vsel vm5, $0x3F800000, v40;
	[tilespmem:$0x1440] =	vst v48  }
0x264: {  	v53 =	vld [tilespmem:$0x3C0];
	vm7 =	vgt.f32 v43, v2;
	v52 =	vsel vm6, $0x3F800000, v40;
	[tilespmem:$0x1450] =	vst v50  }
0x265: {  	v55 =	vld [tilespmem:$0x3D0];
	vm8 =	vgt.f32 v45, v2;
	v54 =	vsel vm7, $0x3F800000, v40;
	[tilespmem:$0x1460] =	vst v52  }
0x266: {  	v57 =	vld [tilespmem:$0x3E0];
	vm9 =	vgt.f32 v47, v2;
	v56 =	vsel vm8, $0x3F800000, v40;
	[tilespmem:$0x1470] =	vst v54  }
0x267: {  	v59 =	vld [tilespmem:$0x3F0];
	vm10 =	vgt.f32 v49, v2;
	v58 =	vsel vm9, $0x3F800000, v40;
	[tilespmem:$0x1480] =	vst v56  }
0x268: {  	vm11 =	vgt.f32 v51, v2;
	v60 =	vsel vm10, $0x3F800000, v40;
	[tilespmem:$0x1490] =	vst v58  }
0x269: {  	vm12 =	vgt.f32 v53, v2;
	v1 =	vsel vm11, $0x3F800000, v40;
	[tilespmem:$0x14A0] =	vst v60  }
0x26a: {  	v61 =	vsel vm12, $0x3F800000, v40;
	vm13 =	vgt.f32 v55, v2;
	[tilespmem:$0x14B0] =	vst v1  }
0x26b: {  	vm14 =	vgt.f32 v57, v2;
	[tilespmem:$0x14C0] =	vst v61;
	v62 =	vsel vm13, $0x3F800000, v40  }
0x26c: {  	s0 =	rddreg [dreg:$0x4];
	vm15 =	vgt.f32 v59, v2;
	v63 =	vsel vm14, $0x3F800000, v40;
	[tilespmem:$0x14D0] =	vst v62  }
0x26d: {  	s1 =	rddreg [dreg:$0x7];
	s29 =	simm.s32 $0x0;
	v0 =	vsel vm15, $0x3F800000, v40;
	[tilespmem:$0x14E0] =	vst v63  }
0x26e: {  	s2 =	simm.s32 $0x1400;
	s30 =	simm.s32 $0x4;
	s0 =	sadd.s32 s0, s1;
	[tilespmem:$0x14F0] =	vst v0  }
0x26f: {  	[hbm4b:s0+s29] =	stream.linear.scatter [tilespmem:s2], [sflag:$0x4], $0x100, $0x38;
	[tilespmem:$0x1600] =	vst v63  }
0x270: {  	_ =	swait.ge [sflag:s30], $0x100  }
0x271: {  	[sflag:s30] =	ssyncset.done $0x0  }
0x272: {  	[sflag:s30] =	ssyncadd.s32 $0xFFFFFF00  }
0x273: {  	_ =	sfence.sel $0x180000  }
0x274: {  	[bflag:$0x0] =	sbarrier.arrive $0xFFFF  }
0x275: {  	_ =	strace $0x90000047  }
0x276: {  	s31 =	stileid.u32;
	[bflag:$0x2] =	sbarrier.arrive $0xFFFF  }
0x277: {  	p0 =	sne.s32 s31, $0x0;
	s0 =	rddreg [dreg:$0x6]  }
0x278: {  	s0 =	sadd.s32 @!p0 $0x100000, s0  }
0x279: {  	[sflag:s0] =	ssyncadd.tile.s32 @!p0 $0x1;
	_ =	shalt  }
.Lfunc_end2:
_tile_overlayer_lowered:
.L_overlay_start_2:
0x27a: {  	(tag) =	ssettag $0x2  }
0x27b: {  	s0 =	rddreg [dreg:$0x0];
	s2 =	stileid.u32  }
0x27c: {  	s1 =	rddreg [dreg:$0x1];
	p0 =	sne.s32 s2, $0x0  }
0x27d: {  	s3 =	rddreg [dreg:$0x2];
	[bflag:$0x3] =	sbarrier.arrive $0xFFFF;
	s2 =	simm.s32 @!p0 $0x1C04  }
0x27e: {  	[timem:s3], [sflag:s2] =	dma.local @!p0 [hbm:s0], s1  }
0x27f: {  	s0 =	simm.s32 @!p0 $0x4  }
0x280: {  	_ =	swait.ge @!p0 [sflag:s0], s1  }
0x281: {  	s1 =	ssub.s32 @!p0 $0x0, s1;
	[sflag:s0] =	ssyncset.done @!p0 $0x0  }
0x282: {  	[sflag:s0] =	ssyncadd.s32 @!p0 s1  }
0x283: {  	[bflag:$0x3] =	sbarrier.arrive $0xFFFF  }
0x284: {  	_ =	shalt  }

</sc_bundles>
